<compile_context>
chip_gen: v7x
topology: tpu7x:2x2x1
jax: 0.10.2.dev20260603
libtpu: 0.0.44.dev20260713+nightly
codegen_flags: <defaults>
</compile_context>

<pallas_src>
import jax
import jax.numpy as jnp
from jax import lax
from jax.experimental import pallas as pl
from jax.experimental.pallas import tpu as pltpu
from jax.experimental.pallas import tpu_sc as plsc

NC, NS, L = 2, 16, 16
NW = NC * NS

P = 100000
PPAD = 102400
PTS_PER_W = PPAD // NW
E = 6400000
E_PER_W = E // NW
CHUNK = 1600
NCHUNKS = E_PER_W // CHUNK
GROUPS = CHUNK // L
IDX_GRP = 128
NFULL = CHUNK // IDX_GRP
REM = CHUNK - NFULL * IDX_GRP
EPS2 = 1e-24


def _wid():
    return lax.axis_index("c") * NS + lax.axis_index("s")


def _col(c):
    return jnp.full((L,), c, dtype=jnp.int32)


def _build_table(pred4, nidx, gt8, t_hbm, predv, nidxv, gv, tv, sem):
    base = _wid() * PTS_PER_W
    pltpu.sync_copy(pred4.at[pl.ds(base, PTS_PER_W), :], predv)
    pltpu.sync_copy(nidx.at[pl.ds(base, PTS_PER_W)], nidxv)
    cps = []
    for g in range(PTS_PER_W // IDX_GRP):
        s = pl.ds(g * IDX_GRP, IDX_GRP)
        cps.append(pltpu.async_copy(gt8.at[nidxv.at[s]], gv.at[s, :], sem))
    for cp in cps:
        cp.wait()

    def body(i, _):
        rows = i * L + lax.iota(jnp.int32, L)
        px = plsc.load_gather(predv, [rows, _col(0)])
        py = plsc.load_gather(predv, [rows, _col(1)])
        pz = plsc.load_gather(predv, [rows, _col(2)])
        gx = plsc.load_gather(gv, [rows, _col(0)])
        gy = plsc.load_gather(gv, [rows, _col(1)])
        gz = plsc.load_gather(gv, [rows, _col(2)])
        inv = 1.0 / jnp.maximum(gx * gx + gy * gy + gz * gz, EPS2)
        plsc.store_scatter(tv, [rows, _col(0)], px)
        plsc.store_scatter(tv, [rows, _col(1)], py)
        plsc.store_scatter(tv, [rows, _col(2)], pz)
        plsc.store_scatter(tv, [rows, _col(3)], gx)
        plsc.store_scatter(tv, [rows, _col(4)], gy)
        plsc.store_scatter(tv, [rows, _col(5)], gz)
        plsc.store_scatter(tv, [rows, _col(6)], inv)
        plsc.store_scatter(tv, [rows, _col(7)], jnp.zeros((L,), jnp.float32))
        return 0

    lax.fori_loop(0, PTS_PER_W // L, body, 0)
    pltpu.sync_copy(tv, t_hbm.at[pl.ds(base, PTS_PER_W), :])


def _edge_loss(t_hbm, e01, lossp, cntp,
               i0a, i1a, ria, rja, i0b, i1b, rib, rjb, lv, cv, sem0, sem1):
    wid = _wid()
    ebase = wid * E_PER_W
    bufs = ((i0a, i1a, ria, rja, sem0), (i0b, i1b, rib, rjb, sem1))

    def slices():
        for g in range(NFULL + 1):
            n = IDX_GRP if g < NFULL else REM
            yield pl.ds(g * IDX_GRP, n)

    def fire(c, buf):
        i0v, i1v, ri, rj, sem = buf
        off = ebase + c * CHUNK
        pltpu.sync_copy(e01.at[pl.ds(off, CHUNK)], i0v)
        pltpu.sync_copy(e01.at[pl.ds(E + off, CHUNK)], i1v)
        for s in slices():
            pltpu.async_copy(t_hbm.at[i0v.at[s]], ri.at[s, :], sem)
            pltpu.async_copy(t_hbm.at[i1v.at[s]], rj.at[s, :], sem)

    def drain(buf):
        i0v, i1v, ri, rj, sem = buf
        for s in slices():
            pltpu.make_async_copy(t_hbm.at[i0v.at[s]], ri.at[s, :], sem).wait()
            pltpu.make_async_copy(t_hbm.at[i1v.at[s]], rj.at[s, :], sem).wait()

    def compute(buf, carry):
        i0v, i1v, ri, rj, _ = buf

        def grp(i, c2):
            al, ac = c2
            rows = i * L + lax.iota(jnp.int32, L)
            pxi = plsc.load_gather(ri, [rows, _col(0)])
            pyi = plsc.load_gather(ri, [rows, _col(1)])
            pzi = plsc.load_gather(ri, [rows, _col(2)])
            gxi = plsc.load_gather(ri, [rows, _col(3)])
            gyi = plsc.load_gather(ri, [rows, _col(4)])
            gzi = plsc.load_gather(ri, [rows, _col(5)])
            inv = plsc.load_gather(ri, [rows, _col(6)])
            pxj = plsc.load_gather(rj, [rows, _col(0)])
            pyj = plsc.load_gather(rj, [rows, _col(1)])
            pzj = plsc.load_gather(rj, [rows, _col(2)])
            dx = pxi - pxj
            dy = pyi - pyj
            dz = pzi - pzj
            dd = dx * dx + dy * dy + dz * dz
            dt = dx * gxi + dy * gyi + dz * gzi
            loss = dt * dt * inv / jnp.maximum(dd, EPS2)
            i0 = i0v[pl.ds(i * L, L)]
            i1 = i1v[pl.ds(i * L, L)]
            m = (i0 != 0) | (i1 != 0)
            return (al + jnp.where(m, loss, 0.0),
                    ac + jnp.where(m, 1.0, 0.0))

        return lax.fori_loop(0, GROUPS, grp, carry)

    zero = jnp.zeros((L,), jnp.float32)
    fire(0, bufs[0])

    def pair(t, carry):
        c0 = 2 * t
        fire(c0 + 1, bufs[1])
        drain(bufs[0])
        carry = compute(bufs[0], carry)
        fire(c0 + 2, bufs[0])
        drain(bufs[1])
        carry = compute(bufs[1], carry)
        return carry

    accl, accc = lax.fori_loop(0, (NCHUNKS - 1) // 2, pair, (zero, zero))
    drain(bufs[0])
    accl, accc = compute(bufs[0], (accl, accc))
    lv[...] = accl
    cv[...] = accc
    pltpu.sync_copy(lv, lossp.at[wid])
    pltpu.sync_copy(cv, cntp.at[wid])


def kernel(pred, nearest_gt_idx, gt_normals, edge_list):
    pred4 = jnp.zeros((PPAD, 4), jnp.float32).at[:P, :3].set(pred)
    nidx = jnp.zeros((PPAD,), jnp.int32).at[:P].set(nearest_gt_idx[0])
    gt8 = jnp.zeros((gt_normals.shape[1], 8), jnp.float32).at[:, :3].set(
        gt_normals[0])
    e01 = jnp.reshape(edge_list, (-1,))
    mesh = plsc.VectorSubcoreMesh(
        core_axis_name="c", subcore_axis_name="s",
        num_cores=NC, num_subcores=NS)

    params = pltpu.CompilerParams(
        needs_layout_passes=False, use_tc_tiling_on_sc=False)

    t = pl.kernel(
        _build_table,
        out_type=jax.ShapeDtypeStruct((PPAD, 8), jnp.float32),
        mesh=mesh,
        compiler_params=params,
        scratch_types=[
            pltpu.VMEM((PTS_PER_W, 4), jnp.float32),
            pltpu.VMEM((PTS_PER_W,), jnp.int32),
            pltpu.VMEM((PTS_PER_W, 8), jnp.float32),
            pltpu.VMEM((PTS_PER_W, 8), jnp.float32),
            pltpu.SemaphoreType.DMA,
        ],
    )(pred4, nidx, gt8)

    lossp, cntp = pl.kernel(
        _edge_loss,
        out_type=[
            jax.ShapeDtypeStruct((NW, L), jnp.float32),
            jax.ShapeDtypeStruct((NW, L), jnp.float32),
        ],
        mesh=mesh,
        compiler_params=params,
        scratch_types=[
            pltpu.VMEM((CHUNK,), jnp.int32),
            pltpu.VMEM((CHUNK,), jnp.int32),
            pltpu.VMEM((CHUNK, 8), jnp.float32),
            pltpu.VMEM((CHUNK, 8), jnp.float32),
            pltpu.VMEM((CHUNK,), jnp.int32),
            pltpu.VMEM((CHUNK,), jnp.int32),
            pltpu.VMEM((CHUNK, 8), jnp.float32),
            pltpu.VMEM((CHUNK, 8), jnp.float32),
            pltpu.VMEM((L,), jnp.float32),
            pltpu.VMEM((L,), jnp.float32),
            pltpu.SemaphoreType.DMA,
            pltpu.SemaphoreType.DMA,
        ],
    )(t, e01)

    return jnp.sum(lossp) / jnp.sum(cntp)

# --- scband reference (transcript-rebuilt; emitter-appended) ---
"""Pipeline reference for scband-normal-loss-30940944401067 (READ-ONLY COPY).

The authoritative reference and input builder live on the scoring server;
editing this copy changes nothing except your own understanding.
"""

import jax, jax.numpy as jnp
import numpy as np

EPS = 1e-12

def _normalize(x):
    n = jnp.sqrt(jnp.sum(x * x, axis=1, keepdims=True))
    return x / jnp.maximum(n, EPS)

def setup_inputs(seed: int = 0) -> dict:
    key = jax.random.key(seed)
    k1, k2, k3, k4 = jax.random.split(key, 4)
    num_points = 100000
    num_gt = 100000
    num_edges = 6400000
    pred = jax.random.normal(k1, (num_points, 3), dtype=jnp.float32)
    nearest_gt_idx = jax.random.randint(k2, (1, num_points), 0, num_gt)
    gt_normals = jax.random.normal(k3, (1, num_gt, 3), dtype=jnp.float32)
    edge_list = jax.random.randint(k4, (2, num_edges), 0, num_points)
    return {"pred": pred, "nearest_gt_idx": nearest_gt_idx, "gt_normals": gt_normals, "edge_list": edge_list}

def reference(pred, nearest_gt_idx, gt_normals, edge_list):
    num_points, points_dim = pred.shape
    edge_mask = (edge_list[0] != 0) | (edge_list[1] != 0)
    # gather gt normal for each predicted point: [1, G, 3] gathered along dim 1 -> [P, 3]
    nearest_gt_normal = jnp.take_along_axis(
        gt_normals, nearest_gt_idx[:, :, None].repeat(points_dim, axis=2), axis=1
    )[0]
    # per-edge gt normal, normalized
    edge_gt_normal = _normalize(jnp.take(nearest_gt_normal, edge_list[0], axis=0))
    # per-edge direction, normalized
    edges = _normalize(
        jnp.take(pred, edge_list[0], axis=0) - jnp.take(pred, edge_list[1], axis=0)
    )
    loss = jnp.sum(edges * edge_gt_normal, axis=1) ** 2
    m = edge_mask.astype(loss.dtype)
    return jnp.sum(loss * m) / jnp.sum(m)

if __name__ == "__main__":
    import jax
    _d = setup_inputs()
    print(jax.jit(kernel)(*tuple(_d.values())))

</pallas_src>

<mosaic_0001>
#map = affine_map<(d0, d1) -> (0, 0)>
#map1 = affine_map<(d0, d1) -> (0)>
module attributes {stable_mosaic.version = 14 : i64} {
  func.func @_build_table(%arg0: i32, %arg1: i32, %arg2: memref<102400x4xf32, #tpu.memory_space<hbm>>, %arg3: memref<102400xi32, #tpu.memory_space<hbm>>, %arg4: memref<100000x8xf32, #tpu.memory_space<hbm>>, %arg5: memref<102400x8xf32, #tpu.memory_space<hbm>>, %arg6: memref<3200x4xf32, #tpu.memory_space<vmem>>, %arg7: memref<3200xi32, #tpu.memory_space<vmem>>, %arg8: memref<3200x8xf32, #tpu.memory_space<vmem>>, %arg9: memref<3200x8xf32, #tpu.memory_space<vmem>>, %arg10: memref<!tpu.dma_semaphore, #tpu.memory_space<semaphore_mem>>) attributes {dimension_semantics = [#tpu.dimension_semantics<core_parallel>, #tpu.dimension_semantics<subcore_parallel>], iteration_bounds = array<i64: 2, 16>, scalar_prefetch = 0 : i64, scratch_operands = 5 : i64, tpu.core_type = #tpu.core_type<sc_vector_subcore>, window_params = [{transform_indices = #map}, {transform_indices = #map1}, {transform_indices = #map}, {transform_indices = #map}]} {
    %mul3A = arith.constant 16 : i32
    %mul3A_0 = arith.muli %arg0, %mul3A : i32
    %add3A = arith.addi %mul3A_0, %arg1 : i32
    %mul3A_1 = arith.constant 3200 : i32
    %mul3A_2 = arith.muli %add3A, %mul3A_1 : i32
    "tpu.region"() ({
      %run_scoped3A = tpu.sem_alloc : memref<!tpu.dma_semaphore, #tpu.memory_space<semaphore_mem>>
      %dma_start3A_407 = arith.constant 0 : i32
      %dma_start3A_408 = tpu.memref_slice %arg2[%mul3A_2, %dma_start3A_407] : memref<102400x4xf32, #tpu.memory_space<hbm>> -> memref<3200x4xf32, #tpu.memory_space<hbm>>
      %dma_start3A_409 = arith.constant 0 : i32
      %dma_start3A_410 = tpu.memref_slice %arg2[%mul3A_2, %dma_start3A_409] : memref<102400x4xf32, #tpu.memory_space<hbm>> -> memref<3200x4xf32, #tpu.memory_space<hbm>>
      tpu.enqueue_dma source(%dma_start3A_410 : memref<3200x4xf32, #tpu.memory_space<hbm>>) target(%arg6 : memref<3200x4xf32, #tpu.memory_space<vmem>>) target_semaphore(%run_scoped3A : memref<!tpu.dma_semaphore, #tpu.memory_space<semaphore_mem>>)
      %dma_wait3A_411 = arith.constant 0 : i32
      %dma_wait3A_412 = tpu.memref_slice %arg2[%mul3A_2, %dma_wait3A_411] : memref<102400x4xf32, #tpu.memory_space<hbm>> -> memref<3200x4xf32, #tpu.memory_space<hbm>>
      %dma_wait3A_413 = arith.constant 0 : i32
      %dma_wait3A_414 = tpu.memref_slice %arg2[%mul3A_2, %dma_wait3A_413] : memref<102400x4xf32, #tpu.memory_space<hbm>> -> memref<3200x4xf32, #tpu.memory_space<hbm>>
      tpu.wait_dma2 semaphore(%run_scoped3A : memref<!tpu.dma_semaphore, #tpu.memory_space<semaphore_mem>>) src(%dma_wait3A_414 : memref<3200x4xf32, #tpu.memory_space<hbm>>) dst(%arg6 : memref<3200x4xf32, #tpu.memory_space<vmem>>)
      tpu.yield
    }) : () -> ()
    "tpu.region"() ({
      %run_scoped3A = tpu.sem_alloc : memref<!tpu.dma_semaphore, #tpu.memory_space<semaphore_mem>>
      %dma_start3A_407 = tpu.memref_slice %arg3[%mul3A_2] : memref<102400xi32, #tpu.memory_space<hbm>> -> memref<3200xi32, #tpu.memory_space<hbm>>
      %dma_start3A_408 = tpu.memref_slice %arg3[%mul3A_2] : memref<102400xi32, #tpu.memory_space<hbm>> -> memref<3200xi32, #tpu.memory_space<hbm>>
      tpu.enqueue_dma source(%dma_start3A_408 : memref<3200xi32, #tpu.memory_space<hbm>>) target(%arg7 : memref<3200xi32, #tpu.memory_space<vmem>>) target_semaphore(%run_scoped3A : memref<!tpu.dma_semaphore, #tpu.memory_space<semaphore_mem>>)
      %dma_wait3A_409 = tpu.memref_slice %arg3[%mul3A_2] : memref<102400xi32, #tpu.memory_space<hbm>> -> memref<3200xi32, #tpu.memory_space<hbm>>
      %dma_wait3A_410 = tpu.memref_slice %arg3[%mul3A_2] : memref<102400xi32, #tpu.memory_space<hbm>> -> memref<3200xi32, #tpu.memory_space<hbm>>
      tpu.wait_dma2 semaphore(%run_scoped3A : memref<!tpu.dma_semaphore, #tpu.memory_space<semaphore_mem>>) src(%dma_wait3A_410 : memref<3200xi32, #tpu.memory_space<hbm>>) dst(%arg7 : memref<3200xi32, #tpu.memory_space<vmem>>)
      tpu.yield
    }) : () -> ()
    %dma_start3A = arith.constant 0 : i32
    %dma_start3A_3 = arith.constant 0 : i32
    %dma_start3A_4 = tpu.memref_slice %arg8[%dma_start3A, %dma_start3A_3] : memref<3200x8xf32, #tpu.memory_space<vmem>> -> memref<128x8xf32, #tpu.memory_space<vmem>>
    %dma_start3A_5 = arith.constant 0 : i32
    %dma_start3A_6 = tpu.memref_slice %arg7[%dma_start3A_5] : memref<3200xi32, #tpu.memory_space<vmem>> -> memref<128xi32, #tpu.memory_space<vmem>>
    %dma_start3A_7 = arith.constant 0 : i32
    %dma_start3A_8 = arith.constant 0 : i32
    %dma_start3A_9 = tpu.memref_slice %arg4[%dma_start3A_7, %dma_start3A_8] : memref<100000x8xf32, #tpu.memory_space<hbm>> -> memref<100000x8xf32, #tpu.memory_space<hbm>>
    tpu.enqueue_indirect_dma source(%dma_start3A_9 : memref<100000x8xf32, #tpu.memory_space<hbm>>) target(%dma_start3A_4 : memref<128x8xf32, #tpu.memory_space<vmem>>) offsets(%dma_start3A_6 : memref<128xi32, #tpu.memory_space<vmem>>) semaphore(%arg10 : memref<!tpu.dma_semaphore, #tpu.memory_space<semaphore_mem>>)
    %dma_start3A_10 = arith.constant 128 : i32
    %dma_start3A_11 = arith.constant 0 : i32
    %dma_start3A_12 = tpu.memref_slice %arg8[%dma_start3A_10, %dma_start3A_11] : memref<3200x8xf32, #tpu.memory_space<vmem>> -> memref<128x8xf32, #tpu.memory_space<vmem>>
    %dma_start3A_13 = arith.constant 128 : i32
    %dma_start3A_14 = tpu.memref_slice %arg7[%dma_start3A_13] : memref<3200xi32, #tpu.memory_space<vmem>> -> memref<128xi32, #tpu.memory_space<vmem>>
    %dma_start3A_15 = arith.constant 0 : i32
    %dma_start3A_16 = arith.constant 0 : i32
    %dma_start3A_17 = tpu.memref_slice %arg4[%dma_start3A_15, %dma_start3A_16] : memref<100000x8xf32, #tpu.memory_space<hbm>> -> memref<100000x8xf32, #tpu.memory_space<hbm>>
    tpu.enqueue_indirect_dma source(%dma_start3A_17 : memref<100000x8xf32, #tpu.memory_space<hbm>>) target(%dma_start3A_12 : memref<128x8xf32, #tpu.memory_space<vmem>>) offsets(%dma_start3A_14 : memref<128xi32, #tpu.memory_space<vmem>>) semaphore(%arg10 : memref<!tpu.dma_semaphore, #tpu.memory_space<semaphore_mem>>)
    %dma_start3A_18 = arith.constant 256 : i32
    %dma_start3A_19 = arith.constant 0 : i32
    %dma_start3A_20 = tpu.memref_slice %arg8[%dma_start3A_18, %dma_start3A_19] : memref<3200x8xf32, #tpu.memory_space<vmem>> -> memref<128x8xf32, #tpu.memory_space<vmem>>
    %dma_start3A_21 = arith.constant 256 : i32
    %dma_start3A_22 = tpu.memref_slice %arg7[%dma_start3A_21] : memref<3200xi32, #tpu.memory_space<vmem>> -> memref<128xi32, #tpu.memory_space<vmem>>
    %dma_start3A_23 = arith.constant 0 : i32
    %dma_start3A_24 = arith.constant 0 : i32
    %dma_start3A_25 = tpu.memref_slice %arg4[%dma_start3A_23, %dma_start3A_24] : memref<100000x8xf32, #tpu.memory_space<hbm>> -> memref<100000x8xf32, #tpu.memory_space<hbm>>
    tpu.enqueue_indirect_dma source(%dma_start3A_25 : memref<100000x8xf32, #tpu.memory_space<hbm>>) target(%dma_start3A_20 : memref<128x8xf32, #tpu.memory_space<vmem>>) offsets(%dma_start3A_22 : memref<128xi32, #tpu.memory_space<vmem>>) semaphore(%arg10 : memref<!tpu.dma_semaphore, #tpu.memory_space<semaphore_mem>>)
    %dma_start3A_26 = arith.constant 384 : i32
    %dma_start3A_27 = arith.constant 0 : i32
    %dma_start3A_28 = tpu.memref_slice %arg8[%dma_start3A_26, %dma_start3A_27] : memref<3200x8xf32, #tpu.memory_space<vmem>> -> memref<128x8xf32, #tpu.memory_space<vmem>>
    %dma_start3A_29 = arith.constant 384 : i32
    %dma_start3A_30 = tpu.memref_slice %arg7[%dma_start3A_29] : memref<3200xi32, #tpu.memory_space<vmem>> -> memref<128xi32, #tpu.memory_space<vmem>>
    %dma_start3A_31 = arith.constant 0 : i32
    %dma_start3A_32 = arith.constant 0 : i32
    %dma_start3A_33 = tpu.memref_slice %arg4[%dma_start3A_31, %dma_start3A_32] : memref<100000x8xf32, #tpu.memory_space<hbm>> -> memref<100000x8xf32, #tpu.memory_space<hbm>>
    tpu.enqueue_indirect_dma source(%dma_start3A_33 : memref<100000x8xf32, #tpu.memory_space<hbm>>) target(%dma_start3A_28 : memref<128x8xf32, #tpu.memory_space<vmem>>) offsets(%dma_start3A_30 : memref<128xi32, #tpu.memory_space<vmem>>) semaphore(%arg10 : memref<!tpu.dma_semaphore, #tpu.memory_space<semaphore_mem>>)
    %dma_start3A_34 = arith.constant 512 : i32
    %dma_start3A_35 = arith.constant 0 : i32
    %dma_start3A_36 = tpu.memref_slice %arg8[%dma_start3A_34, %dma_start3A_35] : memref<3200x8xf32, #tpu.memory_space<vmem>> -> memref<128x8xf32, #tpu.memory_space<vmem>>
    %dma_start3A_37 = arith.constant 512 : i32
    %dma_start3A_38 = tpu.memref_slice %arg7[%dma_start3A_37] : memref<3200xi32, #tpu.memory_space<vmem>> -> memref<128xi32, #tpu.memory_space<vmem>>
    %dma_start3A_39 = arith.constant 0 : i32
    %dma_start3A_40 = arith.constant 0 : i32
    %dma_start3A_41 = tpu.memref_slice %arg4[%dma_start3A_39, %dma_start3A_40] : memref<100000x8xf32, #tpu.memory_space<hbm>> -> memref<100000x8xf32, #tpu.memory_space<hbm>>
    tpu.enqueue_indirect_dma source(%dma_start3A_41 : memref<100000x8xf32, #tpu.memory_space<hbm>>) target(%dma_start3A_36 : memref<128x8xf32, #tpu.memory_space<vmem>>) offsets(%dma_start3A_38 : memref<128xi32, #tpu.memory_space<vmem>>) semaphore(%arg10 : memref<!tpu.dma_semaphore, #tpu.memory_space<semaphore_mem>>)
    %dma_start3A_42 = arith.constant 640 : i32
    %dma_start3A_43 = arith.constant 0 : i32
    %dma_start3A_44 = tpu.memref_slice %arg8[%dma_start3A_42, %dma_start3A_43] : memref<3200x8xf32, #tpu.memory_space<vmem>> -> memref<128x8xf32, #tpu.memory_space<vmem>>
    %dma_start3A_45 = arith.constant 640 : i32
    %dma_start3A_46 = tpu.memref_slice %arg7[%dma_start3A_45] : memref<3200xi32, #tpu.memory_space<vmem>> -> memref<128xi32, #tpu.memory_space<vmem>>
    %dma_start3A_47 = arith.constant 0 : i32
    %dma_start3A_48 = arith.constant 0 : i32
    %dma_start3A_49 = tpu.memref_slice %arg4[%dma_start3A_47, %dma_start3A_48] : memref<100000x8xf32, #tpu.memory_space<hbm>> -> memref<100000x8xf32, #tpu.memory_space<hbm>>
    tpu.enqueue_indirect_dma source(%dma_start3A_49 : memref<100000x8xf32, #tpu.memory_space<hbm>>) target(%dma_start3A_44 : memref<128x8xf32, #tpu.memory_space<vmem>>) offsets(%dma_start3A_46 : memref<128xi32, #tpu.memory_space<vmem>>) semaphore(%arg10 : memref<!tpu.dma_semaphore, #tpu.memory_space<semaphore_mem>>)
    %dma_start3A_50 = arith.constant 768 : i32
    %dma_start3A_51 = arith.constant 0 : i32
    %dma_start3A_52 = tpu.memref_slice %arg8[%dma_start3A_50, %dma_start3A_51] : memref<3200x8xf32, #tpu.memory_space<vmem>> -> memref<128x8xf32, #tpu.memory_space<vmem>>
    %dma_start3A_53 = arith.constant 768 : i32
    %dma_start3A_54 = tpu.memref_slice %arg7[%dma_start3A_53] : memref<3200xi32, #tpu.memory_space<vmem>> -> memref<128xi32, #tpu.memory_space<vmem>>
    %dma_start3A_55 = arith.constant 0 : i32
    %dma_start3A_56 = arith.constant 0 : i32
    %dma_start3A_57 = tpu.memref_slice %arg4[%dma_start3A_55, %dma_start3A_56] : memref<100000x8xf32, #tpu.memory_space<hbm>> -> memref<100000x8xf32, #tpu.memory_space<hbm>>
    tpu.enqueue_indirect_dma source(%dma_start3A_57 : memref<100000x8xf32, #tpu.memory_space<hbm>>) target(%dma_start3A_52 : memref<128x8xf32, #tpu.memory_space<vmem>>) offsets(%dma_start3A_54 : memref<128xi32, #tpu.memory_space<vmem>>) semaphore(%arg10 : memref<!tpu.dma_semaphore, #tpu.memory_space<semaphore_mem>>)
    %dma_start3A_58 = arith.constant 896 : i32
    %dma_start3A_59 = arith.constant 0 : i32
    %dma_start3A_60 = tpu.memref_slice %arg8[%dma_start3A_58, %dma_start3A_59] : memref<3200x8xf32, #tpu.memory_space<vmem>> -> memref<128x8xf32, #tpu.memory_space<vmem>>
    %dma_start3A_61 = arith.constant 896 : i32
    %dma_start3A_62 = tpu.memref_slice %arg7[%dma_start3A_61] : memref<3200xi32, #tpu.memory_space<vmem>> -> memref<128xi32, #tpu.memory_space<vmem>>
    %dma_start3A_63 = arith.constant 0 : i32
    %dma_start3A_64 = arith.constant 0 : i32
    %dma_start3A_65 = tpu.memref_slice %arg4[%dma_start3A_63, %dma_start3A_64] : memref<100000x8xf32, #tpu.memory_space<hbm>> -> memref<100000x8xf32, #tpu.memory_space<hbm>>
    tpu.enqueue_indirect_dma source(%dma_start3A_65 : memref<100000x8xf32, #tpu.memory_space<hbm>>) target(%dma_start3A_60 : memref<128x8xf32, #tpu.memory_space<vmem>>) offsets(%dma_start3A_62 : memref<128xi32, #tpu.memory_space<vmem>>) semaphore(%arg10 : memref<!tpu.dma_semaphore, #tpu.memory_space<semaphore_mem>>)
    %dma_start3A_66 = arith.constant 1024 : i32
    %dma_start3A_67 = arith.constant 0 : i32
    %dma_start3A_68 = tpu.memref_slice %arg8[%dma_start3A_66, %dma_start3A_67] : memref<3200x8xf32, #tpu.memory_space<vmem>> -> memref<128x8xf32, #tpu.memory_space<vmem>>
    %dma_start3A_69 = arith.constant 1024 : i32
    %dma_start3A_70 = tpu.memref_slice %arg7[%dma_start3A_69] : memref<3200xi32, #tpu.memory_space<vmem>> -> memref<128xi32, #tpu.memory_space<vmem>>
    %dma_start3A_71 = arith.constant 0 : i32
    %dma_start3A_72 = arith.constant 0 : i32
    %dma_start3A_73 = tpu.memref_slice %arg4[%dma_start3A_71, %dma_start3A_72] : memref<100000x8xf32, #tpu.memory_space<hbm>> -> memref<100000x8xf32, #tpu.memory_space<hbm>>
    tpu.enqueue_indirect_dma source(%dma_start3A_73 : memref<100000x8xf32, #tpu.memory_space<hbm>>) target(%dma_start3A_68 : memref<128x8xf32, #tpu.memory_space<vmem>>) offsets(%dma_start3A_70 : memref<128xi32, #tpu.memory_space<vmem>>) semaphore(%arg10 : memref<!tpu.dma_semaphore, #tpu.memory_space<semaphore_mem>>)
    %dma_start3A_74 = arith.constant 1152 : i32
    %dma_start3A_75 = arith.constant 0 : i32
    %dma_start3A_76 = tpu.memref_slice %arg8[%dma_start3A_74, %dma_start3A_75] : memref<3200x8xf32, #tpu.memory_space<vmem>> -> memref<128x8xf32, #tpu.memory_space<vmem>>
    %dma_start3A_77 = arith.constant 1152 : i32
    %dma_start3A_78 = tpu.memref_slice %arg7[%dma_start3A_77] : memref<3200xi32, #tpu.memory_space<vmem>> -> memref<128xi32, #tpu.memory_space<vmem>>
    %dma_start3A_79 = arith.constant 0 : i32
    %dma_start3A_80 = arith.constant 0 : i32
    %dma_start3A_81 = tpu.memref_slice %arg4[%dma_start3A_79, %dma_start3A_80] : memref<100000x8xf32, #tpu.memory_space<hbm>> -> memref<100000x8xf32, #tpu.memory_space<hbm>>
    tpu.enqueue_indirect_dma source(%dma_start3A_81 : memref<100000x8xf32, #tpu.memory_space<hbm>>) target(%dma_start3A_76 : memref<128x8xf32, #tpu.memory_space<vmem>>) offsets(%dma_start3A_78 : memref<128xi32, #tpu.memory_space<vmem>>) semaphore(%arg10 : memref<!tpu.dma_semaphore, #tpu.memory_space<semaphore_mem>>)
    %dma_start3A_82 = arith.constant 1280 : i32
    %dma_start3A_83 = arith.constant 0 : i32
    %dma_start3A_84 = tpu.memref_slice %arg8[%dma_start3A_82, %dma_start3A_83] : memref<3200x8xf32, #tpu.memory_space<vmem>> -> memref<128x8xf32, #tpu.memory_space<vmem>>
    %dma_start3A_85 = arith.constant 1280 : i32
    %dma_start3A_86 = tpu.memref_slice %arg7[%dma_start3A_85] : memref<3200xi32, #tpu.memory_space<vmem>> -> memref<128xi32, #tpu.memory_space<vmem>>
    %dma_start3A_87 = arith.constant 0 : i32
    %dma_start3A_88 = arith.constant 0 : i32
    %dma_start3A_89 = tpu.memref_slice %arg4[%dma_start3A_87, %dma_start3A_88] : memref<100000x8xf32, #tpu.memory_space<hbm>> -> memref<100000x8xf32, #tpu.memory_space<hbm>>
    tpu.enqueue_indirect_dma source(%dma_start3A_89 : memref<100000x8xf32, #tpu.memory_space<hbm>>) target(%dma_start3A_84 : memref<128x8xf32, #tpu.memory_space<vmem>>) offsets(%dma_start3A_86 : memref<128xi32, #tpu.memory_space<vmem>>) semaphore(%arg10 : memref<!tpu.dma_semaphore, #tpu.memory_space<semaphore_mem>>)
    %dma_start3A_90 = arith.constant 1408 : i32
    %dma_start3A_91 = arith.constant 0 : i32
    %dma_start3A_92 = tpu.memref_slice %arg8[%dma_start3A_90, %dma_start3A_91] : memref<3200x8xf32, #tpu.memory_space<vmem>> -> memref<128x8xf32, #tpu.memory_space<vmem>>
    %dma_start3A_93 = arith.constant 1408 : i32
    %dma_start3A_94 = tpu.memref_slice %arg7[%dma_start3A_93] : memref<3200xi32, #tpu.memory_space<vmem>> -> memref<128xi32, #tpu.memory_space<vmem>>
    %dma_start3A_95 = arith.constant 0 : i32
    %dma_start3A_96 = arith.constant 0 : i32
    %dma_start3A_97 = tpu.memref_slice %arg4[%dma_start3A_95, %dma_start3A_96] : memref<100000x8xf32, #tpu.memory_space<hbm>> -> memref<100000x8xf32, #tpu.memory_space<hbm>>
    tpu.enqueue_indirect_dma source(%dma_start3A_97 : memref<100000x8xf32, #tpu.memory_space<hbm>>) target(%dma_start3A_92 : memref<128x8xf32, #tpu.memory_space<vmem>>) offsets(%dma_start3A_94 : memref<128xi32, #tpu.memory_space<vmem>>) semaphore(%arg10 : memref<!tpu.dma_semaphore, #tpu.memory_space<semaphore_mem>>)
    %dma_start3A_98 = arith.constant 1536 : i32
    %dma_start3A_99 = arith.constant 0 : i32
    %dma_start3A_100 = tpu.memref_slice %arg8[%dma_start3A_98, %dma_start3A_99] : memref<3200x8xf32, #tpu.memory_space<vmem>> -> memref<128x8xf32, #tpu.memory_space<vmem>>
    %dma_start3A_101 = arith.constant 1536 : i32
    %dma_start3A_102 = tpu.memref_slice %arg7[%dma_start3A_101] : memref<3200xi32, #tpu.memory_space<vmem>> -> memref<128xi32, #tpu.memory_space<vmem>>
    %dma_start3A_103 = arith.constant 0 : i32
    %dma_start3A_104 = arith.constant 0 : i32
    %dma_start3A_105 = tpu.memref_slice %arg4[%dma_start3A_103, %dma_start3A_104] : memref<100000x8xf32, #tpu.memory_space<hbm>> -> memref<100000x8xf32, #tpu.memory_space<hbm>>
    tpu.enqueue_indirect_dma source(%dma_start3A_105 : memref<100000x8xf32, #tpu.memory_space<hbm>>) target(%dma_start3A_100 : memref<128x8xf32, #tpu.memory_space<vmem>>) offsets(%dma_start3A_102 : memref<128xi32, #tpu.memory_space<vmem>>) semaphore(%arg10 : memref<!tpu.dma_semaphore, #tpu.memory_space<semaphore_mem>>)
    %dma_start3A_106 = arith.constant 1664 : i32
    %dma_start3A_107 = arith.constant 0 : i32
    %dma_start3A_108 = tpu.memref_slice %arg8[%dma_start3A_106, %dma_start3A_107] : memref<3200x8xf32, #tpu.memory_space<vmem>> -> memref<128x8xf32, #tpu.memory_space<vmem>>
    %dma_start3A_109 = arith.constant 1664 : i32
    %dma_start3A_110 = tpu.memref_slice %arg7[%dma_start3A_109] : memref<3200xi32, #tpu.memory_space<vmem>> -> memref<128xi32, #tpu.memory_space<vmem>>
    %dma_start3A_111 = arith.constant 0 : i32
    %dma_start3A_112 = arith.constant 0 : i32
    %dma_start3A_113 = tpu.memref_slice %arg4[%dma_start3A_111, %dma_start3A_112] : memref<100000x8xf32, #tpu.memory_space<hbm>> -> memref<100000x8xf32, #tpu.memory_space<hbm>>
    tpu.enqueue_indirect_dma source(%dma_start3A_113 : memref<100000x8xf32, #tpu.memory_space<hbm>>) target(%dma_start3A_108 : memref<128x8xf32, #tpu.memory_space<vmem>>) offsets(%dma_start3A_110 : memref<128xi32, #tpu.memory_space<vmem>>) semaphore(%arg10 : memref<!tpu.dma_semaphore, #tpu.memory_space<semaphore_mem>>)
    %dma_start3A_114 = arith.constant 1792 : i32
    %dma_start3A_115 = arith.constant 0 : i32
    %dma_start3A_116 = tpu.memref_slice %arg8[%dma_start3A_114, %dma_start3A_115] : memref<3200x8xf32, #tpu.memory_space<vmem>> -> memref<128x8xf32, #tpu.memory_space<vmem>>
    %dma_start3A_117 = arith.constant 1792 : i32
    %dma_start3A_118 = tpu.memref_slice %arg7[%dma_start3A_117] : memref<3200xi32, #tpu.memory_space<vmem>> -> memref<128xi32, #tpu.memory_space<vmem>>
    %dma_start3A_119 = arith.constant 0 : i32
    %dma_start3A_120 = arith.constant 0 : i32
    %dma_start3A_121 = tpu.memref_slice %arg4[%dma_start3A_119, %dma_start3A_120] : memref<100000x8xf32, #tpu.memory_space<hbm>> -> memref<100000x8xf32, #tpu.memory_space<hbm>>
    tpu.enqueue_indirect_dma source(%dma_start3A_121 : memref<100000x8xf32, #tpu.memory_space<hbm>>) target(%dma_start3A_116 : memref<128x8xf32, #tpu.memory_space<vmem>>) offsets(%dma_start3A_118 : memref<128xi32, #tpu.memory_space<vmem>>) semaphore(%arg10 : memref<!tpu.dma_semaphore, #tpu.memory_space<semaphore_mem>>)
    %dma_start3A_122 = arith.constant 1920 : i32
    %dma_start3A_123 = arith.constant 0 : i32
    %dma_start3A_124 = tpu.memref_slice %arg8[%dma_start3A_122, %dma_start3A_123] : memref<3200x8xf32, #tpu.memory_space<vmem>> -> memref<128x8xf32, #tpu.memory_space<vmem>>
    %dma_start3A_125 = arith.constant 1920 : i32
    %dma_start3A_126 = tpu.memref_slice %arg7[%dma_start3A_125] : memref<3200xi32, #tpu.memory_space<vmem>> -> memref<128xi32, #tpu.memory_space<vmem>>
    %dma_start3A_127 = arith.constant 0 : i32
    %dma_start3A_128 = arith.constant 0 : i32
    %dma_start3A_129 = tpu.memref_slice %arg4[%dma_start3A_127, %dma_start3A_128] : memref<100000x8xf32, #tpu.memory_space<hbm>> -> memref<100000x8xf32, #tpu.memory_space<hbm>>
    tpu.enqueue_indirect_dma source(%dma_start3A_129 : memref<100000x8xf32, #tpu.memory_space<hbm>>) target(%dma_start3A_124 : memref<128x8xf32, #tpu.memory_space<vmem>>) offsets(%dma_start3A_126 : memref<128xi32, #tpu.memory_space<vmem>>) semaphore(%arg10 : memref<!tpu.dma_semaphore, #tpu.memory_space<semaphore_mem>>)
    %dma_start3A_130 = arith.constant 2048 : i32
    %dma_start3A_131 = arith.constant 0 : i32
    %dma_start3A_132 = tpu.memref_slice %arg8[%dma_start3A_130, %dma_start3A_131] : memref<3200x8xf32, #tpu.memory_space<vmem>> -> memref<128x8xf32, #tpu.memory_space<vmem>>
    %dma_start3A_133 = arith.constant 2048 : i32
    %dma_start3A_134 = tpu.memref_slice %arg7[%dma_start3A_133] : memref<3200xi32, #tpu.memory_space<vmem>> -> memref<128xi32, #tpu.memory_space<vmem>>
    %dma_start3A_135 = arith.constant 0 : i32
    %dma_start3A_136 = arith.constant 0 : i32
    %dma_start3A_137 = tpu.memref_slice %arg4[%dma_start3A_135, %dma_start3A_136] : memref<100000x8xf32, #tpu.memory_space<hbm>> -> memref<100000x8xf32, #tpu.memory_space<hbm>>
    tpu.enqueue_indirect_dma source(%dma_start3A_137 : memref<100000x8xf32, #tpu.memory_space<hbm>>) target(%dma_start3A_132 : memref<128x8xf32, #tpu.memory_space<vmem>>) offsets(%dma_start3A_134 : memref<128xi32, #tpu.memory_space<vmem>>) semaphore(%arg10 : memref<!tpu.dma_semaphore, #tpu.memory_space<semaphore_mem>>)
    %dma_start3A_138 = arith.constant 2176 : i32
    %dma_start3A_139 = arith.constant 0 : i32
    %dma_start3A_140 = tpu.memref_slice %arg8[%dma_start3A_138, %dma_start3A_139] : memref<3200x8xf32, #tpu.memory_space<vmem>> -> memref<128x8xf32, #tpu.memory_space<vmem>>
    %dma_start3A_141 = arith.constant 2176 : i32
    %dma_start3A_142 = tpu.memref_slice %arg7[%dma_start3A_141] : memref<3200xi32, #tpu.memory_space<vmem>> -> memref<128xi32, #tpu.memory_space<vmem>>
    %dma_start3A_143 = arith.constant 0 : i32
    %dma_start3A_144 = arith.constant 0 : i32
    %dma_start3A_145 = tpu.memref_slice %arg4[%dma_start3A_143, %dma_start3A_144] : memref<100000x8xf32, #tpu.memory_space<hbm>> -> memref<100000x8xf32, #tpu.memory_space<hbm>>
    tpu.enqueue_indirect_dma source(%dma_start3A_145 : memref<100000x8xf32, #tpu.memory_space<hbm>>) target(%dma_start3A_140 : memref<128x8xf32, #tpu.memory_space<vmem>>) offsets(%dma_start3A_142 : memref<128xi32, #tpu.memory_space<vmem>>) semaphore(%arg10 : memref<!tpu.dma_semaphore, #tpu.memory_space<semaphore_mem>>)
    %dma_start3A_146 = arith.constant 2304 : i32
    %dma_start3A_147 = arith.constant 0 : i32
    %dma_start3A_148 = tpu.memref_slice %arg8[%dma_start3A_146, %dma_start3A_147] : memref<3200x8xf32, #tpu.memory_space<vmem>> -> memref<128x8xf32, #tpu.memory_space<vmem>>
    %dma_start3A_149 = arith.constant 2304 : i32
    %dma_start3A_150 = tpu.memref_slice %arg7[%dma_start3A_149] : memref<3200xi32, #tpu.memory_space<vmem>> -> memref<128xi32, #tpu.memory_space<vmem>>
    %dma_start3A_151 = arith.constant 0 : i32
    %dma_start3A_152 = arith.constant 0 : i32
    %dma_start3A_153 = tpu.memref_slice %arg4[%dma_start3A_151, %dma_start3A_152] : memref<100000x8xf32, #tpu.memory_space<hbm>> -> memref<100000x8xf32, #tpu.memory_space<hbm>>
    tpu.enqueue_indirect_dma source(%dma_start3A_153 : memref<100000x8xf32, #tpu.memory_space<hbm>>) target(%dma_start3A_148 : memref<128x8xf32, #tpu.memory_space<vmem>>) offsets(%dma_start3A_150 : memref<128xi32, #tpu.memory_space<vmem>>) semaphore(%arg10 : memref<!tpu.dma_semaphore, #tpu.memory_space<semaphore_mem>>)
    %dma_start3A_154 = arith.constant 2432 : i32
    %dma_start3A_155 = arith.constant 0 : i32
    %dma_start3A_156 = tpu.memref_slice %arg8[%dma_start3A_154, %dma_start3A_155] : memref<3200x8xf32, #tpu.memory_space<vmem>> -> memref<128x8xf32, #tpu.memory_space<vmem>>
    %dma_start3A_157 = arith.constant 2432 : i32
    %dma_start3A_158 = tpu.memref_slice %arg7[%dma_start3A_157] : memref<3200xi32, #tpu.memory_space<vmem>> -> memref<128xi32, #tpu.memory_space<vmem>>
    %dma_start3A_159 = arith.constant 0 : i32
    %dma_start3A_160 = arith.constant 0 : i32
    %dma_start3A_161 = tpu.memref_slice %arg4[%dma_start3A_159, %dma_start3A_160] : memref<100000x8xf32, #tpu.memory_space<hbm>> -> memref<100000x8xf32, #tpu.memory_space<hbm>>
    tpu.enqueue_indirect_dma source(%dma_start3A_161 : memref<100000x8xf32, #tpu.memory_space<hbm>>) target(%dma_start3A_156 : memref<128x8xf32, #tpu.memory_space<vmem>>) offsets(%dma_start3A_158 : memref<128xi32, #tpu.memory_space<vmem>>) semaphore(%arg10 : memref<!tpu.dma_semaphore, #tpu.memory_space<semaphore_mem>>)
    %dma_start3A_162 = arith.constant 2560 : i32
    %dma_start3A_163 = arith.constant 0 : i32
    %dma_start3A_164 = tpu.memref_slice %arg8[%dma_start3A_162, %dma_start3A_163] : memref<3200x8xf32, #tpu.memory_space<vmem>> -> memref<128x8xf32, #tpu.memory_space<vmem>>
    %dma_start3A_165 = arith.constant 2560 : i32
    %dma_start3A_166 = tpu.memref_slice %arg7[%dma_start3A_165] : memref<3200xi32, #tpu.memory_space<vmem>> -> memref<128xi32, #tpu.memory_space<vmem>>
    %dma_start3A_167 = arith.constant 0 : i32
    %dma_start3A_168 = arith.constant 0 : i32
    %dma_start3A_169 = tpu.memref_slice %arg4[%dma_start3A_167, %dma_start3A_168] : memref<100000x8xf32, #tpu.memory_space<hbm>> -> memref<100000x8xf32, #tpu.memory_space<hbm>>
    tpu.enqueue_indirect_dma source(%dma_start3A_169 : memref<100000x8xf32, #tpu.memory_space<hbm>>) target(%dma_start3A_164 : memref<128x8xf32, #tpu.memory_space<vmem>>) offsets(%dma_start3A_166 : memref<128xi32, #tpu.memory_space<vmem>>) semaphore(%arg10 : memref<!tpu.dma_semaphore, #tpu.memory_space<semaphore_mem>>)
    %dma_start3A_170 = arith.constant 2688 : i32
    %dma_start3A_171 = arith.constant 0 : i32
    %dma_start3A_172 = tpu.memref_slice %arg8[%dma_start3A_170, %dma_start3A_171] : memref<3200x8xf32, #tpu.memory_space<vmem>> -> memref<128x8xf32, #tpu.memory_space<vmem>>
    %dma_start3A_173 = arith.constant 2688 : i32
    %dma_start3A_174 = tpu.memref_slice %arg7[%dma_start3A_173] : memref<3200xi32, #tpu.memory_space<vmem>> -> memref<128xi32, #tpu.memory_space<vmem>>
    %dma_start3A_175 = arith.constant 0 : i32
    %dma_start3A_176 = arith.constant 0 : i32
    %dma_start3A_177 = tpu.memref_slice %arg4[%dma_start3A_175, %dma_start3A_176] : memref<100000x8xf32, #tpu.memory_space<hbm>> -> memref<100000x8xf32, #tpu.memory_space<hbm>>
    tpu.enqueue_indirect_dma source(%dma_start3A_177 : memref<100000x8xf32, #tpu.memory_space<hbm>>) target(%dma_start3A_172 : memref<128x8xf32, #tpu.memory_space<vmem>>) offsets(%dma_start3A_174 : memref<128xi32, #tpu.memory_space<vmem>>) semaphore(%arg10 : memref<!tpu.dma_semaphore, #tpu.memory_space<semaphore_mem>>)
    %dma_start3A_178 = arith.constant 2816 : i32
    %dma_start3A_179 = arith.constant 0 : i32
    %dma_start3A_180 = tpu.memref_slice %arg8[%dma_start3A_178, %dma_start3A_179] : memref<3200x8xf32, #tpu.memory_space<vmem>> -> memref<128x8xf32, #tpu.memory_space<vmem>>
    %dma_start3A_181 = arith.constant 2816 : i32
    %dma_start3A_182 = tpu.memref_slice %arg7[%dma_start3A_181] : memref<3200xi32, #tpu.memory_space<vmem>> -> memref<128xi32, #tpu.memory_space<vmem>>
    %dma_start3A_183 = arith.constant 0 : i32
    %dma_start3A_184 = arith.constant 0 : i32
    %dma_start3A_185 = tpu.memref_slice %arg4[%dma_start3A_183, %dma_start3A_184] : memref<100000x8xf32, #tpu.memory_space<hbm>> -> memref<100000x8xf32, #tpu.memory_space<hbm>>
    tpu.enqueue_indirect_dma source(%dma_start3A_185 : memref<100000x8xf32, #tpu.memory_space<hbm>>) target(%dma_start3A_180 : memref<128x8xf32, #tpu.memory_space<vmem>>) offsets(%dma_start3A_182 : memref<128xi32, #tpu.memory_space<vmem>>) semaphore(%arg10 : memref<!tpu.dma_semaphore, #tpu.memory_space<semaphore_mem>>)
    %dma_start3A_186 = arith.constant 2944 : i32
    %dma_start3A_187 = arith.constant 0 : i32
    %dma_start3A_188 = tpu.memref_slice %arg8[%dma_start3A_186, %dma_start3A_187] : memref<3200x8xf32, #tpu.memory_space<vmem>> -> memref<128x8xf32, #tpu.memory_space<vmem>>
    %dma_start3A_189 = arith.constant 2944 : i32
    %dma_start3A_190 = tpu.memref_slice %arg7[%dma_start3A_189] : memref<3200xi32, #tpu.memory_space<vmem>> -> memref<128xi32, #tpu.memory_space<vmem>>
    %dma_start3A_191 = arith.constant 0 : i32
    %dma_start3A_192 = arith.constant 0 : i32
    %dma_start3A_193 = tpu.memref_slice %arg4[%dma_start3A_191, %dma_start3A_192] : memref<100000x8xf32, #tpu.memory_space<hbm>> -> memref<100000x8xf32, #tpu.memory_space<hbm>>
    tpu.enqueue_indirect_dma source(%dma_start3A_193 : memref<100000x8xf32, #tpu.memory_space<hbm>>) target(%dma_start3A_188 : memref<128x8xf32, #tpu.memory_space<vmem>>) offsets(%dma_start3A_190 : memref<128xi32, #tpu.memory_space<vmem>>) semaphore(%arg10 : memref<!tpu.dma_semaphore, #tpu.memory_space<semaphore_mem>>)
    %dma_start3A_194 = arith.constant 3072 : i32
    %dma_start3A_195 = arith.constant 0 : i32
    %dma_start3A_196 = tpu.memref_slice %arg8[%dma_start3A_194, %dma_start3A_195] : memref<3200x8xf32, #tpu.memory_space<vmem>> -> memref<128x8xf32, #tpu.memory_space<vmem>>
    %dma_start3A_197 = arith.constant 3072 : i32
    %dma_start3A_198 = tpu.memref_slice %arg7[%dma_start3A_197] : memref<3200xi32, #tpu.memory_space<vmem>> -> memref<128xi32, #tpu.memory_space<vmem>>
    %dma_start3A_199 = arith.constant 0 : i32
    %dma_start3A_200 = arith.constant 0 : i32
    %dma_start3A_201 = tpu.memref_slice %arg4[%dma_start3A_199, %dma_start3A_200] : memref<100000x8xf32, #tpu.memory_space<hbm>> -> memref<100000x8xf32, #tpu.memory_space<hbm>>
    tpu.enqueue_indirect_dma source(%dma_start3A_201 : memref<100000x8xf32, #tpu.memory_space<hbm>>) target(%dma_start3A_196 : memref<128x8xf32, #tpu.memory_space<vmem>>) offsets(%dma_start3A_198 : memref<128xi32, #tpu.memory_space<vmem>>) semaphore(%arg10 : memref<!tpu.dma_semaphore, #tpu.memory_space<semaphore_mem>>)
    %dma_wait3A = arith.constant 0 : i32
    %dma_wait3A_202 = arith.constant 0 : i32
    %dma_wait3A_203 = tpu.memref_slice %arg8[%dma_wait3A, %dma_wait3A_202] : memref<3200x8xf32, #tpu.memory_space<vmem>> -> memref<128x8xf32, #tpu.memory_space<vmem>>
    %dma_wait3A_204 = arith.constant 0 : i32
    %dma_wait3A_205 = tpu.memref_slice %arg7[%dma_wait3A_204] : memref<3200xi32, #tpu.memory_space<vmem>> -> memref<128xi32, #tpu.memory_space<vmem>>
    %dma_wait3A_206 = arith.constant 0 : i32
    %dma_wait3A_207 = arith.constant 0 : i32
    %dma_wait3A_208 = tpu.memref_slice %arg4[%dma_wait3A_206, %dma_wait3A_207] : memref<100000x8xf32, #tpu.memory_space<hbm>> -> memref<100000x8xf32, #tpu.memory_space<hbm>>
    tpu.wait_indirect_dma semaphore(%arg10 : memref<!tpu.dma_semaphore, #tpu.memory_space<semaphore_mem>>) src(%dma_wait3A_208 : memref<100000x8xf32, #tpu.memory_space<hbm>>) dst(%dma_wait3A_203 : memref<128x8xf32, #tpu.memory_space<vmem>>)
    %dma_wait3A_209 = arith.constant 128 : i32
    %dma_wait3A_210 = arith.constant 0 : i32
    %dma_wait3A_211 = tpu.memref_slice %arg8[%dma_wait3A_209, %dma_wait3A_210] : memref<3200x8xf32, #tpu.memory_space<vmem>> -> memref<128x8xf32, #tpu.memory_space<vmem>>
    %dma_wait3A_212 = arith.constant 128 : i32
    %dma_wait3A_213 = tpu.memref_slice %arg7[%dma_wait3A_212] : memref<3200xi32, #tpu.memory_space<vmem>> -> memref<128xi32, #tpu.memory_space<vmem>>
    %dma_wait3A_214 = arith.constant 0 : i32
    %dma_wait3A_215 = arith.constant 0 : i32
    %dma_wait3A_216 = tpu.memref_slice %arg4[%dma_wait3A_214, %dma_wait3A_215] : memref<100000x8xf32, #tpu.memory_space<hbm>> -> memref<100000x8xf32, #tpu.memory_space<hbm>>
    tpu.wait_indirect_dma semaphore(%arg10 : memref<!tpu.dma_semaphore, #tpu.memory_space<semaphore_mem>>) src(%dma_wait3A_216 : memref<100000x8xf32, #tpu.memory_space<hbm>>) dst(%dma_wait3A_211 : memref<128x8xf32, #tpu.memory_space<vmem>>)
    %dma_wait3A_217 = arith.constant 256 : i32
    %dma_wait3A_218 = arith.constant 0 : i32
    %dma_wait3A_219 = tpu.memref_slice %arg8[%dma_wait3A_217, %dma_wait3A_218] : memref<3200x8xf32, #tpu.memory_space<vmem>> -> memref<128x8xf32, #tpu.memory_space<vmem>>
    %dma_wait3A_220 = arith.constant 256 : i32
    %dma_wait3A_221 = tpu.memref_slice %arg7[%dma_wait3A_220] : memref<3200xi32, #tpu.memory_space<vmem>> -> memref<128xi32, #tpu.memory_space<vmem>>
    %dma_wait3A_222 = arith.constant 0 : i32
    %dma_wait3A_223 = arith.constant 0 : i32
    %dma_wait3A_224 = tpu.memref_slice %arg4[%dma_wait3A_222, %dma_wait3A_223] : memref<100000x8xf32, #tpu.memory_space<hbm>> -> memref<100000x8xf32, #tpu.memory_space<hbm>>
    tpu.wait_indirect_dma semaphore(%arg10 : memref<!tpu.dma_semaphore, #tpu.memory_space<semaphore_mem>>) src(%dma_wait3A_224 : memref<100000x8xf32, #tpu.memory_space<hbm>>) dst(%dma_wait3A_219 : memref<128x8xf32, #tpu.memory_space<vmem>>)
    %dma_wait3A_225 = arith.constant 384 : i32
    %dma_wait3A_226 = arith.constant 0 : i32
    %dma_wait3A_227 = tpu.memref_slice %arg8[%dma_wait3A_225, %dma_wait3A_226] : memref<3200x8xf32, #tpu.memory_space<vmem>> -> memref<128x8xf32, #tpu.memory_space<vmem>>
    %dma_wait3A_228 = arith.constant 384 : i32
    %dma_wait3A_229 = tpu.memref_slice %arg7[%dma_wait3A_228] : memref<3200xi32, #tpu.memory_space<vmem>> -> memref<128xi32, #tpu.memory_space<vmem>>
    %dma_wait3A_230 = arith.constant 0 : i32
    %dma_wait3A_231 = arith.constant 0 : i32
    %dma_wait3A_232 = tpu.memref_slice %arg4[%dma_wait3A_230, %dma_wait3A_231] : memref<100000x8xf32, #tpu.memory_space<hbm>> -> memref<100000x8xf32, #tpu.memory_space<hbm>>
    tpu.wait_indirect_dma semaphore(%arg10 : memref<!tpu.dma_semaphore, #tpu.memory_space<semaphore_mem>>) src(%dma_wait3A_232 : memref<100000x8xf32, #tpu.memory_space<hbm>>) dst(%dma_wait3A_227 : memref<128x8xf32, #tpu.memory_space<vmem>>)
    %dma_wait3A_233 = arith.constant 512 : i32
    %dma_wait3A_234 = arith.constant 0 : i32
    %dma_wait3A_235 = tpu.memref_slice %arg8[%dma_wait3A_233, %dma_wait3A_234] : memref<3200x8xf32, #tpu.memory_space<vmem>> -> memref<128x8xf32, #tpu.memory_space<vmem>>
    %dma_wait3A_236 = arith.constant 512 : i32
    %dma_wait3A_237 = tpu.memref_slice %arg7[%dma_wait3A_236] : memref<3200xi32, #tpu.memory_space<vmem>> -> memref<128xi32, #tpu.memory_space<vmem>>
    %dma_wait3A_238 = arith.constant 0 : i32
    %dma_wait3A_239 = arith.constant 0 : i32
    %dma_wait3A_240 = tpu.memref_slice %arg4[%dma_wait3A_238, %dma_wait3A_239] : memref<100000x8xf32, #tpu.memory_space<hbm>> -> memref<100000x8xf32, #tpu.memory_space<hbm>>
    tpu.wait_indirect_dma semaphore(%arg10 : memref<!tpu.dma_semaphore, #tpu.memory_space<semaphore_mem>>) src(%dma_wait3A_240 : memref<100000x8xf32, #tpu.memory_space<hbm>>) dst(%dma_wait3A_235 : memref<128x8xf32, #tpu.memory_space<vmem>>)
    %dma_wait3A_241 = arith.constant 640 : i32
    %dma_wait3A_242 = arith.constant 0 : i32
    %dma_wait3A_243 = tpu.memref_slice %arg8[%dma_wait3A_241, %dma_wait3A_242] : memref<3200x8xf32, #tpu.memory_space<vmem>> -> memref<128x8xf32, #tpu.memory_space<vmem>>
    %dma_wait3A_244 = arith.constant 640 : i32
    %dma_wait3A_245 = tpu.memref_slice %arg7[%dma_wait3A_244] : memref<3200xi32, #tpu.memory_space<vmem>> -> memref<128xi32, #tpu.memory_space<vmem>>
    %dma_wait3A_246 = arith.constant 0 : i32
    %dma_wait3A_247 = arith.constant 0 : i32
    %dma_wait3A_248 = tpu.memref_slice %arg4[%dma_wait3A_246, %dma_wait3A_247] : memref<100000x8xf32, #tpu.memory_space<hbm>> -> memref<100000x8xf32, #tpu.memory_space<hbm>>
    tpu.wait_indirect_dma semaphore(%arg10 : memref<!tpu.dma_semaphore, #tpu.memory_space<semaphore_mem>>) src(%dma_wait3A_248 : memref<100000x8xf32, #tpu.memory_space<hbm>>) dst(%dma_wait3A_243 : memref<128x8xf32, #tpu.memory_space<vmem>>)
    %dma_wait3A_249 = arith.constant 768 : i32
    %dma_wait3A_250 = arith.constant 0 : i32
    %dma_wait3A_251 = tpu.memref_slice %arg8[%dma_wait3A_249, %dma_wait3A_250] : memref<3200x8xf32, #tpu.memory_space<vmem>> -> memref<128x8xf32, #tpu.memory_space<vmem>>
    %dma_wait3A_252 = arith.constant 768 : i32
    %dma_wait3A_253 = tpu.memref_slice %arg7[%dma_wait3A_252] : memref<3200xi32, #tpu.memory_space<vmem>> -> memref<128xi32, #tpu.memory_space<vmem>>
    %dma_wait3A_254 = arith.constant 0 : i32
    %dma_wait3A_255 = arith.constant 0 : i32
    %dma_wait3A_256 = tpu.memref_slice %arg4[%dma_wait3A_254, %dma_wait3A_255] : memref<100000x8xf32, #tpu.memory_space<hbm>> -> memref<100000x8xf32, #tpu.memory_space<hbm>>
    tpu.wait_indirect_dma semaphore(%arg10 : memref<!tpu.dma_semaphore, #tpu.memory_space<semaphore_mem>>) src(%dma_wait3A_256 : memref<100000x8xf32, #tpu.memory_space<hbm>>) dst(%dma_wait3A_251 : memref<128x8xf32, #tpu.memory_space<vmem>>)
    %dma_wait3A_257 = arith.constant 896 : i32
    %dma_wait3A_258 = arith.constant 0 : i32
    %dma_wait3A_259 = tpu.memref_slice %arg8[%dma_wait3A_257, %dma_wait3A_258] : memref<3200x8xf32, #tpu.memory_space<vmem>> -> memref<128x8xf32, #tpu.memory_space<vmem>>
    %dma_wait3A_260 = arith.constant 896 : i32
    %dma_wait3A_261 = tpu.memref_slice %arg7[%dma_wait3A_260] : memref<3200xi32, #tpu.memory_space<vmem>> -> memref<128xi32, #tpu.memory_space<vmem>>
    %dma_wait3A_262 = arith.constant 0 : i32
    %dma_wait3A_263 = arith.constant 0 : i32
    %dma_wait3A_264 = tpu.memref_slice %arg4[%dma_wait3A_262, %dma_wait3A_263] : memref<100000x8xf32, #tpu.memory_space<hbm>> -> memref<100000x8xf32, #tpu.memory_space<hbm>>
    tpu.wait_indirect_dma semaphore(%arg10 : memref<!tpu.dma_semaphore, #tpu.memory_space<semaphore_mem>>) src(%dma_wait3A_264 : memref<100000x8xf32, #tpu.memory_space<hbm>>) dst(%dma_wait3A_259 : memref<128x8xf32, #tpu.memory_space<vmem>>)
    %dma_wait3A_265 = arith.constant 1024 : i32
    %dma_wait3A_266 = arith.constant 0 : i32
    %dma_wait3A_267 = tpu.memref_slice %arg8[%dma_wait3A_265, %dma_wait3A_266] : memref<3200x8xf32, #tpu.memory_space<vmem>> -> memref<128x8xf32, #tpu.memory_space<vmem>>
    %dma_wait3A_268 = arith.constant 1024 : i32
    %dma_wait3A_269 = tpu.memref_slice %arg7[%dma_wait3A_268] : memref<3200xi32, #tpu.memory_space<vmem>> -> memref<128xi32, #tpu.memory_space<vmem>>
    %dma_wait3A_270 = arith.constant 0 : i32
    %dma_wait3A_271 = arith.constant 0 : i32
    %dma_wait3A_272 = tpu.memref_slice %arg4[%dma_wait3A_270, %dma_wait3A_271] : memref<100000x8xf32, #tpu.memory_space<hbm>> -> memref<100000x8xf32, #tpu.memory_space<hbm>>
    tpu.wait_indirect_dma semaphore(%arg10 : memref<!tpu.dma_semaphore, #tpu.memory_space<semaphore_mem>>) src(%dma_wait3A_272 : memref<100000x8xf32, #tpu.memory_space<hbm>>) dst(%dma_wait3A_267 : memref<128x8xf32, #tpu.memory_space<vmem>>)
    %dma_wait3A_273 = arith.constant 1152 : i32
    %dma_wait3A_274 = arith.constant 0 : i32
    %dma_wait3A_275 = tpu.memref_slice %arg8[%dma_wait3A_273, %dma_wait3A_274] : memref<3200x8xf32, #tpu.memory_space<vmem>> -> memref<128x8xf32, #tpu.memory_space<vmem>>
    %dma_wait3A_276 = arith.constant 1152 : i32
    %dma_wait3A_277 = tpu.memref_slice %arg7[%dma_wait3A_276] : memref<3200xi32, #tpu.memory_space<vmem>> -> memref<128xi32, #tpu.memory_space<vmem>>
    %dma_wait3A_278 = arith.constant 0 : i32
    %dma_wait3A_279 = arith.constant 0 : i32
    %dma_wait3A_280 = tpu.memref_slice %arg4[%dma_wait3A_278, %dma_wait3A_279] : memref<100000x8xf32, #tpu.memory_space<hbm>> -> memref<100000x8xf32, #tpu.memory_space<hbm>>
    tpu.wait_indirect_dma semaphore(%arg10 : memref<!tpu.dma_semaphore, #tpu.memory_space<semaphore_mem>>) src(%dma_wait3A_280 : memref<100000x8xf32, #tpu.memory_space<hbm>>) dst(%dma_wait3A_275 : memref<128x8xf32, #tpu.memory_space<vmem>>)
    %dma_wait3A_281 = arith.constant 1280 : i32
    %dma_wait3A_282 = arith.constant 0 : i32
    %dma_wait3A_283 = tpu.memref_slice %arg8[%dma_wait3A_281, %dma_wait3A_282] : memref<3200x8xf32, #tpu.memory_space<vmem>> -> memref<128x8xf32, #tpu.memory_space<vmem>>
    %dma_wait3A_284 = arith.constant 1280 : i32
    %dma_wait3A_285 = tpu.memref_slice %arg7[%dma_wait3A_284] : memref<3200xi32, #tpu.memory_space<vmem>> -> memref<128xi32, #tpu.memory_space<vmem>>
    %dma_wait3A_286 = arith.constant 0 : i32
    %dma_wait3A_287 = arith.constant 0 : i32
    %dma_wait3A_288 = tpu.memref_slice %arg4[%dma_wait3A_286, %dma_wait3A_287] : memref<100000x8xf32, #tpu.memory_space<hbm>> -> memref<100000x8xf32, #tpu.memory_space<hbm>>
    tpu.wait_indirect_dma semaphore(%arg10 : memref<!tpu.dma_semaphore, #tpu.memory_space<semaphore_mem>>) src(%dma_wait3A_288 : memref<100000x8xf32, #tpu.memory_space<hbm>>) dst(%dma_wait3A_283 : memref<128x8xf32, #tpu.memory_space<vmem>>)
    %dma_wait3A_289 = arith.constant 1408 : i32
    %dma_wait3A_290 = arith.constant 0 : i32
    %dma_wait3A_291 = tpu.memref_slice %arg8[%dma_wait3A_289, %dma_wait3A_290] : memref<3200x8xf32, #tpu.memory_space<vmem>> -> memref<128x8xf32, #tpu.memory_space<vmem>>
    %dma_wait3A_292 = arith.constant 1408 : i32
    %dma_wait3A_293 = tpu.memref_slice %arg7[%dma_wait3A_292] : memref<3200xi32, #tpu.memory_space<vmem>> -> memref<128xi32, #tpu.memory_space<vmem>>
    %dma_wait3A_294 = arith.constant 0 : i32
    %dma_wait3A_295 = arith.constant 0 : i32
    %dma_wait3A_296 = tpu.memref_slice %arg4[%dma_wait3A_294, %dma_wait3A_295] : memref<100000x8xf32, #tpu.memory_space<hbm>> -> memref<100000x8xf32, #tpu.memory_space<hbm>>
    tpu.wait_indirect_dma semaphore(%arg10 : memref<!tpu.dma_semaphore, #tpu.memory_space<semaphore_mem>>) src(%dma_wait3A_296 : memref<100000x8xf32, #tpu.memory_space<hbm>>) dst(%dma_wait3A_291 : memref<128x8xf32, #tpu.memory_space<vmem>>)
    %dma_wait3A_297 = arith.constant 1536 : i32
    %dma_wait3A_298 = arith.constant 0 : i32
    %dma_wait3A_299 = tpu.memref_slice %arg8[%dma_wait3A_297, %dma_wait3A_298] : memref<3200x8xf32, #tpu.memory_space<vmem>> -> memref<128x8xf32, #tpu.memory_space<vmem>>
    %dma_wait3A_300 = arith.constant 1536 : i32
    %dma_wait3A_301 = tpu.memref_slice %arg7[%dma_wait3A_300] : memref<3200xi32, #tpu.memory_space<vmem>> -> memref<128xi32, #tpu.memory_space<vmem>>
    %dma_wait3A_302 = arith.constant 0 : i32
    %dma_wait3A_303 = arith.constant 0 : i32
    %dma_wait3A_304 = tpu.memref_slice %arg4[%dma_wait3A_302, %dma_wait3A_303] : memref<100000x8xf32, #tpu.memory_space<hbm>> -> memref<100000x8xf32, #tpu.memory_space<hbm>>
    tpu.wait_indirect_dma semaphore(%arg10 : memref<!tpu.dma_semaphore, #tpu.memory_space<semaphore_mem>>) src(%dma_wait3A_304 : memref<100000x8xf32, #tpu.memory_space<hbm>>) dst(%dma_wait3A_299 : memref<128x8xf32, #tpu.memory_space<vmem>>)
    %dma_wait3A_305 = arith.constant 1664 : i32
    %dma_wait3A_306 = arith.constant 0 : i32
    %dma_wait3A_307 = tpu.memref_slice %arg8[%dma_wait3A_305, %dma_wait3A_306] : memref<3200x8xf32, #tpu.memory_space<vmem>> -> memref<128x8xf32, #tpu.memory_space<vmem>>
    %dma_wait3A_308 = arith.constant 1664 : i32
    %dma_wait3A_309 = tpu.memref_slice %arg7[%dma_wait3A_308] : memref<3200xi32, #tpu.memory_space<vmem>> -> memref<128xi32, #tpu.memory_space<vmem>>
    %dma_wait3A_310 = arith.constant 0 : i32
    %dma_wait3A_311 = arith.constant 0 : i32
    %dma_wait3A_312 = tpu.memref_slice %arg4[%dma_wait3A_310, %dma_wait3A_311] : memref<100000x8xf32, #tpu.memory_space<hbm>> -> memref<100000x8xf32, #tpu.memory_space<hbm>>
    tpu.wait_indirect_dma semaphore(%arg10 : memref<!tpu.dma_semaphore, #tpu.memory_space<semaphore_mem>>) src(%dma_wait3A_312 : memref<100000x8xf32, #tpu.memory_space<hbm>>) dst(%dma_wait3A_307 : memref<128x8xf32, #tpu.memory_space<vmem>>)
    %dma_wait3A_313 = arith.constant 1792 : i32
    %dma_wait3A_314 = arith.constant 0 : i32
    %dma_wait3A_315 = tpu.memref_slice %arg8[%dma_wait3A_313, %dma_wait3A_314] : memref<3200x8xf32, #tpu.memory_space<vmem>> -> memref<128x8xf32, #tpu.memory_space<vmem>>
    %dma_wait3A_316 = arith.constant 1792 : i32
    %dma_wait3A_317 = tpu.memref_slice %arg7[%dma_wait3A_316] : memref<3200xi32, #tpu.memory_space<vmem>> -> memref<128xi32, #tpu.memory_space<vmem>>
    %dma_wait3A_318 = arith.constant 0 : i32
    %dma_wait3A_319 = arith.constant 0 : i32
    %dma_wait3A_320 = tpu.memref_slice %arg4[%dma_wait3A_318, %dma_wait3A_319] : memref<100000x8xf32, #tpu.memory_space<hbm>> -> memref<100000x8xf32, #tpu.memory_space<hbm>>
    tpu.wait_indirect_dma semaphore(%arg10 : memref<!tpu.dma_semaphore, #tpu.memory_space<semaphore_mem>>) src(%dma_wait3A_320 : memref<100000x8xf32, #tpu.memory_space<hbm>>) dst(%dma_wait3A_315 : memref<128x8xf32, #tpu.memory_space<vmem>>)
    %dma_wait3A_321 = arith.constant 1920 : i32
    %dma_wait3A_322 = arith.constant 0 : i32
    %dma_wait3A_323 = tpu.memref_slice %arg8[%dma_wait3A_321, %dma_wait3A_322] : memref<3200x8xf32, #tpu.memory_space<vmem>> -> memref<128x8xf32, #tpu.memory_space<vmem>>
    %dma_wait3A_324 = arith.constant 1920 : i32
    %dma_wait3A_325 = tpu.memref_slice %arg7[%dma_wait3A_324] : memref<3200xi32, #tpu.memory_space<vmem>> -> memref<128xi32, #tpu.memory_space<vmem>>
    %dma_wait3A_326 = arith.constant 0 : i32
    %dma_wait3A_327 = arith.constant 0 : i32
    %dma_wait3A_328 = tpu.memref_slice %arg4[%dma_wait3A_326, %dma_wait3A_327] : memref<100000x8xf32, #tpu.memory_space<hbm>> -> memref<100000x8xf32, #tpu.memory_space<hbm>>
    tpu.wait_indirect_dma semaphore(%arg10 : memref<!tpu.dma_semaphore, #tpu.memory_space<semaphore_mem>>) src(%dma_wait3A_328 : memref<100000x8xf32, #tpu.memory_space<hbm>>) dst(%dma_wait3A_323 : memref<128x8xf32, #tpu.memory_space<vmem>>)
    %dma_wait3A_329 = arith.constant 2048 : i32
    %dma_wait3A_330 = arith.constant 0 : i32
    %dma_wait3A_331 = tpu.memref_slice %arg8[%dma_wait3A_329, %dma_wait3A_330] : memref<3200x8xf32, #tpu.memory_space<vmem>> -> memref<128x8xf32, #tpu.memory_space<vmem>>
    %dma_wait3A_332 = arith.constant 2048 : i32
    %dma_wait3A_333 = tpu.memref_slice %arg7[%dma_wait3A_332] : memref<3200xi32, #tpu.memory_space<vmem>> -> memref<128xi32, #tpu.memory_space<vmem>>
    %dma_wait3A_334 = arith.constant 0 : i32
    %dma_wait3A_335 = arith.constant 0 : i32
    %dma_wait3A_336 = tpu.memref_slice %arg4[%dma_wait3A_334, %dma_wait3A_335] : memref<100000x8xf32, #tpu.memory_space<hbm>> -> memref<100000x8xf32, #tpu.memory_space<hbm>>
    tpu.wait_indirect_dma semaphore(%arg10 : memref<!tpu.dma_semaphore, #tpu.memory_space<semaphore_mem>>) src(%dma_wait3A_336 : memref<100000x8xf32, #tpu.memory_space<hbm>>) dst(%dma_wait3A_331 : memref<128x8xf32, #tpu.memory_space<vmem>>)
    %dma_wait3A_337 = arith.constant 2176 : i32
    %dma_wait3A_338 = arith.constant 0 : i32
    %dma_wait3A_339 = tpu.memref_slice %arg8[%dma_wait3A_337, %dma_wait3A_338] : memref<3200x8xf32, #tpu.memory_space<vmem>> -> memref<128x8xf32, #tpu.memory_space<vmem>>
    %dma_wait3A_340 = arith.constant 2176 : i32
    %dma_wait3A_341 = tpu.memref_slice %arg7[%dma_wait3A_340] : memref<3200xi32, #tpu.memory_space<vmem>> -> memref<128xi32, #tpu.memory_space<vmem>>
    %dma_wait3A_342 = arith.constant 0 : i32
    %dma_wait3A_343 = arith.constant 0 : i32
    %dma_wait3A_344 = tpu.memref_slice %arg4[%dma_wait3A_342, %dma_wait3A_343] : memref<100000x8xf32, #tpu.memory_space<hbm>> -> memref<100000x8xf32, #tpu.memory_space<hbm>>
    tpu.wait_indirect_dma semaphore(%arg10 : memref<!tpu.dma_semaphore, #tpu.memory_space<semaphore_mem>>) src(%dma_wait3A_344 : memref<100000x8xf32, #tpu.memory_space<hbm>>) dst(%dma_wait3A_339 : memref<128x8xf32, #tpu.memory_space<vmem>>)
    %dma_wait3A_345 = arith.constant 2304 : i32
    %dma_wait3A_346 = arith.constant 0 : i32
    %dma_wait3A_347 = tpu.memref_slice %arg8[%dma_wait3A_345, %dma_wait3A_346] : memref<3200x8xf32, #tpu.memory_space<vmem>> -> memref<128x8xf32, #tpu.memory_space<vmem>>
    %dma_wait3A_348 = arith.constant 2304 : i32
    %dma_wait3A_349 = tpu.memref_slice %arg7[%dma_wait3A_348] : memref<3200xi32, #tpu.memory_space<vmem>> -> memref<128xi32, #tpu.memory_space<vmem>>
    %dma_wait3A_350 = arith.constant 0 : i32
    %dma_wait3A_351 = arith.constant 0 : i32
    %dma_wait3A_352 = tpu.memref_slice %arg4[%dma_wait3A_350, %dma_wait3A_351] : memref<100000x8xf32, #tpu.memory_space<hbm>> -> memref<100000x8xf32, #tpu.memory_space<hbm>>
    tpu.wait_indirect_dma semaphore(%arg10 : memref<!tpu.dma_semaphore, #tpu.memory_space<semaphore_mem>>) src(%dma_wait3A_352 : memref<100000x8xf32, #tpu.memory_space<hbm>>) dst(%dma_wait3A_347 : memref<128x8xf32, #tpu.memory_space<vmem>>)
    %dma_wait3A_353 = arith.constant 2432 : i32
    %dma_wait3A_354 = arith.constant 0 : i32
    %dma_wait3A_355 = tpu.memref_slice %arg8[%dma_wait3A_353, %dma_wait3A_354] : memref<3200x8xf32, #tpu.memory_space<vmem>> -> memref<128x8xf32, #tpu.memory_space<vmem>>
    %dma_wait3A_356 = arith.constant 2432 : i32
    %dma_wait3A_357 = tpu.memref_slice %arg7[%dma_wait3A_356] : memref<3200xi32, #tpu.memory_space<vmem>> -> memref<128xi32, #tpu.memory_space<vmem>>
    %dma_wait3A_358 = arith.constant 0 : i32
    %dma_wait3A_359 = arith.constant 0 : i32
    %dma_wait3A_360 = tpu.memref_slice %arg4[%dma_wait3A_358, %dma_wait3A_359] : memref<100000x8xf32, #tpu.memory_space<hbm>> -> memref<100000x8xf32, #tpu.memory_space<hbm>>
    tpu.wait_indirect_dma semaphore(%arg10 : memref<!tpu.dma_semaphore, #tpu.memory_space<semaphore_mem>>) src(%dma_wait3A_360 : memref<100000x8xf32, #tpu.memory_space<hbm>>) dst(%dma_wait3A_355 : memref<128x8xf32, #tpu.memory_space<vmem>>)
    %dma_wait3A_361 = arith.constant 2560 : i32
    %dma_wait3A_362 = arith.constant 0 : i32
    %dma_wait3A_363 = tpu.memref_slice %arg8[%dma_wait3A_361, %dma_wait3A_362] : memref<3200x8xf32, #tpu.memory_space<vmem>> -> memref<128x8xf32, #tpu.memory_space<vmem>>
    %dma_wait3A_364 = arith.constant 2560 : i32
    %dma_wait3A_365 = tpu.memref_slice %arg7[%dma_wait3A_364] : memref<3200xi32, #tpu.memory_space<vmem>> -> memref<128xi32, #tpu.memory_space<vmem>>
    %dma_wait3A_366 = arith.constant 0 : i32
    %dma_wait3A_367 = arith.constant 0 : i32
    %dma_wait3A_368 = tpu.memref_slice %arg4[%dma_wait3A_366, %dma_wait3A_367] : memref<100000x8xf32, #tpu.memory_space<hbm>> -> memref<100000x8xf32, #tpu.memory_space<hbm>>
    tpu.wait_indirect_dma semaphore(%arg10 : memref<!tpu.dma_semaphore, #tpu.memory_space<semaphore_mem>>) src(%dma_wait3A_368 : memref<100000x8xf32, #tpu.memory_space<hbm>>) dst(%dma_wait3A_363 : memref<128x8xf32, #tpu.memory_space<vmem>>)
    %dma_wait3A_369 = arith.constant 2688 : i32
    %dma_wait3A_370 = arith.constant 0 : i32
    %dma_wait3A_371 = tpu.memref_slice %arg8[%dma_wait3A_369, %dma_wait3A_370] : memref<3200x8xf32, #tpu.memory_space<vmem>> -> memref<128x8xf32, #tpu.memory_space<vmem>>
    %dma_wait3A_372 = arith.constant 2688 : i32
    %dma_wait3A_373 = tpu.memref_slice %arg7[%dma_wait3A_372] : memref<3200xi32, #tpu.memory_space<vmem>> -> memref<128xi32, #tpu.memory_space<vmem>>
    %dma_wait3A_374 = arith.constant 0 : i32
    %dma_wait3A_375 = arith.constant 0 : i32
    %dma_wait3A_376 = tpu.memref_slice %arg4[%dma_wait3A_374, %dma_wait3A_375] : memref<100000x8xf32, #tpu.memory_space<hbm>> -> memref<100000x8xf32, #tpu.memory_space<hbm>>
    tpu.wait_indirect_dma semaphore(%arg10 : memref<!tpu.dma_semaphore, #tpu.memory_space<semaphore_mem>>) src(%dma_wait3A_376 : memref<100000x8xf32, #tpu.memory_space<hbm>>) dst(%dma_wait3A_371 : memref<128x8xf32, #tpu.memory_space<vmem>>)
    %dma_wait3A_377 = arith.constant 2816 : i32
    %dma_wait3A_378 = arith.constant 0 : i32
    %dma_wait3A_379 = tpu.memref_slice %arg8[%dma_wait3A_377, %dma_wait3A_378] : memref<3200x8xf32, #tpu.memory_space<vmem>> -> memref<128x8xf32, #tpu.memory_space<vmem>>
    %dma_wait3A_380 = arith.constant 2816 : i32
    %dma_wait3A_381 = tpu.memref_slice %arg7[%dma_wait3A_380] : memref<3200xi32, #tpu.memory_space<vmem>> -> memref<128xi32, #tpu.memory_space<vmem>>
    %dma_wait3A_382 = arith.constant 0 : i32
    %dma_wait3A_383 = arith.constant 0 : i32
    %dma_wait3A_384 = tpu.memref_slice %arg4[%dma_wait3A_382, %dma_wait3A_383] : memref<100000x8xf32, #tpu.memory_space<hbm>> -> memref<100000x8xf32, #tpu.memory_space<hbm>>
    tpu.wait_indirect_dma semaphore(%arg10 : memref<!tpu.dma_semaphore, #tpu.memory_space<semaphore_mem>>) src(%dma_wait3A_384 : memref<100000x8xf32, #tpu.memory_space<hbm>>) dst(%dma_wait3A_379 : memref<128x8xf32, #tpu.memory_space<vmem>>)
    %dma_wait3A_385 = arith.constant 2944 : i32
    %dma_wait3A_386 = arith.constant 0 : i32
    %dma_wait3A_387 = tpu.memref_slice %arg8[%dma_wait3A_385, %dma_wait3A_386] : memref<3200x8xf32, #tpu.memory_space<vmem>> -> memref<128x8xf32, #tpu.memory_space<vmem>>
    %dma_wait3A_388 = arith.constant 2944 : i32
    %dma_wait3A_389 = tpu.memref_slice %arg7[%dma_wait3A_388] : memref<3200xi32, #tpu.memory_space<vmem>> -> memref<128xi32, #tpu.memory_space<vmem>>
    %dma_wait3A_390 = arith.constant 0 : i32
    %dma_wait3A_391 = arith.constant 0 : i32
    %dma_wait3A_392 = tpu.memref_slice %arg4[%dma_wait3A_390, %dma_wait3A_391] : memref<100000x8xf32, #tpu.memory_space<hbm>> -> memref<100000x8xf32, #tpu.memory_space<hbm>>
    tpu.wait_indirect_dma semaphore(%arg10 : memref<!tpu.dma_semaphore, #tpu.memory_space<semaphore_mem>>) src(%dma_wait3A_392 : memref<100000x8xf32, #tpu.memory_space<hbm>>) dst(%dma_wait3A_387 : memref<128x8xf32, #tpu.memory_space<vmem>>)
    %dma_wait3A_393 = arith.constant 3072 : i32
    %dma_wait3A_394 = arith.constant 0 : i32
    %dma_wait3A_395 = tpu.memref_slice %arg8[%dma_wait3A_393, %dma_wait3A_394] : memref<3200x8xf32, #tpu.memory_space<vmem>> -> memref<128x8xf32, #tpu.memory_space<vmem>>
    %dma_wait3A_396 = arith.constant 3072 : i32
    %dma_wait3A_397 = tpu.memref_slice %arg7[%dma_wait3A_396] : memref<3200xi32, #tpu.memory_space<vmem>> -> memref<128xi32, #tpu.memory_space<vmem>>
    %dma_wait3A_398 = arith.constant 0 : i32
    %dma_wait3A_399 = arith.constant 0 : i32
    %dma_wait3A_400 = tpu.memref_slice %arg4[%dma_wait3A_398, %dma_wait3A_399] : memref<100000x8xf32, #tpu.memory_space<hbm>> -> memref<100000x8xf32, #tpu.memory_space<hbm>>
    tpu.wait_indirect_dma semaphore(%arg10 : memref<!tpu.dma_semaphore, #tpu.memory_space<semaphore_mem>>) src(%dma_wait3A_400 : memref<100000x8xf32, #tpu.memory_space<hbm>>) dst(%dma_wait3A_395 : memref<128x8xf32, #tpu.memory_space<vmem>>)
    %scan3A = arith.constant 0 : i32
    %scan3A_401 = arith.constant 0 : i32
    %scan3A_402 = arith.constant 200 : i32
    %scan3A_403 = arith.addi %scan3A_401, %scan3A_402 : i32
    %scan3A_404 = arith.constant 1 : i32
    %scan3A_405 = scf.for %scan3A_407 = %scan3A_401 to %scan3A_403 step %scan3A_404 iter_args(%scan3A_408 = %scan3A) -> (i32)  : i32 {
      %mul3A_409 = arith.constant 16 : i32
      %mul3A_410 = arith.muli %scan3A_407, %mul3A_409 : i32
      %iota3A = tpu.iota {dimensions = array<i32: 0>} : vector<16xi32>
      %add3A_411 = vector.broadcast %mul3A_410 : i32 to vector<16xi32>
      %add3A_412 = arith.addi %add3A_411, %iota3A : vector<16xi32>
      %broadcast_in_dim3A = arith.constant 0 : i32
      %broadcast_in_dim3A_413 = vector.broadcast %broadcast_in_dim3A : i32 to vector<16xi32>
      %gather3A = tpu.vector_load_idx %arg6[%add3A_412, %broadcast_in_dim3A_413] : memref<3200x4xf32, #tpu.memory_space<vmem>>[vector<16xi32>, vector<16xi32>], vector<16xf32>,
      %broadcast_in_dim3A_414 = arith.constant 1 : i32
      %broadcast_in_dim3A_415 = vector.broadcast %broadcast_in_dim3A_414 : i32 to vector<16xi32>
      %gather3A_416 = tpu.vector_load_idx %arg6[%add3A_412, %broadcast_in_dim3A_415] : memref<3200x4xf32, #tpu.memory_space<vmem>>[vector<16xi32>, vector<16xi32>], vector<16xf32>,
      %broadcast_in_dim3A_417 = arith.constant 2 : i32
      %broadcast_in_dim3A_418 = vector.broadcast %broadcast_in_dim3A_417 : i32 to vector<16xi32>
      %gather3A_419 = tpu.vector_load_idx %arg6[%add3A_412, %broadcast_in_dim3A_418] : memref<3200x4xf32, #tpu.memory_space<vmem>>[vector<16xi32>, vector<16xi32>], vector<16xf32>,
      %broadcast_in_dim3A_420 = arith.constant 0 : i32
      %broadcast_in_dim3A_421 = vector.broadcast %broadcast_in_dim3A_420 : i32 to vector<16xi32>
      %gather3A_422 = tpu.vector_load_idx %arg8[%add3A_412, %broadcast_in_dim3A_421] : memref<3200x8xf32, #tpu.memory_space<vmem>>[vector<16xi32>, vector<16xi32>], vector<16xf32>,
      %broadcast_in_dim3A_423 = arith.constant 1 : i32
      %broadcast_in_dim3A_424 = vector.broadcast %broadcast_in_dim3A_423 : i32 to vector<16xi32>
      %gather3A_425 = tpu.vector_load_idx %arg8[%add3A_412, %broadcast_in_dim3A_424] : memref<3200x8xf32, #tpu.memory_space<vmem>>[vector<16xi32>, vector<16xi32>], vector<16xf32>,
      %broadcast_in_dim3A_426 = arith.constant 2 : i32
      %broadcast_in_dim3A_427 = vector.broadcast %broadcast_in_dim3A_426 : i32 to vector<16xi32>
      %gather3A_428 = tpu.vector_load_idx %arg8[%add3A_412, %broadcast_in_dim3A_427] : memref<3200x8xf32, #tpu.memory_space<vmem>>[vector<16xi32>, vector<16xi32>], vector<16xf32>,
      %mul3A_429 = arith.mulf %gather3A_422, %gather3A_422 : vector<16xf32>
      %mul3A_430 = arith.mulf %gather3A_425, %gather3A_425 : vector<16xf32>
      %add3A_431 = arith.addf %mul3A_429, %mul3A_430 : vector<16xf32>
      %mul3A_432 = arith.mulf %gather3A_428, %gather3A_428 : vector<16xf32>
      %add3A_433 = arith.addf %add3A_431, %mul3A_432 : vector<16xf32>
      %max3A = arith.constant 1.000000e-24 : f32
      %max3A_434 = vector.broadcast %max3A : f32 to vector<16xf32>
      %max3A_435 = arith.maximumf %add3A_433, %max3A_434 : vector<16xf32>
      %div3A = arith.constant 1.000000e+00 : f32
      %div3A_436 = vector.broadcast %div3A : f32 to vector<16xf32>
      %div3A_437 = arith.divf %div3A_436, %max3A_435 : vector<16xf32>
      %broadcast_in_dim3A_438 = arith.constant 0 : i32
      %broadcast_in_dim3A_439 = vector.broadcast %broadcast_in_dim3A_438 : i32 to vector<16xi32>
      tpu.vector_store_idx %arg9[%add3A_412, %broadcast_in_dim3A_439], %gather3A : memref<3200x8xf32, #tpu.memory_space<vmem>>[vector<16xi32>, vector<16xi32>], vector<16xf32>,
      %broadcast_in_dim3A_440 = arith.constant 1 : i32
      %broadcast_in_dim3A_441 = vector.broadcast %broadcast_in_dim3A_440 : i32 to vector<16xi32>
      tpu.vector_store_idx %arg9[%add3A_412, %broadcast_in_dim3A_441], %gather3A_416 : memref<3200x8xf32, #tpu.memory_space<vmem>>[vector<16xi32>, vector<16xi32>], vector<16xf32>,
      %broadcast_in_dim3A_442 = arith.constant 2 : i32
      %broadcast_in_dim3A_443 = vector.broadcast %broadcast_in_dim3A_442 : i32 to vector<16xi32>
      tpu.vector_store_idx %arg9[%add3A_412, %broadcast_in_dim3A_443], %gather3A_419 : memref<3200x8xf32, #tpu.memory_space<vmem>>[vector<16xi32>, vector<16xi32>], vector<16xf32>,
      %broadcast_in_dim3A_444 = arith.constant 3 : i32
      %broadcast_in_dim3A_445 = vector.broadcast %broadcast_in_dim3A_444 : i32 to vector<16xi32>
      tpu.vector_store_idx %arg9[%add3A_412, %broadcast_in_dim3A_445], %gather3A_422 : memref<3200x8xf32, #tpu.memory_space<vmem>>[vector<16xi32>, vector<16xi32>], vector<16xf32>,
      %broadcast_in_dim3A_446 = arith.constant 4 : i32
      %broadcast_in_dim3A_447 = vector.broadcast %broadcast_in_dim3A_446 : i32 to vector<16xi32>
      tpu.vector_store_idx %arg9[%add3A_412, %broadcast_in_dim3A_447], %gather3A_425 : memref<3200x8xf32, #tpu.memory_space<vmem>>[vector<16xi32>, vector<16xi32>], vector<16xf32>,
      %broadcast_in_dim3A_448 = arith.constant 5 : i32
      %broadcast_in_dim3A_449 = vector.broadcast %broadcast_in_dim3A_448 : i32 to vector<16xi32>
      tpu.vector_store_idx %arg9[%add3A_412, %broadcast_in_dim3A_449], %gather3A_428 : memref<3200x8xf32, #tpu.memory_space<vmem>>[vector<16xi32>, vector<16xi32>], vector<16xf32>,
      %broadcast_in_dim3A_450 = arith.constant 6 : i32
      %broadcast_in_dim3A_451 = vector.broadcast %broadcast_in_dim3A_450 : i32 to vector<16xi32>
      tpu.vector_store_idx %arg9[%add3A_412, %broadcast_in_dim3A_451], %div3A_437 : memref<3200x8xf32, #tpu.memory_space<vmem>>[vector<16xi32>, vector<16xi32>], vector<16xf32>,
      %broadcast_in_dim3A_452 = arith.constant 7 : i32
      %broadcast_in_dim3A_453 = vector.broadcast %broadcast_in_dim3A_452 : i32 to vector<16xi32>
      %broadcast_in_dim3A_454 = arith.constant 0.000000e+00 : f32
      %broadcast_in_dim3A_455 = vector.broadcast %broadcast_in_dim3A_454 : f32 to vector<16xf32>
      tpu.vector_store_idx %arg9[%add3A_412, %broadcast_in_dim3A_453], %broadcast_in_dim3A_455 : memref<3200x8xf32, #tpu.memory_space<vmem>>[vector<16xi32>, vector<16xi32>], vector<16xf32>,
      %scan3A_456 = arith.constant 0 : i32
      scf.yield %scan3A_456 : i32
    }
    %scan3A_406 = arith.constant 200 : i32
    "tpu.region"() ({
      %run_scoped3A = tpu.sem_alloc : memref<!tpu.dma_semaphore, #tpu.memory_space<semaphore_mem>>
      %dma_start3A_407 = arith.constant 0 : i32
      %dma_start3A_408 = tpu.memref_slice %arg5[%mul3A_2, %dma_start3A_407] : memref<102400x8xf32, #tpu.memory_space<hbm>> -> memref<3200x8xf32, #tpu.memory_space<hbm>>
      %dma_start3A_409 = arith.constant 0 : i32
      %dma_start3A_410 = tpu.memref_slice %arg5[%mul3A_2, %dma_start3A_409] : memref<102400x8xf32, #tpu.memory_space<hbm>> -> memref<3200x8xf32, #tpu.memory_space<hbm>>
      tpu.enqueue_dma source(%arg9 : memref<3200x8xf32, #tpu.memory_space<vmem>>) target(%dma_start3A_410 : memref<3200x8xf32, #tpu.memory_space<hbm>>) target_semaphore(%run_scoped3A : memref<!tpu.dma_semaphore, #tpu.memory_space<semaphore_mem>>)
      %dma_wait3A_411 = arith.constant 0 : i32
      %dma_wait3A_412 = tpu.memref_slice %arg5[%mul3A_2, %dma_wait3A_411] : memref<102400x8xf32, #tpu.memory_space<hbm>> -> memref<3200x8xf32, #tpu.memory_space<hbm>>
      %dma_wait3A_413 = arith.constant 0 : i32
      %dma_wait3A_414 = tpu.memref_slice %arg5[%mul3A_2, %dma_wait3A_413] : memref<102400x8xf32, #tpu.memory_space<hbm>> -> memref<3200x8xf32, #tpu.memory_space<hbm>>
      tpu.wait_dma2 semaphore(%run_scoped3A : memref<!tpu.dma_semaphore, #tpu.memory_space<semaphore_mem>>) src(%arg9 : memref<3200x8xf32, #tpu.memory_space<vmem>>) dst(%dma_wait3A_414 : memref<3200x8xf32, #tpu.memory_space<hbm>>)
      tpu.yield
    }) : () -> ()
    return
  }
}

#map = affine_map<(d0, d1) -> (0, 0)>
#map1 = affine_map<(d0, d1) -> (0)>
module attributes {stable_mosaic.version = 14 : i64} {
  func.func @_edge_loss(%arg0: i32, %arg1: i32, %arg2: memref<102400x8xf32, #tpu.memory_space<hbm>>, %arg3: memref<12800000xi32, #tpu.memory_space<hbm>>, %arg4: memref<32x16xf32, #tpu.memory_space<hbm>>, %arg5: memref<32x16xf32, #tpu.memory_space<hbm>>, %arg6: memref<1600xi32, #tpu.memory_space<vmem>>, %arg7: memref<1600xi32, #tpu.memory_space<vmem>>, %arg8: memref<1600x8xf32, #tpu.memory_space<vmem>>, %arg9: memref<1600x8xf32, #tpu.memory_space<vmem>>, %arg10: memref<1600xi32, #tpu.memory_space<vmem>>, %arg11: memref<1600xi32, #tpu.memory_space<vmem>>, %arg12: memref<1600x8xf32, #tpu.memory_space<vmem>>, %arg13: memref<1600x8xf32, #tpu.memory_space<vmem>>, %arg14: memref<16xf32, #tpu.memory_space<vmem>>, %arg15: memref<16xf32, #tpu.memory_space<vmem>>, %arg16: memref<!tpu.dma_semaphore, #tpu.memory_space<semaphore_mem>>, %arg17: memref<!tpu.dma_semaphore, #tpu.memory_space<semaphore_mem>>) attributes {dimension_semantics = [#tpu.dimension_semantics<core_parallel>, #tpu.dimension_semantics<subcore_parallel>], iteration_bounds = array<i64: 2, 16>, scalar_prefetch = 0 : i64, scratch_operands = 12 : i64, tpu.core_type = #tpu.core_type<sc_vector_subcore>, window_params = [{transform_indices = #map}, {transform_indices = #map1}, {transform_indices = #map}, {transform_indices = #map}]} {
    %mul3A = arith.constant 16 : i32
    %mul3A_0 = arith.muli %arg0, %mul3A : i32
    %add3A = arith.addi %mul3A_0, %arg1 : i32
    %mul3A_1 = arith.constant 200000 : i32
    %mul3A_2 = arith.muli %add3A, %mul3A_1 : i32
    %broadcast_in_dim3A = arith.constant 0.000000e+00 : f32
    %broadcast_in_dim3A_3 = vector.broadcast %broadcast_in_dim3A : f32 to vector<16xf32>
    %add3A_4 = arith.constant 0 : i32
    %add3A_5 = arith.addi %mul3A_2, %add3A_4 : i32
    "tpu.region"() ({
      %run_scoped3A = tpu.sem_alloc : memref<!tpu.dma_semaphore, #tpu.memory_space<semaphore_mem>>
      %dma_start3A_436 = tpu.memref_slice %arg3[%add3A_5] : memref<12800000xi32, #tpu.memory_space<hbm>> -> memref<1600xi32, #tpu.memory_space<hbm>>
      %dma_start3A_437 = tpu.memref_slice %arg3[%add3A_5] : memref<12800000xi32, #tpu.memory_space<hbm>> -> memref<1600xi32, #tpu.memory_space<hbm>>
      tpu.enqueue_dma source(%dma_start3A_437 : memref<1600xi32, #tpu.memory_space<hbm>>) target(%arg6 : memref<1600xi32, #tpu.memory_space<vmem>>) target_semaphore(%run_scoped3A : memref<!tpu.dma_semaphore, #tpu.memory_space<semaphore_mem>>)
      %dma_wait3A_438 = tpu.memref_slice %arg3[%add3A_5] : memref<12800000xi32, #tpu.memory_space<hbm>> -> memref<1600xi32, #tpu.memory_space<hbm>>
      %dma_wait3A_439 = tpu.memref_slice %arg3[%add3A_5] : memref<12800000xi32, #tpu.memory_space<hbm>> -> memref<1600xi32, #tpu.memory_space<hbm>>
      tpu.wait_dma2 semaphore(%run_scoped3A : memref<!tpu.dma_semaphore, #tpu.memory_space<semaphore_mem>>) src(%dma_wait3A_439 : memref<1600xi32, #tpu.memory_space<hbm>>) dst(%arg6 : memref<1600xi32, #tpu.memory_space<vmem>>)
      tpu.yield
    }) : () -> ()
    %add3A_6 = arith.constant 6400000 : i32
    %add3A_7 = arith.addi %add3A_6, %add3A_5 : i32
    "tpu.region"() ({
      %run_scoped3A = tpu.sem_alloc : memref<!tpu.dma_semaphore, #tpu.memory_space<semaphore_mem>>
      %dma_start3A_436 = tpu.memref_slice %arg3[%add3A_7] : memref<12800000xi32, #tpu.memory_space<hbm>> -> memref<1600xi32, #tpu.memory_space<hbm>>
      %dma_start3A_437 = tpu.memref_slice %arg3[%add3A_7] : memref<12800000xi32, #tpu.memory_space<hbm>> -> memref<1600xi32, #tpu.memory_space<hbm>>
      tpu.enqueue_dma source(%dma_start3A_437 : memref<1600xi32, #tpu.memory_space<hbm>>) target(%arg7 : memref<1600xi32, #tpu.memory_space<vmem>>) target_semaphore(%run_scoped3A : memref<!tpu.dma_semaphore, #tpu.memory_space<semaphore_mem>>)
      %dma_wait3A_438 = tpu.memref_slice %arg3[%add3A_7] : memref<12800000xi32, #tpu.memory_space<hbm>> -> memref<1600xi32, #tpu.memory_space<hbm>>
      %dma_wait3A_439 = tpu.memref_slice %arg3[%add3A_7] : memref<12800000xi32, #tpu.memory_space<hbm>> -> memref<1600xi32, #tpu.memory_space<hbm>>
      tpu.wait_dma2 semaphore(%run_scoped3A : memref<!tpu.dma_semaphore, #tpu.memory_space<semaphore_mem>>) src(%dma_wait3A_439 : memref<1600xi32, #tpu.memory_space<hbm>>) dst(%arg7 : memref<1600xi32, #tpu.memory_space<vmem>>)
      tpu.yield
    }) : () -> ()
    %dma_start3A = arith.constant 0 : i32
    %dma_start3A_8 = arith.constant 0 : i32
    %dma_start3A_9 = tpu.memref_slice %arg8[%dma_start3A, %dma_start3A_8] : memref<1600x8xf32, #tpu.memory_space<vmem>> -> memref<128x8xf32, #tpu.memory_space<vmem>>
    %dma_start3A_10 = arith.constant 0 : i32
    %dma_start3A_11 = tpu.memref_slice %arg6[%dma_start3A_10] : memref<1600xi32, #tpu.memory_space<vmem>> -> memref<128xi32, #tpu.memory_space<vmem>>
    %dma_start3A_12 = arith.constant 0 : i32
    %dma_start3A_13 = arith.constant 0 : i32
    %dma_start3A_14 = tpu.memref_slice %arg2[%dma_start3A_12, %dma_start3A_13] : memref<102400x8xf32, #tpu.memory_space<hbm>> -> memref<102400x8xf32, #tpu.memory_space<hbm>>
    tpu.enqueue_indirect_dma source(%dma_start3A_14 : memref<102400x8xf32, #tpu.memory_space<hbm>>) target(%dma_start3A_9 : memref<128x8xf32, #tpu.memory_space<vmem>>) offsets(%dma_start3A_11 : memref<128xi32, #tpu.memory_space<vmem>>) semaphore(%arg16 : memref<!tpu.dma_semaphore, #tpu.memory_space<semaphore_mem>>)
    %dma_start3A_15 = arith.constant 0 : i32
    %dma_start3A_16 = arith.constant 0 : i32
    %dma_start3A_17 = tpu.memref_slice %arg9[%dma_start3A_15, %dma_start3A_16] : memref<1600x8xf32, #tpu.memory_space<vmem>> -> memref<128x8xf32, #tpu.memory_space<vmem>>
    %dma_start3A_18 = arith.constant 0 : i32
    %dma_start3A_19 = tpu.memref_slice %arg7[%dma_start3A_18] : memref<1600xi32, #tpu.memory_space<vmem>> -> memref<128xi32, #tpu.memory_space<vmem>>
    %dma_start3A_20 = arith.constant 0 : i32
    %dma_start3A_21 = arith.constant 0 : i32
    %dma_start3A_22 = tpu.memref_slice %arg2[%dma_start3A_20, %dma_start3A_21] : memref<102400x8xf32, #tpu.memory_space<hbm>> -> memref<102400x8xf32, #tpu.memory_space<hbm>>
    tpu.enqueue_indirect_dma source(%dma_start3A_22 : memref<102400x8xf32, #tpu.memory_space<hbm>>) target(%dma_start3A_17 : memref<128x8xf32, #tpu.memory_space<vmem>>) offsets(%dma_start3A_19 : memref<128xi32, #tpu.memory_space<vmem>>) semaphore(%arg16 : memref<!tpu.dma_semaphore, #tpu.memory_space<semaphore_mem>>)
    %dma_start3A_23 = arith.constant 128 : i32
    %dma_start3A_24 = arith.constant 0 : i32
    %dma_start3A_25 = tpu.memref_slice %arg8[%dma_start3A_23, %dma_start3A_24] : memref<1600x8xf32, #tpu.memory_space<vmem>> -> memref<128x8xf32, #tpu.memory_space<vmem>>
    %dma_start3A_26 = arith.constant 128 : i32
    %dma_start3A_27 = tpu.memref_slice %arg6[%dma_start3A_26] : memref<1600xi32, #tpu.memory_space<vmem>> -> memref<128xi32, #tpu.memory_space<vmem>>
    %dma_start3A_28 = arith.constant 0 : i32
    %dma_start3A_29 = arith.constant 0 : i32
    %dma_start3A_30 = tpu.memref_slice %arg2[%dma_start3A_28, %dma_start3A_29] : memref<102400x8xf32, #tpu.memory_space<hbm>> -> memref<102400x8xf32, #tpu.memory_space<hbm>>
    tpu.enqueue_indirect_dma source(%dma_start3A_30 : memref<102400x8xf32, #tpu.memory_space<hbm>>) target(%dma_start3A_25 : memref<128x8xf32, #tpu.memory_space<vmem>>) offsets(%dma_start3A_27 : memref<128xi32, #tpu.memory_space<vmem>>) semaphore(%arg16 : memref<!tpu.dma_semaphore, #tpu.memory_space<semaphore_mem>>)
    %dma_start3A_31 = arith.constant 128 : i32
    %dma_start3A_32 = arith.constant 0 : i32
    %dma_start3A_33 = tpu.memref_slice %arg9[%dma_start3A_31, %dma_start3A_32] : memref<1600x8xf32, #tpu.memory_space<vmem>> -> memref<128x8xf32, #tpu.memory_space<vmem>>
    %dma_start3A_34 = arith.constant 128 : i32
    %dma_start3A_35 = tpu.memref_slice %arg7[%dma_start3A_34] : memref<1600xi32, #tpu.memory_space<vmem>> -> memref<128xi32, #tpu.memory_space<vmem>>
    %dma_start3A_36 = arith.constant 0 : i32
    %dma_start3A_37 = arith.constant 0 : i32
    %dma_start3A_38 = tpu.memref_slice %arg2[%dma_start3A_36, %dma_start3A_37] : memref<102400x8xf32, #tpu.memory_space<hbm>> -> memref<102400x8xf32, #tpu.memory_space<hbm>>
    tpu.enqueue_indirect_dma source(%dma_start3A_38 : memref<102400x8xf32, #tpu.memory_space<hbm>>) target(%dma_start3A_33 : memref<128x8xf32, #tpu.memory_space<vmem>>) offsets(%dma_start3A_35 : memref<128xi32, #tpu.memory_space<vmem>>) semaphore(%arg16 : memref<!tpu.dma_semaphore, #tpu.memory_space<semaphore_mem>>)
    %dma_start3A_39 = arith.constant 256 : i32
    %dma_start3A_40 = arith.constant 0 : i32
    %dma_start3A_41 = tpu.memref_slice %arg8[%dma_start3A_39, %dma_start3A_40] : memref<1600x8xf32, #tpu.memory_space<vmem>> -> memref<128x8xf32, #tpu.memory_space<vmem>>
    %dma_start3A_42 = arith.constant 256 : i32
    %dma_start3A_43 = tpu.memref_slice %arg6[%dma_start3A_42] : memref<1600xi32, #tpu.memory_space<vmem>> -> memref<128xi32, #tpu.memory_space<vmem>>
    %dma_start3A_44 = arith.constant 0 : i32
    %dma_start3A_45 = arith.constant 0 : i32
    %dma_start3A_46 = tpu.memref_slice %arg2[%dma_start3A_44, %dma_start3A_45] : memref<102400x8xf32, #tpu.memory_space<hbm>> -> memref<102400x8xf32, #tpu.memory_space<hbm>>
    tpu.enqueue_indirect_dma source(%dma_start3A_46 : memref<102400x8xf32, #tpu.memory_space<hbm>>) target(%dma_start3A_41 : memref<128x8xf32, #tpu.memory_space<vmem>>) offsets(%dma_start3A_43 : memref<128xi32, #tpu.memory_space<vmem>>) semaphore(%arg16 : memref<!tpu.dma_semaphore, #tpu.memory_space<semaphore_mem>>)
    %dma_start3A_47 = arith.constant 256 : i32
    %dma_start3A_48 = arith.constant 0 : i32
    %dma_start3A_49 = tpu.memref_slice %arg9[%dma_start3A_47, %dma_start3A_48] : memref<1600x8xf32, #tpu.memory_space<vmem>> -> memref<128x8xf32, #tpu.memory_space<vmem>>
    %dma_start3A_50 = arith.constant 256 : i32
    %dma_start3A_51 = tpu.memref_slice %arg7[%dma_start3A_50] : memref<1600xi32, #tpu.memory_space<vmem>> -> memref<128xi32, #tpu.memory_space<vmem>>
    %dma_start3A_52 = arith.constant 0 : i32
    %dma_start3A_53 = arith.constant 0 : i32
    %dma_start3A_54 = tpu.memref_slice %arg2[%dma_start3A_52, %dma_start3A_53] : memref<102400x8xf32, #tpu.memory_space<hbm>> -> memref<102400x8xf32, #tpu.memory_space<hbm>>
    tpu.enqueue_indirect_dma source(%dma_start3A_54 : memref<102400x8xf32, #tpu.memory_space<hbm>>) target(%dma_start3A_49 : memref<128x8xf32, #tpu.memory_space<vmem>>) offsets(%dma_start3A_51 : memref<128xi32, #tpu.memory_space<vmem>>) semaphore(%arg16 : memref<!tpu.dma_semaphore, #tpu.memory_space<semaphore_mem>>)
    %dma_start3A_55 = arith.constant 384 : i32
    %dma_start3A_56 = arith.constant 0 : i32
    %dma_start3A_57 = tpu.memref_slice %arg8[%dma_start3A_55, %dma_start3A_56] : memref<1600x8xf32, #tpu.memory_space<vmem>> -> memref<128x8xf32, #tpu.memory_space<vmem>>
    %dma_start3A_58 = arith.constant 384 : i32
    %dma_start3A_59 = tpu.memref_slice %arg6[%dma_start3A_58] : memref<1600xi32, #tpu.memory_space<vmem>> -> memref<128xi32, #tpu.memory_space<vmem>>
    %dma_start3A_60 = arith.constant 0 : i32
    %dma_start3A_61 = arith.constant 0 : i32
    %dma_start3A_62 = tpu.memref_slice %arg2[%dma_start3A_60, %dma_start3A_61] : memref<102400x8xf32, #tpu.memory_space<hbm>> -> memref<102400x8xf32, #tpu.memory_space<hbm>>
    tpu.enqueue_indirect_dma source(%dma_start3A_62 : memref<102400x8xf32, #tpu.memory_space<hbm>>) target(%dma_start3A_57 : memref<128x8xf32, #tpu.memory_space<vmem>>) offsets(%dma_start3A_59 : memref<128xi32, #tpu.memory_space<vmem>>) semaphore(%arg16 : memref<!tpu.dma_semaphore, #tpu.memory_space<semaphore_mem>>)
    %dma_start3A_63 = arith.constant 384 : i32
    %dma_start3A_64 = arith.constant 0 : i32
    %dma_start3A_65 = tpu.memref_slice %arg9[%dma_start3A_63, %dma_start3A_64] : memref<1600x8xf32, #tpu.memory_space<vmem>> -> memref<128x8xf32, #tpu.memory_space<vmem>>
    %dma_start3A_66 = arith.constant 384 : i32
    %dma_start3A_67 = tpu.memref_slice %arg7[%dma_start3A_66] : memref<1600xi32, #tpu.memory_space<vmem>> -> memref<128xi32, #tpu.memory_space<vmem>>
    %dma_start3A_68 = arith.constant 0 : i32
    %dma_start3A_69 = arith.constant 0 : i32
    %dma_start3A_70 = tpu.memref_slice %arg2[%dma_start3A_68, %dma_start3A_69] : memref<102400x8xf32, #tpu.memory_space<hbm>> -> memref<102400x8xf32, #tpu.memory_space<hbm>>
    tpu.enqueue_indirect_dma source(%dma_start3A_70 : memref<102400x8xf32, #tpu.memory_space<hbm>>) target(%dma_start3A_65 : memref<128x8xf32, #tpu.memory_space<vmem>>) offsets(%dma_start3A_67 : memref<128xi32, #tpu.memory_space<vmem>>) semaphore(%arg16 : memref<!tpu.dma_semaphore, #tpu.memory_space<semaphore_mem>>)
    %dma_start3A_71 = arith.constant 512 : i32
    %dma_start3A_72 = arith.constant 0 : i32
    %dma_start3A_73 = tpu.memref_slice %arg8[%dma_start3A_71, %dma_start3A_72] : memref<1600x8xf32, #tpu.memory_space<vmem>> -> memref<128x8xf32, #tpu.memory_space<vmem>>
    %dma_start3A_74 = arith.constant 512 : i32
    %dma_start3A_75 = tpu.memref_slice %arg6[%dma_start3A_74] : memref<1600xi32, #tpu.memory_space<vmem>> -> memref<128xi32, #tpu.memory_space<vmem>>
    %dma_start3A_76 = arith.constant 0 : i32
    %dma_start3A_77 = arith.constant 0 : i32
    %dma_start3A_78 = tpu.memref_slice %arg2[%dma_start3A_76, %dma_start3A_77] : memref<102400x8xf32, #tpu.memory_space<hbm>> -> memref<102400x8xf32, #tpu.memory_space<hbm>>
    tpu.enqueue_indirect_dma source(%dma_start3A_78 : memref<102400x8xf32, #tpu.memory_space<hbm>>) target(%dma_start3A_73 : memref<128x8xf32, #tpu.memory_space<vmem>>) offsets(%dma_start3A_75 : memref<128xi32, #tpu.memory_space<vmem>>) semaphore(%arg16 : memref<!tpu.dma_semaphore, #tpu.memory_space<semaphore_mem>>)
    %dma_start3A_79 = arith.constant 512 : i32
    %dma_start3A_80 = arith.constant 0 : i32
    %dma_start3A_81 = tpu.memref_slice %arg9[%dma_start3A_79, %dma_start3A_80] : memref<1600x8xf32, #tpu.memory_space<vmem>> -> memref<128x8xf32, #tpu.memory_space<vmem>>
    %dma_start3A_82 = arith.constant 512 : i32
    %dma_start3A_83 = tpu.memref_slice %arg7[%dma_start3A_82] : memref<1600xi32, #tpu.memory_space<vmem>> -> memref<128xi32, #tpu.memory_space<vmem>>
    %dma_start3A_84 = arith.constant 0 : i32
    %dma_start3A_85 = arith.constant 0 : i32
    %dma_start3A_86 = tpu.memref_slice %arg2[%dma_start3A_84, %dma_start3A_85] : memref<102400x8xf32, #tpu.memory_space<hbm>> -> memref<102400x8xf32, #tpu.memory_space<hbm>>
    tpu.enqueue_indirect_dma source(%dma_start3A_86 : memref<102400x8xf32, #tpu.memory_space<hbm>>) target(%dma_start3A_81 : memref<128x8xf32, #tpu.memory_space<vmem>>) offsets(%dma_start3A_83 : memref<128xi32, #tpu.memory_space<vmem>>) semaphore(%arg16 : memref<!tpu.dma_semaphore, #tpu.memory_space<semaphore_mem>>)
    %dma_start3A_87 = arith.constant 640 : i32
    %dma_start3A_88 = arith.constant 0 : i32
    %dma_start3A_89 = tpu.memref_slice %arg8[%dma_start3A_87, %dma_start3A_88] : memref<1600x8xf32, #tpu.memory_space<vmem>> -> memref<128x8xf32, #tpu.memory_space<vmem>>
    %dma_start3A_90 = arith.constant 640 : i32
    %dma_start3A_91 = tpu.memref_slice %arg6[%dma_start3A_90] : memref<1600xi32, #tpu.memory_space<vmem>> -> memref<128xi32, #tpu.memory_space<vmem>>
    %dma_start3A_92 = arith.constant 0 : i32
    %dma_start3A_93 = arith.constant 0 : i32
    %dma_start3A_94 = tpu.memref_slice %arg2[%dma_start3A_92, %dma_start3A_93] : memref<102400x8xf32, #tpu.memory_space<hbm>> -> memref<102400x8xf32, #tpu.memory_space<hbm>>
    tpu.enqueue_indirect_dma source(%dma_start3A_94 : memref<102400x8xf32, #tpu.memory_space<hbm>>) target(%dma_start3A_89 : memref<128x8xf32, #tpu.memory_space<vmem>>) offsets(%dma_start3A_91 : memref<128xi32, #tpu.memory_space<vmem>>) semaphore(%arg16 : memref<!tpu.dma_semaphore, #tpu.memory_space<semaphore_mem>>)
    %dma_start3A_95 = arith.constant 640 : i32
    %dma_start3A_96 = arith.constant 0 : i32
    %dma_start3A_97 = tpu.memref_slice %arg9[%dma_start3A_95, %dma_start3A_96] : memref<1600x8xf32, #tpu.memory_space<vmem>> -> memref<128x8xf32, #tpu.memory_space<vmem>>
    %dma_start3A_98 = arith.constant 640 : i32
    %dma_start3A_99 = tpu.memref_slice %arg7[%dma_start3A_98] : memref<1600xi32, #tpu.memory_space<vmem>> -> memref<128xi32, #tpu.memory_space<vmem>>
    %dma_start3A_100 = arith.constant 0 : i32
    %dma_start3A_101 = arith.constant 0 : i32
    %dma_start3A_102 = tpu.memref_slice %arg2[%dma_start3A_100, %dma_start3A_101] : memref<102400x8xf32, #tpu.memory_space<hbm>> -> memref<102400x8xf32, #tpu.memory_space<hbm>>
    tpu.enqueue_indirect_dma source(%dma_start3A_102 : memref<102400x8xf32, #tpu.memory_space<hbm>>) target(%dma_start3A_97 : memref<128x8xf32, #tpu.memory_space<vmem>>) offsets(%dma_start3A_99 : memref<128xi32, #tpu.memory_space<vmem>>) semaphore(%arg16 : memref<!tpu.dma_semaphore, #tpu.memory_space<semaphore_mem>>)
    %dma_start3A_103 = arith.constant 768 : i32
    %dma_start3A_104 = arith.constant 0 : i32
    %dma_start3A_105 = tpu.memref_slice %arg8[%dma_start3A_103, %dma_start3A_104] : memref<1600x8xf32, #tpu.memory_space<vmem>> -> memref<128x8xf32, #tpu.memory_space<vmem>>
    %dma_start3A_106 = arith.constant 768 : i32
    %dma_start3A_107 = tpu.memref_slice %arg6[%dma_start3A_106] : memref<1600xi32, #tpu.memory_space<vmem>> -> memref<128xi32, #tpu.memory_space<vmem>>
    %dma_start3A_108 = arith.constant 0 : i32
    %dma_start3A_109 = arith.constant 0 : i32
    %dma_start3A_110 = tpu.memref_slice %arg2[%dma_start3A_108, %dma_start3A_109] : memref<102400x8xf32, #tpu.memory_space<hbm>> -> memref<102400x8xf32, #tpu.memory_space<hbm>>
    tpu.enqueue_indirect_dma source(%dma_start3A_110 : memref<102400x8xf32, #tpu.memory_space<hbm>>) target(%dma_start3A_105 : memref<128x8xf32, #tpu.memory_space<vmem>>) offsets(%dma_start3A_107 : memref<128xi32, #tpu.memory_space<vmem>>) semaphore(%arg16 : memref<!tpu.dma_semaphore, #tpu.memory_space<semaphore_mem>>)
    %dma_start3A_111 = arith.constant 768 : i32
    %dma_start3A_112 = arith.constant 0 : i32
    %dma_start3A_113 = tpu.memref_slice %arg9[%dma_start3A_111, %dma_start3A_112] : memref<1600x8xf32, #tpu.memory_space<vmem>> -> memref<128x8xf32, #tpu.memory_space<vmem>>
    %dma_start3A_114 = arith.constant 768 : i32
    %dma_start3A_115 = tpu.memref_slice %arg7[%dma_start3A_114] : memref<1600xi32, #tpu.memory_space<vmem>> -> memref<128xi32, #tpu.memory_space<vmem>>
    %dma_start3A_116 = arith.constant 0 : i32
    %dma_start3A_117 = arith.constant 0 : i32
    %dma_start3A_118 = tpu.memref_slice %arg2[%dma_start3A_116, %dma_start3A_117] : memref<102400x8xf32, #tpu.memory_space<hbm>> -> memref<102400x8xf32, #tpu.memory_space<hbm>>
    tpu.enqueue_indirect_dma source(%dma_start3A_118 : memref<102400x8xf32, #tpu.memory_space<hbm>>) target(%dma_start3A_113 : memref<128x8xf32, #tpu.memory_space<vmem>>) offsets(%dma_start3A_115 : memref<128xi32, #tpu.memory_space<vmem>>) semaphore(%arg16 : memref<!tpu.dma_semaphore, #tpu.memory_space<semaphore_mem>>)
    %dma_start3A_119 = arith.constant 896 : i32
    %dma_start3A_120 = arith.constant 0 : i32
    %dma_start3A_121 = tpu.memref_slice %arg8[%dma_start3A_119, %dma_start3A_120] : memref<1600x8xf32, #tpu.memory_space<vmem>> -> memref<128x8xf32, #tpu.memory_space<vmem>>
    %dma_start3A_122 = arith.constant 896 : i32
    %dma_start3A_123 = tpu.memref_slice %arg6[%dma_start3A_122] : memref<1600xi32, #tpu.memory_space<vmem>> -> memref<128xi32, #tpu.memory_space<vmem>>
    %dma_start3A_124 = arith.constant 0 : i32
    %dma_start3A_125 = arith.constant 0 : i32
    %dma_start3A_126 = tpu.memref_slice %arg2[%dma_start3A_124, %dma_start3A_125] : memref<102400x8xf32, #tpu.memory_space<hbm>> -> memref<102400x8xf32, #tpu.memory_space<hbm>>
    tpu.enqueue_indirect_dma source(%dma_start3A_126 : memref<102400x8xf32, #tpu.memory_space<hbm>>) target(%dma_start3A_121 : memref<128x8xf32, #tpu.memory_space<vmem>>) offsets(%dma_start3A_123 : memref<128xi32, #tpu.memory_space<vmem>>) semaphore(%arg16 : memref<!tpu.dma_semaphore, #tpu.memory_space<semaphore_mem>>)
    %dma_start3A_127 = arith.constant 896 : i32
    %dma_start3A_128 = arith.constant 0 : i32
    %dma_start3A_129 = tpu.memref_slice %arg9[%dma_start3A_127, %dma_start3A_128] : memref<1600x8xf32, #tpu.memory_space<vmem>> -> memref<128x8xf32, #tpu.memory_space<vmem>>
    %dma_start3A_130 = arith.constant 896 : i32
    %dma_start3A_131 = tpu.memref_slice %arg7[%dma_start3A_130] : memref<1600xi32, #tpu.memory_space<vmem>> -> memref<128xi32, #tpu.memory_space<vmem>>
    %dma_start3A_132 = arith.constant 0 : i32
    %dma_start3A_133 = arith.constant 0 : i32
    %dma_start3A_134 = tpu.memref_slice %arg2[%dma_start3A_132, %dma_start3A_133] : memref<102400x8xf32, #tpu.memory_space<hbm>> -> memref<102400x8xf32, #tpu.memory_space<hbm>>
    tpu.enqueue_indirect_dma source(%dma_start3A_134 : memref<102400x8xf32, #tpu.memory_space<hbm>>) target(%dma_start3A_129 : memref<128x8xf32, #tpu.memory_space<vmem>>) offsets(%dma_start3A_131 : memref<128xi32, #tpu.memory_space<vmem>>) semaphore(%arg16 : memref<!tpu.dma_semaphore, #tpu.memory_space<semaphore_mem>>)
    %dma_start3A_135 = arith.constant 1024 : i32
    %dma_start3A_136 = arith.constant 0 : i32
    %dma_start3A_137 = tpu.memref_slice %arg8[%dma_start3A_135, %dma_start3A_136] : memref<1600x8xf32, #tpu.memory_space<vmem>> -> memref<128x8xf32, #tpu.memory_space<vmem>>
    %dma_start3A_138 = arith.constant 1024 : i32
    %dma_start3A_139 = tpu.memref_slice %arg6[%dma_start3A_138] : memref<1600xi32, #tpu.memory_space<vmem>> -> memref<128xi32, #tpu.memory_space<vmem>>
    %dma_start3A_140 = arith.constant 0 : i32
    %dma_start3A_141 = arith.constant 0 : i32
    %dma_start3A_142 = tpu.memref_slice %arg2[%dma_start3A_140, %dma_start3A_141] : memref<102400x8xf32, #tpu.memory_space<hbm>> -> memref<102400x8xf32, #tpu.memory_space<hbm>>
    tpu.enqueue_indirect_dma source(%dma_start3A_142 : memref<102400x8xf32, #tpu.memory_space<hbm>>) target(%dma_start3A_137 : memref<128x8xf32, #tpu.memory_space<vmem>>) offsets(%dma_start3A_139 : memref<128xi32, #tpu.memory_space<vmem>>) semaphore(%arg16 : memref<!tpu.dma_semaphore, #tpu.memory_space<semaphore_mem>>)
    %dma_start3A_143 = arith.constant 1024 : i32
    %dma_start3A_144 = arith.constant 0 : i32
    %dma_start3A_145 = tpu.memref_slice %arg9[%dma_start3A_143, %dma_start3A_144] : memref<1600x8xf32, #tpu.memory_space<vmem>> -> memref<128x8xf32, #tpu.memory_space<vmem>>
    %dma_start3A_146 = arith.constant 1024 : i32
    %dma_start3A_147 = tpu.memref_slice %arg7[%dma_start3A_146] : memref<1600xi32, #tpu.memory_space<vmem>> -> memref<128xi32, #tpu.memory_space<vmem>>
    %dma_start3A_148 = arith.constant 0 : i32
    %dma_start3A_149 = arith.constant 0 : i32
    %dma_start3A_150 = tpu.memref_slice %arg2[%dma_start3A_148, %dma_start3A_149] : memref<102400x8xf32, #tpu.memory_space<hbm>> -> memref<102400x8xf32, #tpu.memory_space<hbm>>
    tpu.enqueue_indirect_dma source(%dma_start3A_150 : memref<102400x8xf32, #tpu.memory_space<hbm>>) target(%dma_start3A_145 : memref<128x8xf32, #tpu.memory_space<vmem>>) offsets(%dma_start3A_147 : memref<128xi32, #tpu.memory_space<vmem>>) semaphore(%arg16 : memref<!tpu.dma_semaphore, #tpu.memory_space<semaphore_mem>>)
    %dma_start3A_151 = arith.constant 1152 : i32
    %dma_start3A_152 = arith.constant 0 : i32
    %dma_start3A_153 = tpu.memref_slice %arg8[%dma_start3A_151, %dma_start3A_152] : memref<1600x8xf32, #tpu.memory_space<vmem>> -> memref<128x8xf32, #tpu.memory_space<vmem>>
    %dma_start3A_154 = arith.constant 1152 : i32
    %dma_start3A_155 = tpu.memref_slice %arg6[%dma_start3A_154] : memref<1600xi32, #tpu.memory_space<vmem>> -> memref<128xi32, #tpu.memory_space<vmem>>
    %dma_start3A_156 = arith.constant 0 : i32
    %dma_start3A_157 = arith.constant 0 : i32
    %dma_start3A_158 = tpu.memref_slice %arg2[%dma_start3A_156, %dma_start3A_157] : memref<102400x8xf32, #tpu.memory_space<hbm>> -> memref<102400x8xf32, #tpu.memory_space<hbm>>
    tpu.enqueue_indirect_dma source(%dma_start3A_158 : memref<102400x8xf32, #tpu.memory_space<hbm>>) target(%dma_start3A_153 : memref<128x8xf32, #tpu.memory_space<vmem>>) offsets(%dma_start3A_155 : memref<128xi32, #tpu.memory_space<vmem>>) semaphore(%arg16 : memref<!tpu.dma_semaphore, #tpu.memory_space<semaphore_mem>>)
    %dma_start3A_159 = arith.constant 1152 : i32
    %dma_start3A_160 = arith.constant 0 : i32
    %dma_start3A_161 = tpu.memref_slice %arg9[%dma_start3A_159, %dma_start3A_160] : memref<1600x8xf32, #tpu.memory_space<vmem>> -> memref<128x8xf32, #tpu.memory_space<vmem>>
    %dma_start3A_162 = arith.constant 1152 : i32
    %dma_start3A_163 = tpu.memref_slice %arg7[%dma_start3A_162] : memref<1600xi32, #tpu.memory_space<vmem>> -> memref<128xi32, #tpu.memory_space<vmem>>
    %dma_start3A_164 = arith.constant 0 : i32
    %dma_start3A_165 = arith.constant 0 : i32
    %dma_start3A_166 = tpu.memref_slice %arg2[%dma_start3A_164, %dma_start3A_165] : memref<102400x8xf32, #tpu.memory_space<hbm>> -> memref<102400x8xf32, #tpu.memory_space<hbm>>
    tpu.enqueue_indirect_dma source(%dma_start3A_166 : memref<102400x8xf32, #tpu.memory_space<hbm>>) target(%dma_start3A_161 : memref<128x8xf32, #tpu.memory_space<vmem>>) offsets(%dma_start3A_163 : memref<128xi32, #tpu.memory_space<vmem>>) semaphore(%arg16 : memref<!tpu.dma_semaphore, #tpu.memory_space<semaphore_mem>>)
    %dma_start3A_167 = arith.constant 1280 : i32
    %dma_start3A_168 = arith.constant 0 : i32
    %dma_start3A_169 = tpu.memref_slice %arg8[%dma_start3A_167, %dma_start3A_168] : memref<1600x8xf32, #tpu.memory_space<vmem>> -> memref<128x8xf32, #tpu.memory_space<vmem>>
    %dma_start3A_170 = arith.constant 1280 : i32
    %dma_start3A_171 = tpu.memref_slice %arg6[%dma_start3A_170] : memref<1600xi32, #tpu.memory_space<vmem>> -> memref<128xi32, #tpu.memory_space<vmem>>
    %dma_start3A_172 = arith.constant 0 : i32
    %dma_start3A_173 = arith.constant 0 : i32
    %dma_start3A_174 = tpu.memref_slice %arg2[%dma_start3A_172, %dma_start3A_173] : memref<102400x8xf32, #tpu.memory_space<hbm>> -> memref<102400x8xf32, #tpu.memory_space<hbm>>
    tpu.enqueue_indirect_dma source(%dma_start3A_174 : memref<102400x8xf32, #tpu.memory_space<hbm>>) target(%dma_start3A_169 : memref<128x8xf32, #tpu.memory_space<vmem>>) offsets(%dma_start3A_171 : memref<128xi32, #tpu.memory_space<vmem>>) semaphore(%arg16 : memref<!tpu.dma_semaphore, #tpu.memory_space<semaphore_mem>>)
    %dma_start3A_175 = arith.constant 1280 : i32
    %dma_start3A_176 = arith.constant 0 : i32
    %dma_start3A_177 = tpu.memref_slice %arg9[%dma_start3A_175, %dma_start3A_176] : memref<1600x8xf32, #tpu.memory_space<vmem>> -> memref<128x8xf32, #tpu.memory_space<vmem>>
    %dma_start3A_178 = arith.constant 1280 : i32
    %dma_start3A_179 = tpu.memref_slice %arg7[%dma_start3A_178] : memref<1600xi32, #tpu.memory_space<vmem>> -> memref<128xi32, #tpu.memory_space<vmem>>
    %dma_start3A_180 = arith.constant 0 : i32
    %dma_start3A_181 = arith.constant 0 : i32
    %dma_start3A_182 = tpu.memref_slice %arg2[%dma_start3A_180, %dma_start3A_181] : memref<102400x8xf32, #tpu.memory_space<hbm>> -> memref<102400x8xf32, #tpu.memory_space<hbm>>
    tpu.enqueue_indirect_dma source(%dma_start3A_182 : memref<102400x8xf32, #tpu.memory_space<hbm>>) target(%dma_start3A_177 : memref<128x8xf32, #tpu.memory_space<vmem>>) offsets(%dma_start3A_179 : memref<128xi32, #tpu.memory_space<vmem>>) semaphore(%arg16 : memref<!tpu.dma_semaphore, #tpu.memory_space<semaphore_mem>>)
    %dma_start3A_183 = arith.constant 1408 : i32
    %dma_start3A_184 = arith.constant 0 : i32
    %dma_start3A_185 = tpu.memref_slice %arg8[%dma_start3A_183, %dma_start3A_184] : memref<1600x8xf32, #tpu.memory_space<vmem>> -> memref<128x8xf32, #tpu.memory_space<vmem>>
    %dma_start3A_186 = arith.constant 1408 : i32
    %dma_start3A_187 = tpu.memref_slice %arg6[%dma_start3A_186] : memref<1600xi32, #tpu.memory_space<vmem>> -> memref<128xi32, #tpu.memory_space<vmem>>
    %dma_start3A_188 = arith.constant 0 : i32
    %dma_start3A_189 = arith.constant 0 : i32
    %dma_start3A_190 = tpu.memref_slice %arg2[%dma_start3A_188, %dma_start3A_189] : memref<102400x8xf32, #tpu.memory_space<hbm>> -> memref<102400x8xf32, #tpu.memory_space<hbm>>
    tpu.enqueue_indirect_dma source(%dma_start3A_190 : memref<102400x8xf32, #tpu.memory_space<hbm>>) target(%dma_start3A_185 : memref<128x8xf32, #tpu.memory_space<vmem>>) offsets(%dma_start3A_187 : memref<128xi32, #tpu.memory_space<vmem>>) semaphore(%arg16 : memref<!tpu.dma_semaphore, #tpu.memory_space<semaphore_mem>>)
    %dma_start3A_191 = arith.constant 1408 : i32
    %dma_start3A_192 = arith.constant 0 : i32
    %dma_start3A_193 = tpu.memref_slice %arg9[%dma_start3A_191, %dma_start3A_192] : memref<1600x8xf32, #tpu.memory_space<vmem>> -> memref<128x8xf32, #tpu.memory_space<vmem>>
    %dma_start3A_194 = arith.constant 1408 : i32
    %dma_start3A_195 = tpu.memref_slice %arg7[%dma_start3A_194] : memref<1600xi32, #tpu.memory_space<vmem>> -> memref<128xi32, #tpu.memory_space<vmem>>
    %dma_start3A_196 = arith.constant 0 : i32
    %dma_start3A_197 = arith.constant 0 : i32
    %dma_start3A_198 = tpu.memref_slice %arg2[%dma_start3A_196, %dma_start3A_197] : memref<102400x8xf32, #tpu.memory_space<hbm>> -> memref<102400x8xf32, #tpu.memory_space<hbm>>
    tpu.enqueue_indirect_dma source(%dma_start3A_198 : memref<102400x8xf32, #tpu.memory_space<hbm>>) target(%dma_start3A_193 : memref<128x8xf32, #tpu.memory_space<vmem>>) offsets(%dma_start3A_195 : memref<128xi32, #tpu.memory_space<vmem>>) semaphore(%arg16 : memref<!tpu.dma_semaphore, #tpu.memory_space<semaphore_mem>>)
    %dma_start3A_199 = arith.constant 1536 : i32
    %dma_start3A_200 = arith.constant 0 : i32
    %dma_start3A_201 = tpu.memref_slice %arg8[%dma_start3A_199, %dma_start3A_200] : memref<1600x8xf32, #tpu.memory_space<vmem>> -> memref<64x8xf32, #tpu.memory_space<vmem>>
    %dma_start3A_202 = arith.constant 1536 : i32
    %dma_start3A_203 = tpu.memref_slice %arg6[%dma_start3A_202] : memref<1600xi32, #tpu.memory_space<vmem>> -> memref<64xi32, #tpu.memory_space<vmem>>
    %dma_start3A_204 = arith.constant 0 : i32
    %dma_start3A_205 = arith.constant 0 : i32
    %dma_start3A_206 = tpu.memref_slice %arg2[%dma_start3A_204, %dma_start3A_205] : memref<102400x8xf32, #tpu.memory_space<hbm>> -> memref<102400x8xf32, #tpu.memory_space<hbm>>
    tpu.enqueue_indirect_dma source(%dma_start3A_206 : memref<102400x8xf32, #tpu.memory_space<hbm>>) target(%dma_start3A_201 : memref<64x8xf32, #tpu.memory_space<vmem>>) offsets(%dma_start3A_203 : memref<64xi32, #tpu.memory_space<vmem>>) semaphore(%arg16 : memref<!tpu.dma_semaphore, #tpu.memory_space<semaphore_mem>>)
    %dma_start3A_207 = arith.constant 1536 : i32
    %dma_start3A_208 = arith.constant 0 : i32
    %dma_start3A_209 = tpu.memref_slice %arg9[%dma_start3A_207, %dma_start3A_208] : memref<1600x8xf32, #tpu.memory_space<vmem>> -> memref<64x8xf32, #tpu.memory_space<vmem>>
    %dma_start3A_210 = arith.constant 1536 : i32
    %dma_start3A_211 = tpu.memref_slice %arg7[%dma_start3A_210] : memref<1600xi32, #tpu.memory_space<vmem>> -> memref<64xi32, #tpu.memory_space<vmem>>
    %dma_start3A_212 = arith.constant 0 : i32
    %dma_start3A_213 = arith.constant 0 : i32
    %dma_start3A_214 = tpu.memref_slice %arg2[%dma_start3A_212, %dma_start3A_213] : memref<102400x8xf32, #tpu.memory_space<hbm>> -> memref<102400x8xf32, #tpu.memory_space<hbm>>
    tpu.enqueue_indirect_dma source(%dma_start3A_214 : memref<102400x8xf32, #tpu.memory_space<hbm>>) target(%dma_start3A_209 : memref<64x8xf32, #tpu.memory_space<vmem>>) offsets(%dma_start3A_211 : memref<64xi32, #tpu.memory_space<vmem>>) semaphore(%arg16 : memref<!tpu.dma_semaphore, #tpu.memory_space<semaphore_mem>>)
    %scan3A = arith.constant 0 : i32
    %scan3A_215 = arith.constant 62 : i32
    %scan3A_216 = arith.addi %scan3A, %scan3A_215 : i32
    %scan3A_217 = arith.constant 1 : i32
    %scan3A_218:2 = scf.for %scan3A_436 = %scan3A to %scan3A_216 step %scan3A_217 iter_args(%scan3A_437 = %broadcast_in_dim3A_3, %scan3A_438 = %broadcast_in_dim3A_3) -> (vector<16xf32>, vector<16xf32>)  : i32 {
      %mul3A_439 = arith.constant 2 : i32
      %mul3A_440 = arith.muli %mul3A_439, %scan3A_436 : i32
      %add3A_441 = arith.constant 1 : i32
      %add3A_442 = arith.addi %mul3A_440, %add3A_441 : i32
      %mul3A_443 = arith.constant 1600 : i32
      %mul3A_444 = arith.muli %add3A_442, %mul3A_443 : i32
      %add3A_445 = arith.addi %mul3A_2, %mul3A_444 : i32
      "tpu.region"() ({
        %run_scoped3A = tpu.sem_alloc : memref<!tpu.dma_semaphore, #tpu.memory_space<semaphore_mem>>
        %dma_start3A_1299 = tpu.memref_slice %arg3[%add3A_445] : memref<12800000xi32, #tpu.memory_space<hbm>> -> memref<1600xi32, #tpu.memory_space<hbm>>
        %dma_start3A_1300 = tpu.memref_slice %arg3[%add3A_445] : memref<12800000xi32, #tpu.memory_space<hbm>> -> memref<1600xi32, #tpu.memory_space<hbm>>
        tpu.enqueue_dma source(%dma_start3A_1300 : memref<1600xi32, #tpu.memory_space<hbm>>) target(%arg10 : memref<1600xi32, #tpu.memory_space<vmem>>) target_semaphore(%run_scoped3A : memref<!tpu.dma_semaphore, #tpu.memory_space<semaphore_mem>>)
        %dma_wait3A_1301 = tpu.memref_slice %arg3[%add3A_445] : memref<12800000xi32, #tpu.memory_space<hbm>> -> memref<1600xi32, #tpu.memory_space<hbm>>
        %dma_wait3A_1302 = tpu.memref_slice %arg3[%add3A_445] : memref<12800000xi32, #tpu.memory_space<hbm>> -> memref<1600xi32, #tpu.memory_space<hbm>>
        tpu.wait_dma2 semaphore(%run_scoped3A : memref<!tpu.dma_semaphore, #tpu.memory_space<semaphore_mem>>) src(%dma_wait3A_1302 : memref<1600xi32, #tpu.memory_space<hbm>>) dst(%arg10 : memref<1600xi32, #tpu.memory_space<vmem>>)
        tpu.yield
      }) : () -> ()
      %add3A_446 = arith.constant 6400000 : i32
      %add3A_447 = arith.addi %add3A_446, %add3A_445 : i32
      "tpu.region"() ({
        %run_scoped3A = tpu.sem_alloc : memref<!tpu.dma_semaphore, #tpu.memory_space<semaphore_mem>>
        %dma_start3A_1299 = tpu.memref_slice %arg3[%add3A_447] : memref<12800000xi32, #tpu.memory_space<hbm>> -> memref<1600xi32, #tpu.memory_space<hbm>>
        %dma_start3A_1300 = tpu.memref_slice %arg3[%add3A_447] : memref<12800000xi32, #tpu.memory_space<hbm>> -> memref<1600xi32, #tpu.memory_space<hbm>>
        tpu.enqueue_dma source(%dma_start3A_1300 : memref<1600xi32, #tpu.memory_space<hbm>>) target(%arg11 : memref<1600xi32, #tpu.memory_space<vmem>>) target_semaphore(%run_scoped3A : memref<!tpu.dma_semaphore, #tpu.memory_space<semaphore_mem>>)
        %dma_wait3A_1301 = tpu.memref_slice %arg3[%add3A_447] : memref<12800000xi32, #tpu.memory_space<hbm>> -> memref<1600xi32, #tpu.memory_space<hbm>>
        %dma_wait3A_1302 = tpu.memref_slice %arg3[%add3A_447] : memref<12800000xi32, #tpu.memory_space<hbm>> -> memref<1600xi32, #tpu.memory_space<hbm>>
        tpu.wait_dma2 semaphore(%run_scoped3A : memref<!tpu.dma_semaphore, #tpu.memory_space<semaphore_mem>>) src(%dma_wait3A_1302 : memref<1600xi32, #tpu.memory_space<hbm>>) dst(%arg11 : memref<1600xi32, #tpu.memory_space<vmem>>)
        tpu.yield
      }) : () -> ()
      %dma_start3A_448 = arith.constant 0 : i32
      %dma_start3A_449 = arith.constant 0 : i32
      %dma_start3A_450 = tpu.memref_slice %arg12[%dma_start3A_448, %dma_start3A_449] : memref<1600x8xf32, #tpu.memory_space<vmem>> -> memref<128x8xf32, #tpu.memory_space<vmem>>
      %dma_start3A_451 = arith.constant 0 : i32
      %dma_start3A_452 = tpu.memref_slice %arg10[%dma_start3A_451] : memref<1600xi32, #tpu.memory_space<vmem>> -> memref<128xi32, #tpu.memory_space<vmem>>
      %dma_start3A_453 = arith.constant 0 : i32
      %dma_start3A_454 = arith.constant 0 : i32
      %dma_start3A_455 = tpu.memref_slice %arg2[%dma_start3A_453, %dma_start3A_454] : memref<102400x8xf32, #tpu.memory_space<hbm>> -> memref<102400x8xf32, #tpu.memory_space<hbm>>
      tpu.enqueue_indirect_dma source(%dma_start3A_455 : memref<102400x8xf32, #tpu.memory_space<hbm>>) target(%dma_start3A_450 : memref<128x8xf32, #tpu.memory_space<vmem>>) offsets(%dma_start3A_452 : memref<128xi32, #tpu.memory_space<vmem>>) semaphore(%arg17 : memref<!tpu.dma_semaphore, #tpu.memory_space<semaphore_mem>>)
      %dma_start3A_456 = arith.constant 0 : i32
      %dma_start3A_457 = arith.constant 0 : i32
      %dma_start3A_458 = tpu.memref_slice %arg13[%dma_start3A_456, %dma_start3A_457] : memref<1600x8xf32, #tpu.memory_space<vmem>> -> memref<128x8xf32, #tpu.memory_space<vmem>>
      %dma_start3A_459 = arith.constant 0 : i32
      %dma_start3A_460 = tpu.memref_slice %arg11[%dma_start3A_459] : memref<1600xi32, #tpu.memory_space<vmem>> -> memref<128xi32, #tpu.memory_space<vmem>>
      %dma_start3A_461 = arith.constant 0 : i32
      %dma_start3A_462 = arith.constant 0 : i32
      %dma_start3A_463 = tpu.memref_slice %arg2[%dma_start3A_461, %dma_start3A_462] : memref<102400x8xf32, #tpu.memory_space<hbm>> -> memref<102400x8xf32, #tpu.memory_space<hbm>>
      tpu.enqueue_indirect_dma source(%dma_start3A_463 : memref<102400x8xf32, #tpu.memory_space<hbm>>) target(%dma_start3A_458 : memref<128x8xf32, #tpu.memory_space<vmem>>) offsets(%dma_start3A_460 : memref<128xi32, #tpu.memory_space<vmem>>) semaphore(%arg17 : memref<!tpu.dma_semaphore, #tpu.memory_space<semaphore_mem>>)
      %dma_start3A_464 = arith.constant 128 : i32
      %dma_start3A_465 = arith.constant 0 : i32
      %dma_start3A_466 = tpu.memref_slice %arg12[%dma_start3A_464, %dma_start3A_465] : memref<1600x8xf32, #tpu.memory_space<vmem>> -> memref<128x8xf32, #tpu.memory_space<vmem>>
      %dma_start3A_467 = arith.constant 128 : i32
      %dma_start3A_468 = tpu.memref_slice %arg10[%dma_start3A_467] : memref<1600xi32, #tpu.memory_space<vmem>> -> memref<128xi32, #tpu.memory_space<vmem>>
      %dma_start3A_469 = arith.constant 0 : i32
      %dma_start3A_470 = arith.constant 0 : i32
      %dma_start3A_471 = tpu.memref_slice %arg2[%dma_start3A_469, %dma_start3A_470] : memref<102400x8xf32, #tpu.memory_space<hbm>> -> memref<102400x8xf32, #tpu.memory_space<hbm>>
      tpu.enqueue_indirect_dma source(%dma_start3A_471 : memref<102400x8xf32, #tpu.memory_space<hbm>>) target(%dma_start3A_466 : memref<128x8xf32, #tpu.memory_space<vmem>>) offsets(%dma_start3A_468 : memref<128xi32, #tpu.memory_space<vmem>>) semaphore(%arg17 : memref<!tpu.dma_semaphore, #tpu.memory_space<semaphore_mem>>)
      %dma_start3A_472 = arith.constant 128 : i32
      %dma_start3A_473 = arith.constant 0 : i32
      %dma_start3A_474 = tpu.memref_slice %arg13[%dma_start3A_472, %dma_start3A_473] : memref<1600x8xf32, #tpu.memory_space<vmem>> -> memref<128x8xf32, #tpu.memory_space<vmem>>
      %dma_start3A_475 = arith.constant 128 : i32
      %dma_start3A_476 = tpu.memref_slice %arg11[%dma_start3A_475] : memref<1600xi32, #tpu.memory_space<vmem>> -> memref<128xi32, #tpu.memory_space<vmem>>
      %dma_start3A_477 = arith.constant 0 : i32
      %dma_start3A_478 = arith.constant 0 : i32
      %dma_start3A_479 = tpu.memref_slice %arg2[%dma_start3A_477, %dma_start3A_478] : memref<102400x8xf32, #tpu.memory_space<hbm>> -> memref<102400x8xf32, #tpu.memory_space<hbm>>
      tpu.enqueue_indirect_dma source(%dma_start3A_479 : memref<102400x8xf32, #tpu.memory_space<hbm>>) target(%dma_start3A_474 : memref<128x8xf32, #tpu.memory_space<vmem>>) offsets(%dma_start3A_476 : memref<128xi32, #tpu.memory_space<vmem>>) semaphore(%arg17 : memref<!tpu.dma_semaphore, #tpu.memory_space<semaphore_mem>>)
      %dma_start3A_480 = arith.constant 256 : i32
      %dma_start3A_481 = arith.constant 0 : i32
      %dma_start3A_482 = tpu.memref_slice %arg12[%dma_start3A_480, %dma_start3A_481] : memref<1600x8xf32, #tpu.memory_space<vmem>> -> memref<128x8xf32, #tpu.memory_space<vmem>>
      %dma_start3A_483 = arith.constant 256 : i32
      %dma_start3A_484 = tpu.memref_slice %arg10[%dma_start3A_483] : memref<1600xi32, #tpu.memory_space<vmem>> -> memref<128xi32, #tpu.memory_space<vmem>>
      %dma_start3A_485 = arith.constant 0 : i32
      %dma_start3A_486 = arith.constant 0 : i32
      %dma_start3A_487 = tpu.memref_slice %arg2[%dma_start3A_485, %dma_start3A_486] : memref<102400x8xf32, #tpu.memory_space<hbm>> -> memref<102400x8xf32, #tpu.memory_space<hbm>>
      tpu.enqueue_indirect_dma source(%dma_start3A_487 : memref<102400x8xf32, #tpu.memory_space<hbm>>) target(%dma_start3A_482 : memref<128x8xf32, #tpu.memory_space<vmem>>) offsets(%dma_start3A_484 : memref<128xi32, #tpu.memory_space<vmem>>) semaphore(%arg17 : memref<!tpu.dma_semaphore, #tpu.memory_space<semaphore_mem>>)
      %dma_start3A_488 = arith.constant 256 : i32
      %dma_start3A_489 = arith.constant 0 : i32
      %dma_start3A_490 = tpu.memref_slice %arg13[%dma_start3A_488, %dma_start3A_489] : memref<1600x8xf32, #tpu.memory_space<vmem>> -> memref<128x8xf32, #tpu.memory_space<vmem>>
      %dma_start3A_491 = arith.constant 256 : i32
      %dma_start3A_492 = tpu.memref_slice %arg11[%dma_start3A_491] : memref<1600xi32, #tpu.memory_space<vmem>> -> memref<128xi32, #tpu.memory_space<vmem>>
      %dma_start3A_493 = arith.constant 0 : i32
      %dma_start3A_494 = arith.constant 0 : i32
      %dma_start3A_495 = tpu.memref_slice %arg2[%dma_start3A_493, %dma_start3A_494] : memref<102400x8xf32, #tpu.memory_space<hbm>> -> memref<102400x8xf32, #tpu.memory_space<hbm>>
      tpu.enqueue_indirect_dma source(%dma_start3A_495 : memref<102400x8xf32, #tpu.memory_space<hbm>>) target(%dma_start3A_490 : memref<128x8xf32, #tpu.memory_space<vmem>>) offsets(%dma_start3A_492 : memref<128xi32, #tpu.memory_space<vmem>>) semaphore(%arg17 : memref<!tpu.dma_semaphore, #tpu.memory_space<semaphore_mem>>)
      %dma_start3A_496 = arith.constant 384 : i32
      %dma_start3A_497 = arith.constant 0 : i32
      %dma_start3A_498 = tpu.memref_slice %arg12[%dma_start3A_496, %dma_start3A_497] : memref<1600x8xf32, #tpu.memory_space<vmem>> -> memref<128x8xf32, #tpu.memory_space<vmem>>
      %dma_start3A_499 = arith.constant 384 : i32
      %dma_start3A_500 = tpu.memref_slice %arg10[%dma_start3A_499] : memref<1600xi32, #tpu.memory_space<vmem>> -> memref<128xi32, #tpu.memory_space<vmem>>
      %dma_start3A_501 = arith.constant 0 : i32
      %dma_start3A_502 = arith.constant 0 : i32
      %dma_start3A_503 = tpu.memref_slice %arg2[%dma_start3A_501, %dma_start3A_502] : memref<102400x8xf32, #tpu.memory_space<hbm>> -> memref<102400x8xf32, #tpu.memory_space<hbm>>
      tpu.enqueue_indirect_dma source(%dma_start3A_503 : memref<102400x8xf32, #tpu.memory_space<hbm>>) target(%dma_start3A_498 : memref<128x8xf32, #tpu.memory_space<vmem>>) offsets(%dma_start3A_500 : memref<128xi32, #tpu.memory_space<vmem>>) semaphore(%arg17 : memref<!tpu.dma_semaphore, #tpu.memory_space<semaphore_mem>>)
      %dma_start3A_504 = arith.constant 384 : i32
      %dma_start3A_505 = arith.constant 0 : i32
      %dma_start3A_506 = tpu.memref_slice %arg13[%dma_start3A_504, %dma_start3A_505] : memref<1600x8xf32, #tpu.memory_space<vmem>> -> memref<128x8xf32, #tpu.memory_space<vmem>>
      %dma_start3A_507 = arith.constant 384 : i32
      %dma_start3A_508 = tpu.memref_slice %arg11[%dma_start3A_507] : memref<1600xi32, #tpu.memory_space<vmem>> -> memref<128xi32, #tpu.memory_space<vmem>>
      %dma_start3A_509 = arith.constant 0 : i32
      %dma_start3A_510 = arith.constant 0 : i32
      %dma_start3A_511 = tpu.memref_slice %arg2[%dma_start3A_509, %dma_start3A_510] : memref<102400x8xf32, #tpu.memory_space<hbm>> -> memref<102400x8xf32, #tpu.memory_space<hbm>>
      tpu.enqueue_indirect_dma source(%dma_start3A_511 : memref<102400x8xf32, #tpu.memory_space<hbm>>) target(%dma_start3A_506 : memref<128x8xf32, #tpu.memory_space<vmem>>) offsets(%dma_start3A_508 : memref<128xi32, #tpu.memory_space<vmem>>) semaphore(%arg17 : memref<!tpu.dma_semaphore, #tpu.memory_space<semaphore_mem>>)
      %dma_start3A_512 = arith.constant 512 : i32
      %dma_start3A_513 = arith.constant 0 : i32
      %dma_start3A_514 = tpu.memref_slice %arg12[%dma_start3A_512, %dma_start3A_513] : memref<1600x8xf32, #tpu.memory_space<vmem>> -> memref<128x8xf32, #tpu.memory_space<vmem>>
      %dma_start3A_515 = arith.constant 512 : i32
      %dma_start3A_516 = tpu.memref_slice %arg10[%dma_start3A_515] : memref<1600xi32, #tpu.memory_space<vmem>> -> memref<128xi32, #tpu.memory_space<vmem>>
      %dma_start3A_517 = arith.constant 0 : i32
      %dma_start3A_518 = arith.constant 0 : i32
      %dma_start3A_519 = tpu.memref_slice %arg2[%dma_start3A_517, %dma_start3A_518] : memref<102400x8xf32, #tpu.memory_space<hbm>> -> memref<102400x8xf32, #tpu.memory_space<hbm>>
      tpu.enqueue_indirect_dma source(%dma_start3A_519 : memref<102400x8xf32, #tpu.memory_space<hbm>>) target(%dma_start3A_514 : memref<128x8xf32, #tpu.memory_space<vmem>>) offsets(%dma_start3A_516 : memref<128xi32, #tpu.memory_space<vmem>>) semaphore(%arg17 : memref<!tpu.dma_semaphore, #tpu.memory_space<semaphore_mem>>)
      %dma_start3A_520 = arith.constant 512 : i32
      %dma_start3A_521 = arith.constant 0 : i32
      %dma_start3A_522 = tpu.memref_slice %arg13[%dma_start3A_520, %dma_start3A_521] : memref<1600x8xf32, #tpu.memory_space<vmem>> -> memref<128x8xf32, #tpu.memory_space<vmem>>
      %dma_start3A_523 = arith.constant 512 : i32
      %dma_start3A_524 = tpu.memref_slice %arg11[%dma_start3A_523] : memref<1600xi32, #tpu.memory_space<vmem>> -> memref<128xi32, #tpu.memory_space<vmem>>
      %dma_start3A_525 = arith.constant 0 : i32
      %dma_start3A_526 = arith.constant 0 : i32
      %dma_start3A_527 = tpu.memref_slice %arg2[%dma_start3A_525, %dma_start3A_526] : memref<102400x8xf32, #tpu.memory_space<hbm>> -> memref<102400x8xf32, #tpu.memory_space<hbm>>
      tpu.enqueue_indirect_dma source(%dma_start3A_527 : memref<102400x8xf32, #tpu.memory_space<hbm>>) target(%dma_start3A_522 : memref<128x8xf32, #tpu.memory_space<vmem>>) offsets(%dma_start3A_524 : memref<128xi32, #tpu.memory_space<vmem>>) semaphore(%arg17 : memref<!tpu.dma_semaphore, #tpu.memory_space<semaphore_mem>>)
      %dma_start3A_528 = arith.constant 640 : i32
      %dma_start3A_529 = arith.constant 0 : i32
      %dma_start3A_530 = tpu.memref_slice %arg12[%dma_start3A_528, %dma_start3A_529] : memref<1600x8xf32, #tpu.memory_space<vmem>> -> memref<128x8xf32, #tpu.memory_space<vmem>>
      %dma_start3A_531 = arith.constant 640 : i32
      %dma_start3A_532 = tpu.memref_slice %arg10[%dma_start3A_531] : memref<1600xi32, #tpu.memory_space<vmem>> -> memref<128xi32, #tpu.memory_space<vmem>>
      %dma_start3A_533 = arith.constant 0 : i32
      %dma_start3A_534 = arith.constant 0 : i32
      %dma_start3A_535 = tpu.memref_slice %arg2[%dma_start3A_533, %dma_start3A_534] : memref<102400x8xf32, #tpu.memory_space<hbm>> -> memref<102400x8xf32, #tpu.memory_space<hbm>>
      tpu.enqueue_indirect_dma source(%dma_start3A_535 : memref<102400x8xf32, #tpu.memory_space<hbm>>) target(%dma_start3A_530 : memref<128x8xf32, #tpu.memory_space<vmem>>) offsets(%dma_start3A_532 : memref<128xi32, #tpu.memory_space<vmem>>) semaphore(%arg17 : memref<!tpu.dma_semaphore, #tpu.memory_space<semaphore_mem>>)
      %dma_start3A_536 = arith.constant 640 : i32
      %dma_start3A_537 = arith.constant 0 : i32
      %dma_start3A_538 = tpu.memref_slice %arg13[%dma_start3A_536, %dma_start3A_537] : memref<1600x8xf32, #tpu.memory_space<vmem>> -> memref<128x8xf32, #tpu.memory_space<vmem>>
      %dma_start3A_539 = arith.constant 640 : i32
      %dma_start3A_540 = tpu.memref_slice %arg11[%dma_start3A_539] : memref<1600xi32, #tpu.memory_space<vmem>> -> memref<128xi32, #tpu.memory_space<vmem>>
      %dma_start3A_541 = arith.constant 0 : i32
      %dma_start3A_542 = arith.constant 0 : i32
      %dma_start3A_543 = tpu.memref_slice %arg2[%dma_start3A_541, %dma_start3A_542] : memref<102400x8xf32, #tpu.memory_space<hbm>> -> memref<102400x8xf32, #tpu.memory_space<hbm>>
      tpu.enqueue_indirect_dma source(%dma_start3A_543 : memref<102400x8xf32, #tpu.memory_space<hbm>>) target(%dma_start3A_538 : memref<128x8xf32, #tpu.memory_space<vmem>>) offsets(%dma_start3A_540 : memref<128xi32, #tpu.memory_space<vmem>>) semaphore(%arg17 : memref<!tpu.dma_semaphore, #tpu.memory_space<semaphore_mem>>)
      %dma_start3A_544 = arith.constant 768 : i32
      %dma_start3A_545 = arith.constant 0 : i32
      %dma_start3A_546 = tpu.memref_slice %arg12[%dma_start3A_544, %dma_start3A_545] : memref<1600x8xf32, #tpu.memory_space<vmem>> -> memref<128x8xf32, #tpu.memory_space<vmem>>
      %dma_start3A_547 = arith.constant 768 : i32
      %dma_start3A_548 = tpu.memref_slice %arg10[%dma_start3A_547] : memref<1600xi32, #tpu.memory_space<vmem>> -> memref<128xi32, #tpu.memory_space<vmem>>
      %dma_start3A_549 = arith.constant 0 : i32
      %dma_start3A_550 = arith.constant 0 : i32
      %dma_start3A_551 = tpu.memref_slice %arg2[%dma_start3A_549, %dma_start3A_550] : memref<102400x8xf32, #tpu.memory_space<hbm>> -> memref<102400x8xf32, #tpu.memory_space<hbm>>
      tpu.enqueue_indirect_dma source(%dma_start3A_551 : memref<102400x8xf32, #tpu.memory_space<hbm>>) target(%dma_start3A_546 : memref<128x8xf32, #tpu.memory_space<vmem>>) offsets(%dma_start3A_548 : memref<128xi32, #tpu.memory_space<vmem>>) semaphore(%arg17 : memref<!tpu.dma_semaphore, #tpu.memory_space<semaphore_mem>>)
      %dma_start3A_552 = arith.constant 768 : i32
      %dma_start3A_553 = arith.constant 0 : i32
      %dma_start3A_554 = tpu.memref_slice %arg13[%dma_start3A_552, %dma_start3A_553] : memref<1600x8xf32, #tpu.memory_space<vmem>> -> memref<128x8xf32, #tpu.memory_space<vmem>>
      %dma_start3A_555 = arith.constant 768 : i32
      %dma_start3A_556 = tpu.memref_slice %arg11[%dma_start3A_555] : memref<1600xi32, #tpu.memory_space<vmem>> -> memref<128xi32, #tpu.memory_space<vmem>>
      %dma_start3A_557 = arith.constant 0 : i32
      %dma_start3A_558 = arith.constant 0 : i32
      %dma_start3A_559 = tpu.memref_slice %arg2[%dma_start3A_557, %dma_start3A_558] : memref<102400x8xf32, #tpu.memory_space<hbm>> -> memref<102400x8xf32, #tpu.memory_space<hbm>>
      tpu.enqueue_indirect_dma source(%dma_start3A_559 : memref<102400x8xf32, #tpu.memory_space<hbm>>) target(%dma_start3A_554 : memref<128x8xf32, #tpu.memory_space<vmem>>) offsets(%dma_start3A_556 : memref<128xi32, #tpu.memory_space<vmem>>) semaphore(%arg17 : memref<!tpu.dma_semaphore, #tpu.memory_space<semaphore_mem>>)
      %dma_start3A_560 = arith.constant 896 : i32
      %dma_start3A_561 = arith.constant 0 : i32
      %dma_start3A_562 = tpu.memref_slice %arg12[%dma_start3A_560, %dma_start3A_561] : memref<1600x8xf32, #tpu.memory_space<vmem>> -> memref<128x8xf32, #tpu.memory_space<vmem>>
      %dma_start3A_563 = arith.constant 896 : i32
      %dma_start3A_564 = tpu.memref_slice %arg10[%dma_start3A_563] : memref<1600xi32, #tpu.memory_space<vmem>> -> memref<128xi32, #tpu.memory_space<vmem>>
      %dma_start3A_565 = arith.constant 0 : i32
      %dma_start3A_566 = arith.constant 0 : i32
      %dma_start3A_567 = tpu.memref_slice %arg2[%dma_start3A_565, %dma_start3A_566] : memref<102400x8xf32, #tpu.memory_space<hbm>> -> memref<102400x8xf32, #tpu.memory_space<hbm>>
      tpu.enqueue_indirect_dma source(%dma_start3A_567 : memref<102400x8xf32, #tpu.memory_space<hbm>>) target(%dma_start3A_562 : memref<128x8xf32, #tpu.memory_space<vmem>>) offsets(%dma_start3A_564 : memref<128xi32, #tpu.memory_space<vmem>>) semaphore(%arg17 : memref<!tpu.dma_semaphore, #tpu.memory_space<semaphore_mem>>)
      %dma_start3A_568 = arith.constant 896 : i32
      %dma_start3A_569 = arith.constant 0 : i32
      %dma_start3A_570 = tpu.memref_slice %arg13[%dma_start3A_568, %dma_start3A_569] : memref<1600x8xf32, #tpu.memory_space<vmem>> -> memref<128x8xf32, #tpu.memory_space<vmem>>
      %dma_start3A_571 = arith.constant 896 : i32
      %dma_start3A_572 = tpu.memref_slice %arg11[%dma_start3A_571] : memref<1600xi32, #tpu.memory_space<vmem>> -> memref<128xi32, #tpu.memory_space<vmem>>
      %dma_start3A_573 = arith.constant 0 : i32
      %dma_start3A_574 = arith.constant 0 : i32
      %dma_start3A_575 = tpu.memref_slice %arg2[%dma_start3A_573, %dma_start3A_574] : memref<102400x8xf32, #tpu.memory_space<hbm>> -> memref<102400x8xf32, #tpu.memory_space<hbm>>
      tpu.enqueue_indirect_dma source(%dma_start3A_575 : memref<102400x8xf32, #tpu.memory_space<hbm>>) target(%dma_start3A_570 : memref<128x8xf32, #tpu.memory_space<vmem>>) offsets(%dma_start3A_572 : memref<128xi32, #tpu.memory_space<vmem>>) semaphore(%arg17 : memref<!tpu.dma_semaphore, #tpu.memory_space<semaphore_mem>>)
      %dma_start3A_576 = arith.constant 1024 : i32
      %dma_start3A_577 = arith.constant 0 : i32
      %dma_start3A_578 = tpu.memref_slice %arg12[%dma_start3A_576, %dma_start3A_577] : memref<1600x8xf32, #tpu.memory_space<vmem>> -> memref<128x8xf32, #tpu.memory_space<vmem>>
      %dma_start3A_579 = arith.constant 1024 : i32
      %dma_start3A_580 = tpu.memref_slice %arg10[%dma_start3A_579] : memref<1600xi32, #tpu.memory_space<vmem>> -> memref<128xi32, #tpu.memory_space<vmem>>
      %dma_start3A_581 = arith.constant 0 : i32
      %dma_start3A_582 = arith.constant 0 : i32
      %dma_start3A_583 = tpu.memref_slice %arg2[%dma_start3A_581, %dma_start3A_582] : memref<102400x8xf32, #tpu.memory_space<hbm>> -> memref<102400x8xf32, #tpu.memory_space<hbm>>
      tpu.enqueue_indirect_dma source(%dma_start3A_583 : memref<102400x8xf32, #tpu.memory_space<hbm>>) target(%dma_start3A_578 : memref<128x8xf32, #tpu.memory_space<vmem>>) offsets(%dma_start3A_580 : memref<128xi32, #tpu.memory_space<vmem>>) semaphore(%arg17 : memref<!tpu.dma_semaphore, #tpu.memory_space<semaphore_mem>>)
      %dma_start3A_584 = arith.constant 1024 : i32
      %dma_start3A_585 = arith.constant 0 : i32
      %dma_start3A_586 = tpu.memref_slice %arg13[%dma_start3A_584, %dma_start3A_585] : memref<1600x8xf32, #tpu.memory_space<vmem>> -> memref<128x8xf32, #tpu.memory_space<vmem>>
      %dma_start3A_587 = arith.constant 1024 : i32
      %dma_start3A_588 = tpu.memref_slice %arg11[%dma_start3A_587] : memref<1600xi32, #tpu.memory_space<vmem>> -> memref<128xi32, #tpu.memory_space<vmem>>
      %dma_start3A_589 = arith.constant 0 : i32
      %dma_start3A_590 = arith.constant 0 : i32
      %dma_start3A_591 = tpu.memref_slice %arg2[%dma_start3A_589, %dma_start3A_590] : memref<102400x8xf32, #tpu.memory_space<hbm>> -> memref<102400x8xf32, #tpu.memory_space<hbm>>
      tpu.enqueue_indirect_dma source(%dma_start3A_591 : memref<102400x8xf32, #tpu.memory_space<hbm>>) target(%dma_start3A_586 : memref<128x8xf32, #tpu.memory_space<vmem>>) offsets(%dma_start3A_588 : memref<128xi32, #tpu.memory_space<vmem>>) semaphore(%arg17 : memref<!tpu.dma_semaphore, #tpu.memory_space<semaphore_mem>>)
      %dma_start3A_592 = arith.constant 1152 : i32
      %dma_start3A_593 = arith.constant 0 : i32
      %dma_start3A_594 = tpu.memref_slice %arg12[%dma_start3A_592, %dma_start3A_593] : memref<1600x8xf32, #tpu.memory_space<vmem>> -> memref<128x8xf32, #tpu.memory_space<vmem>>
      %dma_start3A_595 = arith.constant 1152 : i32
      %dma_start3A_596 = tpu.memref_slice %arg10[%dma_start3A_595] : memref<1600xi32, #tpu.memory_space<vmem>> -> memref<128xi32, #tpu.memory_space<vmem>>
      %dma_start3A_597 = arith.constant 0 : i32
      %dma_start3A_598 = arith.constant 0 : i32
      %dma_start3A_599 = tpu.memref_slice %arg2[%dma_start3A_597, %dma_start3A_598] : memref<102400x8xf32, #tpu.memory_space<hbm>> -> memref<102400x8xf32, #tpu.memory_space<hbm>>
      tpu.enqueue_indirect_dma source(%dma_start3A_599 : memref<102400x8xf32, #tpu.memory_space<hbm>>) target(%dma_start3A_594 : memref<128x8xf32, #tpu.memory_space<vmem>>) offsets(%dma_start3A_596 : memref<128xi32, #tpu.memory_space<vmem>>) semaphore(%arg17 : memref<!tpu.dma_semaphore, #tpu.memory_space<semaphore_mem>>)
      %dma_start3A_600 = arith.constant 1152 : i32
      %dma_start3A_601 = arith.constant 0 : i32
      %dma_start3A_602 = tpu.memref_slice %arg13[%dma_start3A_600, %dma_start3A_601] : memref<1600x8xf32, #tpu.memory_space<vmem>> -> memref<128x8xf32, #tpu.memory_space<vmem>>
      %dma_start3A_603 = arith.constant 1152 : i32
      %dma_start3A_604 = tpu.memref_slice %arg11[%dma_start3A_603] : memref<1600xi32, #tpu.memory_space<vmem>> -> memref<128xi32, #tpu.memory_space<vmem>>
      %dma_start3A_605 = arith.constant 0 : i32
      %dma_start3A_606 = arith.constant 0 : i32
      %dma_start3A_607 = tpu.memref_slice %arg2[%dma_start3A_605, %dma_start3A_606] : memref<102400x8xf32, #tpu.memory_space<hbm>> -> memref<102400x8xf32, #tpu.memory_space<hbm>>
      tpu.enqueue_indirect_dma source(%dma_start3A_607 : memref<102400x8xf32, #tpu.memory_space<hbm>>) target(%dma_start3A_602 : memref<128x8xf32, #tpu.memory_space<vmem>>) offsets(%dma_start3A_604 : memref<128xi32, #tpu.memory_space<vmem>>) semaphore(%arg17 : memref<!tpu.dma_semaphore, #tpu.memory_space<semaphore_mem>>)
      %dma_start3A_608 = arith.constant 1280 : i32
      %dma_start3A_609 = arith.constant 0 : i32
      %dma_start3A_610 = tpu.memref_slice %arg12[%dma_start3A_608, %dma_start3A_609] : memref<1600x8xf32, #tpu.memory_space<vmem>> -> memref<128x8xf32, #tpu.memory_space<vmem>>
      %dma_start3A_611 = arith.constant 1280 : i32
      %dma_start3A_612 = tpu.memref_slice %arg10[%dma_start3A_611] : memref<1600xi32, #tpu.memory_space<vmem>> -> memref<128xi32, #tpu.memory_space<vmem>>
      %dma_start3A_613 = arith.constant 0 : i32
      %dma_start3A_614 = arith.constant 0 : i32
      %dma_start3A_615 = tpu.memref_slice %arg2[%dma_start3A_613, %dma_start3A_614] : memref<102400x8xf32, #tpu.memory_space<hbm>> -> memref<102400x8xf32, #tpu.memory_space<hbm>>
      tpu.enqueue_indirect_dma source(%dma_start3A_615 : memref<102400x8xf32, #tpu.memory_space<hbm>>) target(%dma_start3A_610 : memref<128x8xf32, #tpu.memory_space<vmem>>) offsets(%dma_start3A_612 : memref<128xi32, #tpu.memory_space<vmem>>) semaphore(%arg17 : memref<!tpu.dma_semaphore, #tpu.memory_space<semaphore_mem>>)
      %dma_start3A_616 = arith.constant 1280 : i32
      %dma_start3A_617 = arith.constant 0 : i32
      %dma_start3A_618 = tpu.memref_slice %arg13[%dma_start3A_616, %dma_start3A_617] : memref<1600x8xf32, #tpu.memory_space<vmem>> -> memref<128x8xf32, #tpu.memory_space<vmem>>
      %dma_start3A_619 = arith.constant 1280 : i32
      %dma_start3A_620 = tpu.memref_slice %arg11[%dma_start3A_619] : memref<1600xi32, #tpu.memory_space<vmem>> -> memref<128xi32, #tpu.memory_space<vmem>>
      %dma_start3A_621 = arith.constant 0 : i32
      %dma_start3A_622 = arith.constant 0 : i32
      %dma_start3A_623 = tpu.memref_slice %arg2[%dma_start3A_621, %dma_start3A_622] : memref<102400x8xf32, #tpu.memory_space<hbm>> -> memref<102400x8xf32, #tpu.memory_space<hbm>>
      tpu.enqueue_indirect_dma source(%dma_start3A_623 : memref<102400x8xf32, #tpu.memory_space<hbm>>) target(%dma_start3A_618 : memref<128x8xf32, #tpu.memory_space<vmem>>) offsets(%dma_start3A_620 : memref<128xi32, #tpu.memory_space<vmem>>) semaphore(%arg17 : memref<!tpu.dma_semaphore, #tpu.memory_space<semaphore_mem>>)
      %dma_start3A_624 = arith.constant 1408 : i32
      %dma_start3A_625 = arith.constant 0 : i32
      %dma_start3A_626 = tpu.memref_slice %arg12[%dma_start3A_624, %dma_start3A_625] : memref<1600x8xf32, #tpu.memory_space<vmem>> -> memref<128x8xf32, #tpu.memory_space<vmem>>
      %dma_start3A_627 = arith.constant 1408 : i32
      %dma_start3A_628 = tpu.memref_slice %arg10[%dma_start3A_627] : memref<1600xi32, #tpu.memory_space<vmem>> -> memref<128xi32, #tpu.memory_space<vmem>>
      %dma_start3A_629 = arith.constant 0 : i32
      %dma_start3A_630 = arith.constant 0 : i32
      %dma_start3A_631 = tpu.memref_slice %arg2[%dma_start3A_629, %dma_start3A_630] : memref<102400x8xf32, #tpu.memory_space<hbm>> -> memref<102400x8xf32, #tpu.memory_space<hbm>>
      tpu.enqueue_indirect_dma source(%dma_start3A_631 : memref<102400x8xf32, #tpu.memory_space<hbm>>) target(%dma_start3A_626 : memref<128x8xf32, #tpu.memory_space<vmem>>) offsets(%dma_start3A_628 : memref<128xi32, #tpu.memory_space<vmem>>) semaphore(%arg17 : memref<!tpu.dma_semaphore, #tpu.memory_space<semaphore_mem>>)
      %dma_start3A_632 = arith.constant 1408 : i32
      %dma_start3A_633 = arith.constant 0 : i32
      %dma_start3A_634 = tpu.memref_slice %arg13[%dma_start3A_632, %dma_start3A_633] : memref<1600x8xf32, #tpu.memory_space<vmem>> -> memref<128x8xf32, #tpu.memory_space<vmem>>
      %dma_start3A_635 = arith.constant 1408 : i32
      %dma_start3A_636 = tpu.memref_slice %arg11[%dma_start3A_635] : memref<1600xi32, #tpu.memory_space<vmem>> -> memref<128xi32, #tpu.memory_space<vmem>>
      %dma_start3A_637 = arith.constant 0 : i32
      %dma_start3A_638 = arith.constant 0 : i32
      %dma_start3A_639 = tpu.memref_slice %arg2[%dma_start3A_637, %dma_start3A_638] : memref<102400x8xf32, #tpu.memory_space<hbm>> -> memref<102400x8xf32, #tpu.memory_space<hbm>>
      tpu.enqueue_indirect_dma source(%dma_start3A_639 : memref<102400x8xf32, #tpu.memory_space<hbm>>) target(%dma_start3A_634 : memref<128x8xf32, #tpu.memory_space<vmem>>) offsets(%dma_start3A_636 : memref<128xi32, #tpu.memory_space<vmem>>) semaphore(%arg17 : memref<!tpu.dma_semaphore, #tpu.memory_space<semaphore_mem>>)
      %dma_start3A_640 = arith.constant 1536 : i32
      %dma_start3A_641 = arith.constant 0 : i32
      %dma_start3A_642 = tpu.memref_slice %arg12[%dma_start3A_640, %dma_start3A_641] : memref<1600x8xf32, #tpu.memory_space<vmem>> -> memref<64x8xf32, #tpu.memory_space<vmem>>
      %dma_start3A_643 = arith.constant 1536 : i32
      %dma_start3A_644 = tpu.memref_slice %arg10[%dma_start3A_643] : memref<1600xi32, #tpu.memory_space<vmem>> -> memref<64xi32, #tpu.memory_space<vmem>>
      %dma_start3A_645 = arith.constant 0 : i32
      %dma_start3A_646 = arith.constant 0 : i32
      %dma_start3A_647 = tpu.memref_slice %arg2[%dma_start3A_645, %dma_start3A_646] : memref<102400x8xf32, #tpu.memory_space<hbm>> -> memref<102400x8xf32, #tpu.memory_space<hbm>>
      tpu.enqueue_indirect_dma source(%dma_start3A_647 : memref<102400x8xf32, #tpu.memory_space<hbm>>) target(%dma_start3A_642 : memref<64x8xf32, #tpu.memory_space<vmem>>) offsets(%dma_start3A_644 : memref<64xi32, #tpu.memory_space<vmem>>) semaphore(%arg17 : memref<!tpu.dma_semaphore, #tpu.memory_space<semaphore_mem>>)
      %dma_start3A_648 = arith.constant 1536 : i32
      %dma_start3A_649 = arith.constant 0 : i32
      %dma_start3A_650 = tpu.memref_slice %arg13[%dma_start3A_648, %dma_start3A_649] : memref<1600x8xf32, #tpu.memory_space<vmem>> -> memref<64x8xf32, #tpu.memory_space<vmem>>
      %dma_start3A_651 = arith.constant 1536 : i32
      %dma_start3A_652 = tpu.memref_slice %arg11[%dma_start3A_651] : memref<1600xi32, #tpu.memory_space<vmem>> -> memref<64xi32, #tpu.memory_space<vmem>>
      %dma_start3A_653 = arith.constant 0 : i32
      %dma_start3A_654 = arith.constant 0 : i32
      %dma_start3A_655 = tpu.memref_slice %arg2[%dma_start3A_653, %dma_start3A_654] : memref<102400x8xf32, #tpu.memory_space<hbm>> -> memref<102400x8xf32, #tpu.memory_space<hbm>>
      tpu.enqueue_indirect_dma source(%dma_start3A_655 : memref<102400x8xf32, #tpu.memory_space<hbm>>) target(%dma_start3A_650 : memref<64x8xf32, #tpu.memory_space<vmem>>) offsets(%dma_start3A_652 : memref<64xi32, #tpu.memory_space<vmem>>) semaphore(%arg17 : memref<!tpu.dma_semaphore, #tpu.memory_space<semaphore_mem>>)
      %dma_wait3A_656 = arith.constant 0 : i32
      %dma_wait3A_657 = arith.constant 0 : i32
      %dma_wait3A_658 = tpu.memref_slice %arg8[%dma_wait3A_656, %dma_wait3A_657] : memref<1600x8xf32, #tpu.memory_space<vmem>> -> memref<128x8xf32, #tpu.memory_space<vmem>>
      %dma_wait3A_659 = arith.constant 0 : i32
      %dma_wait3A_660 = tpu.memref_slice %arg6[%dma_wait3A_659] : memref<1600xi32, #tpu.memory_space<vmem>> -> memref<128xi32, #tpu.memory_space<vmem>>
      %dma_wait3A_661 = arith.constant 0 : i32
      %dma_wait3A_662 = arith.constant 0 : i32
      %dma_wait3A_663 = tpu.memref_slice %arg2[%dma_wait3A_661, %dma_wait3A_662] : memref<102400x8xf32, #tpu.memory_space<hbm>> -> memref<102400x8xf32, #tpu.memory_space<hbm>>
      tpu.wait_indirect_dma semaphore(%arg16 : memref<!tpu.dma_semaphore, #tpu.memory_space<semaphore_mem>>) src(%dma_wait3A_663 : memref<102400x8xf32, #tpu.memory_space<hbm>>) dst(%dma_wait3A_658 : memref<128x8xf32, #tpu.memory_space<vmem>>)
      %dma_wait3A_664 = arith.constant 0 : i32
      %dma_wait3A_665 = arith.constant 0 : i32
      %dma_wait3A_666 = tpu.memref_slice %arg9[%dma_wait3A_664, %dma_wait3A_665] : memref<1600x8xf32, #tpu.memory_space<vmem>> -> memref<128x8xf32, #tpu.memory_space<vmem>>
      %dma_wait3A_667 = arith.constant 0 : i32
      %dma_wait3A_668 = tpu.memref_slice %arg7[%dma_wait3A_667] : memref<1600xi32, #tpu.memory_space<vmem>> -> memref<128xi32, #tpu.memory_space<vmem>>
      %dma_wait3A_669 = arith.constant 0 : i32
      %dma_wait3A_670 = arith.constant 0 : i32
      %dma_wait3A_671 = tpu.memref_slice %arg2[%dma_wait3A_669, %dma_wait3A_670] : memref<102400x8xf32, #tpu.memory_space<hbm>> -> memref<102400x8xf32, #tpu.memory_space<hbm>>
      tpu.wait_indirect_dma semaphore(%arg16 : memref<!tpu.dma_semaphore, #tpu.memory_space<semaphore_mem>>) src(%dma_wait3A_671 : memref<102400x8xf32, #tpu.memory_space<hbm>>) dst(%dma_wait3A_666 : memref<128x8xf32, #tpu.memory_space<vmem>>)
      %dma_wait3A_672 = arith.constant 128 : i32
      %dma_wait3A_673 = arith.constant 0 : i32
      %dma_wait3A_674 = tpu.memref_slice %arg8[%dma_wait3A_672, %dma_wait3A_673] : memref<1600x8xf32, #tpu.memory_space<vmem>> -> memref<128x8xf32, #tpu.memory_space<vmem>>
      %dma_wait3A_675 = arith.constant 128 : i32
      %dma_wait3A_676 = tpu.memref_slice %arg6[%dma_wait3A_675] : memref<1600xi32, #tpu.memory_space<vmem>> -> memref<128xi32, #tpu.memory_space<vmem>>
      %dma_wait3A_677 = arith.constant 0 : i32
      %dma_wait3A_678 = arith.constant 0 : i32
      %dma_wait3A_679 = tpu.memref_slice %arg2[%dma_wait3A_677, %dma_wait3A_678] : memref<102400x8xf32, #tpu.memory_space<hbm>> -> memref<102400x8xf32, #tpu.memory_space<hbm>>
      tpu.wait_indirect_dma semaphore(%arg16 : memref<!tpu.dma_semaphore, #tpu.memory_space<semaphore_mem>>) src(%dma_wait3A_679 : memref<102400x8xf32, #tpu.memory_space<hbm>>) dst(%dma_wait3A_674 : memref<128x8xf32, #tpu.memory_space<vmem>>)
      %dma_wait3A_680 = arith.constant 128 : i32
      %dma_wait3A_681 = arith.constant 0 : i32
      %dma_wait3A_682 = tpu.memref_slice %arg9[%dma_wait3A_680, %dma_wait3A_681] : memref<1600x8xf32, #tpu.memory_space<vmem>> -> memref<128x8xf32, #tpu.memory_space<vmem>>
      %dma_wait3A_683 = arith.constant 128 : i32
      %dma_wait3A_684 = tpu.memref_slice %arg7[%dma_wait3A_683] : memref<1600xi32, #tpu.memory_space<vmem>> -> memref<128xi32, #tpu.memory_space<vmem>>
      %dma_wait3A_685 = arith.constant 0 : i32
      %dma_wait3A_686 = arith.constant 0 : i32
      %dma_wait3A_687 = tpu.memref_slice %arg2[%dma_wait3A_685, %dma_wait3A_686] : memref<102400x8xf32, #tpu.memory_space<hbm>> -> memref<102400x8xf32, #tpu.memory_space<hbm>>
      tpu.wait_indirect_dma semaphore(%arg16 : memref<!tpu.dma_semaphore, #tpu.memory_space<semaphore_mem>>) src(%dma_wait3A_687 : memref<102400x8xf32, #tpu.memory_space<hbm>>) dst(%dma_wait3A_682 : memref<128x8xf32, #tpu.memory_space<vmem>>)
      %dma_wait3A_688 = arith.constant 256 : i32
      %dma_wait3A_689 = arith.constant 0 : i32
      %dma_wait3A_690 = tpu.memref_slice %arg8[%dma_wait3A_688, %dma_wait3A_689] : memref<1600x8xf32, #tpu.memory_space<vmem>> -> memref<128x8xf32, #tpu.memory_space<vmem>>
      %dma_wait3A_691 = arith.constant 256 : i32
      %dma_wait3A_692 = tpu.memref_slice %arg6[%dma_wait3A_691] : memref<1600xi32, #tpu.memory_space<vmem>> -> memref<128xi32, #tpu.memory_space<vmem>>
      %dma_wait3A_693 = arith.constant 0 : i32
      %dma_wait3A_694 = arith.constant 0 : i32
      %dma_wait3A_695 = tpu.memref_slice %arg2[%dma_wait3A_693, %dma_wait3A_694] : memref<102400x8xf32, #tpu.memory_space<hbm>> -> memref<102400x8xf32, #tpu.memory_space<hbm>>
      tpu.wait_indirect_dma semaphore(%arg16 : memref<!tpu.dma_semaphore, #tpu.memory_space<semaphore_mem>>) src(%dma_wait3A_695 : memref<102400x8xf32, #tpu.memory_space<hbm>>) dst(%dma_wait3A_690 : memref<128x8xf32, #tpu.memory_space<vmem>>)
      %dma_wait3A_696 = arith.constant 256 : i32
      %dma_wait3A_697 = arith.constant 0 : i32
      %dma_wait3A_698 = tpu.memref_slice %arg9[%dma_wait3A_696, %dma_wait3A_697] : memref<1600x8xf32, #tpu.memory_space<vmem>> -> memref<128x8xf32, #tpu.memory_space<vmem>>
      %dma_wait3A_699 = arith.constant 256 : i32
      %dma_wait3A_700 = tpu.memref_slice %arg7[%dma_wait3A_699] : memref<1600xi32, #tpu.memory_space<vmem>> -> memref<128xi32, #tpu.memory_space<vmem>>
      %dma_wait3A_701 = arith.constant 0 : i32
      %dma_wait3A_702 = arith.constant 0 : i32
      %dma_wait3A_703 = tpu.memref_slice %arg2[%dma_wait3A_701, %dma_wait3A_702] : memref<102400x8xf32, #tpu.memory_space<hbm>> -> memref<102400x8xf32, #tpu.memory_space<hbm>>
      tpu.wait_indirect_dma semaphore(%arg16 : memref<!tpu.dma_semaphore, #tpu.memory_space<semaphore_mem>>) src(%dma_wait3A_703 : memref<102400x8xf32, #tpu.memory_space<hbm>>) dst(%dma_wait3A_698 : memref<128x8xf32, #tpu.memory_space<vmem>>)
      %dma_wait3A_704 = arith.constant 384 : i32
      %dma_wait3A_705 = arith.constant 0 : i32
      %dma_wait3A_706 = tpu.memref_slice %arg8[%dma_wait3A_704, %dma_wait3A_705] : memref<1600x8xf32, #tpu.memory_space<vmem>> -> memref<128x8xf32, #tpu.memory_space<vmem>>
      %dma_wait3A_707 = arith.constant 384 : i32
      %dma_wait3A_708 = tpu.memref_slice %arg6[%dma_wait3A_707] : memref<1600xi32, #tpu.memory_space<vmem>> -> memref<128xi32, #tpu.memory_space<vmem>>
      %dma_wait3A_709 = arith.constant 0 : i32
      %dma_wait3A_710 = arith.constant 0 : i32
      %dma_wait3A_711 = tpu.memref_slice %arg2[%dma_wait3A_709, %dma_wait3A_710] : memref<102400x8xf32, #tpu.memory_space<hbm>> -> memref<102400x8xf32, #tpu.memory_space<hbm>>
      tpu.wait_indirect_dma semaphore(%arg16 : memref<!tpu.dma_semaphore, #tpu.memory_space<semaphore_mem>>) src(%dma_wait3A_711 : memref<102400x8xf32, #tpu.memory_space<hbm>>) dst(%dma_wait3A_706 : memref<128x8xf32, #tpu.memory_space<vmem>>)
      %dma_wait3A_712 = arith.constant 384 : i32
      %dma_wait3A_713 = arith.constant 0 : i32
      %dma_wait3A_714 = tpu.memref_slice %arg9[%dma_wait3A_712, %dma_wait3A_713] : memref<1600x8xf32, #tpu.memory_space<vmem>> -> memref<128x8xf32, #tpu.memory_space<vmem>>
      %dma_wait3A_715 = arith.constant 384 : i32
      %dma_wait3A_716 = tpu.memref_slice %arg7[%dma_wait3A_715] : memref<1600xi32, #tpu.memory_space<vmem>> -> memref<128xi32, #tpu.memory_space<vmem>>
      %dma_wait3A_717 = arith.constant 0 : i32
      %dma_wait3A_718 = arith.constant 0 : i32
      %dma_wait3A_719 = tpu.memref_slice %arg2[%dma_wait3A_717, %dma_wait3A_718] : memref<102400x8xf32, #tpu.memory_space<hbm>> -> memref<102400x8xf32, #tpu.memory_space<hbm>>
      tpu.wait_indirect_dma semaphore(%arg16 : memref<!tpu.dma_semaphore, #tpu.memory_space<semaphore_mem>>) src(%dma_wait3A_719 : memref<102400x8xf32, #tpu.memory_space<hbm>>) dst(%dma_wait3A_714 : memref<128x8xf32, #tpu.memory_space<vmem>>)
      %dma_wait3A_720 = arith.constant 512 : i32
      %dma_wait3A_721 = arith.constant 0 : i32
      %dma_wait3A_722 = tpu.memref_slice %arg8[%dma_wait3A_720, %dma_wait3A_721] : memref<1600x8xf32, #tpu.memory_space<vmem>> -> memref<128x8xf32, #tpu.memory_space<vmem>>
      %dma_wait3A_723 = arith.constant 512 : i32
      %dma_wait3A_724 = tpu.memref_slice %arg6[%dma_wait3A_723] : memref<1600xi32, #tpu.memory_space<vmem>> -> memref<128xi32, #tpu.memory_space<vmem>>
      %dma_wait3A_725 = arith.constant 0 : i32
      %dma_wait3A_726 = arith.constant 0 : i32
      %dma_wait3A_727 = tpu.memref_slice %arg2[%dma_wait3A_725, %dma_wait3A_726] : memref<102400x8xf32, #tpu.memory_space<hbm>> -> memref<102400x8xf32, #tpu.memory_space<hbm>>
      tpu.wait_indirect_dma semaphore(%arg16 : memref<!tpu.dma_semaphore, #tpu.memory_space<semaphore_mem>>) src(%dma_wait3A_727 : memref<102400x8xf32, #tpu.memory_space<hbm>>) dst(%dma_wait3A_722 : memref<128x8xf32, #tpu.memory_space<vmem>>)
      %dma_wait3A_728 = arith.constant 512 : i32
      %dma_wait3A_729 = arith.constant 0 : i32
      %dma_wait3A_730 = tpu.memref_slice %arg9[%dma_wait3A_728, %dma_wait3A_729] : memref<1600x8xf32, #tpu.memory_space<vmem>> -> memref<128x8xf32, #tpu.memory_space<vmem>>
      %dma_wait3A_731 = arith.constant 512 : i32
      %dma_wait3A_732 = tpu.memref_slice %arg7[%dma_wait3A_731] : memref<1600xi32, #tpu.memory_space<vmem>> -> memref<128xi32, #tpu.memory_space<vmem>>
      %dma_wait3A_733 = arith.constant 0 : i32
      %dma_wait3A_734 = arith.constant 0 : i32
      %dma_wait3A_735 = tpu.memref_slice %arg2[%dma_wait3A_733, %dma_wait3A_734] : memref<102400x8xf32, #tpu.memory_space<hbm>> -> memref<102400x8xf32, #tpu.memory_space<hbm>>
      tpu.wait_indirect_dma semaphore(%arg16 : memref<!tpu.dma_semaphore, #tpu.memory_space<semaphore_mem>>) src(%dma_wait3A_735 : memref<102400x8xf32, #tpu.memory_space<hbm>>) dst(%dma_wait3A_730 : memref<128x8xf32, #tpu.memory_space<vmem>>)
      %dma_wait3A_736 = arith.constant 640 : i32
      %dma_wait3A_737 = arith.constant 0 : i32
      %dma_wait3A_738 = tpu.memref_slice %arg8[%dma_wait3A_736, %dma_wait3A_737] : memref<1600x8xf32, #tpu.memory_space<vmem>> -> memref<128x8xf32, #tpu.memory_space<vmem>>
      %dma_wait3A_739 = arith.constant 640 : i32
      %dma_wait3A_740 = tpu.memref_slice %arg6[%dma_wait3A_739] : memref<1600xi32, #tpu.memory_space<vmem>> -> memref<128xi32, #tpu.memory_space<vmem>>
      %dma_wait3A_741 = arith.constant 0 : i32
      %dma_wait3A_742 = arith.constant 0 : i32
      %dma_wait3A_743 = tpu.memref_slice %arg2[%dma_wait3A_741, %dma_wait3A_742] : memref<102400x8xf32, #tpu.memory_space<hbm>> -> memref<102400x8xf32, #tpu.memory_space<hbm>>
      tpu.wait_indirect_dma semaphore(%arg16 : memref<!tpu.dma_semaphore, #tpu.memory_space<semaphore_mem>>) src(%dma_wait3A_743 : memref<102400x8xf32, #tpu.memory_space<hbm>>) dst(%dma_wait3A_738 : memref<128x8xf32, #tpu.memory_space<vmem>>)
      %dma_wait3A_744 = arith.constant 640 : i32
      %dma_wait3A_745 = arith.constant 0 : i32
      %dma_wait3A_746 = tpu.memref_slice %arg9[%dma_wait3A_744, %dma_wait3A_745] : memref<1600x8xf32, #tpu.memory_space<vmem>> -> memref<128x8xf32, #tpu.memory_space<vmem>>
      %dma_wait3A_747 = arith.constant 640 : i32
      %dma_wait3A_748 = tpu.memref_slice %arg7[%dma_wait3A_747] : memref<1600xi32, #tpu.memory_space<vmem>> -> memref<128xi32, #tpu.memory_space<vmem>>
      %dma_wait3A_749 = arith.constant 0 : i32
      %dma_wait3A_750 = arith.constant 0 : i32
      %dma_wait3A_751 = tpu.memref_slice %arg2[%dma_wait3A_749, %dma_wait3A_750] : memref<102400x8xf32, #tpu.memory_space<hbm>> -> memref<102400x8xf32, #tpu.memory_space<hbm>>
      tpu.wait_indirect_dma semaphore(%arg16 : memref<!tpu.dma_semaphore, #tpu.memory_space<semaphore_mem>>) src(%dma_wait3A_751 : memref<102400x8xf32, #tpu.memory_space<hbm>>) dst(%dma_wait3A_746 : memref<128x8xf32, #tpu.memory_space<vmem>>)
      %dma_wait3A_752 = arith.constant 768 : i32
      %dma_wait3A_753 = arith.constant 0 : i32
      %dma_wait3A_754 = tpu.memref_slice %arg8[%dma_wait3A_752, %dma_wait3A_753] : memref<1600x8xf32, #tpu.memory_space<vmem>> -> memref<128x8xf32, #tpu.memory_space<vmem>>
      %dma_wait3A_755 = arith.constant 768 : i32
      %dma_wait3A_756 = tpu.memref_slice %arg6[%dma_wait3A_755] : memref<1600xi32, #tpu.memory_space<vmem>> -> memref<128xi32, #tpu.memory_space<vmem>>
      %dma_wait3A_757 = arith.constant 0 : i32
      %dma_wait3A_758 = arith.constant 0 : i32
      %dma_wait3A_759 = tpu.memref_slice %arg2[%dma_wait3A_757, %dma_wait3A_758] : memref<102400x8xf32, #tpu.memory_space<hbm>> -> memref<102400x8xf32, #tpu.memory_space<hbm>>
      tpu.wait_indirect_dma semaphore(%arg16 : memref<!tpu.dma_semaphore, #tpu.memory_space<semaphore_mem>>) src(%dma_wait3A_759 : memref<102400x8xf32, #tpu.memory_space<hbm>>) dst(%dma_wait3A_754 : memref<128x8xf32, #tpu.memory_space<vmem>>)
      %dma_wait3A_760 = arith.constant 768 : i32
      %dma_wait3A_761 = arith.constant 0 : i32
      %dma_wait3A_762 = tpu.memref_slice %arg9[%dma_wait3A_760, %dma_wait3A_761] : memref<1600x8xf32, #tpu.memory_space<vmem>> -> memref<128x8xf32, #tpu.memory_space<vmem>>
      %dma_wait3A_763 = arith.constant 768 : i32
      %dma_wait3A_764 = tpu.memref_slice %arg7[%dma_wait3A_763] : memref<1600xi32, #tpu.memory_space<vmem>> -> memref<128xi32, #tpu.memory_space<vmem>>
      %dma_wait3A_765 = arith.constant 0 : i32
      %dma_wait3A_766 = arith.constant 0 : i32
      %dma_wait3A_767 = tpu.memref_slice %arg2[%dma_wait3A_765, %dma_wait3A_766] : memref<102400x8xf32, #tpu.memory_space<hbm>> -> memref<102400x8xf32, #tpu.memory_space<hbm>>
      tpu.wait_indirect_dma semaphore(%arg16 : memref<!tpu.dma_semaphore, #tpu.memory_space<semaphore_mem>>) src(%dma_wait3A_767 : memref<102400x8xf32, #tpu.memory_space<hbm>>) dst(%dma_wait3A_762 : memref<128x8xf32, #tpu.memory_space<vmem>>)
      %dma_wait3A_768 = arith.constant 896 : i32
      %dma_wait3A_769 = arith.constant 0 : i32
      %dma_wait3A_770 = tpu.memref_slice %arg8[%dma_wait3A_768, %dma_wait3A_769] : memref<1600x8xf32, #tpu.memory_space<vmem>> -> memref<128x8xf32, #tpu.memory_space<vmem>>
      %dma_wait3A_771 = arith.constant 896 : i32
      %dma_wait3A_772 = tpu.memref_slice %arg6[%dma_wait3A_771] : memref<1600xi32, #tpu.memory_space<vmem>> -> memref<128xi32, #tpu.memory_space<vmem>>
      %dma_wait3A_773 = arith.constant 0 : i32
      %dma_wait3A_774 = arith.constant 0 : i32
      %dma_wait3A_775 = tpu.memref_slice %arg2[%dma_wait3A_773, %dma_wait3A_774] : memref<102400x8xf32, #tpu.memory_space<hbm>> -> memref<102400x8xf32, #tpu.memory_space<hbm>>
      tpu.wait_indirect_dma semaphore(%arg16 : memref<!tpu.dma_semaphore, #tpu.memory_space<semaphore_mem>>) src(%dma_wait3A_775 : memref<102400x8xf32, #tpu.memory_space<hbm>>) dst(%dma_wait3A_770 : memref<128x8xf32, #tpu.memory_space<vmem>>)
      %dma_wait3A_776 = arith.constant 896 : i32
      %dma_wait3A_777 = arith.constant 0 : i32
      %dma_wait3A_778 = tpu.memref_slice %arg9[%dma_wait3A_776, %dma_wait3A_777] : memref<1600x8xf32, #tpu.memory_space<vmem>> -> memref<128x8xf32, #tpu.memory_space<vmem>>
      %dma_wait3A_779 = arith.constant 896 : i32
      %dma_wait3A_780 = tpu.memref_slice %arg7[%dma_wait3A_779] : memref<1600xi32, #tpu.memory_space<vmem>> -> memref<128xi32, #tpu.memory_space<vmem>>
      %dma_wait3A_781 = arith.constant 0 : i32
      %dma_wait3A_782 = arith.constant 0 : i32
      %dma_wait3A_783 = tpu.memref_slice %arg2[%dma_wait3A_781, %dma_wait3A_782] : memref<102400x8xf32, #tpu.memory_space<hbm>> -> memref<102400x8xf32, #tpu.memory_space<hbm>>
      tpu.wait_indirect_dma semaphore(%arg16 : memref<!tpu.dma_semaphore, #tpu.memory_space<semaphore_mem>>) src(%dma_wait3A_783 : memref<102400x8xf32, #tpu.memory_space<hbm>>) dst(%dma_wait3A_778 : memref<128x8xf32, #tpu.memory_space<vmem>>)
      %dma_wait3A_784 = arith.constant 1024 : i32
      %dma_wait3A_785 = arith.constant 0 : i32
      %dma_wait3A_786 = tpu.memref_slice %arg8[%dma_wait3A_784, %dma_wait3A_785] : memref<1600x8xf32, #tpu.memory_space<vmem>> -> memref<128x8xf32, #tpu.memory_space<vmem>>
      %dma_wait3A_787 = arith.constant 1024 : i32
      %dma_wait3A_788 = tpu.memref_slice %arg6[%dma_wait3A_787] : memref<1600xi32, #tpu.memory_space<vmem>> -> memref<128xi32, #tpu.memory_space<vmem>>
      %dma_wait3A_789 = arith.constant 0 : i32
      %dma_wait3A_790 = arith.constant 0 : i32
      %dma_wait3A_791 = tpu.memref_slice %arg2[%dma_wait3A_789, %dma_wait3A_790] : memref<102400x8xf32, #tpu.memory_space<hbm>> -> memref<102400x8xf32, #tpu.memory_space<hbm>>
      tpu.wait_indirect_dma semaphore(%arg16 : memref<!tpu.dma_semaphore, #tpu.memory_space<semaphore_mem>>) src(%dma_wait3A_791 : memref<102400x8xf32, #tpu.memory_space<hbm>>) dst(%dma_wait3A_786 : memref<128x8xf32, #tpu.memory_space<vmem>>)
      %dma_wait3A_792 = arith.constant 1024 : i32
      %dma_wait3A_793 = arith.constant 0 : i32
      %dma_wait3A_794 = tpu.memref_slice %arg9[%dma_wait3A_792, %dma_wait3A_793] : memref<1600x8xf32, #tpu.memory_space<vmem>> -> memref<128x8xf32, #tpu.memory_space<vmem>>
      %dma_wait3A_795 = arith.constant 1024 : i32
      %dma_wait3A_796 = tpu.memref_slice %arg7[%dma_wait3A_795] : memref<1600xi32, #tpu.memory_space<vmem>> -> memref<128xi32, #tpu.memory_space<vmem>>
      %dma_wait3A_797 = arith.constant 0 : i32
      %dma_wait3A_798 = arith.constant 0 : i32
      %dma_wait3A_799 = tpu.memref_slice %arg2[%dma_wait3A_797, %dma_wait3A_798] : memref<102400x8xf32, #tpu.memory_space<hbm>> -> memref<102400x8xf32, #tpu.memory_space<hbm>>
      tpu.wait_indirect_dma semaphore(%arg16 : memref<!tpu.dma_semaphore, #tpu.memory_space<semaphore_mem>>) src(%dma_wait3A_799 : memref<102400x8xf32, #tpu.memory_space<hbm>>) dst(%dma_wait3A_794 : memref<128x8xf32, #tpu.memory_space<vmem>>)
      %dma_wait3A_800 = arith.constant 1152 : i32
      %dma_wait3A_801 = arith.constant 0 : i32
      %dma_wait3A_802 = tpu.memref_slice %arg8[%dma_wait3A_800, %dma_wait3A_801] : memref<1600x8xf32, #tpu.memory_space<vmem>> -> memref<128x8xf32, #tpu.memory_space<vmem>>
      %dma_wait3A_803 = arith.constant 1152 : i32
      %dma_wait3A_804 = tpu.memref_slice %arg6[%dma_wait3A_803] : memref<1600xi32, #tpu.memory_space<vmem>> -> memref<128xi32, #tpu.memory_space<vmem>>
      %dma_wait3A_805 = arith.constant 0 : i32
      %dma_wait3A_806 = arith.constant 0 : i32
      %dma_wait3A_807 = tpu.memref_slice %arg2[%dma_wait3A_805, %dma_wait3A_806] : memref<102400x8xf32, #tpu.memory_space<hbm>> -> memref<102400x8xf32, #tpu.memory_space<hbm>>
      tpu.wait_indirect_dma semaphore(%arg16 : memref<!tpu.dma_semaphore, #tpu.memory_space<semaphore_mem>>) src(%dma_wait3A_807 : memref<102400x8xf32, #tpu.memory_space<hbm>>) dst(%dma_wait3A_802 : memref<128x8xf32, #tpu.memory_space<vmem>>)
      %dma_wait3A_808 = arith.constant 1152 : i32
      %dma_wait3A_809 = arith.constant 0 : i32
      %dma_wait3A_810 = tpu.memref_slice %arg9[%dma_wait3A_808, %dma_wait3A_809] : memref<1600x8xf32, #tpu.memory_space<vmem>> -> memref<128x8xf32, #tpu.memory_space<vmem>>
      %dma_wait3A_811 = arith.constant 1152 : i32
      %dma_wait3A_812 = tpu.memref_slice %arg7[%dma_wait3A_811] : memref<1600xi32, #tpu.memory_space<vmem>> -> memref<128xi32, #tpu.memory_space<vmem>>
      %dma_wait3A_813 = arith.constant 0 : i32
      %dma_wait3A_814 = arith.constant 0 : i32
      %dma_wait3A_815 = tpu.memref_slice %arg2[%dma_wait3A_813, %dma_wait3A_814] : memref<102400x8xf32, #tpu.memory_space<hbm>> -> memref<102400x8xf32, #tpu.memory_space<hbm>>
      tpu.wait_indirect_dma semaphore(%arg16 : memref<!tpu.dma_semaphore, #tpu.memory_space<semaphore_mem>>) src(%dma_wait3A_815 : memref<102400x8xf32, #tpu.memory_space<hbm>>) dst(%dma_wait3A_810 : memref<128x8xf32, #tpu.memory_space<vmem>>)
      %dma_wait3A_816 = arith.constant 1280 : i32
      %dma_wait3A_817 = arith.constant 0 : i32
      %dma_wait3A_818 = tpu.memref_slice %arg8[%dma_wait3A_816, %dma_wait3A_817] : memref<1600x8xf32, #tpu.memory_space<vmem>> -> memref<128x8xf32, #tpu.memory_space<vmem>>
      %dma_wait3A_819 = arith.constant 1280 : i32
      %dma_wait3A_820 = tpu.memref_slice %arg6[%dma_wait3A_819] : memref<1600xi32, #tpu.memory_space<vmem>> -> memref<128xi32, #tpu.memory_space<vmem>>
      %dma_wait3A_821 = arith.constant 0 : i32
      %dma_wait3A_822 = arith.constant 0 : i32
      %dma_wait3A_823 = tpu.memref_slice %arg2[%dma_wait3A_821, %dma_wait3A_822] : memref<102400x8xf32, #tpu.memory_space<hbm>> -> memref<102400x8xf32, #tpu.memory_space<hbm>>
      tpu.wait_indirect_dma semaphore(%arg16 : memref<!tpu.dma_semaphore, #tpu.memory_space<semaphore_mem>>) src(%dma_wait3A_823 : memref<102400x8xf32, #tpu.memory_space<hbm>>) dst(%dma_wait3A_818 : memref<128x8xf32, #tpu.memory_space<vmem>>)
      %dma_wait3A_824 = arith.constant 1280 : i32
      %dma_wait3A_825 = arith.constant 0 : i32
      %dma_wait3A_826 = tpu.memref_slice %arg9[%dma_wait3A_824, %dma_wait3A_825] : memref<1600x8xf32, #tpu.memory_space<vmem>> -> memref<128x8xf32, #tpu.memory_space<vmem>>
      %dma_wait3A_827 = arith.constant 1280 : i32
      %dma_wait3A_828 = tpu.memref_slice %arg7[%dma_wait3A_827] : memref<1600xi32, #tpu.memory_space<vmem>> -> memref<128xi32, #tpu.memory_space<vmem>>
      %dma_wait3A_829 = arith.constant 0 : i32
      %dma_wait3A_830 = arith.constant 0 : i32
      %dma_wait3A_831 = tpu.memref_slice %arg2[%dma_wait3A_829, %dma_wait3A_830] : memref<102400x8xf32, #tpu.memory_space<hbm>> -> memref<102400x8xf32, #tpu.memory_space<hbm>>
      tpu.wait_indirect_dma semaphore(%arg16 : memref<!tpu.dma_semaphore, #tpu.memory_space<semaphore_mem>>) src(%dma_wait3A_831 : memref<102400x8xf32, #tpu.memory_space<hbm>>) dst(%dma_wait3A_826 : memref<128x8xf32, #tpu.memory_space<vmem>>)
      %dma_wait3A_832 = arith.constant 1408 : i32
      %dma_wait3A_833 = arith.constant 0 : i32
      %dma_wait3A_834 = tpu.memref_slice %arg8[%dma_wait3A_832, %dma_wait3A_833] : memref<1600x8xf32, #tpu.memory_space<vmem>> -> memref<128x8xf32, #tpu.memory_space<vmem>>
      %dma_wait3A_835 = arith.constant 1408 : i32
      %dma_wait3A_836 = tpu.memref_slice %arg6[%dma_wait3A_835] : memref<1600xi32, #tpu.memory_space<vmem>> -> memref<128xi32, #tpu.memory_space<vmem>>
      %dma_wait3A_837 = arith.constant 0 : i32
      %dma_wait3A_838 = arith.constant 0 : i32
      %dma_wait3A_839 = tpu.memref_slice %arg2[%dma_wait3A_837, %dma_wait3A_838] : memref<102400x8xf32, #tpu.memory_space<hbm>> -> memref<102400x8xf32, #tpu.memory_space<hbm>>
      tpu.wait_indirect_dma semaphore(%arg16 : memref<!tpu.dma_semaphore, #tpu.memory_space<semaphore_mem>>) src(%dma_wait3A_839 : memref<102400x8xf32, #tpu.memory_space<hbm>>) dst(%dma_wait3A_834 : memref<128x8xf32, #tpu.memory_space<vmem>>)
      %dma_wait3A_840 = arith.constant 1408 : i32
      %dma_wait3A_841 = arith.constant 0 : i32
      %dma_wait3A_842 = tpu.memref_slice %arg9[%dma_wait3A_840, %dma_wait3A_841] : memref<1600x8xf32, #tpu.memory_space<vmem>> -> memref<128x8xf32, #tpu.memory_space<vmem>>
      %dma_wait3A_843 = arith.constant 1408 : i32
      %dma_wait3A_844 = tpu.memref_slice %arg7[%dma_wait3A_843] : memref<1600xi32, #tpu.memory_space<vmem>> -> memref<128xi32, #tpu.memory_space<vmem>>
      %dma_wait3A_845 = arith.constant 0 : i32
      %dma_wait3A_846 = arith.constant 0 : i32
      %dma_wait3A_847 = tpu.memref_slice %arg2[%dma_wait3A_845, %dma_wait3A_846] : memref<102400x8xf32, #tpu.memory_space<hbm>> -> memref<102400x8xf32, #tpu.memory_space<hbm>>
      tpu.wait_indirect_dma semaphore(%arg16 : memref<!tpu.dma_semaphore, #tpu.memory_space<semaphore_mem>>) src(%dma_wait3A_847 : memref<102400x8xf32, #tpu.memory_space<hbm>>) dst(%dma_wait3A_842 : memref<128x8xf32, #tpu.memory_space<vmem>>)
      %dma_wait3A_848 = arith.constant 1536 : i32
      %dma_wait3A_849 = arith.constant 0 : i32
      %dma_wait3A_850 = tpu.memref_slice %arg8[%dma_wait3A_848, %dma_wait3A_849] : memref<1600x8xf32, #tpu.memory_space<vmem>> -> memref<64x8xf32, #tpu.memory_space<vmem>>
      %dma_wait3A_851 = arith.constant 1536 : i32
      %dma_wait3A_852 = tpu.memref_slice %arg6[%dma_wait3A_851] : memref<1600xi32, #tpu.memory_space<vmem>> -> memref<64xi32, #tpu.memory_space<vmem>>
      %dma_wait3A_853 = arith.constant 0 : i32
      %dma_wait3A_854 = arith.constant 0 : i32
      %dma_wait3A_855 = tpu.memref_slice %arg2[%dma_wait3A_853, %dma_wait3A_854] : memref<102400x8xf32, #tpu.memory_space<hbm>> -> memref<102400x8xf32, #tpu.memory_space<hbm>>
      tpu.wait_indirect_dma semaphore(%arg16 : memref<!tpu.dma_semaphore, #tpu.memory_space<semaphore_mem>>) src(%dma_wait3A_855 : memref<102400x8xf32, #tpu.memory_space<hbm>>) dst(%dma_wait3A_850 : memref<64x8xf32, #tpu.memory_space<vmem>>)
      %dma_wait3A_856 = arith.constant 1536 : i32
      %dma_wait3A_857 = arith.constant 0 : i32
      %dma_wait3A_858 = tpu.memref_slice %arg9[%dma_wait3A_856, %dma_wait3A_857] : memref<1600x8xf32, #tpu.memory_space<vmem>> -> memref<64x8xf32, #tpu.memory_space<vmem>>
      %dma_wait3A_859 = arith.constant 1536 : i32
      %dma_wait3A_860 = tpu.memref_slice %arg7[%dma_wait3A_859] : memref<1600xi32, #tpu.memory_space<vmem>> -> memref<64xi32, #tpu.memory_space<vmem>>
      %dma_wait3A_861 = arith.constant 0 : i32
      %dma_wait3A_862 = arith.constant 0 : i32
      %dma_wait3A_863 = tpu.memref_slice %arg2[%dma_wait3A_861, %dma_wait3A_862] : memref<102400x8xf32, #tpu.memory_space<hbm>> -> memref<102400x8xf32, #tpu.memory_space<hbm>>
      tpu.wait_indirect_dma semaphore(%arg16 : memref<!tpu.dma_semaphore, #tpu.memory_space<semaphore_mem>>) src(%dma_wait3A_863 : memref<102400x8xf32, #tpu.memory_space<hbm>>) dst(%dma_wait3A_858 : memref<64x8xf32, #tpu.memory_space<vmem>>)
      %scan3A_864 = arith.constant 0 : i32
      %scan3A_865 = arith.constant 100 : i32
      %scan3A_866 = arith.addi %scan3A_864, %scan3A_865 : i32
      %scan3A_867 = arith.constant 1 : i32
      %scan3A_868:2 = scf.for %scan3A_1299 = %scan3A_864 to %scan3A_866 step %scan3A_867 iter_args(%scan3A_1300 = %scan3A_437, %scan3A_1301 = %scan3A_438) -> (vector<16xf32>, vector<16xf32>)  : i32 {
        %mul3A_1302 = arith.constant 16 : i32
        %mul3A_1303 = arith.muli %scan3A_1299, %mul3A_1302 : i32
        %iota3A = tpu.iota {dimensions = array<i32: 0>} : vector<16xi32>
        %add3A_1304 = vector.broadcast %mul3A_1303 : i32 to vector<16xi32>
        %add3A_1305 = arith.addi %add3A_1304, %iota3A : vector<16xi32>
        %broadcast_in_dim3A_1306 = arith.constant 0 : i32
        %broadcast_in_dim3A_1307 = vector.broadcast %broadcast_in_dim3A_1306 : i32 to vector<16xi32>
        %gather3A = tpu.vector_load_idx %arg8[%add3A_1305, %broadcast_in_dim3A_1307] : memref<1600x8xf32, #tpu.memory_space<vmem>>[vector<16xi32>, vector<16xi32>], vector<16xf32>,
        %broadcast_in_dim3A_1308 = arith.constant 1 : i32
        %broadcast_in_dim3A_1309 = vector.broadcast %broadcast_in_dim3A_1308 : i32 to vector<16xi32>
        %gather3A_1310 = tpu.vector_load_idx %arg8[%add3A_1305, %broadcast_in_dim3A_1309] : memref<1600x8xf32, #tpu.memory_space<vmem>>[vector<16xi32>, vector<16xi32>], vector<16xf32>,
        %broadcast_in_dim3A_1311 = arith.constant 2 : i32
        %broadcast_in_dim3A_1312 = vector.broadcast %broadcast_in_dim3A_1311 : i32 to vector<16xi32>
        %gather3A_1313 = tpu.vector_load_idx %arg8[%add3A_1305, %broadcast_in_dim3A_1312] : memref<1600x8xf32, #tpu.memory_space<vmem>>[vector<16xi32>, vector<16xi32>], vector<16xf32>,
        %broadcast_in_dim3A_1314 = arith.constant 3 : i32
        %broadcast_in_dim3A_1315 = vector.broadcast %broadcast_in_dim3A_1314 : i32 to vector<16xi32>
        %gather3A_1316 = tpu.vector_load_idx %arg8[%add3A_1305, %broadcast_in_dim3A_1315] : memref<1600x8xf32, #tpu.memory_space<vmem>>[vector<16xi32>, vector<16xi32>], vector<16xf32>,
        %broadcast_in_dim3A_1317 = arith.constant 4 : i32
        %broadcast_in_dim3A_1318 = vector.broadcast %broadcast_in_dim3A_1317 : i32 to vector<16xi32>
        %gather3A_1319 = tpu.vector_load_idx %arg8[%add3A_1305, %broadcast_in_dim3A_1318] : memref<1600x8xf32, #tpu.memory_space<vmem>>[vector<16xi32>, vector<16xi32>], vector<16xf32>,
        %broadcast_in_dim3A_1320 = arith.constant 5 : i32
        %broadcast_in_dim3A_1321 = vector.broadcast %broadcast_in_dim3A_1320 : i32 to vector<16xi32>
        %gather3A_1322 = tpu.vector_load_idx %arg8[%add3A_1305, %broadcast_in_dim3A_1321] : memref<1600x8xf32, #tpu.memory_space<vmem>>[vector<16xi32>, vector<16xi32>], vector<16xf32>,
        %broadcast_in_dim3A_1323 = arith.constant 6 : i32
        %broadcast_in_dim3A_1324 = vector.broadcast %broadcast_in_dim3A_1323 : i32 to vector<16xi32>
        %gather3A_1325 = tpu.vector_load_idx %arg8[%add3A_1305, %broadcast_in_dim3A_1324] : memref<1600x8xf32, #tpu.memory_space<vmem>>[vector<16xi32>, vector<16xi32>], vector<16xf32>,
        %broadcast_in_dim3A_1326 = arith.constant 0 : i32
        %broadcast_in_dim3A_1327 = vector.broadcast %broadcast_in_dim3A_1326 : i32 to vector<16xi32>
        %gather3A_1328 = tpu.vector_load_idx %arg9[%add3A_1305, %broadcast_in_dim3A_1327] : memref<1600x8xf32, #tpu.memory_space<vmem>>[vector<16xi32>, vector<16xi32>], vector<16xf32>,
        %broadcast_in_dim3A_1329 = arith.constant 1 : i32
        %broadcast_in_dim3A_1330 = vector.broadcast %broadcast_in_dim3A_1329 : i32 to vector<16xi32>
        %gather3A_1331 = tpu.vector_load_idx %arg9[%add3A_1305, %broadcast_in_dim3A_1330] : memref<1600x8xf32, #tpu.memory_space<vmem>>[vector<16xi32>, vector<16xi32>], vector<16xf32>,
        %broadcast_in_dim3A_1332 = arith.constant 2 : i32
        %broadcast_in_dim3A_1333 = vector.broadcast %broadcast_in_dim3A_1332 : i32 to vector<16xi32>
        %gather3A_1334 = tpu.vector_load_idx %arg9[%add3A_1305, %broadcast_in_dim3A_1333] : memref<1600x8xf32, #tpu.memory_space<vmem>>[vector<16xi32>, vector<16xi32>], vector<16xf32>,
        %sub3A = arith.subf %gather3A, %gather3A_1328 : vector<16xf32>
        %sub3A_1335 = arith.subf %gather3A_1310, %gather3A_1331 : vector<16xf32>
        %sub3A_1336 = arith.subf %gather3A_1313, %gather3A_1334 : vector<16xf32>
        %mul3A_1337 = arith.mulf %sub3A, %sub3A : vector<16xf32>
        %mul3A_1338 = arith.mulf %sub3A_1335, %sub3A_1335 : vector<16xf32>
        %add3A_1339 = arith.addf %mul3A_1337, %mul3A_1338 : vector<16xf32>
        %mul3A_1340 = arith.mulf %sub3A_1336, %sub3A_1336 : vector<16xf32>
        %add3A_1341 = arith.addf %add3A_1339, %mul3A_1340 : vector<16xf32>
        %mul3A_1342 = arith.mulf %sub3A, %gather3A_1316 : vector<16xf32>
        %mul3A_1343 = arith.mulf %sub3A_1335, %gather3A_1319 : vector<16xf32>
        %add3A_1344 = arith.addf %mul3A_1342, %mul3A_1343 : vector<16xf32>
        %mul3A_1345 = arith.mulf %sub3A_1336, %gather3A_1322 : vector<16xf32>
        %add3A_1346 = arith.addf %add3A_1344, %mul3A_1345 : vector<16xf32>
        %mul3A_1347 = arith.mulf %add3A_1346, %add3A_1346 : vector<16xf32>
        %mul3A_1348 = arith.mulf %mul3A_1347, %gather3A_1325 : vector<16xf32>
        %max3A = arith.constant 1.000000e-24 : f32
        %max3A_1349 = vector.broadcast %max3A : f32 to vector<16xf32>
        %max3A_1350 = arith.maximumf %add3A_1341, %max3A_1349 : vector<16xf32>
        %div3A = arith.divf %mul3A_1348, %max3A_1350 : vector<16xf32>
        %mul3A_1351 = arith.constant 16 : i32
        %mul3A_1352 = arith.muli %scan3A_1299, %mul3A_1351 : i32
        %get3A = arith.index_cast %mul3A_1352 : i32 to index
        %get3A_1353 = tpu.vector_load %arg6[%get3A] {strides = array<i32>} : memref<1600xi32, #tpu.memory_space<vmem>>, vector<16xi32>,
        %mul3A_1354 = arith.constant 16 : i32
        %mul3A_1355 = arith.muli %scan3A_1299, %mul3A_1354 : i32
        %get3A_1356 = arith.index_cast %mul3A_1355 : i32 to index
        %get3A_1357 = tpu.vector_load %arg7[%get3A_1356] {strides = array<i32>} : memref<1600xi32, #tpu.memory_space<vmem>>, vector<16xi32>,
        %ne3A = arith.constant 0 : i32
        %ne3A_1358 = vector.broadcast %ne3A : i32 to vector<16xi32>
        %ne3A_1359 = arith.cmpi ne, %get3A_1353, %ne3A_1358 : vector<16xi32>
        %ne3A_1360 = arith.constant 0 : i32
        %ne3A_1361 = vector.broadcast %ne3A_1360 : i32 to vector<16xi32>
        %ne3A_1362 = arith.cmpi ne, %get3A_1357, %ne3A_1361 : vector<16xi32>
        %or3A = arith.ori %ne3A_1359, %ne3A_1362 : vector<16xi1>
        %jit3A = arith.constant 0.000000e+00 : f32
        %broadcast_in_dim3A_1363 = vector.broadcast %jit3A : f32 to vector<16xf32>
        %select_n3A = arith.select %or3A, %div3A, %broadcast_in_dim3A_1363 : vector<16xi1>, vector<16xf32>
        %add3A_1364 = arith.addf %scan3A_1300, %select_n3A : vector<16xf32>
        %jit3A_1365 = arith.constant 1.000000e+00 : f32
        %jit3A_1366 = arith.constant 0.000000e+00 : f32
        %broadcast_in_dim3A_1367 = vector.broadcast %jit3A_1365 : f32 to vector<16xf32>
        %broadcast_in_dim3A_1368 = vector.broadcast %jit3A_1366 : f32 to vector<16xf32>
        %select_n3A_1369 = arith.select %or3A, %broadcast_in_dim3A_1367, %broadcast_in_dim3A_1368 : vector<16xi1>, vector<16xf32>
        %add3A_1370 = arith.addf %scan3A_1301, %select_n3A_1369 : vector<16xf32>
        scf.yield %add3A_1364, %add3A_1370 : vector<16xf32>, vector<16xf32>
      }
      %scan3A_869 = arith.constant 100 : i32
      %add3A_870 = arith.constant 2 : i32
      %add3A_871 = arith.addi %mul3A_440, %add3A_870 : i32
      %mul3A_872 = arith.constant 1600 : i32
      %mul3A_873 = arith.muli %add3A_871, %mul3A_872 : i32
      %add3A_874 = arith.addi %mul3A_2, %mul3A_873 : i32
      "tpu.region"() ({
        %run_scoped3A = tpu.sem_alloc : memref<!tpu.dma_semaphore, #tpu.memory_space<semaphore_mem>>
        %dma_start3A_1299 = tpu.memref_slice %arg3[%add3A_874] : memref<12800000xi32, #tpu.memory_space<hbm>> -> memref<1600xi32, #tpu.memory_space<hbm>>
        %dma_start3A_1300 = tpu.memref_slice %arg3[%add3A_874] : memref<12800000xi32, #tpu.memory_space<hbm>> -> memref<1600xi32, #tpu.memory_space<hbm>>
        tpu.enqueue_dma source(%dma_start3A_1300 : memref<1600xi32, #tpu.memory_space<hbm>>) target(%arg6 : memref<1600xi32, #tpu.memory_space<vmem>>) target_semaphore(%run_scoped3A : memref<!tpu.dma_semaphore, #tpu.memory_space<semaphore_mem>>)
        %dma_wait3A_1301 = tpu.memref_slice %arg3[%add3A_874] : memref<12800000xi32, #tpu.memory_space<hbm>> -> memref<1600xi32, #tpu.memory_space<hbm>>
        %dma_wait3A_1302 = tpu.memref_slice %arg3[%add3A_874] : memref<12800000xi32, #tpu.memory_space<hbm>> -> memref<1600xi32, #tpu.memory_space<hbm>>
        tpu.wait_dma2 semaphore(%run_scoped3A : memref<!tpu.dma_semaphore, #tpu.memory_space<semaphore_mem>>) src(%dma_wait3A_1302 : memref<1600xi32, #tpu.memory_space<hbm>>) dst(%arg6 : memref<1600xi32, #tpu.memory_space<vmem>>)
        tpu.yield
      }) : () -> ()
      %add3A_875 = arith.constant 6400000 : i32
      %add3A_876 = arith.addi %add3A_875, %add3A_874 : i32
      "tpu.region"() ({
        %run_scoped3A = tpu.sem_alloc : memref<!tpu.dma_semaphore, #tpu.memory_space<semaphore_mem>>
        %dma_start3A_1299 = tpu.memref_slice %arg3[%add3A_876] : memref<12800000xi32, #tpu.memory_space<hbm>> -> memref<1600xi32, #tpu.memory_space<hbm>>
        %dma_start3A_1300 = tpu.memref_slice %arg3[%add3A_876] : memref<12800000xi32, #tpu.memory_space<hbm>> -> memref<1600xi32, #tpu.memory_space<hbm>>
        tpu.enqueue_dma source(%dma_start3A_1300 : memref<1600xi32, #tpu.memory_space<hbm>>) target(%arg7 : memref<1600xi32, #tpu.memory_space<vmem>>) target_semaphore(%run_scoped3A : memref<!tpu.dma_semaphore, #tpu.memory_space<semaphore_mem>>)
        %dma_wait3A_1301 = tpu.memref_slice %arg3[%add3A_876] : memref<12800000xi32, #tpu.memory_space<hbm>> -> memref<1600xi32, #tpu.memory_space<hbm>>
        %dma_wait3A_1302 = tpu.memref_slice %arg3[%add3A_876] : memref<12800000xi32, #tpu.memory_space<hbm>> -> memref<1600xi32, #tpu.memory_space<hbm>>
        tpu.wait_dma2 semaphore(%run_scoped3A : memref<!tpu.dma_semaphore, #tpu.memory_space<semaphore_mem>>) src(%dma_wait3A_1302 : memref<1600xi32, #tpu.memory_space<hbm>>) dst(%arg7 : memref<1600xi32, #tpu.memory_space<vmem>>)
        tpu.yield
      }) : () -> ()
      %dma_start3A_877 = arith.constant 0 : i32
      %dma_start3A_878 = arith.constant 0 : i32
      %dma_start3A_879 = tpu.memref_slice %arg8[%dma_start3A_877, %dma_start3A_878] : memref<1600x8xf32, #tpu.memory_space<vmem>> -> memref<128x8xf32, #tpu.memory_space<vmem>>
      %dma_start3A_880 = arith.constant 0 : i32
      %dma_start3A_881 = tpu.memref_slice %arg6[%dma_start3A_880] : memref<1600xi32, #tpu.memory_space<vmem>> -> memref<128xi32, #tpu.memory_space<vmem>>
      %dma_start3A_882 = arith.constant 0 : i32
      %dma_start3A_883 = arith.constant 0 : i32
      %dma_start3A_884 = tpu.memref_slice %arg2[%dma_start3A_882, %dma_start3A_883] : memref<102400x8xf32, #tpu.memory_space<hbm>> -> memref<102400x8xf32, #tpu.memory_space<hbm>>
      tpu.enqueue_indirect_dma source(%dma_start3A_884 : memref<102400x8xf32, #tpu.memory_space<hbm>>) target(%dma_start3A_879 : memref<128x8xf32, #tpu.memory_space<vmem>>) offsets(%dma_start3A_881 : memref<128xi32, #tpu.memory_space<vmem>>) semaphore(%arg16 : memref<!tpu.dma_semaphore, #tpu.memory_space<semaphore_mem>>)
      %dma_start3A_885 = arith.constant 0 : i32
      %dma_start3A_886 = arith.constant 0 : i32
      %dma_start3A_887 = tpu.memref_slice %arg9[%dma_start3A_885, %dma_start3A_886] : memref<1600x8xf32, #tpu.memory_space<vmem>> -> memref<128x8xf32, #tpu.memory_space<vmem>>
      %dma_start3A_888 = arith.constant 0 : i32
      %dma_start3A_889 = tpu.memref_slice %arg7[%dma_start3A_888] : memref<1600xi32, #tpu.memory_space<vmem>> -> memref<128xi32, #tpu.memory_space<vmem>>
      %dma_start3A_890 = arith.constant 0 : i32
      %dma_start3A_891 = arith.constant 0 : i32
      %dma_start3A_892 = tpu.memref_slice %arg2[%dma_start3A_890, %dma_start3A_891] : memref<102400x8xf32, #tpu.memory_space<hbm>> -> memref<102400x8xf32, #tpu.memory_space<hbm>>
      tpu.enqueue_indirect_dma source(%dma_start3A_892 : memref<102400x8xf32, #tpu.memory_space<hbm>>) target(%dma_start3A_887 : memref<128x8xf32, #tpu.memory_space<vmem>>) offsets(%dma_start3A_889 : memref<128xi32, #tpu.memory_space<vmem>>) semaphore(%arg16 : memref<!tpu.dma_semaphore, #tpu.memory_space<semaphore_mem>>)
      %dma_start3A_893 = arith.constant 128 : i32
      %dma_start3A_894 = arith.constant 0 : i32
      %dma_start3A_895 = tpu.memref_slice %arg8[%dma_start3A_893, %dma_start3A_894] : memref<1600x8xf32, #tpu.memory_space<vmem>> -> memref<128x8xf32, #tpu.memory_space<vmem>>
      %dma_start3A_896 = arith.constant 128 : i32
      %dma_start3A_897 = tpu.memref_slice %arg6[%dma_start3A_896] : memref<1600xi32, #tpu.memory_space<vmem>> -> memref<128xi32, #tpu.memory_space<vmem>>
      %dma_start3A_898 = arith.constant 0 : i32
      %dma_start3A_899 = arith.constant 0 : i32
      %dma_start3A_900 = tpu.memref_slice %arg2[%dma_start3A_898, %dma_start3A_899] : memref<102400x8xf32, #tpu.memory_space<hbm>> -> memref<102400x8xf32, #tpu.memory_space<hbm>>
      tpu.enqueue_indirect_dma source(%dma_start3A_900 : memref<102400x8xf32, #tpu.memory_space<hbm>>) target(%dma_start3A_895 : memref<128x8xf32, #tpu.memory_space<vmem>>) offsets(%dma_start3A_897 : memref<128xi32, #tpu.memory_space<vmem>>) semaphore(%arg16 : memref<!tpu.dma_semaphore, #tpu.memory_space<semaphore_mem>>)
      %dma_start3A_901 = arith.constant 128 : i32
      %dma_start3A_902 = arith.constant 0 : i32
      %dma_start3A_903 = tpu.memref_slice %arg9[%dma_start3A_901, %dma_start3A_902] : memref<1600x8xf32, #tpu.memory_space<vmem>> -> memref<128x8xf32, #tpu.memory_space<vmem>>
      %dma_start3A_904 = arith.constant 128 : i32
      %dma_start3A_905 = tpu.memref_slice %arg7[%dma_start3A_904] : memref<1600xi32, #tpu.memory_space<vmem>> -> memref<128xi32, #tpu.memory_space<vmem>>
      %dma_start3A_906 = arith.constant 0 : i32
      %dma_start3A_907 = arith.constant 0 : i32
      %dma_start3A_908 = tpu.memref_slice %arg2[%dma_start3A_906, %dma_start3A_907] : memref<102400x8xf32, #tpu.memory_space<hbm>> -> memref<102400x8xf32, #tpu.memory_space<hbm>>
      tpu.enqueue_indirect_dma source(%dma_start3A_908 : memref<102400x8xf32, #tpu.memory_space<hbm>>) target(%dma_start3A_903 : memref<128x8xf32, #tpu.memory_space<vmem>>) offsets(%dma_start3A_905 : memref<128xi32, #tpu.memory_space<vmem>>) semaphore(%arg16 : memref<!tpu.dma_semaphore, #tpu.memory_space<semaphore_mem>>)
      %dma_start3A_909 = arith.constant 256 : i32
      %dma_start3A_910 = arith.constant 0 : i32
      %dma_start3A_911 = tpu.memref_slice %arg8[%dma_start3A_909, %dma_start3A_910] : memref<1600x8xf32, #tpu.memory_space<vmem>> -> memref<128x8xf32, #tpu.memory_space<vmem>>
      %dma_start3A_912 = arith.constant 256 : i32
      %dma_start3A_913 = tpu.memref_slice %arg6[%dma_start3A_912] : memref<1600xi32, #tpu.memory_space<vmem>> -> memref<128xi32, #tpu.memory_space<vmem>>
      %dma_start3A_914 = arith.constant 0 : i32
      %dma_start3A_915 = arith.constant 0 : i32
      %dma_start3A_916 = tpu.memref_slice %arg2[%dma_start3A_914, %dma_start3A_915] : memref<102400x8xf32, #tpu.memory_space<hbm>> -> memref<102400x8xf32, #tpu.memory_space<hbm>>
      tpu.enqueue_indirect_dma source(%dma_start3A_916 : memref<102400x8xf32, #tpu.memory_space<hbm>>) target(%dma_start3A_911 : memref<128x8xf32, #tpu.memory_space<vmem>>) offsets(%dma_start3A_913 : memref<128xi32, #tpu.memory_space<vmem>>) semaphore(%arg16 : memref<!tpu.dma_semaphore, #tpu.memory_space<semaphore_mem>>)
      %dma_start3A_917 = arith.constant 256 : i32
      %dma_start3A_918 = arith.constant 0 : i32
      %dma_start3A_919 = tpu.memref_slice %arg9[%dma_start3A_917, %dma_start3A_918] : memref<1600x8xf32, #tpu.memory_space<vmem>> -> memref<128x8xf32, #tpu.memory_space<vmem>>
      %dma_start3A_920 = arith.constant 256 : i32
      %dma_start3A_921 = tpu.memref_slice %arg7[%dma_start3A_920] : memref<1600xi32, #tpu.memory_space<vmem>> -> memref<128xi32, #tpu.memory_space<vmem>>
      %dma_start3A_922 = arith.constant 0 : i32
      %dma_start3A_923 = arith.constant 0 : i32
      %dma_start3A_924 = tpu.memref_slice %arg2[%dma_start3A_922, %dma_start3A_923] : memref<102400x8xf32, #tpu.memory_space<hbm>> -> memref<102400x8xf32, #tpu.memory_space<hbm>>
      tpu.enqueue_indirect_dma source(%dma_start3A_924 : memref<102400x8xf32, #tpu.memory_space<hbm>>) target(%dma_start3A_919 : memref<128x8xf32, #tpu.memory_space<vmem>>) offsets(%dma_start3A_921 : memref<128xi32, #tpu.memory_space<vmem>>) semaphore(%arg16 : memref<!tpu.dma_semaphore, #tpu.memory_space<semaphore_mem>>)
      %dma_start3A_925 = arith.constant 384 : i32
      %dma_start3A_926 = arith.constant 0 : i32
      %dma_start3A_927 = tpu.memref_slice %arg8[%dma_start3A_925, %dma_start3A_926] : memref<1600x8xf32, #tpu.memory_space<vmem>> -> memref<128x8xf32, #tpu.memory_space<vmem>>
      %dma_start3A_928 = arith.constant 384 : i32
      %dma_start3A_929 = tpu.memref_slice %arg6[%dma_start3A_928] : memref<1600xi32, #tpu.memory_space<vmem>> -> memref<128xi32, #tpu.memory_space<vmem>>
      %dma_start3A_930 = arith.constant 0 : i32
      %dma_start3A_931 = arith.constant 0 : i32
      %dma_start3A_932 = tpu.memref_slice %arg2[%dma_start3A_930, %dma_start3A_931] : memref<102400x8xf32, #tpu.memory_space<hbm>> -> memref<102400x8xf32, #tpu.memory_space<hbm>>
      tpu.enqueue_indirect_dma source(%dma_start3A_932 : memref<102400x8xf32, #tpu.memory_space<hbm>>) target(%dma_start3A_927 : memref<128x8xf32, #tpu.memory_space<vmem>>) offsets(%dma_start3A_929 : memref<128xi32, #tpu.memory_space<vmem>>) semaphore(%arg16 : memref<!tpu.dma_semaphore, #tpu.memory_space<semaphore_mem>>)
      %dma_start3A_933 = arith.constant 384 : i32
      %dma_start3A_934 = arith.constant 0 : i32
      %dma_start3A_935 = tpu.memref_slice %arg9[%dma_start3A_933, %dma_start3A_934] : memref<1600x8xf32, #tpu.memory_space<vmem>> -> memref<128x8xf32, #tpu.memory_space<vmem>>
      %dma_start3A_936 = arith.constant 384 : i32
      %dma_start3A_937 = tpu.memref_slice %arg7[%dma_start3A_936] : memref<1600xi32, #tpu.memory_space<vmem>> -> memref<128xi32, #tpu.memory_space<vmem>>
      %dma_start3A_938 = arith.constant 0 : i32
      %dma_start3A_939 = arith.constant 0 : i32
      %dma_start3A_940 = tpu.memref_slice %arg2[%dma_start3A_938, %dma_start3A_939] : memref<102400x8xf32, #tpu.memory_space<hbm>> -> memref<102400x8xf32, #tpu.memory_space<hbm>>
      tpu.enqueue_indirect_dma source(%dma_start3A_940 : memref<102400x8xf32, #tpu.memory_space<hbm>>) target(%dma_start3A_935 : memref<128x8xf32, #tpu.memory_space<vmem>>) offsets(%dma_start3A_937 : memref<128xi32, #tpu.memory_space<vmem>>) semaphore(%arg16 : memref<!tpu.dma_semaphore, #tpu.memory_space<semaphore_mem>>)
      %dma_start3A_941 = arith.constant 512 : i32
      %dma_start3A_942 = arith.constant 0 : i32
      %dma_start3A_943 = tpu.memref_slice %arg8[%dma_start3A_941, %dma_start3A_942] : memref<1600x8xf32, #tpu.memory_space<vmem>> -> memref<128x8xf32, #tpu.memory_space<vmem>>
      %dma_start3A_944 = arith.constant 512 : i32
      %dma_start3A_945 = tpu.memref_slice %arg6[%dma_start3A_944] : memref<1600xi32, #tpu.memory_space<vmem>> -> memref<128xi32, #tpu.memory_space<vmem>>
      %dma_start3A_946 = arith.constant 0 : i32
      %dma_start3A_947 = arith.constant 0 : i32
      %dma_start3A_948 = tpu.memref_slice %arg2[%dma_start3A_946, %dma_start3A_947] : memref<102400x8xf32, #tpu.memory_space<hbm>> -> memref<102400x8xf32, #tpu.memory_space<hbm>>
      tpu.enqueue_indirect_dma source(%dma_start3A_948 : memref<102400x8xf32, #tpu.memory_space<hbm>>) target(%dma_start3A_943 : memref<128x8xf32, #tpu.memory_space<vmem>>) offsets(%dma_start3A_945 : memref<128xi32, #tpu.memory_space<vmem>>) semaphore(%arg16 : memref<!tpu.dma_semaphore, #tpu.memory_space<semaphore_mem>>)
      %dma_start3A_949 = arith.constant 512 : i32
      %dma_start3A_950 = arith.constant 0 : i32
      %dma_start3A_951 = tpu.memref_slice %arg9[%dma_start3A_949, %dma_start3A_950] : memref<1600x8xf32, #tpu.memory_space<vmem>> -> memref<128x8xf32, #tpu.memory_space<vmem>>
      %dma_start3A_952 = arith.constant 512 : i32
      %dma_start3A_953 = tpu.memref_slice %arg7[%dma_start3A_952] : memref<1600xi32, #tpu.memory_space<vmem>> -> memref<128xi32, #tpu.memory_space<vmem>>
      %dma_start3A_954 = arith.constant 0 : i32
      %dma_start3A_955 = arith.constant 0 : i32
      %dma_start3A_956 = tpu.memref_slice %arg2[%dma_start3A_954, %dma_start3A_955] : memref<102400x8xf32, #tpu.memory_space<hbm>> -> memref<102400x8xf32, #tpu.memory_space<hbm>>
      tpu.enqueue_indirect_dma source(%dma_start3A_956 : memref<102400x8xf32, #tpu.memory_space<hbm>>) target(%dma_start3A_951 : memref<128x8xf32, #tpu.memory_space<vmem>>) offsets(%dma_start3A_953 : memref<128xi32, #tpu.memory_space<vmem>>) semaphore(%arg16 : memref<!tpu.dma_semaphore, #tpu.memory_space<semaphore_mem>>)
      %dma_start3A_957 = arith.constant 640 : i32
      %dma_start3A_958 = arith.constant 0 : i32
      %dma_start3A_959 = tpu.memref_slice %arg8[%dma_start3A_957, %dma_start3A_958] : memref<1600x8xf32, #tpu.memory_space<vmem>> -> memref<128x8xf32, #tpu.memory_space<vmem>>
      %dma_start3A_960 = arith.constant 640 : i32
      %dma_start3A_961 = tpu.memref_slice %arg6[%dma_start3A_960] : memref<1600xi32, #tpu.memory_space<vmem>> -> memref<128xi32, #tpu.memory_space<vmem>>
      %dma_start3A_962 = arith.constant 0 : i32
      %dma_start3A_963 = arith.constant 0 : i32
      %dma_start3A_964 = tpu.memref_slice %arg2[%dma_start3A_962, %dma_start3A_963] : memref<102400x8xf32, #tpu.memory_space<hbm>> -> memref<102400x8xf32, #tpu.memory_space<hbm>>
      tpu.enqueue_indirect_dma source(%dma_start3A_964 : memref<102400x8xf32, #tpu.memory_space<hbm>>) target(%dma_start3A_959 : memref<128x8xf32, #tpu.memory_space<vmem>>) offsets(%dma_start3A_961 : memref<128xi32, #tpu.memory_space<vmem>>) semaphore(%arg16 : memref<!tpu.dma_semaphore, #tpu.memory_space<semaphore_mem>>)
      %dma_start3A_965 = arith.constant 640 : i32
      %dma_start3A_966 = arith.constant 0 : i32
      %dma_start3A_967 = tpu.memref_slice %arg9[%dma_start3A_965, %dma_start3A_966] : memref<1600x8xf32, #tpu.memory_space<vmem>> -> memref<128x8xf32, #tpu.memory_space<vmem>>
      %dma_start3A_968 = arith.constant 640 : i32
      %dma_start3A_969 = tpu.memref_slice %arg7[%dma_start3A_968] : memref<1600xi32, #tpu.memory_space<vmem>> -> memref<128xi32, #tpu.memory_space<vmem>>
      %dma_start3A_970 = arith.constant 0 : i32
      %dma_start3A_971 = arith.constant 0 : i32
      %dma_start3A_972 = tpu.memref_slice %arg2[%dma_start3A_970, %dma_start3A_971] : memref<102400x8xf32, #tpu.memory_space<hbm>> -> memref<102400x8xf32, #tpu.memory_space<hbm>>
      tpu.enqueue_indirect_dma source(%dma_start3A_972 : memref<102400x8xf32, #tpu.memory_space<hbm>>) target(%dma_start3A_967 : memref<128x8xf32, #tpu.memory_space<vmem>>) offsets(%dma_start3A_969 : memref<128xi32, #tpu.memory_space<vmem>>) semaphore(%arg16 : memref<!tpu.dma_semaphore, #tpu.memory_space<semaphore_mem>>)
      %dma_start3A_973 = arith.constant 768 : i32
      %dma_start3A_974 = arith.constant 0 : i32
      %dma_start3A_975 = tpu.memref_slice %arg8[%dma_start3A_973, %dma_start3A_974] : memref<1600x8xf32, #tpu.memory_space<vmem>> -> memref<128x8xf32, #tpu.memory_space<vmem>>
      %dma_start3A_976 = arith.constant 768 : i32
      %dma_start3A_977 = tpu.memref_slice %arg6[%dma_start3A_976] : memref<1600xi32, #tpu.memory_space<vmem>> -> memref<128xi32, #tpu.memory_space<vmem>>
      %dma_start3A_978 = arith.constant 0 : i32
      %dma_start3A_979 = arith.constant 0 : i32
      %dma_start3A_980 = tpu.memref_slice %arg2[%dma_start3A_978, %dma_start3A_979] : memref<102400x8xf32, #tpu.memory_space<hbm>> -> memref<102400x8xf32, #tpu.memory_space<hbm>>
      tpu.enqueue_indirect_dma source(%dma_start3A_980 : memref<102400x8xf32, #tpu.memory_space<hbm>>) target(%dma_start3A_975 : memref<128x8xf32, #tpu.memory_space<vmem>>) offsets(%dma_start3A_977 : memref<128xi32, #tpu.memory_space<vmem>>) semaphore(%arg16 : memref<!tpu.dma_semaphore, #tpu.memory_space<semaphore_mem>>)
      %dma_start3A_981 = arith.constant 768 : i32
      %dma_start3A_982 = arith.constant 0 : i32
      %dma_start3A_983 = tpu.memref_slice %arg9[%dma_start3A_981, %dma_start3A_982] : memref<1600x8xf32, #tpu.memory_space<vmem>> -> memref<128x8xf32, #tpu.memory_space<vmem>>
      %dma_start3A_984 = arith.constant 768 : i32
      %dma_start3A_985 = tpu.memref_slice %arg7[%dma_start3A_984] : memref<1600xi32, #tpu.memory_space<vmem>> -> memref<128xi32, #tpu.memory_space<vmem>>
      %dma_start3A_986 = arith.constant 0 : i32
      %dma_start3A_987 = arith.constant 0 : i32
      %dma_start3A_988 = tpu.memref_slice %arg2[%dma_start3A_986, %dma_start3A_987] : memref<102400x8xf32, #tpu.memory_space<hbm>> -> memref<102400x8xf32, #tpu.memory_space<hbm>>
      tpu.enqueue_indirect_dma source(%dma_start3A_988 : memref<102400x8xf32, #tpu.memory_space<hbm>>) target(%dma_start3A_983 : memref<128x8xf32, #tpu.memory_space<vmem>>) offsets(%dma_start3A_985 : memref<128xi32, #tpu.memory_space<vmem>>) semaphore(%arg16 : memref<!tpu.dma_semaphore, #tpu.memory_space<semaphore_mem>>)
      %dma_start3A_989 = arith.constant 896 : i32
      %dma_start3A_990 = arith.constant 0 : i32
      %dma_start3A_991 = tpu.memref_slice %arg8[%dma_start3A_989, %dma_start3A_990] : memref<1600x8xf32, #tpu.memory_space<vmem>> -> memref<128x8xf32, #tpu.memory_space<vmem>>
      %dma_start3A_992 = arith.constant 896 : i32
      %dma_start3A_993 = tpu.memref_slice %arg6[%dma_start3A_992] : memref<1600xi32, #tpu.memory_space<vmem>> -> memref<128xi32, #tpu.memory_space<vmem>>
      %dma_start3A_994 = arith.constant 0 : i32
      %dma_start3A_995 = arith.constant 0 : i32
      %dma_start3A_996 = tpu.memref_slice %arg2[%dma_start3A_994, %dma_start3A_995] : memref<102400x8xf32, #tpu.memory_space<hbm>> -> memref<102400x8xf32, #tpu.memory_space<hbm>>
      tpu.enqueue_indirect_dma source(%dma_start3A_996 : memref<102400x8xf32, #tpu.memory_space<hbm>>) target(%dma_start3A_991 : memref<128x8xf32, #tpu.memory_space<vmem>>) offsets(%dma_start3A_993 : memref<128xi32, #tpu.memory_space<vmem>>) semaphore(%arg16 : memref<!tpu.dma_semaphore, #tpu.memory_space<semaphore_mem>>)
      %dma_start3A_997 = arith.constant 896 : i32
      %dma_start3A_998 = arith.constant 0 : i32
      %dma_start3A_999 = tpu.memref_slice %arg9[%dma_start3A_997, %dma_start3A_998] : memref<1600x8xf32, #tpu.memory_space<vmem>> -> memref<128x8xf32, #tpu.memory_space<vmem>>
      %dma_start3A_1000 = arith.constant 896 : i32
      %dma_start3A_1001 = tpu.memref_slice %arg7[%dma_start3A_1000] : memref<1600xi32, #tpu.memory_space<vmem>> -> memref<128xi32, #tpu.memory_space<vmem>>
      %dma_start3A_1002 = arith.constant 0 : i32
      %dma_start3A_1003 = arith.constant 0 : i32
      %dma_start3A_1004 = tpu.memref_slice %arg2[%dma_start3A_1002, %dma_start3A_1003] : memref<102400x8xf32, #tpu.memory_space<hbm>> -> memref<102400x8xf32, #tpu.memory_space<hbm>>
      tpu.enqueue_indirect_dma source(%dma_start3A_1004 : memref<102400x8xf32, #tpu.memory_space<hbm>>) target(%dma_start3A_999 : memref<128x8xf32, #tpu.memory_space<vmem>>) offsets(%dma_start3A_1001 : memref<128xi32, #tpu.memory_space<vmem>>) semaphore(%arg16 : memref<!tpu.dma_semaphore, #tpu.memory_space<semaphore_mem>>)
      %dma_start3A_1005 = arith.constant 1024 : i32
      %dma_start3A_1006 = arith.constant 0 : i32
      %dma_start3A_1007 = tpu.memref_slice %arg8[%dma_start3A_1005, %dma_start3A_1006] : memref<1600x8xf32, #tpu.memory_space<vmem>> -> memref<128x8xf32, #tpu.memory_space<vmem>>
      %dma_start3A_1008 = arith.constant 1024 : i32
      %dma_start3A_1009 = tpu.memref_slice %arg6[%dma_start3A_1008] : memref<1600xi32, #tpu.memory_space<vmem>> -> memref<128xi32, #tpu.memory_space<vmem>>
      %dma_start3A_1010 = arith.constant 0 : i32
      %dma_start3A_1011 = arith.constant 0 : i32
      %dma_start3A_1012 = tpu.memref_slice %arg2[%dma_start3A_1010, %dma_start3A_1011] : memref<102400x8xf32, #tpu.memory_space<hbm>> -> memref<102400x8xf32, #tpu.memory_space<hbm>>
      tpu.enqueue_indirect_dma source(%dma_start3A_1012 : memref<102400x8xf32, #tpu.memory_space<hbm>>) target(%dma_start3A_1007 : memref<128x8xf32, #tpu.memory_space<vmem>>) offsets(%dma_start3A_1009 : memref<128xi32, #tpu.memory_space<vmem>>) semaphore(%arg16 : memref<!tpu.dma_semaphore, #tpu.memory_space<semaphore_mem>>)
      %dma_start3A_1013 = arith.constant 1024 : i32
      %dma_start3A_1014 = arith.constant 0 : i32
      %dma_start3A_1015 = tpu.memref_slice %arg9[%dma_start3A_1013, %dma_start3A_1014] : memref<1600x8xf32, #tpu.memory_space<vmem>> -> memref<128x8xf32, #tpu.memory_space<vmem>>
      %dma_start3A_1016 = arith.constant 1024 : i32
      %dma_start3A_1017 = tpu.memref_slice %arg7[%dma_start3A_1016] : memref<1600xi32, #tpu.memory_space<vmem>> -> memref<128xi32, #tpu.memory_space<vmem>>
      %dma_start3A_1018 = arith.constant 0 : i32
      %dma_start3A_1019 = arith.constant 0 : i32
      %dma_start3A_1020 = tpu.memref_slice %arg2[%dma_start3A_1018, %dma_start3A_1019] : memref<102400x8xf32, #tpu.memory_space<hbm>> -> memref<102400x8xf32, #tpu.memory_space<hbm>>
      tpu.enqueue_indirect_dma source(%dma_start3A_1020 : memref<102400x8xf32, #tpu.memory_space<hbm>>) target(%dma_start3A_1015 : memref<128x8xf32, #tpu.memory_space<vmem>>) offsets(%dma_start3A_1017 : memref<128xi32, #tpu.memory_space<vmem>>) semaphore(%arg16 : memref<!tpu.dma_semaphore, #tpu.memory_space<semaphore_mem>>)
      %dma_start3A_1021 = arith.constant 1152 : i32
      %dma_start3A_1022 = arith.constant 0 : i32
      %dma_start3A_1023 = tpu.memref_slice %arg8[%dma_start3A_1021, %dma_start3A_1022] : memref<1600x8xf32, #tpu.memory_space<vmem>> -> memref<128x8xf32, #tpu.memory_space<vmem>>
      %dma_start3A_1024 = arith.constant 1152 : i32
      %dma_start3A_1025 = tpu.memref_slice %arg6[%dma_start3A_1024] : memref<1600xi32, #tpu.memory_space<vmem>> -> memref<128xi32, #tpu.memory_space<vmem>>
      %dma_start3A_1026 = arith.constant 0 : i32
      %dma_start3A_1027 = arith.constant 0 : i32
      %dma_start3A_1028 = tpu.memref_slice %arg2[%dma_start3A_1026, %dma_start3A_1027] : memref<102400x8xf32, #tpu.memory_space<hbm>> -> memref<102400x8xf32, #tpu.memory_space<hbm>>
      tpu.enqueue_indirect_dma source(%dma_start3A_1028 : memref<102400x8xf32, #tpu.memory_space<hbm>>) target(%dma_start3A_1023 : memref<128x8xf32, #tpu.memory_space<vmem>>) offsets(%dma_start3A_1025 : memref<128xi32, #tpu.memory_space<vmem>>) semaphore(%arg16 : memref<!tpu.dma_semaphore, #tpu.memory_space<semaphore_mem>>)
      %dma_start3A_1029 = arith.constant 1152 : i32
      %dma_start3A_1030 = arith.constant 0 : i32
      %dma_start3A_1031 = tpu.memref_slice %arg9[%dma_start3A_1029, %dma_start3A_1030] : memref<1600x8xf32, #tpu.memory_space<vmem>> -> memref<128x8xf32, #tpu.memory_space<vmem>>
      %dma_start3A_1032 = arith.constant 1152 : i32
      %dma_start3A_1033 = tpu.memref_slice %arg7[%dma_start3A_1032] : memref<1600xi32, #tpu.memory_space<vmem>> -> memref<128xi32, #tpu.memory_space<vmem>>
      %dma_start3A_1034 = arith.constant 0 : i32
      %dma_start3A_1035 = arith.constant 0 : i32
      %dma_start3A_1036 = tpu.memref_slice %arg2[%dma_start3A_1034, %dma_start3A_1035] : memref<102400x8xf32, #tpu.memory_space<hbm>> -> memref<102400x8xf32, #tpu.memory_space<hbm>>
      tpu.enqueue_indirect_dma source(%dma_start3A_1036 : memref<102400x8xf32, #tpu.memory_space<hbm>>) target(%dma_start3A_1031 : memref<128x8xf32, #tpu.memory_space<vmem>>) offsets(%dma_start3A_1033 : memref<128xi32, #tpu.memory_space<vmem>>) semaphore(%arg16 : memref<!tpu.dma_semaphore, #tpu.memory_space<semaphore_mem>>)
      %dma_start3A_1037 = arith.constant 1280 : i32
      %dma_start3A_1038 = arith.constant 0 : i32
      %dma_start3A_1039 = tpu.memref_slice %arg8[%dma_start3A_1037, %dma_start3A_1038] : memref<1600x8xf32, #tpu.memory_space<vmem>> -> memref<128x8xf32, #tpu.memory_space<vmem>>
      %dma_start3A_1040 = arith.constant 1280 : i32
      %dma_start3A_1041 = tpu.memref_slice %arg6[%dma_start3A_1040] : memref<1600xi32, #tpu.memory_space<vmem>> -> memref<128xi32, #tpu.memory_space<vmem>>
      %dma_start3A_1042 = arith.constant 0 : i32
      %dma_start3A_1043 = arith.constant 0 : i32
      %dma_start3A_1044 = tpu.memref_slice %arg2[%dma_start3A_1042, %dma_start3A_1043] : memref<102400x8xf32, #tpu.memory_space<hbm>> -> memref<102400x8xf32, #tpu.memory_space<hbm>>
      tpu.enqueue_indirect_dma source(%dma_start3A_1044 : memref<102400x8xf32, #tpu.memory_space<hbm>>) target(%dma_start3A_1039 : memref<128x8xf32, #tpu.memory_space<vmem>>) offsets(%dma_start3A_1041 : memref<128xi32, #tpu.memory_space<vmem>>) semaphore(%arg16 : memref<!tpu.dma_semaphore, #tpu.memory_space<semaphore_mem>>)
      %dma_start3A_1045 = arith.constant 1280 : i32
      %dma_start3A_1046 = arith.constant 0 : i32
      %dma_start3A_1047 = tpu.memref_slice %arg9[%dma_start3A_1045, %dma_start3A_1046] : memref<1600x8xf32, #tpu.memory_space<vmem>> -> memref<128x8xf32, #tpu.memory_space<vmem>>
      %dma_start3A_1048 = arith.constant 1280 : i32
      %dma_start3A_1049 = tpu.memref_slice %arg7[%dma_start3A_1048] : memref<1600xi32, #tpu.memory_space<vmem>> -> memref<128xi32, #tpu.memory_space<vmem>>
      %dma_start3A_1050 = arith.constant 0 : i32
      %dma_start3A_1051 = arith.constant 0 : i32
      %dma_start3A_1052 = tpu.memref_slice %arg2[%dma_start3A_1050, %dma_start3A_1051] : memref<102400x8xf32, #tpu.memory_space<hbm>> -> memref<102400x8xf32, #tpu.memory_space<hbm>>
      tpu.enqueue_indirect_dma source(%dma_start3A_1052 : memref<102400x8xf32, #tpu.memory_space<hbm>>) target(%dma_start3A_1047 : memref<128x8xf32, #tpu.memory_space<vmem>>) offsets(%dma_start3A_1049 : memref<128xi32, #tpu.memory_space<vmem>>) semaphore(%arg16 : memref<!tpu.dma_semaphore, #tpu.memory_space<semaphore_mem>>)
      %dma_start3A_1053 = arith.constant 1408 : i32
      %dma_start3A_1054 = arith.constant 0 : i32
      %dma_start3A_1055 = tpu.memref_slice %arg8[%dma_start3A_1053, %dma_start3A_1054] : memref<1600x8xf32, #tpu.memory_space<vmem>> -> memref<128x8xf32, #tpu.memory_space<vmem>>
      %dma_start3A_1056 = arith.constant 1408 : i32
      %dma_start3A_1057 = tpu.memref_slice %arg6[%dma_start3A_1056] : memref<1600xi32, #tpu.memory_space<vmem>> -> memref<128xi32, #tpu.memory_space<vmem>>
      %dma_start3A_1058 = arith.constant 0 : i32
      %dma_start3A_1059 = arith.constant 0 : i32
      %dma_start3A_1060 = tpu.memref_slice %arg2[%dma_start3A_1058, %dma_start3A_1059] : memref<102400x8xf32, #tpu.memory_space<hbm>> -> memref<102400x8xf32, #tpu.memory_space<hbm>>
      tpu.enqueue_indirect_dma source(%dma_start3A_1060 : memref<102400x8xf32, #tpu.memory_space<hbm>>) target(%dma_start3A_1055 : memref<128x8xf32, #tpu.memory_space<vmem>>) offsets(%dma_start3A_1057 : memref<128xi32, #tpu.memory_space<vmem>>) semaphore(%arg16 : memref<!tpu.dma_semaphore, #tpu.memory_space<semaphore_mem>>)
      %dma_start3A_1061 = arith.constant 1408 : i32
      %dma_start3A_1062 = arith.constant 0 : i32
      %dma_start3A_1063 = tpu.memref_slice %arg9[%dma_start3A_1061, %dma_start3A_1062] : memref<1600x8xf32, #tpu.memory_space<vmem>> -> memref<128x8xf32, #tpu.memory_space<vmem>>
      %dma_start3A_1064 = arith.constant 1408 : i32
      %dma_start3A_1065 = tpu.memref_slice %arg7[%dma_start3A_1064] : memref<1600xi32, #tpu.memory_space<vmem>> -> memref<128xi32, #tpu.memory_space<vmem>>
      %dma_start3A_1066 = arith.constant 0 : i32
      %dma_start3A_1067 = arith.constant 0 : i32
      %dma_start3A_1068 = tpu.memref_slice %arg2[%dma_start3A_1066, %dma_start3A_1067] : memref<102400x8xf32, #tpu.memory_space<hbm>> -> memref<102400x8xf32, #tpu.memory_space<hbm>>
      tpu.enqueue_indirect_dma source(%dma_start3A_1068 : memref<102400x8xf32, #tpu.memory_space<hbm>>) target(%dma_start3A_1063 : memref<128x8xf32, #tpu.memory_space<vmem>>) offsets(%dma_start3A_1065 : memref<128xi32, #tpu.memory_space<vmem>>) semaphore(%arg16 : memref<!tpu.dma_semaphore, #tpu.memory_space<semaphore_mem>>)
      %dma_start3A_1069 = arith.constant 1536 : i32
      %dma_start3A_1070 = arith.constant 0 : i32
      %dma_start3A_1071 = tpu.memref_slice %arg8[%dma_start3A_1069, %dma_start3A_1070] : memref<1600x8xf32, #tpu.memory_space<vmem>> -> memref<64x8xf32, #tpu.memory_space<vmem>>
      %dma_start3A_1072 = arith.constant 1536 : i32
      %dma_start3A_1073 = tpu.memref_slice %arg6[%dma_start3A_1072] : memref<1600xi32, #tpu.memory_space<vmem>> -> memref<64xi32, #tpu.memory_space<vmem>>
      %dma_start3A_1074 = arith.constant 0 : i32
      %dma_start3A_1075 = arith.constant 0 : i32
      %dma_start3A_1076 = tpu.memref_slice %arg2[%dma_start3A_1074, %dma_start3A_1075] : memref<102400x8xf32, #tpu.memory_space<hbm>> -> memref<102400x8xf32, #tpu.memory_space<hbm>>
      tpu.enqueue_indirect_dma source(%dma_start3A_1076 : memref<102400x8xf32, #tpu.memory_space<hbm>>) target(%dma_start3A_1071 : memref<64x8xf32, #tpu.memory_space<vmem>>) offsets(%dma_start3A_1073 : memref<64xi32, #tpu.memory_space<vmem>>) semaphore(%arg16 : memref<!tpu.dma_semaphore, #tpu.memory_space<semaphore_mem>>)
      %dma_start3A_1077 = arith.constant 1536 : i32
      %dma_start3A_1078 = arith.constant 0 : i32
      %dma_start3A_1079 = tpu.memref_slice %arg9[%dma_start3A_1077, %dma_start3A_1078] : memref<1600x8xf32, #tpu.memory_space<vmem>> -> memref<64x8xf32, #tpu.memory_space<vmem>>
      %dma_start3A_1080 = arith.constant 1536 : i32
      %dma_start3A_1081 = tpu.memref_slice %arg7[%dma_start3A_1080] : memref<1600xi32, #tpu.memory_space<vmem>> -> memref<64xi32, #tpu.memory_space<vmem>>
      %dma_start3A_1082 = arith.constant 0 : i32
      %dma_start3A_1083 = arith.constant 0 : i32
      %dma_start3A_1084 = tpu.memref_slice %arg2[%dma_start3A_1082, %dma_start3A_1083] : memref<102400x8xf32, #tpu.memory_space<hbm>> -> memref<102400x8xf32, #tpu.memory_space<hbm>>
      tpu.enqueue_indirect_dma source(%dma_start3A_1084 : memref<102400x8xf32, #tpu.memory_space<hbm>>) target(%dma_start3A_1079 : memref<64x8xf32, #tpu.memory_space<vmem>>) offsets(%dma_start3A_1081 : memref<64xi32, #tpu.memory_space<vmem>>) semaphore(%arg16 : memref<!tpu.dma_semaphore, #tpu.memory_space<semaphore_mem>>)
      %dma_wait3A_1085 = arith.constant 0 : i32
      %dma_wait3A_1086 = arith.constant 0 : i32
      %dma_wait3A_1087 = tpu.memref_slice %arg12[%dma_wait3A_1085, %dma_wait3A_1086] : memref<1600x8xf32, #tpu.memory_space<vmem>> -> memref<128x8xf32, #tpu.memory_space<vmem>>
      %dma_wait3A_1088 = arith.constant 0 : i32
      %dma_wait3A_1089 = tpu.memref_slice %arg10[%dma_wait3A_1088] : memref<1600xi32, #tpu.memory_space<vmem>> -> memref<128xi32, #tpu.memory_space<vmem>>
      %dma_wait3A_1090 = arith.constant 0 : i32
      %dma_wait3A_1091 = arith.constant 0 : i32
      %dma_wait3A_1092 = tpu.memref_slice %arg2[%dma_wait3A_1090, %dma_wait3A_1091] : memref<102400x8xf32, #tpu.memory_space<hbm>> -> memref<102400x8xf32, #tpu.memory_space<hbm>>
      tpu.wait_indirect_dma semaphore(%arg17 : memref<!tpu.dma_semaphore, #tpu.memory_space<semaphore_mem>>) src(%dma_wait3A_1092 : memref<102400x8xf32, #tpu.memory_space<hbm>>) dst(%dma_wait3A_1087 : memref<128x8xf32, #tpu.memory_space<vmem>>)
      %dma_wait3A_1093 = arith.constant 0 : i32
      %dma_wait3A_1094 = arith.constant 0 : i32
      %dma_wait3A_1095 = tpu.memref_slice %arg13[%dma_wait3A_1093, %dma_wait3A_1094] : memref<1600x8xf32, #tpu.memory_space<vmem>> -> memref<128x8xf32, #tpu.memory_space<vmem>>
      %dma_wait3A_1096 = arith.constant 0 : i32
      %dma_wait3A_1097 = tpu.memref_slice %arg11[%dma_wait3A_1096] : memref<1600xi32, #tpu.memory_space<vmem>> -> memref<128xi32, #tpu.memory_space<vmem>>
      %dma_wait3A_1098 = arith.constant 0 : i32
      %dma_wait3A_1099 = arith.constant 0 : i32
      %dma_wait3A_1100 = tpu.memref_slice %arg2[%dma_wait3A_1098, %dma_wait3A_1099] : memref<102400x8xf32, #tpu.memory_space<hbm>> -> memref<102400x8xf32, #tpu.memory_space<hbm>>
      tpu.wait_indirect_dma semaphore(%arg17 : memref<!tpu.dma_semaphore, #tpu.memory_space<semaphore_mem>>) src(%dma_wait3A_1100 : memref<102400x8xf32, #tpu.memory_space<hbm>>) dst(%dma_wait3A_1095 : memref<128x8xf32, #tpu.memory_space<vmem>>)
      %dma_wait3A_1101 = arith.constant 128 : i32
      %dma_wait3A_1102 = arith.constant 0 : i32
      %dma_wait3A_1103 = tpu.memref_slice %arg12[%dma_wait3A_1101, %dma_wait3A_1102] : memref<1600x8xf32, #tpu.memory_space<vmem>> -> memref<128x8xf32, #tpu.memory_space<vmem>>
      %dma_wait3A_1104 = arith.constant 128 : i32
      %dma_wait3A_1105 = tpu.memref_slice %arg10[%dma_wait3A_1104] : memref<1600xi32, #tpu.memory_space<vmem>> -> memref<128xi32, #tpu.memory_space<vmem>>
      %dma_wait3A_1106 = arith.constant 0 : i32
      %dma_wait3A_1107 = arith.constant 0 : i32
      %dma_wait3A_1108 = tpu.memref_slice %arg2[%dma_wait3A_1106, %dma_wait3A_1107] : memref<102400x8xf32, #tpu.memory_space<hbm>> -> memref<102400x8xf32, #tpu.memory_space<hbm>>
      tpu.wait_indirect_dma semaphore(%arg17 : memref<!tpu.dma_semaphore, #tpu.memory_space<semaphore_mem>>) src(%dma_wait3A_1108 : memref<102400x8xf32, #tpu.memory_space<hbm>>) dst(%dma_wait3A_1103 : memref<128x8xf32, #tpu.memory_space<vmem>>)
      %dma_wait3A_1109 = arith.constant 128 : i32
      %dma_wait3A_1110 = arith.constant 0 : i32
      %dma_wait3A_1111 = tpu.memref_slice %arg13[%dma_wait3A_1109, %dma_wait3A_1110] : memref<1600x8xf32, #tpu.memory_space<vmem>> -> memref<128x8xf32, #tpu.memory_space<vmem>>
      %dma_wait3A_1112 = arith.constant 128 : i32
      %dma_wait3A_1113 = tpu.memref_slice %arg11[%dma_wait3A_1112] : memref<1600xi32, #tpu.memory_space<vmem>> -> memref<128xi32, #tpu.memory_space<vmem>>
      %dma_wait3A_1114 = arith.constant 0 : i32
      %dma_wait3A_1115 = arith.constant 0 : i32
      %dma_wait3A_1116 = tpu.memref_slice %arg2[%dma_wait3A_1114, %dma_wait3A_1115] : memref<102400x8xf32, #tpu.memory_space<hbm>> -> memref<102400x8xf32, #tpu.memory_space<hbm>>
      tpu.wait_indirect_dma semaphore(%arg17 : memref<!tpu.dma_semaphore, #tpu.memory_space<semaphore_mem>>) src(%dma_wait3A_1116 : memref<102400x8xf32, #tpu.memory_space<hbm>>) dst(%dma_wait3A_1111 : memref<128x8xf32, #tpu.memory_space<vmem>>)
      %dma_wait3A_1117 = arith.constant 256 : i32
      %dma_wait3A_1118 = arith.constant 0 : i32
      %dma_wait3A_1119 = tpu.memref_slice %arg12[%dma_wait3A_1117, %dma_wait3A_1118] : memref<1600x8xf32, #tpu.memory_space<vmem>> -> memref<128x8xf32, #tpu.memory_space<vmem>>
      %dma_wait3A_1120 = arith.constant 256 : i32
      %dma_wait3A_1121 = tpu.memref_slice %arg10[%dma_wait3A_1120] : memref<1600xi32, #tpu.memory_space<vmem>> -> memref<128xi32, #tpu.memory_space<vmem>>
      %dma_wait3A_1122 = arith.constant 0 : i32
      %dma_wait3A_1123 = arith.constant 0 : i32
      %dma_wait3A_1124 = tpu.memref_slice %arg2[%dma_wait3A_1122, %dma_wait3A_1123] : memref<102400x8xf32, #tpu.memory_space<hbm>> -> memref<102400x8xf32, #tpu.memory_space<hbm>>
      tpu.wait_indirect_dma semaphore(%arg17 : memref<!tpu.dma_semaphore, #tpu.memory_space<semaphore_mem>>) src(%dma_wait3A_1124 : memref<102400x8xf32, #tpu.memory_space<hbm>>) dst(%dma_wait3A_1119 : memref<128x8xf32, #tpu.memory_space<vmem>>)
      %dma_wait3A_1125 = arith.constant 256 : i32
      %dma_wait3A_1126 = arith.constant 0 : i32
      %dma_wait3A_1127 = tpu.memref_slice %arg13[%dma_wait3A_1125, %dma_wait3A_1126] : memref<1600x8xf32, #tpu.memory_space<vmem>> -> memref<128x8xf32, #tpu.memory_space<vmem>>
      %dma_wait3A_1128 = arith.constant 256 : i32
      %dma_wait3A_1129 = tpu.memref_slice %arg11[%dma_wait3A_1128] : memref<1600xi32, #tpu.memory_space<vmem>> -> memref<128xi32, #tpu.memory_space<vmem>>
      %dma_wait3A_1130 = arith.constant 0 : i32
      %dma_wait3A_1131 = arith.constant 0 : i32
      %dma_wait3A_1132 = tpu.memref_slice %arg2[%dma_wait3A_1130, %dma_wait3A_1131] : memref<102400x8xf32, #tpu.memory_space<hbm>> -> memref<102400x8xf32, #tpu.memory_space<hbm>>
      tpu.wait_indirect_dma semaphore(%arg17 : memref<!tpu.dma_semaphore, #tpu.memory_space<semaphore_mem>>) src(%dma_wait3A_1132 : memref<102400x8xf32, #tpu.memory_space<hbm>>) dst(%dma_wait3A_1127 : memref<128x8xf32, #tpu.memory_space<vmem>>)
      %dma_wait3A_1133 = arith.constant 384 : i32
      %dma_wait3A_1134 = arith.constant 0 : i32
      %dma_wait3A_1135 = tpu.memref_slice %arg12[%dma_wait3A_1133, %dma_wait3A_1134] : memref<1600x8xf32, #tpu.memory_space<vmem>> -> memref<128x8xf32, #tpu.memory_space<vmem>>
      %dma_wait3A_1136 = arith.constant 384 : i32
      %dma_wait3A_1137 = tpu.memref_slice %arg10[%dma_wait3A_1136] : memref<1600xi32, #tpu.memory_space<vmem>> -> memref<128xi32, #tpu.memory_space<vmem>>
      %dma_wait3A_1138 = arith.constant 0 : i32
      %dma_wait3A_1139 = arith.constant 0 : i32
      %dma_wait3A_1140 = tpu.memref_slice %arg2[%dma_wait3A_1138, %dma_wait3A_1139] : memref<102400x8xf32, #tpu.memory_space<hbm>> -> memref<102400x8xf32, #tpu.memory_space<hbm>>
      tpu.wait_indirect_dma semaphore(%arg17 : memref<!tpu.dma_semaphore, #tpu.memory_space<semaphore_mem>>) src(%dma_wait3A_1140 : memref<102400x8xf32, #tpu.memory_space<hbm>>) dst(%dma_wait3A_1135 : memref<128x8xf32, #tpu.memory_space<vmem>>)
      %dma_wait3A_1141 = arith.constant 384 : i32
      %dma_wait3A_1142 = arith.constant 0 : i32
      %dma_wait3A_1143 = tpu.memref_slice %arg13[%dma_wait3A_1141, %dma_wait3A_1142] : memref<1600x8xf32, #tpu.memory_space<vmem>> -> memref<128x8xf32, #tpu.memory_space<vmem>>
      %dma_wait3A_1144 = arith.constant 384 : i32
      %dma_wait3A_1145 = tpu.memref_slice %arg11[%dma_wait3A_1144] : memref<1600xi32, #tpu.memory_space<vmem>> -> memref<128xi32, #tpu.memory_space<vmem>>
      %dma_wait3A_1146 = arith.constant 0 : i32
      %dma_wait3A_1147 = arith.constant 0 : i32
      %dma_wait3A_1148 = tpu.memref_slice %arg2[%dma_wait3A_1146, %dma_wait3A_1147] : memref<102400x8xf32, #tpu.memory_space<hbm>> -> memref<102400x8xf32, #tpu.memory_space<hbm>>
      tpu.wait_indirect_dma semaphore(%arg17 : memref<!tpu.dma_semaphore, #tpu.memory_space<semaphore_mem>>) src(%dma_wait3A_1148 : memref<102400x8xf32, #tpu.memory_space<hbm>>) dst(%dma_wait3A_1143 : memref<128x8xf32, #tpu.memory_space<vmem>>)
      %dma_wait3A_1149 = arith.constant 512 : i32
      %dma_wait3A_1150 = arith.constant 0 : i32
      %dma_wait3A_1151 = tpu.memref_slice %arg12[%dma_wait3A_1149, %dma_wait3A_1150] : memref<1600x8xf32, #tpu.memory_space<vmem>> -> memref<128x8xf32, #tpu.memory_space<vmem>>
      %dma_wait3A_1152 = arith.constant 512 : i32
      %dma_wait3A_1153 = tpu.memref_slice %arg10[%dma_wait3A_1152] : memref<1600xi32, #tpu.memory_space<vmem>> -> memref<128xi32, #tpu.memory_space<vmem>>
      %dma_wait3A_1154 = arith.constant 0 : i32
      %dma_wait3A_1155 = arith.constant 0 : i32
      %dma_wait3A_1156 = tpu.memref_slice %arg2[%dma_wait3A_1154, %dma_wait3A_1155] : memref<102400x8xf32, #tpu.memory_space<hbm>> -> memref<102400x8xf32, #tpu.memory_space<hbm>>
      tpu.wait_indirect_dma semaphore(%arg17 : memref<!tpu.dma_semaphore, #tpu.memory_space<semaphore_mem>>) src(%dma_wait3A_1156 : memref<102400x8xf32, #tpu.memory_space<hbm>>) dst(%dma_wait3A_1151 : memref<128x8xf32, #tpu.memory_space<vmem>>)
      %dma_wait3A_1157 = arith.constant 512 : i32
      %dma_wait3A_1158 = arith.constant 0 : i32
      %dma_wait3A_1159 = tpu.memref_slice %arg13[%dma_wait3A_1157, %dma_wait3A_1158] : memref<1600x8xf32, #tpu.memory_space<vmem>> -> memref<128x8xf32, #tpu.memory_space<vmem>>
      %dma_wait3A_1160 = arith.constant 512 : i32
      %dma_wait3A_1161 = tpu.memref_slice %arg11[%dma_wait3A_1160] : memref<1600xi32, #tpu.memory_space<vmem>> -> memref<128xi32, #tpu.memory_space<vmem>>
      %dma_wait3A_1162 = arith.constant 0 : i32
      %dma_wait3A_1163 = arith.constant 0 : i32
      %dma_wait3A_1164 = tpu.memref_slice %arg2[%dma_wait3A_1162, %dma_wait3A_1163] : memref<102400x8xf32, #tpu.memory_space<hbm>> -> memref<102400x8xf32, #tpu.memory_space<hbm>>
      tpu.wait_indirect_dma semaphore(%arg17 : memref<!tpu.dma_semaphore, #tpu.memory_space<semaphore_mem>>) src(%dma_wait3A_1164 : memref<102400x8xf32, #tpu.memory_space<hbm>>) dst(%dma_wait3A_1159 : memref<128x8xf32, #tpu.memory_space<vmem>>)
      %dma_wait3A_1165 = arith.constant 640 : i32
      %dma_wait3A_1166 = arith.constant 0 : i32
      %dma_wait3A_1167 = tpu.memref_slice %arg12[%dma_wait3A_1165, %dma_wait3A_1166] : memref<1600x8xf32, #tpu.memory_space<vmem>> -> memref<128x8xf32, #tpu.memory_space<vmem>>
      %dma_wait3A_1168 = arith.constant 640 : i32
      %dma_wait3A_1169 = tpu.memref_slice %arg10[%dma_wait3A_1168] : memref<1600xi32, #tpu.memory_space<vmem>> -> memref<128xi32, #tpu.memory_space<vmem>>
      %dma_wait3A_1170 = arith.constant 0 : i32
      %dma_wait3A_1171 = arith.constant 0 : i32
      %dma_wait3A_1172 = tpu.memref_slice %arg2[%dma_wait3A_1170, %dma_wait3A_1171] : memref<102400x8xf32, #tpu.memory_space<hbm>> -> memref<102400x8xf32, #tpu.memory_space<hbm>>
      tpu.wait_indirect_dma semaphore(%arg17 : memref<!tpu.dma_semaphore, #tpu.memory_space<semaphore_mem>>) src(%dma_wait3A_1172 : memref<102400x8xf32, #tpu.memory_space<hbm>>) dst(%dma_wait3A_1167 : memref<128x8xf32, #tpu.memory_space<vmem>>)
      %dma_wait3A_1173 = arith.constant 640 : i32
      %dma_wait3A_1174 = arith.constant 0 : i32
      %dma_wait3A_1175 = tpu.memref_slice %arg13[%dma_wait3A_1173, %dma_wait3A_1174] : memref<1600x8xf32, #tpu.memory_space<vmem>> -> memref<128x8xf32, #tpu.memory_space<vmem>>
      %dma_wait3A_1176 = arith.constant 640 : i32
      %dma_wait3A_1177 = tpu.memref_slice %arg11[%dma_wait3A_1176] : memref<1600xi32, #tpu.memory_space<vmem>> -> memref<128xi32, #tpu.memory_space<vmem>>
      %dma_wait3A_1178 = arith.constant 0 : i32
      %dma_wait3A_1179 = arith.constant 0 : i32
      %dma_wait3A_1180 = tpu.memref_slice %arg2[%dma_wait3A_1178, %dma_wait3A_1179] : memref<102400x8xf32, #tpu.memory_space<hbm>> -> memref<102400x8xf32, #tpu.memory_space<hbm>>
      tpu.wait_indirect_dma semaphore(%arg17 : memref<!tpu.dma_semaphore, #tpu.memory_space<semaphore_mem>>) src(%dma_wait3A_1180 : memref<102400x8xf32, #tpu.memory_space<hbm>>) dst(%dma_wait3A_1175 : memref<128x8xf32, #tpu.memory_space<vmem>>)
      %dma_wait3A_1181 = arith.constant 768 : i32
      %dma_wait3A_1182 = arith.constant 0 : i32
      %dma_wait3A_1183 = tpu.memref_slice %arg12[%dma_wait3A_1181, %dma_wait3A_1182] : memref<1600x8xf32, #tpu.memory_space<vmem>> -> memref<128x8xf32, #tpu.memory_space<vmem>>
      %dma_wait3A_1184 = arith.constant 768 : i32
      %dma_wait3A_1185 = tpu.memref_slice %arg10[%dma_wait3A_1184] : memref<1600xi32, #tpu.memory_space<vmem>> -> memref<128xi32, #tpu.memory_space<vmem>>
      %dma_wait3A_1186 = arith.constant 0 : i32
      %dma_wait3A_1187 = arith.constant 0 : i32
      %dma_wait3A_1188 = tpu.memref_slice %arg2[%dma_wait3A_1186, %dma_wait3A_1187] : memref<102400x8xf32, #tpu.memory_space<hbm>> -> memref<102400x8xf32, #tpu.memory_space<hbm>>
      tpu.wait_indirect_dma semaphore(%arg17 : memref<!tpu.dma_semaphore, #tpu.memory_space<semaphore_mem>>) src(%dma_wait3A_1188 : memref<102400x8xf32, #tpu.memory_space<hbm>>) dst(%dma_wait3A_1183 : memref<128x8xf32, #tpu.memory_space<vmem>>)
      %dma_wait3A_1189 = arith.constant 768 : i32
      %dma_wait3A_1190 = arith.constant 0 : i32
      %dma_wait3A_1191 = tpu.memref_slice %arg13[%dma_wait3A_1189, %dma_wait3A_1190] : memref<1600x8xf32, #tpu.memory_space<vmem>> -> memref<128x8xf32, #tpu.memory_space<vmem>>
      %dma_wait3A_1192 = arith.constant 768 : i32
      %dma_wait3A_1193 = tpu.memref_slice %arg11[%dma_wait3A_1192] : memref<1600xi32, #tpu.memory_space<vmem>> -> memref<128xi32, #tpu.memory_space<vmem>>
      %dma_wait3A_1194 = arith.constant 0 : i32
      %dma_wait3A_1195 = arith.constant 0 : i32
      %dma_wait3A_1196 = tpu.memref_slice %arg2[%dma_wait3A_1194, %dma_wait3A_1195] : memref<102400x8xf32, #tpu.memory_space<hbm>> -> memref<102400x8xf32, #tpu.memory_space<hbm>>
      tpu.wait_indirect_dma semaphore(%arg17 : memref<!tpu.dma_semaphore, #tpu.memory_space<semaphore_mem>>) src(%dma_wait3A_1196 : memref<102400x8xf32, #tpu.memory_space<hbm>>) dst(%dma_wait3A_1191 : memref<128x8xf32, #tpu.memory_space<vmem>>)
      %dma_wait3A_1197 = arith.constant 896 : i32
      %dma_wait3A_1198 = arith.constant 0 : i32
      %dma_wait3A_1199 = tpu.memref_slice %arg12[%dma_wait3A_1197, %dma_wait3A_1198] : memref<1600x8xf32, #tpu.memory_space<vmem>> -> memref<128x8xf32, #tpu.memory_space<vmem>>
      %dma_wait3A_1200 = arith.constant 896 : i32
      %dma_wait3A_1201 = tpu.memref_slice %arg10[%dma_wait3A_1200] : memref<1600xi32, #tpu.memory_space<vmem>> -> memref<128xi32, #tpu.memory_space<vmem>>
      %dma_wait3A_1202 = arith.constant 0 : i32
      %dma_wait3A_1203 = arith.constant 0 : i32
      %dma_wait3A_1204 = tpu.memref_slice %arg2[%dma_wait3A_1202, %dma_wait3A_1203] : memref<102400x8xf32, #tpu.memory_space<hbm>> -> memref<102400x8xf32, #tpu.memory_space<hbm>>
      tpu.wait_indirect_dma semaphore(%arg17 : memref<!tpu.dma_semaphore, #tpu.memory_space<semaphore_mem>>) src(%dma_wait3A_1204 : memref<102400x8xf32, #tpu.memory_space<hbm>>) dst(%dma_wait3A_1199 : memref<128x8xf32, #tpu.memory_space<vmem>>)
      %dma_wait3A_1205 = arith.constant 896 : i32
      %dma_wait3A_1206 = arith.constant 0 : i32
      %dma_wait3A_1207 = tpu.memref_slice %arg13[%dma_wait3A_1205, %dma_wait3A_1206] : memref<1600x8xf32, #tpu.memory_space<vmem>> -> memref<128x8xf32, #tpu.memory_space<vmem>>
      %dma_wait3A_1208 = arith.constant 896 : i32
      %dma_wait3A_1209 = tpu.memref_slice %arg11[%dma_wait3A_1208] : memref<1600xi32, #tpu.memory_space<vmem>> -> memref<128xi32, #tpu.memory_space<vmem>>
      %dma_wait3A_1210 = arith.constant 0 : i32
      %dma_wait3A_1211 = arith.constant 0 : i32
      %dma_wait3A_1212 = tpu.memref_slice %arg2[%dma_wait3A_1210, %dma_wait3A_1211] : memref<102400x8xf32, #tpu.memory_space<hbm>> -> memref<102400x8xf32, #tpu.memory_space<hbm>>
      tpu.wait_indirect_dma semaphore(%arg17 : memref<!tpu.dma_semaphore, #tpu.memory_space<semaphore_mem>>) src(%dma_wait3A_1212 : memref<102400x8xf32, #tpu.memory_space<hbm>>) dst(%dma_wait3A_1207 : memref<128x8xf32, #tpu.memory_space<vmem>>)
      %dma_wait3A_1213 = arith.constant 1024 : i32
      %dma_wait3A_1214 = arith.constant 0 : i32
      %dma_wait3A_1215 = tpu.memref_slice %arg12[%dma_wait3A_1213, %dma_wait3A_1214] : memref<1600x8xf32, #tpu.memory_space<vmem>> -> memref<128x8xf32, #tpu.memory_space<vmem>>
      %dma_wait3A_1216 = arith.constant 1024 : i32
      %dma_wait3A_1217 = tpu.memref_slice %arg10[%dma_wait3A_1216] : memref<1600xi32, #tpu.memory_space<vmem>> -> memref<128xi32, #tpu.memory_space<vmem>>
      %dma_wait3A_1218 = arith.constant 0 : i32
      %dma_wait3A_1219 = arith.constant 0 : i32
      %dma_wait3A_1220 = tpu.memref_slice %arg2[%dma_wait3A_1218, %dma_wait3A_1219] : memref<102400x8xf32, #tpu.memory_space<hbm>> -> memref<102400x8xf32, #tpu.memory_space<hbm>>
      tpu.wait_indirect_dma semaphore(%arg17 : memref<!tpu.dma_semaphore, #tpu.memory_space<semaphore_mem>>) src(%dma_wait3A_1220 : memref<102400x8xf32, #tpu.memory_space<hbm>>) dst(%dma_wait3A_1215 : memref<128x8xf32, #tpu.memory_space<vmem>>)
      %dma_wait3A_1221 = arith.constant 1024 : i32
      %dma_wait3A_1222 = arith.constant 0 : i32
      %dma_wait3A_1223 = tpu.memref_slice %arg13[%dma_wait3A_1221, %dma_wait3A_1222] : memref<1600x8xf32, #tpu.memory_space<vmem>> -> memref<128x8xf32, #tpu.memory_space<vmem>>
      %dma_wait3A_1224 = arith.constant 1024 : i32
      %dma_wait3A_1225 = tpu.memref_slice %arg11[%dma_wait3A_1224] : memref<1600xi32, #tpu.memory_space<vmem>> -> memref<128xi32, #tpu.memory_space<vmem>>
      %dma_wait3A_1226 = arith.constant 0 : i32
      %dma_wait3A_1227 = arith.constant 0 : i32
      %dma_wait3A_1228 = tpu.memref_slice %arg2[%dma_wait3A_1226, %dma_wait3A_1227] : memref<102400x8xf32, #tpu.memory_space<hbm>> -> memref<102400x8xf32, #tpu.memory_space<hbm>>
      tpu.wait_indirect_dma semaphore(%arg17 : memref<!tpu.dma_semaphore, #tpu.memory_space<semaphore_mem>>) src(%dma_wait3A_1228 : memref<102400x8xf32, #tpu.memory_space<hbm>>) dst(%dma_wait3A_1223 : memref<128x8xf32, #tpu.memory_space<vmem>>)
      %dma_wait3A_1229 = arith.constant 1152 : i32
      %dma_wait3A_1230 = arith.constant 0 : i32
      %dma_wait3A_1231 = tpu.memref_slice %arg12[%dma_wait3A_1229, %dma_wait3A_1230] : memref<1600x8xf32, #tpu.memory_space<vmem>> -> memref<128x8xf32, #tpu.memory_space<vmem>>
      %dma_wait3A_1232 = arith.constant 1152 : i32
      %dma_wait3A_1233 = tpu.memref_slice %arg10[%dma_wait3A_1232] : memref<1600xi32, #tpu.memory_space<vmem>> -> memref<128xi32, #tpu.memory_space<vmem>>
      %dma_wait3A_1234 = arith.constant 0 : i32
      %dma_wait3A_1235 = arith.constant 0 : i32
      %dma_wait3A_1236 = tpu.memref_slice %arg2[%dma_wait3A_1234, %dma_wait3A_1235] : memref<102400x8xf32, #tpu.memory_space<hbm>> -> memref<102400x8xf32, #tpu.memory_space<hbm>>
      tpu.wait_indirect_dma semaphore(%arg17 : memref<!tpu.dma_semaphore, #tpu.memory_space<semaphore_mem>>) src(%dma_wait3A_1236 : memref<102400x8xf32, #tpu.memory_space<hbm>>) dst(%dma_wait3A_1231 : memref<128x8xf32, #tpu.memory_space<vmem>>)
      %dma_wait3A_1237 = arith.constant 1152 : i32
      %dma_wait3A_1238 = arith.constant 0 : i32
      %dma_wait3A_1239 = tpu.memref_slice %arg13[%dma_wait3A_1237, %dma_wait3A_1238] : memref<1600x8xf32, #tpu.memory_space<vmem>> -> memref<128x8xf32, #tpu.memory_space<vmem>>
      %dma_wait3A_1240 = arith.constant 1152 : i32
      %dma_wait3A_1241 = tpu.memref_slice %arg11[%dma_wait3A_1240] : memref<1600xi32, #tpu.memory_space<vmem>> -> memref<128xi32, #tpu.memory_space<vmem>>
      %dma_wait3A_1242 = arith.constant 0 : i32
      %dma_wait3A_1243 = arith.constant 0 : i32
      %dma_wait3A_1244 = tpu.memref_slice %arg2[%dma_wait3A_1242, %dma_wait3A_1243] : memref<102400x8xf32, #tpu.memory_space<hbm>> -> memref<102400x8xf32, #tpu.memory_space<hbm>>
      tpu.wait_indirect_dma semaphore(%arg17 : memref<!tpu.dma_semaphore, #tpu.memory_space<semaphore_mem>>) src(%dma_wait3A_1244 : memref<102400x8xf32, #tpu.memory_space<hbm>>) dst(%dma_wait3A_1239 : memref<128x8xf32, #tpu.memory_space<vmem>>)
      %dma_wait3A_1245 = arith.constant 1280 : i32
      %dma_wait3A_1246 = arith.constant 0 : i32
      %dma_wait3A_1247 = tpu.memref_slice %arg12[%dma_wait3A_1245, %dma_wait3A_1246] : memref<1600x8xf32, #tpu.memory_space<vmem>> -> memref<128x8xf32, #tpu.memory_space<vmem>>
      %dma_wait3A_1248 = arith.constant 1280 : i32
      %dma_wait3A_1249 = tpu.memref_slice %arg10[%dma_wait3A_1248] : memref<1600xi32, #tpu.memory_space<vmem>> -> memref<128xi32, #tpu.memory_space<vmem>>
      %dma_wait3A_1250 = arith.constant 0 : i32
      %dma_wait3A_1251 = arith.constant 0 : i32
      %dma_wait3A_1252 = tpu.memref_slice %arg2[%dma_wait3A_1250, %dma_wait3A_1251] : memref<102400x8xf32, #tpu.memory_space<hbm>> -> memref<102400x8xf32, #tpu.memory_space<hbm>>
      tpu.wait_indirect_dma semaphore(%arg17 : memref<!tpu.dma_semaphore, #tpu.memory_space<semaphore_mem>>) src(%dma_wait3A_1252 : memref<102400x8xf32, #tpu.memory_space<hbm>>) dst(%dma_wait3A_1247 : memref<128x8xf32, #tpu.memory_space<vmem>>)
      %dma_wait3A_1253 = arith.constant 1280 : i32
      %dma_wait3A_1254 = arith.constant 0 : i32
      %dma_wait3A_1255 = tpu.memref_slice %arg13[%dma_wait3A_1253, %dma_wait3A_1254] : memref<1600x8xf32, #tpu.memory_space<vmem>> -> memref<128x8xf32, #tpu.memory_space<vmem>>
      %dma_wait3A_1256 = arith.constant 1280 : i32
      %dma_wait3A_1257 = tpu.memref_slice %arg11[%dma_wait3A_1256] : memref<1600xi32, #tpu.memory_space<vmem>> -> memref<128xi32, #tpu.memory_space<vmem>>
      %dma_wait3A_1258 = arith.constant 0 : i32
      %dma_wait3A_1259 = arith.constant 0 : i32
      %dma_wait3A_1260 = tpu.memref_slice %arg2[%dma_wait3A_1258, %dma_wait3A_1259] : memref<102400x8xf32, #tpu.memory_space<hbm>> -> memref<102400x8xf32, #tpu.memory_space<hbm>>
      tpu.wait_indirect_dma semaphore(%arg17 : memref<!tpu.dma_semaphore, #tpu.memory_space<semaphore_mem>>) src(%dma_wait3A_1260 : memref<102400x8xf32, #tpu.memory_space<hbm>>) dst(%dma_wait3A_1255 : memref<128x8xf32, #tpu.memory_space<vmem>>)
      %dma_wait3A_1261 = arith.constant 1408 : i32
      %dma_wait3A_1262 = arith.constant 0 : i32
      %dma_wait3A_1263 = tpu.memref_slice %arg12[%dma_wait3A_1261, %dma_wait3A_1262] : memref<1600x8xf32, #tpu.memory_space<vmem>> -> memref<128x8xf32, #tpu.memory_space<vmem>>
      %dma_wait3A_1264 = arith.constant 1408 : i32
      %dma_wait3A_1265 = tpu.memref_slice %arg10[%dma_wait3A_1264] : memref<1600xi32, #tpu.memory_space<vmem>> -> memref<128xi32, #tpu.memory_space<vmem>>
      %dma_wait3A_1266 = arith.constant 0 : i32
      %dma_wait3A_1267 = arith.constant 0 : i32
      %dma_wait3A_1268 = tpu.memref_slice %arg2[%dma_wait3A_1266, %dma_wait3A_1267] : memref<102400x8xf32, #tpu.memory_space<hbm>> -> memref<102400x8xf32, #tpu.memory_space<hbm>>
      tpu.wait_indirect_dma semaphore(%arg17 : memref<!tpu.dma_semaphore, #tpu.memory_space<semaphore_mem>>) src(%dma_wait3A_1268 : memref<102400x8xf32, #tpu.memory_space<hbm>>) dst(%dma_wait3A_1263 : memref<128x8xf32, #tpu.memory_space<vmem>>)
      %dma_wait3A_1269 = arith.constant 1408 : i32
      %dma_wait3A_1270 = arith.constant 0 : i32
      %dma_wait3A_1271 = tpu.memref_slice %arg13[%dma_wait3A_1269, %dma_wait3A_1270] : memref<1600x8xf32, #tpu.memory_space<vmem>> -> memref<128x8xf32, #tpu.memory_space<vmem>>
      %dma_wait3A_1272 = arith.constant 1408 : i32
      %dma_wait3A_1273 = tpu.memref_slice %arg11[%dma_wait3A_1272] : memref<1600xi32, #tpu.memory_space<vmem>> -> memref<128xi32, #tpu.memory_space<vmem>>
      %dma_wait3A_1274 = arith.constant 0 : i32
      %dma_wait3A_1275 = arith.constant 0 : i32
      %dma_wait3A_1276 = tpu.memref_slice %arg2[%dma_wait3A_1274, %dma_wait3A_1275] : memref<102400x8xf32, #tpu.memory_space<hbm>> -> memref<102400x8xf32, #tpu.memory_space<hbm>>
      tpu.wait_indirect_dma semaphore(%arg17 : memref<!tpu.dma_semaphore, #tpu.memory_space<semaphore_mem>>) src(%dma_wait3A_1276 : memref<102400x8xf32, #tpu.memory_space<hbm>>) dst(%dma_wait3A_1271 : memref<128x8xf32, #tpu.memory_space<vmem>>)
      %dma_wait3A_1277 = arith.constant 1536 : i32
      %dma_wait3A_1278 = arith.constant 0 : i32
      %dma_wait3A_1279 = tpu.memref_slice %arg12[%dma_wait3A_1277, %dma_wait3A_1278] : memref<1600x8xf32, #tpu.memory_space<vmem>> -> memref<64x8xf32, #tpu.memory_space<vmem>>
      %dma_wait3A_1280 = arith.constant 1536 : i32
      %dma_wait3A_1281 = tpu.memref_slice %arg10[%dma_wait3A_1280] : memref<1600xi32, #tpu.memory_space<vmem>> -> memref<64xi32, #tpu.memory_space<vmem>>
      %dma_wait3A_1282 = arith.constant 0 : i32
      %dma_wait3A_1283 = arith.constant 0 : i32
      %dma_wait3A_1284 = tpu.memref_slice %arg2[%dma_wait3A_1282, %dma_wait3A_1283] : memref<102400x8xf32, #tpu.memory_space<hbm>> -> memref<102400x8xf32, #tpu.memory_space<hbm>>
      tpu.wait_indirect_dma semaphore(%arg17 : memref<!tpu.dma_semaphore, #tpu.memory_space<semaphore_mem>>) src(%dma_wait3A_1284 : memref<102400x8xf32, #tpu.memory_space<hbm>>) dst(%dma_wait3A_1279 : memref<64x8xf32, #tpu.memory_space<vmem>>)
      %dma_wait3A_1285 = arith.constant 1536 : i32
      %dma_wait3A_1286 = arith.constant 0 : i32
      %dma_wait3A_1287 = tpu.memref_slice %arg13[%dma_wait3A_1285, %dma_wait3A_1286] : memref<1600x8xf32, #tpu.memory_space<vmem>> -> memref<64x8xf32, #tpu.memory_space<vmem>>
      %dma_wait3A_1288 = arith.constant 1536 : i32
      %dma_wait3A_1289 = tpu.memref_slice %arg11[%dma_wait3A_1288] : memref<1600xi32, #tpu.memory_space<vmem>> -> memref<64xi32, #tpu.memory_space<vmem>>
      %dma_wait3A_1290 = arith.constant 0 : i32
      %dma_wait3A_1291 = arith.constant 0 : i32
      %dma_wait3A_1292 = tpu.memref_slice %arg2[%dma_wait3A_1290, %dma_wait3A_1291] : memref<102400x8xf32, #tpu.memory_space<hbm>> -> memref<102400x8xf32, #tpu.memory_space<hbm>>
      tpu.wait_indirect_dma semaphore(%arg17 : memref<!tpu.dma_semaphore, #tpu.memory_space<semaphore_mem>>) src(%dma_wait3A_1292 : memref<102400x8xf32, #tpu.memory_space<hbm>>) dst(%dma_wait3A_1287 : memref<64x8xf32, #tpu.memory_space<vmem>>)
      %scan3A_1293 = arith.constant 0 : i32
      %scan3A_1294 = arith.constant 100 : i32
      %scan3A_1295 = arith.addi %scan3A_1293, %scan3A_1294 : i32
      %scan3A_1296 = arith.constant 1 : i32
      %scan3A_1297:2 = scf.for %scan3A_1299 = %scan3A_1293 to %scan3A_1295 step %scan3A_1296 iter_args(%scan3A_1300 = %scan3A_868#0, %scan3A_1301 = %scan3A_868#1) -> (vector<16xf32>, vector<16xf32>)  : i32 {
        %mul3A_1302 = arith.constant 16 : i32
        %mul3A_1303 = arith.muli %scan3A_1299, %mul3A_1302 : i32
        %iota3A = tpu.iota {dimensions = array<i32: 0>} : vector<16xi32>
        %add3A_1304 = vector.broadcast %mul3A_1303 : i32 to vector<16xi32>
        %add3A_1305 = arith.addi %add3A_1304, %iota3A : vector<16xi32>
        %broadcast_in_dim3A_1306 = arith.constant 0 : i32
        %broadcast_in_dim3A_1307 = vector.broadcast %broadcast_in_dim3A_1306 : i32 to vector<16xi32>
        %gather3A = tpu.vector_load_idx %arg12[%add3A_1305, %broadcast_in_dim3A_1307] : memref<1600x8xf32, #tpu.memory_space<vmem>>[vector<16xi32>, vector<16xi32>], vector<16xf32>,
        %broadcast_in_dim3A_1308 = arith.constant 1 : i32
        %broadcast_in_dim3A_1309 = vector.broadcast %broadcast_in_dim3A_1308 : i32 to vector<16xi32>
        %gather3A_1310 = tpu.vector_load_idx %arg12[%add3A_1305, %broadcast_in_dim3A_1309] : memref<1600x8xf32, #tpu.memory_space<vmem>>[vector<16xi32>, vector<16xi32>], vector<16xf32>,
        %broadcast_in_dim3A_1311 = arith.constant 2 : i32
        %broadcast_in_dim3A_1312 = vector.broadcast %broadcast_in_dim3A_1311 : i32 to vector<16xi32>
        %gather3A_1313 = tpu.vector_load_idx %arg12[%add3A_1305, %broadcast_in_dim3A_1312] : memref<1600x8xf32, #tpu.memory_space<vmem>>[vector<16xi32>, vector<16xi32>], vector<16xf32>,
        %broadcast_in_dim3A_1314 = arith.constant 3 : i32
        %broadcast_in_dim3A_1315 = vector.broadcast %broadcast_in_dim3A_1314 : i32 to vector<16xi32>
        %gather3A_1316 = tpu.vector_load_idx %arg12[%add3A_1305, %broadcast_in_dim3A_1315] : memref<1600x8xf32, #tpu.memory_space<vmem>>[vector<16xi32>, vector<16xi32>], vector<16xf32>,
        %broadcast_in_dim3A_1317 = arith.constant 4 : i32
        %broadcast_in_dim3A_1318 = vector.broadcast %broadcast_in_dim3A_1317 : i32 to vector<16xi32>
        %gather3A_1319 = tpu.vector_load_idx %arg12[%add3A_1305, %broadcast_in_dim3A_1318] : memref<1600x8xf32, #tpu.memory_space<vmem>>[vector<16xi32>, vector<16xi32>], vector<16xf32>,
        %broadcast_in_dim3A_1320 = arith.constant 5 : i32
        %broadcast_in_dim3A_1321 = vector.broadcast %broadcast_in_dim3A_1320 : i32 to vector<16xi32>
        %gather3A_1322 = tpu.vector_load_idx %arg12[%add3A_1305, %broadcast_in_dim3A_1321] : memref<1600x8xf32, #tpu.memory_space<vmem>>[vector<16xi32>, vector<16xi32>], vector<16xf32>,
        %broadcast_in_dim3A_1323 = arith.constant 6 : i32
        %broadcast_in_dim3A_1324 = vector.broadcast %broadcast_in_dim3A_1323 : i32 to vector<16xi32>
        %gather3A_1325 = tpu.vector_load_idx %arg12[%add3A_1305, %broadcast_in_dim3A_1324] : memref<1600x8xf32, #tpu.memory_space<vmem>>[vector<16xi32>, vector<16xi32>], vector<16xf32>,
        %broadcast_in_dim3A_1326 = arith.constant 0 : i32
        %broadcast_in_dim3A_1327 = vector.broadcast %broadcast_in_dim3A_1326 : i32 to vector<16xi32>
        %gather3A_1328 = tpu.vector_load_idx %arg13[%add3A_1305, %broadcast_in_dim3A_1327] : memref<1600x8xf32, #tpu.memory_space<vmem>>[vector<16xi32>, vector<16xi32>], vector<16xf32>,
        %broadcast_in_dim3A_1329 = arith.constant 1 : i32
        %broadcast_in_dim3A_1330 = vector.broadcast %broadcast_in_dim3A_1329 : i32 to vector<16xi32>
        %gather3A_1331 = tpu.vector_load_idx %arg13[%add3A_1305, %broadcast_in_dim3A_1330] : memref<1600x8xf32, #tpu.memory_space<vmem>>[vector<16xi32>, vector<16xi32>], vector<16xf32>,
        %broadcast_in_dim3A_1332 = arith.constant 2 : i32
        %broadcast_in_dim3A_1333 = vector.broadcast %broadcast_in_dim3A_1332 : i32 to vector<16xi32>
        %gather3A_1334 = tpu.vector_load_idx %arg13[%add3A_1305, %broadcast_in_dim3A_1333] : memref<1600x8xf32, #tpu.memory_space<vmem>>[vector<16xi32>, vector<16xi32>], vector<16xf32>,
        %sub3A = arith.subf %gather3A, %gather3A_1328 : vector<16xf32>
        %sub3A_1335 = arith.subf %gather3A_1310, %gather3A_1331 : vector<16xf32>
        %sub3A_1336 = arith.subf %gather3A_1313, %gather3A_1334 : vector<16xf32>
        %mul3A_1337 = arith.mulf %sub3A, %sub3A : vector<16xf32>
        %mul3A_1338 = arith.mulf %sub3A_1335, %sub3A_1335 : vector<16xf32>
        %add3A_1339 = arith.addf %mul3A_1337, %mul3A_1338 : vector<16xf32>
        %mul3A_1340 = arith.mulf %sub3A_1336, %sub3A_1336 : vector<16xf32>
        %add3A_1341 = arith.addf %add3A_1339, %mul3A_1340 : vector<16xf32>
        %mul3A_1342 = arith.mulf %sub3A, %gather3A_1316 : vector<16xf32>
        %mul3A_1343 = arith.mulf %sub3A_1335, %gather3A_1319 : vector<16xf32>
        %add3A_1344 = arith.addf %mul3A_1342, %mul3A_1343 : vector<16xf32>
        %mul3A_1345 = arith.mulf %sub3A_1336, %gather3A_1322 : vector<16xf32>
        %add3A_1346 = arith.addf %add3A_1344, %mul3A_1345 : vector<16xf32>
        %mul3A_1347 = arith.mulf %add3A_1346, %add3A_1346 : vector<16xf32>
        %mul3A_1348 = arith.mulf %mul3A_1347, %gather3A_1325 : vector<16xf32>
        %max3A = arith.constant 1.000000e-24 : f32
        %max3A_1349 = vector.broadcast %max3A : f32 to vector<16xf32>
        %max3A_1350 = arith.maximumf %add3A_1341, %max3A_1349 : vector<16xf32>
        %div3A = arith.divf %mul3A_1348, %max3A_1350 : vector<16xf32>
        %mul3A_1351 = arith.constant 16 : i32
        %mul3A_1352 = arith.muli %scan3A_1299, %mul3A_1351 : i32
        %get3A = arith.index_cast %mul3A_1352 : i32 to index
        %get3A_1353 = tpu.vector_load %arg10[%get3A] {strides = array<i32>} : memref<1600xi32, #tpu.memory_space<vmem>>, vector<16xi32>,
        %mul3A_1354 = arith.constant 16 : i32
        %mul3A_1355 = arith.muli %scan3A_1299, %mul3A_1354 : i32
        %get3A_1356 = arith.index_cast %mul3A_1355 : i32 to index
        %get3A_1357 = tpu.vector_load %arg11[%get3A_1356] {strides = array<i32>} : memref<1600xi32, #tpu.memory_space<vmem>>, vector<16xi32>,
        %ne3A = arith.constant 0 : i32
        %ne3A_1358 = vector.broadcast %ne3A : i32 to vector<16xi32>
        %ne3A_1359 = arith.cmpi ne, %get3A_1353, %ne3A_1358 : vector<16xi32>
        %ne3A_1360 = arith.constant 0 : i32
        %ne3A_1361 = vector.broadcast %ne3A_1360 : i32 to vector<16xi32>
        %ne3A_1362 = arith.cmpi ne, %get3A_1357, %ne3A_1361 : vector<16xi32>
        %or3A = arith.ori %ne3A_1359, %ne3A_1362 : vector<16xi1>
        %jit3A = arith.constant 0.000000e+00 : f32
        %broadcast_in_dim3A_1363 = vector.broadcast %jit3A : f32 to vector<16xf32>
        %select_n3A = arith.select %or3A, %div3A, %broadcast_in_dim3A_1363 : vector<16xi1>, vector<16xf32>
        %add3A_1364 = arith.addf %scan3A_1300, %select_n3A : vector<16xf32>
        %jit3A_1365 = arith.constant 1.000000e+00 : f32
        %jit3A_1366 = arith.constant 0.000000e+00 : f32
        %broadcast_in_dim3A_1367 = vector.broadcast %jit3A_1365 : f32 to vector<16xf32>
        %broadcast_in_dim3A_1368 = vector.broadcast %jit3A_1366 : f32 to vector<16xf32>
        %select_n3A_1369 = arith.select %or3A, %broadcast_in_dim3A_1367, %broadcast_in_dim3A_1368 : vector<16xi1>, vector<16xf32>
        %add3A_1370 = arith.addf %scan3A_1301, %select_n3A_1369 : vector<16xf32>
        scf.yield %add3A_1364, %add3A_1370 : vector<16xf32>, vector<16xf32>
      }
      %scan3A_1298 = arith.constant 100 : i32
      scf.yield %scan3A_1297#0, %scan3A_1297#1 : vector<16xf32>, vector<16xf32>
    }
    %scan3A_219 = arith.constant 62 : i32
    %dma_wait3A = arith.constant 0 : i32
    %dma_wait3A_220 = arith.constant 0 : i32
    %dma_wait3A_221 = tpu.memref_slice %arg8[%dma_wait3A, %dma_wait3A_220] : memref<1600x8xf32, #tpu.memory_space<vmem>> -> memref<128x8xf32, #tpu.memory_space<vmem>>
    %dma_wait3A_222 = arith.constant 0 : i32
    %dma_wait3A_223 = tpu.memref_slice %arg6[%dma_wait3A_222] : memref<1600xi32, #tpu.memory_space<vmem>> -> memref<128xi32, #tpu.memory_space<vmem>>
    %dma_wait3A_224 = arith.constant 0 : i32
    %dma_wait3A_225 = arith.constant 0 : i32
    %dma_wait3A_226 = tpu.memref_slice %arg2[%dma_wait3A_224, %dma_wait3A_225] : memref<102400x8xf32, #tpu.memory_space<hbm>> -> memref<102400x8xf32, #tpu.memory_space<hbm>>
    tpu.wait_indirect_dma semaphore(%arg16 : memref<!tpu.dma_semaphore, #tpu.memory_space<semaphore_mem>>) src(%dma_wait3A_226 : memref<102400x8xf32, #tpu.memory_space<hbm>>) dst(%dma_wait3A_221 : memref<128x8xf32, #tpu.memory_space<vmem>>)
    %dma_wait3A_227 = arith.constant 0 : i32
    %dma_wait3A_228 = arith.constant 0 : i32
    %dma_wait3A_229 = tpu.memref_slice %arg9[%dma_wait3A_227, %dma_wait3A_228] : memref<1600x8xf32, #tpu.memory_space<vmem>> -> memref<128x8xf32, #tpu.memory_space<vmem>>
    %dma_wait3A_230 = arith.constant 0 : i32
    %dma_wait3A_231 = tpu.memref_slice %arg7[%dma_wait3A_230] : memref<1600xi32, #tpu.memory_space<vmem>> -> memref<128xi32, #tpu.memory_space<vmem>>
    %dma_wait3A_232 = arith.constant 0 : i32
    %dma_wait3A_233 = arith.constant 0 : i32
    %dma_wait3A_234 = tpu.memref_slice %arg2[%dma_wait3A_232, %dma_wait3A_233] : memref<102400x8xf32, #tpu.memory_space<hbm>> -> memref<102400x8xf32, #tpu.memory_space<hbm>>
    tpu.wait_indirect_dma semaphore(%arg16 : memref<!tpu.dma_semaphore, #tpu.memory_space<semaphore_mem>>) src(%dma_wait3A_234 : memref<102400x8xf32, #tpu.memory_space<hbm>>) dst(%dma_wait3A_229 : memref<128x8xf32, #tpu.memory_space<vmem>>)
    %dma_wait3A_235 = arith.constant 128 : i32
    %dma_wait3A_236 = arith.constant 0 : i32
    %dma_wait3A_237 = tpu.memref_slice %arg8[%dma_wait3A_235, %dma_wait3A_236] : memref<1600x8xf32, #tpu.memory_space<vmem>> -> memref<128x8xf32, #tpu.memory_space<vmem>>
    %dma_wait3A_238 = arith.constant 128 : i32
    %dma_wait3A_239 = tpu.memref_slice %arg6[%dma_wait3A_238] : memref<1600xi32, #tpu.memory_space<vmem>> -> memref<128xi32, #tpu.memory_space<vmem>>
    %dma_wait3A_240 = arith.constant 0 : i32
    %dma_wait3A_241 = arith.constant 0 : i32
    %dma_wait3A_242 = tpu.memref_slice %arg2[%dma_wait3A_240, %dma_wait3A_241] : memref<102400x8xf32, #tpu.memory_space<hbm>> -> memref<102400x8xf32, #tpu.memory_space<hbm>>
    tpu.wait_indirect_dma semaphore(%arg16 : memref<!tpu.dma_semaphore, #tpu.memory_space<semaphore_mem>>) src(%dma_wait3A_242 : memref<102400x8xf32, #tpu.memory_space<hbm>>) dst(%dma_wait3A_237 : memref<128x8xf32, #tpu.memory_space<vmem>>)
    %dma_wait3A_243 = arith.constant 128 : i32
    %dma_wait3A_244 = arith.constant 0 : i32
    %dma_wait3A_245 = tpu.memref_slice %arg9[%dma_wait3A_243, %dma_wait3A_244] : memref<1600x8xf32, #tpu.memory_space<vmem>> -> memref<128x8xf32, #tpu.memory_space<vmem>>
    %dma_wait3A_246 = arith.constant 128 : i32
    %dma_wait3A_247 = tpu.memref_slice %arg7[%dma_wait3A_246] : memref<1600xi32, #tpu.memory_space<vmem>> -> memref<128xi32, #tpu.memory_space<vmem>>
    %dma_wait3A_248 = arith.constant 0 : i32
    %dma_wait3A_249 = arith.constant 0 : i32
    %dma_wait3A_250 = tpu.memref_slice %arg2[%dma_wait3A_248, %dma_wait3A_249] : memref<102400x8xf32, #tpu.memory_space<hbm>> -> memref<102400x8xf32, #tpu.memory_space<hbm>>
    tpu.wait_indirect_dma semaphore(%arg16 : memref<!tpu.dma_semaphore, #tpu.memory_space<semaphore_mem>>) src(%dma_wait3A_250 : memref<102400x8xf32, #tpu.memory_space<hbm>>) dst(%dma_wait3A_245 : memref<128x8xf32, #tpu.memory_space<vmem>>)
    %dma_wait3A_251 = arith.constant 256 : i32
    %dma_wait3A_252 = arith.constant 0 : i32
    %dma_wait3A_253 = tpu.memref_slice %arg8[%dma_wait3A_251, %dma_wait3A_252] : memref<1600x8xf32, #tpu.memory_space<vmem>> -> memref<128x8xf32, #tpu.memory_space<vmem>>
    %dma_wait3A_254 = arith.constant 256 : i32
    %dma_wait3A_255 = tpu.memref_slice %arg6[%dma_wait3A_254] : memref<1600xi32, #tpu.memory_space<vmem>> -> memref<128xi32, #tpu.memory_space<vmem>>
    %dma_wait3A_256 = arith.constant 0 : i32
    %dma_wait3A_257 = arith.constant 0 : i32
    %dma_wait3A_258 = tpu.memref_slice %arg2[%dma_wait3A_256, %dma_wait3A_257] : memref<102400x8xf32, #tpu.memory_space<hbm>> -> memref<102400x8xf32, #tpu.memory_space<hbm>>
    tpu.wait_indirect_dma semaphore(%arg16 : memref<!tpu.dma_semaphore, #tpu.memory_space<semaphore_mem>>) src(%dma_wait3A_258 : memref<102400x8xf32, #tpu.memory_space<hbm>>) dst(%dma_wait3A_253 : memref<128x8xf32, #tpu.memory_space<vmem>>)
    %dma_wait3A_259 = arith.constant 256 : i32
    %dma_wait3A_260 = arith.constant 0 : i32
    %dma_wait3A_261 = tpu.memref_slice %arg9[%dma_wait3A_259, %dma_wait3A_260] : memref<1600x8xf32, #tpu.memory_space<vmem>> -> memref<128x8xf32, #tpu.memory_space<vmem>>
    %dma_wait3A_262 = arith.constant 256 : i32
    %dma_wait3A_263 = tpu.memref_slice %arg7[%dma_wait3A_262] : memref<1600xi32, #tpu.memory_space<vmem>> -> memref<128xi32, #tpu.memory_space<vmem>>
    %dma_wait3A_264 = arith.constant 0 : i32
    %dma_wait3A_265 = arith.constant 0 : i32
    %dma_wait3A_266 = tpu.memref_slice %arg2[%dma_wait3A_264, %dma_wait3A_265] : memref<102400x8xf32, #tpu.memory_space<hbm>> -> memref<102400x8xf32, #tpu.memory_space<hbm>>
    tpu.wait_indirect_dma semaphore(%arg16 : memref<!tpu.dma_semaphore, #tpu.memory_space<semaphore_mem>>) src(%dma_wait3A_266 : memref<102400x8xf32, #tpu.memory_space<hbm>>) dst(%dma_wait3A_261 : memref<128x8xf32, #tpu.memory_space<vmem>>)
    %dma_wait3A_267 = arith.constant 384 : i32
    %dma_wait3A_268 = arith.constant 0 : i32
    %dma_wait3A_269 = tpu.memref_slice %arg8[%dma_wait3A_267, %dma_wait3A_268] : memref<1600x8xf32, #tpu.memory_space<vmem>> -> memref<128x8xf32, #tpu.memory_space<vmem>>
    %dma_wait3A_270 = arith.constant 384 : i32
    %dma_wait3A_271 = tpu.memref_slice %arg6[%dma_wait3A_270] : memref<1600xi32, #tpu.memory_space<vmem>> -> memref<128xi32, #tpu.memory_space<vmem>>
    %dma_wait3A_272 = arith.constant 0 : i32
    %dma_wait3A_273 = arith.constant 0 : i32
    %dma_wait3A_274 = tpu.memref_slice %arg2[%dma_wait3A_272, %dma_wait3A_273] : memref<102400x8xf32, #tpu.memory_space<hbm>> -> memref<102400x8xf32, #tpu.memory_space<hbm>>
    tpu.wait_indirect_dma semaphore(%arg16 : memref<!tpu.dma_semaphore, #tpu.memory_space<semaphore_mem>>) src(%dma_wait3A_274 : memref<102400x8xf32, #tpu.memory_space<hbm>>) dst(%dma_wait3A_269 : memref<128x8xf32, #tpu.memory_space<vmem>>)
    %dma_wait3A_275 = arith.constant 384 : i32
    %dma_wait3A_276 = arith.constant 0 : i32
    %dma_wait3A_277 = tpu.memref_slice %arg9[%dma_wait3A_275, %dma_wait3A_276] : memref<1600x8xf32, #tpu.memory_space<vmem>> -> memref<128x8xf32, #tpu.memory_space<vmem>>
    %dma_wait3A_278 = arith.constant 384 : i32
    %dma_wait3A_279 = tpu.memref_slice %arg7[%dma_wait3A_278] : memref<1600xi32, #tpu.memory_space<vmem>> -> memref<128xi32, #tpu.memory_space<vmem>>
    %dma_wait3A_280 = arith.constant 0 : i32
    %dma_wait3A_281 = arith.constant 0 : i32
    %dma_wait3A_282 = tpu.memref_slice %arg2[%dma_wait3A_280, %dma_wait3A_281] : memref<102400x8xf32, #tpu.memory_space<hbm>> -> memref<102400x8xf32, #tpu.memory_space<hbm>>
    tpu.wait_indirect_dma semaphore(%arg16 : memref<!tpu.dma_semaphore, #tpu.memory_space<semaphore_mem>>) src(%dma_wait3A_282 : memref<102400x8xf32, #tpu.memory_space<hbm>>) dst(%dma_wait3A_277 : memref<128x8xf32, #tpu.memory_space<vmem>>)
    %dma_wait3A_283 = arith.constant 512 : i32
    %dma_wait3A_284 = arith.constant 0 : i32
    %dma_wait3A_285 = tpu.memref_slice %arg8[%dma_wait3A_283, %dma_wait3A_284] : memref<1600x8xf32, #tpu.memory_space<vmem>> -> memref<128x8xf32, #tpu.memory_space<vmem>>
    %dma_wait3A_286 = arith.constant 512 : i32
    %dma_wait3A_287 = tpu.memref_slice %arg6[%dma_wait3A_286] : memref<1600xi32, #tpu.memory_space<vmem>> -> memref<128xi32, #tpu.memory_space<vmem>>
    %dma_wait3A_288 = arith.constant 0 : i32
    %dma_wait3A_289 = arith.constant 0 : i32
    %dma_wait3A_290 = tpu.memref_slice %arg2[%dma_wait3A_288, %dma_wait3A_289] : memref<102400x8xf32, #tpu.memory_space<hbm>> -> memref<102400x8xf32, #tpu.memory_space<hbm>>
    tpu.wait_indirect_dma semaphore(%arg16 : memref<!tpu.dma_semaphore, #tpu.memory_space<semaphore_mem>>) src(%dma_wait3A_290 : memref<102400x8xf32, #tpu.memory_space<hbm>>) dst(%dma_wait3A_285 : memref<128x8xf32, #tpu.memory_space<vmem>>)
    %dma_wait3A_291 = arith.constant 512 : i32
    %dma_wait3A_292 = arith.constant 0 : i32
    %dma_wait3A_293 = tpu.memref_slice %arg9[%dma_wait3A_291, %dma_wait3A_292] : memref<1600x8xf32, #tpu.memory_space<vmem>> -> memref<128x8xf32, #tpu.memory_space<vmem>>
    %dma_wait3A_294 = arith.constant 512 : i32
    %dma_wait3A_295 = tpu.memref_slice %arg7[%dma_wait3A_294] : memref<1600xi32, #tpu.memory_space<vmem>> -> memref<128xi32, #tpu.memory_space<vmem>>
    %dma_wait3A_296 = arith.constant 0 : i32
    %dma_wait3A_297 = arith.constant 0 : i32
    %dma_wait3A_298 = tpu.memref_slice %arg2[%dma_wait3A_296, %dma_wait3A_297] : memref<102400x8xf32, #tpu.memory_space<hbm>> -> memref<102400x8xf32, #tpu.memory_space<hbm>>
    tpu.wait_indirect_dma semaphore(%arg16 : memref<!tpu.dma_semaphore, #tpu.memory_space<semaphore_mem>>) src(%dma_wait3A_298 : memref<102400x8xf32, #tpu.memory_space<hbm>>) dst(%dma_wait3A_293 : memref<128x8xf32, #tpu.memory_space<vmem>>)
    %dma_wait3A_299 = arith.constant 640 : i32
    %dma_wait3A_300 = arith.constant 0 : i32
    %dma_wait3A_301 = tpu.memref_slice %arg8[%dma_wait3A_299, %dma_wait3A_300] : memref<1600x8xf32, #tpu.memory_space<vmem>> -> memref<128x8xf32, #tpu.memory_space<vmem>>
    %dma_wait3A_302 = arith.constant 640 : i32
    %dma_wait3A_303 = tpu.memref_slice %arg6[%dma_wait3A_302] : memref<1600xi32, #tpu.memory_space<vmem>> -> memref<128xi32, #tpu.memory_space<vmem>>
    %dma_wait3A_304 = arith.constant 0 : i32
    %dma_wait3A_305 = arith.constant 0 : i32
    %dma_wait3A_306 = tpu.memref_slice %arg2[%dma_wait3A_304, %dma_wait3A_305] : memref<102400x8xf32, #tpu.memory_space<hbm>> -> memref<102400x8xf32, #tpu.memory_space<hbm>>
    tpu.wait_indirect_dma semaphore(%arg16 : memref<!tpu.dma_semaphore, #tpu.memory_space<semaphore_mem>>) src(%dma_wait3A_306 : memref<102400x8xf32, #tpu.memory_space<hbm>>) dst(%dma_wait3A_301 : memref<128x8xf32, #tpu.memory_space<vmem>>)
    %dma_wait3A_307 = arith.constant 640 : i32
    %dma_wait3A_308 = arith.constant 0 : i32
    %dma_wait3A_309 = tpu.memref_slice %arg9[%dma_wait3A_307, %dma_wait3A_308] : memref<1600x8xf32, #tpu.memory_space<vmem>> -> memref<128x8xf32, #tpu.memory_space<vmem>>
    %dma_wait3A_310 = arith.constant 640 : i32
    %dma_wait3A_311 = tpu.memref_slice %arg7[%dma_wait3A_310] : memref<1600xi32, #tpu.memory_space<vmem>> -> memref<128xi32, #tpu.memory_space<vmem>>
    %dma_wait3A_312 = arith.constant 0 : i32
    %dma_wait3A_313 = arith.constant 0 : i32
    %dma_wait3A_314 = tpu.memref_slice %arg2[%dma_wait3A_312, %dma_wait3A_313] : memref<102400x8xf32, #tpu.memory_space<hbm>> -> memref<102400x8xf32, #tpu.memory_space<hbm>>
    tpu.wait_indirect_dma semaphore(%arg16 : memref<!tpu.dma_semaphore, #tpu.memory_space<semaphore_mem>>) src(%dma_wait3A_314 : memref<102400x8xf32, #tpu.memory_space<hbm>>) dst(%dma_wait3A_309 : memref<128x8xf32, #tpu.memory_space<vmem>>)
    %dma_wait3A_315 = arith.constant 768 : i32
    %dma_wait3A_316 = arith.constant 0 : i32
    %dma_wait3A_317 = tpu.memref_slice %arg8[%dma_wait3A_315, %dma_wait3A_316] : memref<1600x8xf32, #tpu.memory_space<vmem>> -> memref<128x8xf32, #tpu.memory_space<vmem>>
    %dma_wait3A_318 = arith.constant 768 : i32
    %dma_wait3A_319 = tpu.memref_slice %arg6[%dma_wait3A_318] : memref<1600xi32, #tpu.memory_space<vmem>> -> memref<128xi32, #tpu.memory_space<vmem>>
    %dma_wait3A_320 = arith.constant 0 : i32
    %dma_wait3A_321 = arith.constant 0 : i32
    %dma_wait3A_322 = tpu.memref_slice %arg2[%dma_wait3A_320, %dma_wait3A_321] : memref<102400x8xf32, #tpu.memory_space<hbm>> -> memref<102400x8xf32, #tpu.memory_space<hbm>>
    tpu.wait_indirect_dma semaphore(%arg16 : memref<!tpu.dma_semaphore, #tpu.memory_space<semaphore_mem>>) src(%dma_wait3A_322 : memref<102400x8xf32, #tpu.memory_space<hbm>>) dst(%dma_wait3A_317 : memref<128x8xf32, #tpu.memory_space<vmem>>)
    %dma_wait3A_323 = arith.constant 768 : i32
    %dma_wait3A_324 = arith.constant 0 : i32
    %dma_wait3A_325 = tpu.memref_slice %arg9[%dma_wait3A_323, %dma_wait3A_324] : memref<1600x8xf32, #tpu.memory_space<vmem>> -> memref<128x8xf32, #tpu.memory_space<vmem>>
    %dma_wait3A_326 = arith.constant 768 : i32
    %dma_wait3A_327 = tpu.memref_slice %arg7[%dma_wait3A_326] : memref<1600xi32, #tpu.memory_space<vmem>> -> memref<128xi32, #tpu.memory_space<vmem>>
    %dma_wait3A_328 = arith.constant 0 : i32
    %dma_wait3A_329 = arith.constant 0 : i32
    %dma_wait3A_330 = tpu.memref_slice %arg2[%dma_wait3A_328, %dma_wait3A_329] : memref<102400x8xf32, #tpu.memory_space<hbm>> -> memref<102400x8xf32, #tpu.memory_space<hbm>>
    tpu.wait_indirect_dma semaphore(%arg16 : memref<!tpu.dma_semaphore, #tpu.memory_space<semaphore_mem>>) src(%dma_wait3A_330 : memref<102400x8xf32, #tpu.memory_space<hbm>>) dst(%dma_wait3A_325 : memref<128x8xf32, #tpu.memory_space<vmem>>)
    %dma_wait3A_331 = arith.constant 896 : i32
    %dma_wait3A_332 = arith.constant 0 : i32
    %dma_wait3A_333 = tpu.memref_slice %arg8[%dma_wait3A_331, %dma_wait3A_332] : memref<1600x8xf32, #tpu.memory_space<vmem>> -> memref<128x8xf32, #tpu.memory_space<vmem>>
    %dma_wait3A_334 = arith.constant 896 : i32
    %dma_wait3A_335 = tpu.memref_slice %arg6[%dma_wait3A_334] : memref<1600xi32, #tpu.memory_space<vmem>> -> memref<128xi32, #tpu.memory_space<vmem>>
    %dma_wait3A_336 = arith.constant 0 : i32
    %dma_wait3A_337 = arith.constant 0 : i32
    %dma_wait3A_338 = tpu.memref_slice %arg2[%dma_wait3A_336, %dma_wait3A_337] : memref<102400x8xf32, #tpu.memory_space<hbm>> -> memref<102400x8xf32, #tpu.memory_space<hbm>>
    tpu.wait_indirect_dma semaphore(%arg16 : memref<!tpu.dma_semaphore, #tpu.memory_space<semaphore_mem>>) src(%dma_wait3A_338 : memref<102400x8xf32, #tpu.memory_space<hbm>>) dst(%dma_wait3A_333 : memref<128x8xf32, #tpu.memory_space<vmem>>)
    %dma_wait3A_339 = arith.constant 896 : i32
    %dma_wait3A_340 = arith.constant 0 : i32
    %dma_wait3A_341 = tpu.memref_slice %arg9[%dma_wait3A_339, %dma_wait3A_340] : memref<1600x8xf32, #tpu.memory_space<vmem>> -> memref<128x8xf32, #tpu.memory_space<vmem>>
    %dma_wait3A_342 = arith.constant 896 : i32
    %dma_wait3A_343 = tpu.memref_slice %arg7[%dma_wait3A_342] : memref<1600xi32, #tpu.memory_space<vmem>> -> memref<128xi32, #tpu.memory_space<vmem>>
    %dma_wait3A_344 = arith.constant 0 : i32
    %dma_wait3A_345 = arith.constant 0 : i32
    %dma_wait3A_346 = tpu.memref_slice %arg2[%dma_wait3A_344, %dma_wait3A_345] : memref<102400x8xf32, #tpu.memory_space<hbm>> -> memref<102400x8xf32, #tpu.memory_space<hbm>>
    tpu.wait_indirect_dma semaphore(%arg16 : memref<!tpu.dma_semaphore, #tpu.memory_space<semaphore_mem>>) src(%dma_wait3A_346 : memref<102400x8xf32, #tpu.memory_space<hbm>>) dst(%dma_wait3A_341 : memref<128x8xf32, #tpu.memory_space<vmem>>)
    %dma_wait3A_347 = arith.constant 1024 : i32
    %dma_wait3A_348 = arith.constant 0 : i32
    %dma_wait3A_349 = tpu.memref_slice %arg8[%dma_wait3A_347, %dma_wait3A_348] : memref<1600x8xf32, #tpu.memory_space<vmem>> -> memref<128x8xf32, #tpu.memory_space<vmem>>
    %dma_wait3A_350 = arith.constant 1024 : i32
    %dma_wait3A_351 = tpu.memref_slice %arg6[%dma_wait3A_350] : memref<1600xi32, #tpu.memory_space<vmem>> -> memref<128xi32, #tpu.memory_space<vmem>>
    %dma_wait3A_352 = arith.constant 0 : i32
    %dma_wait3A_353 = arith.constant 0 : i32
    %dma_wait3A_354 = tpu.memref_slice %arg2[%dma_wait3A_352, %dma_wait3A_353] : memref<102400x8xf32, #tpu.memory_space<hbm>> -> memref<102400x8xf32, #tpu.memory_space<hbm>>
    tpu.wait_indirect_dma semaphore(%arg16 : memref<!tpu.dma_semaphore, #tpu.memory_space<semaphore_mem>>) src(%dma_wait3A_354 : memref<102400x8xf32, #tpu.memory_space<hbm>>) dst(%dma_wait3A_349 : memref<128x8xf32, #tpu.memory_space<vmem>>)
    %dma_wait3A_355 = arith.constant 1024 : i32
    %dma_wait3A_356 = arith.constant 0 : i32
    %dma_wait3A_357 = tpu.memref_slice %arg9[%dma_wait3A_355, %dma_wait3A_356] : memref<1600x8xf32, #tpu.memory_space<vmem>> -> memref<128x8xf32, #tpu.memory_space<vmem>>
    %dma_wait3A_358 = arith.constant 1024 : i32
    %dma_wait3A_359 = tpu.memref_slice %arg7[%dma_wait3A_358] : memref<1600xi32, #tpu.memory_space<vmem>> -> memref<128xi32, #tpu.memory_space<vmem>>
    %dma_wait3A_360 = arith.constant 0 : i32
    %dma_wait3A_361 = arith.constant 0 : i32
    %dma_wait3A_362 = tpu.memref_slice %arg2[%dma_wait3A_360, %dma_wait3A_361] : memref<102400x8xf32, #tpu.memory_space<hbm>> -> memref<102400x8xf32, #tpu.memory_space<hbm>>
    tpu.wait_indirect_dma semaphore(%arg16 : memref<!tpu.dma_semaphore, #tpu.memory_space<semaphore_mem>>) src(%dma_wait3A_362 : memref<102400x8xf32, #tpu.memory_space<hbm>>) dst(%dma_wait3A_357 : memref<128x8xf32, #tpu.memory_space<vmem>>)
    %dma_wait3A_363 = arith.constant 1152 : i32
    %dma_wait3A_364 = arith.constant 0 : i32
    %dma_wait3A_365 = tpu.memref_slice %arg8[%dma_wait3A_363, %dma_wait3A_364] : memref<1600x8xf32, #tpu.memory_space<vmem>> -> memref<128x8xf32, #tpu.memory_space<vmem>>
    %dma_wait3A_366 = arith.constant 1152 : i32
    %dma_wait3A_367 = tpu.memref_slice %arg6[%dma_wait3A_366] : memref<1600xi32, #tpu.memory_space<vmem>> -> memref<128xi32, #tpu.memory_space<vmem>>
    %dma_wait3A_368 = arith.constant 0 : i32
    %dma_wait3A_369 = arith.constant 0 : i32
    %dma_wait3A_370 = tpu.memref_slice %arg2[%dma_wait3A_368, %dma_wait3A_369] : memref<102400x8xf32, #tpu.memory_space<hbm>> -> memref<102400x8xf32, #tpu.memory_space<hbm>>
    tpu.wait_indirect_dma semaphore(%arg16 : memref<!tpu.dma_semaphore, #tpu.memory_space<semaphore_mem>>) src(%dma_wait3A_370 : memref<102400x8xf32, #tpu.memory_space<hbm>>) dst(%dma_wait3A_365 : memref<128x8xf32, #tpu.memory_space<vmem>>)
    %dma_wait3A_371 = arith.constant 1152 : i32
    %dma_wait3A_372 = arith.constant 0 : i32
    %dma_wait3A_373 = tpu.memref_slice %arg9[%dma_wait3A_371, %dma_wait3A_372] : memref<1600x8xf32, #tpu.memory_space<vmem>> -> memref<128x8xf32, #tpu.memory_space<vmem>>
    %dma_wait3A_374 = arith.constant 1152 : i32
    %dma_wait3A_375 = tpu.memref_slice %arg7[%dma_wait3A_374] : memref<1600xi32, #tpu.memory_space<vmem>> -> memref<128xi32, #tpu.memory_space<vmem>>
    %dma_wait3A_376 = arith.constant 0 : i32
    %dma_wait3A_377 = arith.constant 0 : i32
    %dma_wait3A_378 = tpu.memref_slice %arg2[%dma_wait3A_376, %dma_wait3A_377] : memref<102400x8xf32, #tpu.memory_space<hbm>> -> memref<102400x8xf32, #tpu.memory_space<hbm>>
    tpu.wait_indirect_dma semaphore(%arg16 : memref<!tpu.dma_semaphore, #tpu.memory_space<semaphore_mem>>) src(%dma_wait3A_378 : memref<102400x8xf32, #tpu.memory_space<hbm>>) dst(%dma_wait3A_373 : memref<128x8xf32, #tpu.memory_space<vmem>>)
    %dma_wait3A_379 = arith.constant 1280 : i32
    %dma_wait3A_380 = arith.constant 0 : i32
    %dma_wait3A_381 = tpu.memref_slice %arg8[%dma_wait3A_379, %dma_wait3A_380] : memref<1600x8xf32, #tpu.memory_space<vmem>> -> memref<128x8xf32, #tpu.memory_space<vmem>>
    %dma_wait3A_382 = arith.constant 1280 : i32
    %dma_wait3A_383 = tpu.memref_slice %arg6[%dma_wait3A_382] : memref<1600xi32, #tpu.memory_space<vmem>> -> memref<128xi32, #tpu.memory_space<vmem>>
    %dma_wait3A_384 = arith.constant 0 : i32
    %dma_wait3A_385 = arith.constant 0 : i32
    %dma_wait3A_386 = tpu.memref_slice %arg2[%dma_wait3A_384, %dma_wait3A_385] : memref<102400x8xf32, #tpu.memory_space<hbm>> -> memref<102400x8xf32, #tpu.memory_space<hbm>>
    tpu.wait_indirect_dma semaphore(%arg16 : memref<!tpu.dma_semaphore, #tpu.memory_space<semaphore_mem>>) src(%dma_wait3A_386 : memref<102400x8xf32, #tpu.memory_space<hbm>>) dst(%dma_wait3A_381 : memref<128x8xf32, #tpu.memory_space<vmem>>)
    %dma_wait3A_387 = arith.constant 1280 : i32
    %dma_wait3A_388 = arith.constant 0 : i32
    %dma_wait3A_389 = tpu.memref_slice %arg9[%dma_wait3A_387, %dma_wait3A_388] : memref<1600x8xf32, #tpu.memory_space<vmem>> -> memref<128x8xf32, #tpu.memory_space<vmem>>
    %dma_wait3A_390 = arith.constant 1280 : i32
    %dma_wait3A_391 = tpu.memref_slice %arg7[%dma_wait3A_390] : memref<1600xi32, #tpu.memory_space<vmem>> -> memref<128xi32, #tpu.memory_space<vmem>>
    %dma_wait3A_392 = arith.constant 0 : i32
    %dma_wait3A_393 = arith.constant 0 : i32
    %dma_wait3A_394 = tpu.memref_slice %arg2[%dma_wait3A_392, %dma_wait3A_393] : memref<102400x8xf32, #tpu.memory_space<hbm>> -> memref<102400x8xf32, #tpu.memory_space<hbm>>
    tpu.wait_indirect_dma semaphore(%arg16 : memref<!tpu.dma_semaphore, #tpu.memory_space<semaphore_mem>>) src(%dma_wait3A_394 : memref<102400x8xf32, #tpu.memory_space<hbm>>) dst(%dma_wait3A_389 : memref<128x8xf32, #tpu.memory_space<vmem>>)
    %dma_wait3A_395 = arith.constant 1408 : i32
    %dma_wait3A_396 = arith.constant 0 : i32
    %dma_wait3A_397 = tpu.memref_slice %arg8[%dma_wait3A_395, %dma_wait3A_396] : memref<1600x8xf32, #tpu.memory_space<vmem>> -> memref<128x8xf32, #tpu.memory_space<vmem>>
    %dma_wait3A_398 = arith.constant 1408 : i32
    %dma_wait3A_399 = tpu.memref_slice %arg6[%dma_wait3A_398] : memref<1600xi32, #tpu.memory_space<vmem>> -> memref<128xi32, #tpu.memory_space<vmem>>
    %dma_wait3A_400 = arith.constant 0 : i32
    %dma_wait3A_401 = arith.constant 0 : i32
    %dma_wait3A_402 = tpu.memref_slice %arg2[%dma_wait3A_400, %dma_wait3A_401] : memref<102400x8xf32, #tpu.memory_space<hbm>> -> memref<102400x8xf32, #tpu.memory_space<hbm>>
    tpu.wait_indirect_dma semaphore(%arg16 : memref<!tpu.dma_semaphore, #tpu.memory_space<semaphore_mem>>) src(%dma_wait3A_402 : memref<102400x8xf32, #tpu.memory_space<hbm>>) dst(%dma_wait3A_397 : memref<128x8xf32, #tpu.memory_space<vmem>>)
    %dma_wait3A_403 = arith.constant 1408 : i32
    %dma_wait3A_404 = arith.constant 0 : i32
    %dma_wait3A_405 = tpu.memref_slice %arg9[%dma_wait3A_403, %dma_wait3A_404] : memref<1600x8xf32, #tpu.memory_space<vmem>> -> memref<128x8xf32, #tpu.memory_space<vmem>>
    %dma_wait3A_406 = arith.constant 1408 : i32
    %dma_wait3A_407 = tpu.memref_slice %arg7[%dma_wait3A_406] : memref<1600xi32, #tpu.memory_space<vmem>> -> memref<128xi32, #tpu.memory_space<vmem>>
    %dma_wait3A_408 = arith.constant 0 : i32
    %dma_wait3A_409 = arith.constant 0 : i32
    %dma_wait3A_410 = tpu.memref_slice %arg2[%dma_wait3A_408, %dma_wait3A_409] : memref<102400x8xf32, #tpu.memory_space<hbm>> -> memref<102400x8xf32, #tpu.memory_space<hbm>>
    tpu.wait_indirect_dma semaphore(%arg16 : memref<!tpu.dma_semaphore, #tpu.memory_space<semaphore_mem>>) src(%dma_wait3A_410 : memref<102400x8xf32, #tpu.memory_space<hbm>>) dst(%dma_wait3A_405 : memref<128x8xf32, #tpu.memory_space<vmem>>)
    %dma_wait3A_411 = arith.constant 1536 : i32
    %dma_wait3A_412 = arith.constant 0 : i32
    %dma_wait3A_413 = tpu.memref_slice %arg8[%dma_wait3A_411, %dma_wait3A_412] : memref<1600x8xf32, #tpu.memory_space<vmem>> -> memref<64x8xf32, #tpu.memory_space<vmem>>
    %dma_wait3A_414 = arith.constant 1536 : i32
    %dma_wait3A_415 = tpu.memref_slice %arg6[%dma_wait3A_414] : memref<1600xi32, #tpu.memory_space<vmem>> -> memref<64xi32, #tpu.memory_space<vmem>>
    %dma_wait3A_416 = arith.constant 0 : i32
    %dma_wait3A_417 = arith.constant 0 : i32
    %dma_wait3A_418 = tpu.memref_slice %arg2[%dma_wait3A_416, %dma_wait3A_417] : memref<102400x8xf32, #tpu.memory_space<hbm>> -> memref<102400x8xf32, #tpu.memory_space<hbm>>
    tpu.wait_indirect_dma semaphore(%arg16 : memref<!tpu.dma_semaphore, #tpu.memory_space<semaphore_mem>>) src(%dma_wait3A_418 : memref<102400x8xf32, #tpu.memory_space<hbm>>) dst(%dma_wait3A_413 : memref<64x8xf32, #tpu.memory_space<vmem>>)
    %dma_wait3A_419 = arith.constant 1536 : i32
    %dma_wait3A_420 = arith.constant 0 : i32
    %dma_wait3A_421 = tpu.memref_slice %arg9[%dma_wait3A_419, %dma_wait3A_420] : memref<1600x8xf32, #tpu.memory_space<vmem>> -> memref<64x8xf32, #tpu.memory_space<vmem>>
    %dma_wait3A_422 = arith.constant 1536 : i32
    %dma_wait3A_423 = tpu.memref_slice %arg7[%dma_wait3A_422] : memref<1600xi32, #tpu.memory_space<vmem>> -> memref<64xi32, #tpu.memory_space<vmem>>
    %dma_wait3A_424 = arith.constant 0 : i32
    %dma_wait3A_425 = arith.constant 0 : i32
    %dma_wait3A_426 = tpu.memref_slice %arg2[%dma_wait3A_424, %dma_wait3A_425] : memref<102400x8xf32, #tpu.memory_space<hbm>> -> memref<102400x8xf32, #tpu.memory_space<hbm>>
    tpu.wait_indirect_dma semaphore(%arg16 : memref<!tpu.dma_semaphore, #tpu.memory_space<semaphore_mem>>) src(%dma_wait3A_426 : memref<102400x8xf32, #tpu.memory_space<hbm>>) dst(%dma_wait3A_421 : memref<64x8xf32, #tpu.memory_space<vmem>>)
    %scan3A_427 = arith.constant 0 : i32
    %scan3A_428 = arith.constant 100 : i32
    %scan3A_429 = arith.addi %scan3A_427, %scan3A_428 : i32
    %scan3A_430 = arith.constant 1 : i32
    %scan3A_431:2 = scf.for %scan3A_436 = %scan3A_427 to %scan3A_429 step %scan3A_430 iter_args(%scan3A_437 = %scan3A_218#0, %scan3A_438 = %scan3A_218#1) -> (vector<16xf32>, vector<16xf32>)  : i32 {
      %mul3A_439 = arith.constant 16 : i32
      %mul3A_440 = arith.muli %scan3A_436, %mul3A_439 : i32
      %iota3A = tpu.iota {dimensions = array<i32: 0>} : vector<16xi32>
      %add3A_441 = vector.broadcast %mul3A_440 : i32 to vector<16xi32>
      %add3A_442 = arith.addi %add3A_441, %iota3A : vector<16xi32>
      %broadcast_in_dim3A_443 = arith.constant 0 : i32
      %broadcast_in_dim3A_444 = vector.broadcast %broadcast_in_dim3A_443 : i32 to vector<16xi32>
      %gather3A = tpu.vector_load_idx %arg8[%add3A_442, %broadcast_in_dim3A_444] : memref<1600x8xf32, #tpu.memory_space<vmem>>[vector<16xi32>, vector<16xi32>], vector<16xf32>,
      %broadcast_in_dim3A_445 = arith.constant 1 : i32
      %broadcast_in_dim3A_446 = vector.broadcast %broadcast_in_dim3A_445 : i32 to vector<16xi32>
      %gather3A_447 = tpu.vector_load_idx %arg8[%add3A_442, %broadcast_in_dim3A_446] : memref<1600x8xf32, #tpu.memory_space<vmem>>[vector<16xi32>, vector<16xi32>], vector<16xf32>,
      %broadcast_in_dim3A_448 = arith.constant 2 : i32
      %broadcast_in_dim3A_449 = vector.broadcast %broadcast_in_dim3A_448 : i32 to vector<16xi32>
      %gather3A_450 = tpu.vector_load_idx %arg8[%add3A_442, %broadcast_in_dim3A_449] : memref<1600x8xf32, #tpu.memory_space<vmem>>[vector<16xi32>, vector<16xi32>], vector<16xf32>,
      %broadcast_in_dim3A_451 = arith.constant 3 : i32
      %broadcast_in_dim3A_452 = vector.broadcast %broadcast_in_dim3A_451 : i32 to vector<16xi32>
      %gather3A_453 = tpu.vector_load_idx %arg8[%add3A_442, %broadcast_in_dim3A_452] : memref<1600x8xf32, #tpu.memory_space<vmem>>[vector<16xi32>, vector<16xi32>], vector<16xf32>,
      %broadcast_in_dim3A_454 = arith.constant 4 : i32
      %broadcast_in_dim3A_455 = vector.broadcast %broadcast_in_dim3A_454 : i32 to vector<16xi32>
      %gather3A_456 = tpu.vector_load_idx %arg8[%add3A_442, %broadcast_in_dim3A_455] : memref<1600x8xf32, #tpu.memory_space<vmem>>[vector<16xi32>, vector<16xi32>], vector<16xf32>,
      %broadcast_in_dim3A_457 = arith.constant 5 : i32
      %broadcast_in_dim3A_458 = vector.broadcast %broadcast_in_dim3A_457 : i32 to vector<16xi32>
      %gather3A_459 = tpu.vector_load_idx %arg8[%add3A_442, %broadcast_in_dim3A_458] : memref<1600x8xf32, #tpu.memory_space<vmem>>[vector<16xi32>, vector<16xi32>], vector<16xf32>,
      %broadcast_in_dim3A_460 = arith.constant 6 : i32
      %broadcast_in_dim3A_461 = vector.broadcast %broadcast_in_dim3A_460 : i32 to vector<16xi32>
      %gather3A_462 = tpu.vector_load_idx %arg8[%add3A_442, %broadcast_in_dim3A_461] : memref<1600x8xf32, #tpu.memory_space<vmem>>[vector<16xi32>, vector<16xi32>], vector<16xf32>,
      %broadcast_in_dim3A_463 = arith.constant 0 : i32
      %broadcast_in_dim3A_464 = vector.broadcast %broadcast_in_dim3A_463 : i32 to vector<16xi32>
      %gather3A_465 = tpu.vector_load_idx %arg9[%add3A_442, %broadcast_in_dim3A_464] : memref<1600x8xf32, #tpu.memory_space<vmem>>[vector<16xi32>, vector<16xi32>], vector<16xf32>,
      %broadcast_in_dim3A_466 = arith.constant 1 : i32
      %broadcast_in_dim3A_467 = vector.broadcast %broadcast_in_dim3A_466 : i32 to vector<16xi32>
      %gather3A_468 = tpu.vector_load_idx %arg9[%add3A_442, %broadcast_in_dim3A_467] : memref<1600x8xf32, #tpu.memory_space<vmem>>[vector<16xi32>, vector<16xi32>], vector<16xf32>,
      %broadcast_in_dim3A_469 = arith.constant 2 : i32
      %broadcast_in_dim3A_470 = vector.broadcast %broadcast_in_dim3A_469 : i32 to vector<16xi32>
      %gather3A_471 = tpu.vector_load_idx %arg9[%add3A_442, %broadcast_in_dim3A_470] : memref<1600x8xf32, #tpu.memory_space<vmem>>[vector<16xi32>, vector<16xi32>], vector<16xf32>,
      %sub3A = arith.subf %gather3A, %gather3A_465 : vector<16xf32>
      %sub3A_472 = arith.subf %gather3A_447, %gather3A_468 : vector<16xf32>
      %sub3A_473 = arith.subf %gather3A_450, %gather3A_471 : vector<16xf32>
      %mul3A_474 = arith.mulf %sub3A, %sub3A : vector<16xf32>
      %mul3A_475 = arith.mulf %sub3A_472, %sub3A_472 : vector<16xf32>
      %add3A_476 = arith.addf %mul3A_474, %mul3A_475 : vector<16xf32>
      %mul3A_477 = arith.mulf %sub3A_473, %sub3A_473 : vector<16xf32>
      %add3A_478 = arith.addf %add3A_476, %mul3A_477 : vector<16xf32>
      %mul3A_479 = arith.mulf %sub3A, %gather3A_453 : vector<16xf32>
      %mul3A_480 = arith.mulf %sub3A_472, %gather3A_456 : vector<16xf32>
      %add3A_481 = arith.addf %mul3A_479, %mul3A_480 : vector<16xf32>
      %mul3A_482 = arith.mulf %sub3A_473, %gather3A_459 : vector<16xf32>
      %add3A_483 = arith.addf %add3A_481, %mul3A_482 : vector<16xf32>
      %mul3A_484 = arith.mulf %add3A_483, %add3A_483 : vector<16xf32>
      %mul3A_485 = arith.mulf %mul3A_484, %gather3A_462 : vector<16xf32>
      %max3A = arith.constant 1.000000e-24 : f32
      %max3A_486 = vector.broadcast %max3A : f32 to vector<16xf32>
      %max3A_487 = arith.maximumf %add3A_478, %max3A_486 : vector<16xf32>
      %div3A = arith.divf %mul3A_485, %max3A_487 : vector<16xf32>
      %mul3A_488 = arith.constant 16 : i32
      %mul3A_489 = arith.muli %scan3A_436, %mul3A_488 : i32
      %get3A = arith.index_cast %mul3A_489 : i32 to index
      %get3A_490 = tpu.vector_load %arg6[%get3A] {strides = array<i32>} : memref<1600xi32, #tpu.memory_space<vmem>>, vector<16xi32>,
      %mul3A_491 = arith.constant 16 : i32
      %mul3A_492 = arith.muli %scan3A_436, %mul3A_491 : i32
      %get3A_493 = arith.index_cast %mul3A_492 : i32 to index
      %get3A_494 = tpu.vector_load %arg7[%get3A_493] {strides = array<i32>} : memref<1600xi32, #tpu.memory_space<vmem>>, vector<16xi32>,
      %ne3A = arith.constant 0 : i32
      %ne3A_495 = vector.broadcast %ne3A : i32 to vector<16xi32>
      %ne3A_496 = arith.cmpi ne, %get3A_490, %ne3A_495 : vector<16xi32>
      %ne3A_497 = arith.constant 0 : i32
      %ne3A_498 = vector.broadcast %ne3A_497 : i32 to vector<16xi32>
      %ne3A_499 = arith.cmpi ne, %get3A_494, %ne3A_498 : vector<16xi32>
      %or3A = arith.ori %ne3A_496, %ne3A_499 : vector<16xi1>
      %jit3A = arith.constant 0.000000e+00 : f32
      %broadcast_in_dim3A_500 = vector.broadcast %jit3A : f32 to vector<16xf32>
      %select_n3A = arith.select %or3A, %div3A, %broadcast_in_dim3A_500 : vector<16xi1>, vector<16xf32>
      %add3A_501 = arith.addf %scan3A_437, %select_n3A : vector<16xf32>
      %jit3A_502 = arith.constant 1.000000e+00 : f32
      %jit3A_503 = arith.constant 0.000000e+00 : f32
      %broadcast_in_dim3A_504 = vector.broadcast %jit3A_502 : f32 to vector<16xf32>
      %broadcast_in_dim3A_505 = vector.broadcast %jit3A_503 : f32 to vector<16xf32>
      %select_n3A_506 = arith.select %or3A, %broadcast_in_dim3A_504, %broadcast_in_dim3A_505 : vector<16xi1>, vector<16xf32>
      %add3A_507 = arith.addf %scan3A_438, %select_n3A_506 : vector<16xf32>
      scf.yield %add3A_501, %add3A_507 : vector<16xf32>, vector<16xf32>
    }
    %scan3A_432 = arith.constant 100 : i32
    %swap3A = arith.constant 0 : index
    %swap3A_433 = tpu.vector_load %arg14[%swap3A] {strides = array<i32>} : memref<16xf32, #tpu.memory_space<vmem>>, vector<16xf32>,
    tpu.vector_store %arg14[%swap3A], %scan3A_431#0 {strides = array<i32>} : memref<16xf32, #tpu.memory_space<vmem>>, vector<16xf32>,
    %swap3A_434 = arith.constant 0 : index
    %swap3A_435 = tpu.vector_load %arg15[%swap3A_434] {strides = array<i32>} : memref<16xf32, #tpu.memory_space<vmem>>, vector<16xf32>,
    tpu.vector_store %arg15[%swap3A_434], %scan3A_431#1 {strides = array<i32>} : memref<16xf32, #tpu.memory_space<vmem>>, vector<16xf32>,
    "tpu.region"() ({
      %run_scoped3A = tpu.sem_alloc : memref<!tpu.dma_semaphore, #tpu.memory_space<semaphore_mem>>
      %dma_start3A_436 = arith.constant 0 : i32
      %dma_start3A_437 = tpu.memref_slice %arg4[%add3A, %dma_start3A_436] : memref<32x16xf32, #tpu.memory_space<hbm>> -> memref<1x16xf32, #tpu.memory_space<hbm>>
      %dma_start3A_438 = tpu.memref_squeeze %dma_start3A_437 : memref<1x16xf32, #tpu.memory_space<hbm>> -> memref<16xf32, #tpu.memory_space<hbm>>
      %dma_start3A_439 = arith.constant 0 : i32
      %dma_start3A_440 = tpu.memref_slice %arg4[%add3A, %dma_start3A_439] : memref<32x16xf32, #tpu.memory_space<hbm>> -> memref<1x16xf32, #tpu.memory_space<hbm>>
      %dma_start3A_441 = tpu.memref_squeeze %dma_start3A_440 : memref<1x16xf32, #tpu.memory_space<hbm>> -> memref<16xf32, #tpu.memory_space<hbm>>
      tpu.enqueue_dma source(%arg14 : memref<16xf32, #tpu.memory_space<vmem>>) target(%dma_start3A_441 : memref<16xf32, #tpu.memory_space<hbm>>) target_semaphore(%run_scoped3A : memref<!tpu.dma_semaphore, #tpu.memory_space<semaphore_mem>>)
      %dma_wait3A_442 = arith.constant 0 : i32
      %dma_wait3A_443 = tpu.memref_slice %arg4[%add3A, %dma_wait3A_442] : memref<32x16xf32, #tpu.memory_space<hbm>> -> memref<1x16xf32, #tpu.memory_space<hbm>>
      %dma_wait3A_444 = tpu.memref_squeeze %dma_wait3A_443 : memref<1x16xf32, #tpu.memory_space<hbm>> -> memref<16xf32, #tpu.memory_space<hbm>>
      %dma_wait3A_445 = arith.constant 0 : i32
      %dma_wait3A_446 = tpu.memref_slice %arg4[%add3A, %dma_wait3A_445] : memref<32x16xf32, #tpu.memory_space<hbm>> -> memref<1x16xf32, #tpu.memory_space<hbm>>
      %dma_wait3A_447 = tpu.memref_squeeze %dma_wait3A_446 : memref<1x16xf32, #tpu.memory_space<hbm>> -> memref<16xf32, #tpu.memory_space<hbm>>
      tpu.wait_dma2 semaphore(%run_scoped3A : memref<!tpu.dma_semaphore, #tpu.memory_space<semaphore_mem>>) src(%arg14 : memref<16xf32, #tpu.memory_space<vmem>>) dst(%dma_wait3A_447 : memref<16xf32, #tpu.memory_space<hbm>>)
      tpu.yield
    }) : () -> ()
    "tpu.region"() ({
      %run_scoped3A = tpu.sem_alloc : memref<!tpu.dma_semaphore, #tpu.memory_space<semaphore_mem>>
      %dma_start3A_436 = arith.constant 0 : i32
      %dma_start3A_437 = tpu.memref_slice %arg5[%add3A, %dma_start3A_436] : memref<32x16xf32, #tpu.memory_space<hbm>> -> memref<1x16xf32, #tpu.memory_space<hbm>>
      %dma_start3A_438 = tpu.memref_squeeze %dma_start3A_437 : memref<1x16xf32, #tpu.memory_space<hbm>> -> memref<16xf32, #tpu.memory_space<hbm>>
      %dma_start3A_439 = arith.constant 0 : i32
      %dma_start3A_440 = tpu.memref_slice %arg5[%add3A, %dma_start3A_439] : memref<32x16xf32, #tpu.memory_space<hbm>> -> memref<1x16xf32, #tpu.memory_space<hbm>>
      %dma_start3A_441 = tpu.memref_squeeze %dma_start3A_440 : memref<1x16xf32, #tpu.memory_space<hbm>> -> memref<16xf32, #tpu.memory_space<hbm>>
      tpu.enqueue_dma source(%arg15 : memref<16xf32, #tpu.memory_space<vmem>>) target(%dma_start3A_441 : memref<16xf32, #tpu.memory_space<hbm>>) target_semaphore(%run_scoped3A : memref<!tpu.dma_semaphore, #tpu.memory_space<semaphore_mem>>)
      %dma_wait3A_442 = arith.constant 0 : i32
      %dma_wait3A_443 = tpu.memref_slice %arg5[%add3A, %dma_wait3A_442] : memref<32x16xf32, #tpu.memory_space<hbm>> -> memref<1x16xf32, #tpu.memory_space<hbm>>
      %dma_wait3A_444 = tpu.memref_squeeze %dma_wait3A_443 : memref<1x16xf32, #tpu.memory_space<hbm>> -> memref<16xf32, #tpu.memory_space<hbm>>
      %dma_wait3A_445 = arith.constant 0 : i32
      %dma_wait3A_446 = tpu.memref_slice %arg5[%add3A, %dma_wait3A_445] : memref<32x16xf32, #tpu.memory_space<hbm>> -> memref<1x16xf32, #tpu.memory_space<hbm>>
      %dma_wait3A_447 = tpu.memref_squeeze %dma_wait3A_446 : memref<1x16xf32, #tpu.memory_space<hbm>> -> memref<16xf32, #tpu.memory_space<hbm>>
      tpu.wait_dma2 semaphore(%run_scoped3A : memref<!tpu.dma_semaphore, #tpu.memory_space<semaphore_mem>>) src(%arg15 : memref<16xf32, #tpu.memory_space<vmem>>) dst(%dma_wait3A_447 : memref<16xf32, #tpu.memory_space<hbm>>)
      tpu.yield
    }) : () -> ()
    return
  }
}

</mosaic_0001>

<sc_bundles>
// kernel: kernel.4.cloned.1.call-start
scs
__scs_entry_jumppad:
0x0: {  	(pc) =	sbr.rel $0x88, $3  }
0x1: {  	(tag) =	ssettag $0x0;
	lr =	simm.s32 $0x1  }
0x2: {  	[smem:$0x3F9D] =	sst lr;
	_ =	strace $0xD0000000  }
0x3: {  	_ = 	snop  }
0x4: {  	_ = 	snop  }
0x5: {  	_ = 	snop  }
0x6: {  	_ = 	snop  }
0x7: {  	_ = 	snop  }
__scs_overlays_trampoline_lowered:
0x8: {  	[smem:$0x3FAC] =	sst s0  }
0x9: {  	[smem:$0x3FAD] =	sst s1  }
0xa: {  	[smem:$0x3FAE] =	sst s2  }
0xb: {  	[smem:$0x3FAF] =	sst s3  }
0xc: {  	[smem:$0x3FB0] =	sst s4  }
0xd: {  	[smem:$0x3FB1] =	sst s5  }
0xe: {  	[smem:$0x3FB2] =	sst s6  }
0xf: {  	[smem:$0x3FB3] =	sst s7  }
0x10: {  	[smem:$0x3FB4] =	sst s8  }
0x11: {  	[smem:$0x3FB5] =	sst s9;
	s0 =	simm.s32 @!p0 $0x0  }
0x12: {  	s1 =	sld [smem:$0x3F9B];
	s0 =	simm.s32 @p0 $0x1  }
0x13: {  	[smem:$0x3FB6] =	sst s0;
	s0 =	simm.s32 @!p1 $0x0  }
0x14: {  	s2 =	sld [smem:$0x3F9A];
	s0 =	simm.s32 @p1 $0x1  }
0x15: {  	[smem:$0x3FB7] =	sst s0;
	s0 =	simm.s32 @!p2 $0x0  }
0x16: {  	s3 =	sld [smem:$0x3FDB];
	s0 =	simm.s32 @p2 $0x1  }
0x17: {  	s4 =	simm.s32 $0x1BF5;
	[smem:$0x3FB9] =	sst s0  }
0x18: {  	s0 =	sld [smem:$0x3F9C];
	_ =	swait.ge [sflag:s4], $0x0  }
0x19: {  	s7 =	sld [smem:$0x3F9D]  }
0x1a: {  	s8 =	sadd.s32 $0xFFFFE003, lr  }
0x1b: {  	s9 =	sadd.s32 $0xFFFFFEF7, lr;
	s5 =	simm.s32 $0xFFFFFFFF;
	p2 =	slt.u32 s8, $0xFFFFF086  }
0x1c: {  	p1 =	slt.u32 s9, $0xF7A;
	s5 =	simm.s32 @!p2 $0x0  }
0x1d: {  	s5 =	simm.s32 @p1 $0x1;
	p0 =	seq.s32 s7, s2  }
0x1e: {  	s7 =	smul.u32 @!p0 $0xF7A, s2;
	p2 =	seq.s32 @!p0 s5, $0x0  }
0x1f: {  	s9 =	smul.u32 $0xF7A, s1;
	s8 =	simm.s32 @!p0 $0x1BF5;
	p2 =	por !p2, p0  }
0x20: {  	[sflag:s8] =	ssyncset.s32 @!p0 $0xFFFFF086;
	s6 =	sadd.s32 @!p0 s3, s7;
	s7 =	simm.s32 @!p0 $0x108  }
0x21: {  	s3 =	sadd.s32 s3, s9;
	s6 =	sadd.s32 @!p0 $0x88, s6;
	s7 =	simm.s32 @p2 $0x1082  }
0x22: {  	[simem:s7], [sflag:s8] =	dma.local @!p0 [hbm:s6], $0xF7A  }
0x23: {  	s9 =	sor.u32 $0xD0000000, s2;
	s6 =	simm.s32 $0x108;
	_ =	swait.ge @!p0 [sflag:s8], $0x0  }
0x24: {  	s3 =	sadd.s32 $0x88, s3;
	s6 =	simm.s32 @!p1 $0x1082;
	[sflag:s4] =	ssyncset.s32 $0xFFFFF086  }
0x25: {  	[simem:s6], [sflag:s4] =	dma.local [hbm:s3], $0xF7A  }
0x26: {  	[smem:$0x3F9D] =	sst s1;
	(tag) =	ssettag s2;
	_ =	strace s9  }
0x27: {  	s1 =	sld [smem:$0x3FAD]  }
0x28: {  	s2 =	sld [smem:$0x3FAE]  }
0x29: {  	s4 =	sld [smem:$0x3FB0]  }
0x2a: {  	p0 =	seq.s32 s5, $0x0;
	s5 =	sld [smem:$0x3FB1]  }
0x2b: {  	s6 =	sld [smem:$0x3FB2]  }
0x2c: {  	s7 =	sld [smem:$0x3FB3]  }
0x2d: {  	s3 =	simm.s32 $0x108;
	s8 =	sld [smem:$0x3FB4]  }
0x2e: {  	s3 =	simm.s32 @!p0 $0x1082;
	s9 =	sld [smem:$0x3FB5]  }
0x2f: {  	lr =	sadd.s32 s0, s3;
	s0 =	sld [smem:$0x3FAC]  }
0x30: {  	s3 =	sld [smem:$0x3FAF]  }
0x31: {  	[smem:$0x3FB8] =	sst s10  }
0x32: {  	s10 =	sld [smem:$0x3FB6];
	_ =	sdelay $0x3  }
0x33: {  	p0 =	seq.s32 s10, $0x1;
	s10 =	sld [smem:$0x3FB8];
	_ =	sdelay $0x3  }
0x34: {  	[smem:$0x3FB8] =	sst s10  }
0x35: {  	s10 =	sld [smem:$0x3FB7];
	_ =	sdelay $0x3  }
0x36: {  	p1 =	seq.s32 s10, $0x1;
	s10 =	sld [smem:$0x3FB8];
	_ =	sdelay $0x3  }
0x37: {  	[smem:$0x3FB8] =	sst s10  }
0x38: {  	s10 =	sld [smem:$0x3FB9]  }
0x39: {  	_ = 	snop;
	(pc) =	sbr.ind lr, $3  }
0x3a: {  	_ = 	snop  }
0x3b: {  	_ = 	snop  }
0x3c: {  	p2 =	seq.s32 s10, $0x1;
	s10 =	sld [smem:$0x3FB8]  }
0x3d: {  	_ =	shalt  }
0x3e: {  	_ =	shalt  }
0x3f: {  	_ =	shalt  }
0x40: {  	_ =	shalt  }
0x41: {  	_ =	shalt  }
0x42: {  	_ =	shalt  }
0x43: {  	_ =	shalt  }
0x44: {  	_ =	shalt  }
0x45: {  	_ =	shalt  }
0x46: {  	_ =	shalt  }
0x47: {  	_ =	shalt  }
0x48: {  	_ =	shalt  }
0x49: {  	_ =	shalt  }
0x4a: {  	_ =	shalt  }
0x4b: {  	_ =	shalt  }
0x4c: {  	_ =	shalt  }
0x4d: {  	_ =	shalt  }
0x4e: {  	_ =	shalt  }
0x4f: {  	_ =	shalt  }
0x50: {  	_ =	shalt  }
0x51: {  	_ =	shalt  }
0x52: {  	_ =	shalt  }
0x53: {  	_ =	shalt  }
0x54: {  	_ =	shalt  }
0x55: {  	_ =	shalt  }
0x56: {  	_ =	shalt  }
0x57: {  	_ =	shalt  }
0x58: {  	_ =	shalt  }
0x59: {  	_ =	shalt  }
0x5a: {  	_ =	shalt  }
0x5b: {  	_ =	shalt  }
0x5c: {  	_ =	shalt  }
0x5d: {  	_ =	shalt  }
0x5e: {  	_ =	shalt  }
0x5f: {  	_ =	shalt  }
0x60: {  	_ =	shalt  }
0x61: {  	_ =	shalt  }
0x62: {  	_ =	shalt  }
0x63: {  	_ =	shalt  }
0x64: {  	_ =	shalt  }
0x65: {  	_ =	shalt  }
0x66: {  	_ =	shalt  }
0x67: {  	_ =	shalt  }
0x68: {  	_ =	shalt  }
0x69: {  	_ =	shalt  }
0x6a: {  	_ =	shalt  }
0x6b: {  	_ =	shalt  }
0x6c: {  	_ =	shalt  }
0x6d: {  	_ =	shalt  }
0x6e: {  	_ =	shalt  }
0x6f: {  	_ =	shalt  }
0x70: {  	_ =	shalt  }
0x71: {  	_ =	shalt  }
0x72: {  	_ =	shalt  }
0x73: {  	_ =	shalt  }
0x74: {  	_ =	shalt  }
0x75: {  	_ =	shalt  }
0x76: {  	_ =	shalt  }
0x77: {  	_ =	shalt  }
0x78: {  	_ =	shalt  }
0x79: {  	_ =	shalt  }
0x7a: {  	_ =	shalt  }
0x7b: {  	_ =	shalt  }
0x7c: {  	_ =	shalt  }
0x7d: {  	_ =	shalt  }
0x7e: {  	_ =	shalt  }
0x7f: {  	_ =	shalt  }
0x80: {  	_ =	shalt  }
0x81: {  	_ =	shalt  }
0x82: {  	_ =	shalt  }
0x83: {  	_ =	shalt  }
0x84: {  	_ =	shalt  }
0x85: {  	_ =	shalt  }
0x86: {  	_ =	shalt  }
0x87: {  	_ =	shalt  }
.Lfunc_end0:
.L_simem_size_0:
called_computation.1_lowered:
.L_overlay_start_0:
0x88: {  	s2 =	sld [smem:$0x3FD9]  }
0x89: {  	s3 =	sld [smem:$0x3FFE];
	_ =	sdelay $0x1  }
0x8a: {  	s1 =	srdreg.scid  }
0x8b: {  	s0 =	sand.u32 $0x1, s1  }
0x8c: {  	s17 =	sshll.u32 s0, $0xA;
	s2 =	sadd.s32 s3, s2  }
0x8d: {  	s2 =	sadd.s32 s2, s17  }
0x8e: {  	[smem:$0x3FC4] =	sst s2  }
0x8f: {  	_ = 	snop  }
0x90: {  	(tm) =	ssettm $0x1  }
0x91: {  	s18 =	sld [smem:$0x3FFB];
	_ =	sdelay $0x3  }
0x92: {  	_ =	strace s18  }
0x93: {  	s2 =	sld [smem:$0x3FFC];
	_ =	sdelay $0x3  }
0x94: {  	_ =	strace s2  }
0x95: {  	s2 =	sld [smem:$0x3FFD];
	_ =	sdelay $0x3  }
0x96: {  	_ =	strace s2  }
0x97: {  	_ =	strace $0x8FFFFFFF  }
0x98: {  	s19 =	sld [smem:$0x3FDB];
	_ =	sdelay $0x1  }
0x99: {  	s20 =	simm.s32 $_scs_section_size  }
0x9a: {  	s4 =	simm.s32 $_size__tile_overlayer_lowered;
	s5 =	simm.s32 $_tile_overlayer_lowered  }
0x9b: {  	s6 =	simm.s32 $0x1BFF;
	s21 =	sshll.u32 s5, $0x1;
	s3 =	sadd.s32 s20, s19  }
0x9c: {  	s22 =	simm.s32 $0x0;
	s4 =	sshll.u32 s4, $0x1;
	s5 =	sadd.s32 s21, s3  }
0x9d: {  	[timem:s22], [sflag:s6] =	dma.local [hbm:s5], s4  }
0x9e: {  	_ =	swait.ge [sflag:s6], s4  }
0x9f: {  	s4 =	ssub.s32 $0x0, s4;
	[sflag:s6] =	ssyncset.done $0x0  }
0xa0: {  	[sflag:s6] =	ssyncadd.s32 s4;
	_ =	sdelay $0x1  }
0xa1: {  	s23 =	simm.s32 $0x1B8B  }
0xa2: {  	_ =	swait.ge [sflag:s23], $0x1  }
0xa3: {  	[sflag:s23] =	ssyncset.done $0x0  }
0xa4: {  	[sflag:s23] =	ssyncadd.s32 $0xFFFFFFFF  }
0xa5: {  	s4 =	sld [smem:$0x0]  }
0xa6: {  	s5 =	sand.u32 $0xFFFFFFFE, s1  }
0xa7: {  	p0 =	sne.s32 s1, s5  }
0xa8: {  	s5 =	sshll.u32 @p0 s5, $0xE  }
0xa9: {  	s5 =	sadd.s32 @p0 $0x11B8D, s5;
	s6 =	sshll.u32 @p0 s4, $0x11  }
0xaa: {  	s5 =	sor.u32 @p0 s6, s5  }
0xab: {  	[sflag:s5] =	ssyncadd.remote.s32 @p0 $0x1;
	_ =	sdelay $0x1  }
0xac: {  	s5 =	simm.s32 @p0 $0x1B8D  }
0xad: {  	_ =	swait.eq @p0 [sflag:s5], $0x1  }
0xae: {  	[sflag:s5] =	ssyncadd.s32 @p0 $0xFFFFFFFF  }
0xaf: {  	s6 =	sshll.u32 @!p0 s1, $0xE  }
0xb0: {  	s6 =	sor.u32 @!p0 $0x4000, s6;
	s5 =	simm.s32 @!p0 $0x1B8D  }
0xb1: {  	s4 =	sshll.u32 @!p0 s4, $0x11;
	s6 =	sadd.s32 @!p0 $0x11B8D, s6;
	_ =	swait.eq @!p0 [sflag:s5], $0x1  }
0xb2: {  	s4 =	sor.u32 @!p0 s4, s6;
	[sflag:s5] =	ssyncadd.s32 @!p0 $0xFFFFFFFF  }
0xb3: {  	s25 =	simm.s32 $0x1B8E;
	s24 =	sld [smem:$0x3FFE];
	[sflag:s4] =	ssyncadd.remote.s32 @!p0 $0x1  }
0xb4: {  	s26 =	simm.s32 $execute0_lowered;
	[smem:$0x3FD2] =	sst s25  }
0xb5: {  	s5 =	sshll.u32 s26, $0x1;
	_ =	strace $0x80000049;
	[dreg:$0x1] =	wrdreg $0xFFFFFFFF  }
0xb6: {  	s28 =	simm.s32 $_size_execute0_lowered;
	s3 =	sadd.s32 s3, s5;
	[dreg:$0x0] =	wrdreg $0x0  }
0xb7: {  	s5 =	sshll.u32 s28, $0x1;
	[dreg:$0x2] =	wrdreg s3  }
0xb8: {  	[dreg:$0x3] =	wrdreg s5  }
0xb9: {  	[dreg:$0x4] =	wrdreg $0xC0  }
0xba: {  	_ =	task [dreg:s22], $0x5FFFF  }
0xbb: {  	[dreg:$0x1] =	wrdreg $0xFFFFFFFF  }
0xbc: {  	[dreg:$0x0] =	wrdreg $0x60  }
0xbd: {  	[dreg:$0x2] =	wrdreg s24  }
0xbe: {  	[dreg:$0x3] =	wrdreg $0xA  }
0xbf: {  	_ =	task.clear_ibuf [dreg:s22], $0x4FFFF;
	_ =	strace $0x90000049  }
0xc0: {  	s29 =	simm.s32 $0xA;
	_ =	strace $0x8000004B  }
0xc1: {  	_ =	swait.ge [sflag:s29], $0x1  }
0xc2: {  	[sflag:s29] =	ssyncadd.s32 $0xFFFFFFFF  }
0xc3: {  	_ =	strace $0x9000004B  }
0xc4: {  	_ =	sfence  }
0xc5: {  	s30 =	sld [smem:$0x0];
	_ =	sdelay $0x2  }
0xc6: {  	s31 =	sshll.u32 s1, $0xD;
	s1 =	sshrl.u32 s1, $0x2  }
0xc7: {  	s4 =	sand.u32 $0x4000, s31;
	s1 =	sadd.s32 s1, s30  }
0xc8: {  	s0 =	sor.u32 s4, s0;
	s1 =	sshll.u32 s1, $0x11  }
0xc9: {  	s0 =	sor.u32 s1, s0  }
0xca: {  	s0 =	sadd.s32 $0x8F2B, s0  }
0xcb: {  	[sflag:s0] =	ssyncadd.remote.s32 $0x1  }
0xcc: {  	_ =	sfence.sel $0xFFFF  }
0xcd: {  	[dreg:$0x0] =	wrdreg $0xFFFFFFFF;
	(pc) =	sbr.abs _section_cstart, $3  }
0xce: {  	[dreg:$0x1] =	wrdreg $0xFFFFFFFF  }
0xcf: {  	_ =	task.clear_ibuf [dreg:s22], $0x2FFFF;
	_ =	strace $0x9FFFFFFF  }
0xd0: {  	(tm) =	ssettm $0x7FFFFFFF  }
0xd1: {  	_ =	shalt  }
tec
execute0_lowered:
.L_overlay_start_1:
0x0: {  	(tag) =	ssettag $0x1  }
0x1: {  	s0 =	srdreg.scid;
	s2 =	stileid.u32  }
0x2: {  	s4 =	rddreg [dreg:$0x0];
	s8 =	simm.s32 $0x2;
	s9 =	simm.s32 $0x6400  }
0x3: {  	s10 =	simm.s32 $0x80;
	s11 =	simm.s32 $0x7080;
	s23 =	simm.s32 $0x6C80  }
0x4: {  	s24 =	simm.s32 $0xB480;
	s25 =	simm.s32 $0x6D00;
	s28 =	simm.s32 $0x6D80  }
0x5: {  	s29 =	simm.s32 $0xBC80;
	s30 =	simm.s32 $0x6E00;
	s31 =	simm.s32 $0xC080  }
0x6: {  	s12 =	simm.s32 $0x6F00;
	s13 =	simm.s32 $0xC880;
	s14 =	simm.s32 $0x6F80  }
0x7: {  	s15 =	simm.s32 $0xCC80;
	s16 =	simm.s32 $0x7000;
	s0 =	sand.u32 $0x1, s0  }
0x8: {  	s17 =	simm.s32 $0xD080;
	s18 =	simm.s32 $0x1;
	s1 =	sshll.u32 s0, $0x4  }
0x9: {  	s19 =	simm.s32 $0xD480;
	s20 =	simm.s32 $0x0;
	s1 =	sor.u32 s2, s1  }
0xa: {  	s0 =	ssub.s32 $0x2, s0;
	s2 =	simm.s32 $0x0;
	s3 =	smul.u32 $0x190, s1  }
0xb: {  	s26 =	sshrl.u32 s0, $0x1;
	[smem:$0x7FF] =	sst s2;
	s1 =	smul.u32 $0xC80, s1  }
0xc: {  	s0 =	ssub.s32 s0, s26;
	s26 =	simm.s32 $0xB880;
	_ =	strace $0x8000004A  }
0xd: {  	s5 =	sadd.s32 s3, s4;
	s3 =	sadd.s32 $0x186A00, s4;
	s1 =	sadd.s32 s1, s4  }
0xe: {  	v0 =	vlaneseq.u32;
	s7 =	smax.u32 s0, $0x1;
	s4 =	sadd.s32 $0x310600, s1;
	s5 =	sadd.s32 $0x30D400, s5  }
0xf: {  	v1 =	vimm.f32 $0.0e+00;
	v0 =	vmul.u32 $0x8, v0;
	s0 =	simm.s32 $0xC480;
	s6 =	sadd.s32 $0x19F200, s1;
	s1 =	simm.s32 $0x6E80  }
.LBB2_1:
0x10: {  	[tilespmem:s2], [sflag:$0x2] =	stream.linear.gather [hbm4b:s4+s2], $0x6400, $0x38;
	[tilespmem:$0x13880] =	vst v63  }
0x11: {  	_ =	swait.ge [sflag:s8], $0x6400  }
0x12: {  	[sflag:s8] =	ssyncset.done $0x0  }
0x13: {  	[sflag:s8] =	ssyncadd.s32 $0xFFFF9C00  }
0x14: {  	[tilespmem:s9], [sflag:$0x2] =	stream.linear.gather [hbm4b:s5+s2], $0xC80, $0x38;
	[tilespmem:$0x13880] =	vst v63  }
0x15: {  	_ =	swait.ge [sflag:s8], $0xC80  }
0x16: {  	[sflag:s8] =	ssyncset.done $0x0  }
0x17: {  	[sflag:s8] =	ssyncadd.s32 $0xFFFFF380  }
0x18: {  	[tilespmem:s11], [sflag:$0x1] =	stream.indirect.gather [hbm4b:s3+s10], $0x8, s9, s10, $0xb8;
	[tilespmem:$0x13880] =	vst v63  }
0x19: {  	s21 =	simm.s32 $0x6480;
	s22 =	simm.s32 $0x7480  }
0x1a: {  	[tilespmem:s22], [sflag:$0x1] =	stream.indirect.gather [hbm4b:s3+s10], $0x8, s21, s10, $0xb8;
	[tilespmem:$0x13880] =	vst v63  }
0x1b: {  	s21 =	simm.s32 $0x6500;
	s22 =	simm.s32 $0x7880  }
0x1c: {  	[tilespmem:s22], [sflag:$0x1] =	stream.indirect.gather [hbm4b:s3+s10], $0x8, s21, s10, $0xb8;
	[tilespmem:$0x13880] =	vst v63  }
0x1d: {  	s21 =	simm.s32 $0x6580;
	s22 =	simm.s32 $0x7C80  }
0x1e: {  	[tilespmem:s22], [sflag:$0x1] =	stream.indirect.gather [hbm4b:s3+s10], $0x8, s21, s10, $0xb8;
	[tilespmem:$0x13880] =	vst v63  }
0x1f: {  	s21 =	simm.s32 $0x6600;
	s22 =	simm.s32 $0x8080  }
0x20: {  	[tilespmem:s22], [sflag:$0x1] =	stream.indirect.gather [hbm4b:s3+s10], $0x8, s21, s10, $0xb8;
	[tilespmem:$0x13880] =	vst v63  }
0x21: {  	s21 =	simm.s32 $0x6680;
	s22 =	simm.s32 $0x8480  }
0x22: {  	[tilespmem:s22], [sflag:$0x1] =	stream.indirect.gather [hbm4b:s3+s10], $0x8, s21, s10, $0xb8;
	[tilespmem:$0x13880] =	vst v63  }
0x23: {  	s21 =	simm.s32 $0x6700;
	s22 =	simm.s32 $0x8880  }
0x24: {  	[tilespmem:s22], [sflag:$0x1] =	stream.indirect.gather [hbm4b:s3+s10], $0x8, s21, s10, $0xb8;
	[tilespmem:$0x13880] =	vst v63  }
0x25: {  	s21 =	simm.s32 $0x6780;
	s22 =	simm.s32 $0x8C80  }
0x26: {  	[tilespmem:s22], [sflag:$0x1] =	stream.indirect.gather [hbm4b:s3+s10], $0x8, s21, s10, $0xb8;
	[tilespmem:$0x13880] =	vst v63  }
0x27: {  	s21 =	simm.s32 $0x6800;
	s22 =	simm.s32 $0x9080  }
0x28: {  	[tilespmem:s22], [sflag:$0x1] =	stream.indirect.gather [hbm4b:s3+s10], $0x8, s21, s10, $0xb8;
	[tilespmem:$0x13880] =	vst v63  }
0x29: {  	s21 =	simm.s32 $0x6880;
	s22 =	simm.s32 $0x9480  }
0x2a: {  	[tilespmem:s22], [sflag:$0x1] =	stream.indirect.gather [hbm4b:s3+s10], $0x8, s21, s10, $0xb8;
	[tilespmem:$0x13880] =	vst v63  }
0x2b: {  	s21 =	simm.s32 $0x6900;
	s22 =	simm.s32 $0x9880  }
0x2c: {  	[tilespmem:s22], [sflag:$0x1] =	stream.indirect.gather [hbm4b:s3+s10], $0x8, s21, s10, $0xb8;
	[tilespmem:$0x13880] =	vst v63  }
0x2d: {  	s21 =	simm.s32 $0x6980;
	s22 =	simm.s32 $0x9C80  }
0x2e: {  	[tilespmem:s22], [sflag:$0x1] =	stream.indirect.gather [hbm4b:s3+s10], $0x8, s21, s10, $0xb8;
	[tilespmem:$0x13880] =	vst v63  }
0x2f: {  	s21 =	simm.s32 $0x6A00;
	s22 =	simm.s32 $0xA080  }
0x30: {  	[tilespmem:s22], [sflag:$0x1] =	stream.indirect.gather [hbm4b:s3+s10], $0x8, s21, s10, $0xb8;
	[tilespmem:$0x13880] =	vst v63  }
0x31: {  	s21 =	simm.s32 $0x6A80;
	s22 =	simm.s32 $0xA480  }
0x32: {  	[tilespmem:s22], [sflag:$0x1] =	stream.indirect.gather [hbm4b:s3+s10], $0x8, s21, s10, $0xb8;
	[tilespmem:$0x13880] =	vst v63  }
0x33: {  	s21 =	simm.s32 $0x6B00;
	s22 =	simm.s32 $0xA880  }
0x34: {  	[tilespmem:s22], [sflag:$0x1] =	stream.indirect.gather [hbm4b:s3+s10], $0x8, s21, s10, $0xb8;
	[tilespmem:$0x13880] =	vst v63  }
0x35: {  	s21 =	simm.s32 $0x6B80;
	s22 =	simm.s32 $0xAC80  }
0x36: {  	[tilespmem:s22], [sflag:$0x1] =	stream.indirect.gather [hbm4b:s3+s10], $0x8, s21, s10, $0xb8;
	[tilespmem:$0x13880] =	vst v63  }
0x37: {  	s21 =	simm.s32 $0x6C00;
	s22 =	simm.s32 $0xB080  }
0x38: {  	[tilespmem:s22], [sflag:$0x1] =	stream.indirect.gather [hbm4b:s3+s10], $0x8, s21, s10, $0xb8;
	[tilespmem:$0x13880] =	vst v63  }
0x39: {  	_ = 	snop  }
0x3a: {  	[tilespmem:s24], [sflag:$0x1] =	stream.indirect.gather [hbm4b:s3+s10], $0x8, s23, s10, $0xb8;
	[tilespmem:$0x13880] =	vst v63  }
0x3b: {  	_ = 	snop  }
0x3c: {  	[tilespmem:s26], [sflag:$0x1] =	stream.indirect.gather [hbm4b:s3+s10], $0x8, s25, s10, $0xb8;
	[tilespmem:$0x13880] =	vst v63  }
0x3d: {  	_ = 	snop  }
0x3e: {  	[tilespmem:s29], [sflag:$0x1] =	stream.indirect.gather [hbm4b:s3+s10], $0x8, s28, s10, $0xb8;
	[tilespmem:$0x13880] =	vst v63  }
0x3f: {  	_ = 	snop  }
0x40: {  	[tilespmem:s31], [sflag:$0x1] =	stream.indirect.gather [hbm4b:s3+s10], $0x8, s30, s10, $0xb8;
	[tilespmem:$0x13880] =	vst v63  }
0x41: {  	_ = 	snop  }
0x42: {  	[tilespmem:s0], [sflag:$0x1] =	stream.indirect.gather [hbm4b:s3+s10], $0x8, s1, s10, $0xb8;
	[tilespmem:$0x13880] =	vst v63  }
0x43: {  	_ = 	snop  }
0x44: {  	[tilespmem:s13], [sflag:$0x1] =	stream.indirect.gather [hbm4b:s3+s10], $0x8, s12, s10, $0xb8;
	[tilespmem:$0x13880] =	vst v63  }
0x45: {  	_ = 	snop  }
0x46: {  	[tilespmem:s15], [sflag:$0x1] =	stream.indirect.gather [hbm4b:s3+s10], $0x8, s14, s10, $0xb8;
	[tilespmem:$0x13880] =	vst v63  }
0x47: {  	_ = 	snop  }
0x48: {  	[tilespmem:s17], [sflag:$0x1] =	stream.indirect.gather [hbm4b:s3+s10], $0x8, s16, s10, $0xb8;
	[tilespmem:$0x13880] =	vst v63  }
0x49: {  	_ =	swait.ge [sflag:s18], $0x400  }
0x4a: {  	[sflag:s18] =	ssyncset.done $0x0  }
0x4b: {  	[sflag:s18] =	ssyncadd.s32 $0xFFFFFC00  }
0x4c: {  	_ =	swait.ge [sflag:s18], $0x400  }
0x4d: {  	[sflag:s18] =	ssyncset.done $0x0  }
0x4e: {  	[sflag:s18] =	ssyncadd.s32 $0xFFFFFC00  }
0x4f: {  	_ =	swait.ge [sflag:s18], $0x400  }
0x50: {  	[sflag:s18] =	ssyncset.done $0x0  }
0x51: {  	[sflag:s18] =	ssyncadd.s32 $0xFFFFFC00  }
0x52: {  	_ =	swait.ge [sflag:s18], $0x400  }
0x53: {  	[sflag:s18] =	ssyncset.done $0x0  }
0x54: {  	[sflag:s18] =	ssyncadd.s32 $0xFFFFFC00  }
0x55: {  	_ =	swait.ge [sflag:s18], $0x400  }
0x56: {  	[sflag:s18] =	ssyncset.done $0x0  }
0x57: {  	[sflag:s18] =	ssyncadd.s32 $0xFFFFFC00  }
0x58: {  	_ =	swait.ge [sflag:s18], $0x400  }
0x59: {  	[sflag:s18] =	ssyncset.done $0x0  }
0x5a: {  	[sflag:s18] =	ssyncadd.s32 $0xFFFFFC00  }
0x5b: {  	_ =	swait.ge [sflag:s18], $0x400  }
0x5c: {  	[sflag:s18] =	ssyncset.done $0x0  }
0x5d: {  	[sflag:s18] =	ssyncadd.s32 $0xFFFFFC00  }
0x5e: {  	_ =	swait.ge [sflag:s18], $0x400  }
0x5f: {  	[sflag:s18] =	ssyncset.done $0x0  }
0x60: {  	[sflag:s18] =	ssyncadd.s32 $0xFFFFFC00  }
0x61: {  	_ =	swait.ge [sflag:s18], $0x400  }
0x62: {  	[sflag:s18] =	ssyncset.done $0x0  }
0x63: {  	[sflag:s18] =	ssyncadd.s32 $0xFFFFFC00  }
0x64: {  	_ =	swait.ge [sflag:s18], $0x400  }
0x65: {  	[sflag:s18] =	ssyncset.done $0x0  }
0x66: {  	[sflag:s18] =	ssyncadd.s32 $0xFFFFFC00  }
0x67: {  	_ =	swait.ge [sflag:s18], $0x400  }
0x68: {  	[sflag:s18] =	ssyncset.done $0x0  }
0x69: {  	[sflag:s18] =	ssyncadd.s32 $0xFFFFFC00  }
0x6a: {  	_ =	swait.ge [sflag:s18], $0x400  }
0x6b: {  	[sflag:s18] =	ssyncset.done $0x0  }
0x6c: {  	[sflag:s18] =	ssyncadd.s32 $0xFFFFFC00  }
0x6d: {  	_ =	swait.ge [sflag:s18], $0x400  }
0x6e: {  	[sflag:s18] =	ssyncset.done $0x0  }
0x6f: {  	[sflag:s18] =	ssyncadd.s32 $0xFFFFFC00  }
0x70: {  	_ =	swait.ge [sflag:s18], $0x400  }
0x71: {  	[sflag:s18] =	ssyncset.done $0x0  }
0x72: {  	[sflag:s18] =	ssyncadd.s32 $0xFFFFFC00  }
0x73: {  	_ =	swait.ge [sflag:s18], $0x400  }
0x74: {  	[sflag:s18] =	ssyncset.done $0x0  }
0x75: {  	[sflag:s18] =	ssyncadd.s32 $0xFFFFFC00  }
0x76: {  	_ =	swait.ge [sflag:s18], $0x400  }
0x77: {  	[sflag:s18] =	ssyncset.done $0x0  }
0x78: {  	[sflag:s18] =	ssyncadd.s32 $0xFFFFFC00  }
0x79: {  	_ =	swait.ge [sflag:s18], $0x400  }
0x7a: {  	[sflag:s18] =	ssyncset.done $0x0  }
0x7b: {  	[sflag:s18] =	ssyncadd.s32 $0xFFFFFC00  }
0x7c: {  	_ =	swait.ge [sflag:s18], $0x400  }
0x7d: {  	[sflag:s18] =	ssyncset.done $0x0  }
0x7e: {  	[sflag:s18] =	ssyncadd.s32 $0xFFFFFC00  }
0x7f: {  	_ =	swait.ge [sflag:s18], $0x400  }
0x80: {  	[sflag:s18] =	ssyncset.done $0x0  }
0x81: {  	[sflag:s18] =	ssyncadd.s32 $0xFFFFFC00  }
0x82: {  	_ =	swait.ge [sflag:s18], $0x400  }
0x83: {  	[sflag:s18] =	ssyncset.done $0x0  }
0x84: {  	[sflag:s18] =	ssyncadd.s32 $0xFFFFFC00  }
0x85: {  	_ =	swait.ge [sflag:s18], $0x400  }
0x86: {  	[sflag:s18] =	ssyncset.done $0x0  }
0x87: {  	[sflag:s18] =	ssyncadd.s32 $0xFFFFFC00  }
0x88: {  	_ =	swait.ge [sflag:s18], $0x400  }
0x89: {  	[sflag:s18] =	ssyncset.done $0x0  }
0x8a: {  	[sflag:s18] =	ssyncadd.s32 $0xFFFFFC00  }
0x8b: {  	_ =	swait.ge [sflag:s18], $0x400  }
0x8c: {  	[sflag:s18] =	ssyncset.done $0x0  }
0x8d: {  	v2 =	vmov s2;
	[sflag:s18] =	ssyncadd.s32 $0xFFFFFC00  }
0x8e: {  	v2 =	vshll.u32 v2, $0x3;
	_ =	swait.ge [sflag:s18], $0x400  }
0x8f: {  	v3 =	vor.u32 v0, v2;
	[sflag:s18] =	ssyncset.done $0x0  }
0x90: {  	v2 =	vor.u32 $0x1, v3;
	[sflag:s18] =	ssyncadd.s32 $0xFFFFFC00  }
0x91: {  	_ =	swait.ge [sflag:s18], $0x400  }
0x92: {  	v4 =	vor.u32 $0x2, v3;
	[sflag:s18] =	ssyncset.done $0x0  }
0x93: {  	[sflag:s18] =	ssyncadd.s32 $0xFFFFFC00  }
0x94: {  	v5 =	vld.idx.msk [tilespmem:v3+s11+$0x0], $0xffff  }
0x95: {  	v6 =	vld.idx.msk [tilespmem:v2+s11+$0x0], $0xffff;
	_ =	sdelay $0x1  }
0x96: {  	v7 =	vld.idx.msk [tilespmem:v4+s11+$0x0], $0xffff;
	_ =	sdelay $0x2  }
0x97: {  	v8 =	vmul.f32 v5, v5;
	v9 =	vmul.f32 v6, v6;
	_ =	sdelay $0x1  }
0x98: {  	v59 =	vmul.f32 v7, v7;
	v8 =	vadd.f32 v9, v8;
	_ =	sdelay $0x1  }
0x99: {  	v8 =	vadd.f32 v59, v8  }
0x9a: {  	v60 =	vld.idx.msk [tilespmem:v3+s2+$0x0], $0xffff  }
0x9b: {  	v10 =	vld.idx.msk [tilespmem:v2+s2+$0x0], $0xffff;
	v8 =	vmax.f32 v8, $1.000000020e-24  }
0x9c: {  	v61 =	vld.idx.msk [tilespmem:v4+s2+$0x0], $0xffff;
	(erf) = vrcp.f32 v8  }
0x9d: {  	v11 =	vor.u32 $0x3, v3;
	_ =	sdelay $0x1  }
0x9e: {  	v12 =	vor.u32 $0x4, v3;
	[tilespmem:v3+s19+$0x0] =	vst.idx.msk $0xffff, v60  }
0x9f: {  	v62 =	vor.u32 $0x5, v3;
	s22 =	simm.s32 $0x10;
	[tilespmem:v2+s19+$0x0] =	vst.idx.msk $0xffff, v10  }
0xa0: {  	v63 =	vor.u32 $0x6, v3;
	v2 =	vmov s22;
	[tilespmem:v4+s19+$0x0] =	vst.idx.msk $0xffff, v61  }
0xa1: {  	v2 =	vshll.u32 v2, $0x3;
	[tilespmem:v11+s19+$0x0] =	vst.idx.msk $0xffff, v5;
	v5 =	vor.u32 $0x7, v3  }
0xa2: {  	v2 =	vor.u32 v0, v2  }
0xa3: {  	[tilespmem:v12+s19+$0x0] =	vst.idx.msk $0xffff, v6;
	v4 =	vor.u32 $0x1, v2  }
0xa4: {  	[tilespmem:v62+s19+$0x0] =	vst.idx.msk $0xffff, v7;
	v6 =	vpop (erf)  }
0xa5: {  	s21 =	simm.s32 $0x20;
	v3 =	vor.u32 $0x2, v2;
	[tilespmem:v63+s19+$0x0] =	vst.idx.msk $0xffff, v6  }
.LBB2_2:
0xa6: {  	p0 =	sne.s32 s21, $0xC70;
	[tilespmem:v5+s19+$0x0] =	vst.idx.msk $0xffff, v1;
	s22 =	smov.u32 s21;
	s21 =	sadd.s32 $0x10, s21  }
0xa7: {  	v6 =	vld.idx.msk [tilespmem:v2+s11+$0x0], $0xffff  }
0xa8: {  	v7 =	vld.idx.msk [tilespmem:v4+s11+$0x0], $0xffff;
	_ =	sdelay $0x1  }
0xa9: {  	v8 =	vld.idx.msk [tilespmem:v3+s11+$0x0], $0xffff;
	_ =	sdelay $0x3  }
0xaa: {  	v5 =	vmul.f32 v6, v6;
	v9 =	vmul.f32 v7, v7;
	_ =	sdelay $0x1  }
0xab: {  	v5 =	vadd.f32 v9, v5;
	v9 =	vmul.f32 v8, v8;
	_ =	sdelay $0x1  }
0xac: {  	v5 =	vadd.f32 v9, v5  }
0xad: {  	v9 =	vld.idx.msk [tilespmem:v2+s2+$0x0], $0xffff  }
0xae: {  	v5 =	vmax.f32 v5, $1.000000020e-24;
	v10 =	vld.idx.msk [tilespmem:v4+s2+$0x0], $0xffff  }
0xaf: {  	v11 =	vld.idx.msk [tilespmem:v3+s2+$0x0], $0xffff;
	(erf) = vrcp.f32 v5;
	_ =	sdelay $0x1  }
0xb0: {  	v12 =	vor.u32 $0x3, v2  }
0xb1: {  	v13 =	vor.u32 $0x4, v2  }
0xb2: {  	[tilespmem:v2+s19+$0x0] =	vst.idx.msk $0xffff, v9;
	v9 =	vor.u32 $0x5, v2  }
0xb3: {  	v5 =	vmov s22;
	[tilespmem:v4+s19+$0x0] =	vst.idx.msk $0xffff, v10;
	v10 =	vor.u32 $0x6, v2  }
.Ltmp0:
0xb4: {  	v4 =	vshll.u32 v5, $0x3;
	v5 =	vor.u32 $0x7, v2;
	[tilespmem:v3+s19+$0x0] =	vst.idx.msk $0xffff, v11;
	(pc) =	sbr.rel @p0 .LBB2_2-.Ltmp0, $4  }
0xb5: {  	v2 =	vor.u32 v0, v4;
	[tilespmem:v12+s19+$0x0] =	vst.idx.msk $0xffff, v6  }
0xb6: {  	v4 =	vor.u32 $0x1, v2;
	v3 =	vor.u32 $0x2, v2;
	[tilespmem:v13+s19+$0x0] =	vst.idx.msk $0xffff, v7  }
0xb7: {  	[tilespmem:v9+s19+$0x0] =	vst.idx.msk $0xffff, v8;
	v6 =	vpop (erf)  }
0xb8: {  	[tilespmem:v10+s19+$0x0] =	vst.idx.msk $0xffff, v6  }
0xb9: {  	_ =	sdelay $0x3  }
0xba: {  	[tilespmem:v5+s19+$0x0] =	vst.idx.msk $0xffff, v1  }
0xbb: {  	v5 =	vld.idx.msk [tilespmem:v2+s11+$0x0], $0xffff  }
0xbc: {  	v6 =	vld.idx.msk [tilespmem:v4+s11+$0x0], $0xffff;
	_ =	sdelay $0x1  }
0xbd: {  	v7 =	vld.idx.msk [tilespmem:v3+s11+$0x0], $0xffff;
	_ =	sdelay $0x2  }
0xbe: {  	v8 =	vmul.f32 v5, v5;
	v9 =	vmul.f32 v6, v6;
	_ =	sdelay $0x1  }
0xbf: {  	v59 =	vmul.f32 v7, v7;
	v8 =	vadd.f32 v9, v8;
	_ =	sdelay $0x1  }
0xc0: {  	v8 =	vadd.f32 v59, v8;
	_ =	sdelay $0x1  }
0xc1: {  	v60 =	vld.idx.msk [tilespmem:v2+s2+$0x0], $0xffff;
	v8 =	vmax.f32 v8, $1.000000020e-24  }
0xc2: {  	v10 =	vld.idx.msk [tilespmem:v4+s2+$0x0], $0xffff;
	(erf) = vrcp.f32 v8  }
0xc3: {  	v61 =	vld.idx.msk [tilespmem:v3+s2+$0x0], $0xffff  }
0xc4: {  	v11 =	vor.u32 $0x3, v2  }
0xc5: {  	v12 =	vor.u32 $0x4, v2  }
0xc6: {  	v62 =	vor.u32 $0x5, v2;
	[tilespmem:v2+s19+$0x0] =	vst.idx.msk $0xffff, v60  }
0xc7: {  	v63 =	vor.u32 $0x6, v2;
	[tilespmem:v4+s19+$0x0] =	vst.idx.msk $0xffff, v10  }
0xc8: {  	v2 =	vor.u32 $0x7, v2;
	[tilespmem:v3+s19+$0x0] =	vst.idx.msk $0xffff, v61  }
0xc9: {  	[tilespmem:v11+s19+$0x0] =	vst.idx.msk $0xffff, v5  }
0xca: {  	[tilespmem:v12+s19+$0x0] =	vst.idx.msk $0xffff, v6  }
0xcb: {  	s20 =	sadd.s32 $0x1, s20;
	[tilespmem:v62+s19+$0x0] =	vst.idx.msk $0xffff, v7;
	v3 =	vpop (erf)  }
0xcc: {  	p0 =	sne.s32 s20, s7;
	[tilespmem:v63+s19+$0x0] =	vst.idx.msk $0xffff, v3  }
.Ltmp1:
0xcd: {  	[tilespmem:v2+s19+$0x0] =	vst.idx.msk $0xffff, v1;
	(pc) =	sbr.rel @p0 .LBB2_1-.Ltmp1, $4  }
0xce: {  	[hbm4b:s6+s2] =	stream.linear.scatter [tilespmem:s19], [sflag:$0x2], $0x6400, $0x38;
	[tilespmem:$0x13880] =	vst v63  }
0xcf: {  	_ =	swait.ge [sflag:s8], $0x6400  }
0xd0: {  	[sflag:s8] =	ssyncset.done $0x0  }
0xd1: {  	[sflag:s8] =	ssyncadd.s32 $0xFFFF9C00  }
0xd2: {  	_ =	sfence.sel $0x180000  }
0xd3: {  	[bflag:$0x0] =	sbarrier.arrive $0xFFFF  }
0xd4: {  	_ =	strace $0x9000004A  }
0xd5: {  	s0 =	stileid.u32;
	[bflag:$0x2] =	sbarrier.arrive $0xFFFF  }
0xd6: {  	p0 =	sne.s32 s0, $0x0;
	s0 =	rddreg [dreg:$0x1]  }
0xd7: {  	s0 =	sadd.s32 @!p0 $0x100000, s0  }
0xd8: {  	[sflag:s0] =	ssyncadd.tile.s32 @!p0 $0x1;
	_ =	shalt  }
.Lfunc_end2:
_tile_overlayer_lowered:
.L_overlay_start_2:
0xd9: {  	(tag) =	ssettag $0x2  }
0xda: {  	s0 =	rddreg [dreg:$0x0];
	s2 =	stileid.u32  }
0xdb: {  	s1 =	rddreg [dreg:$0x1];
	p0 =	sne.s32 s2, $0x0  }
0xdc: {  	s3 =	rddreg [dreg:$0x2];
	[bflag:$0x3] =	sbarrier.arrive $0xFFFF;
	s2 =	simm.s32 @!p0 $0x1C02  }
0xdd: {  	[timem:s3], [sflag:s2] =	dma.local @!p0 [hbm:s0], s1  }
0xde: {  	s0 =	simm.s32 @!p0 $0x2  }
0xdf: {  	_ =	swait.ge @!p0 [sflag:s0], s1  }
0xe0: {  	s1 =	ssub.s32 @!p0 $0x0, s1;
	[sflag:s0] =	ssyncset.done @!p0 $0x0  }
0xe1: {  	[sflag:s0] =	ssyncadd.s32 @!p0 s1  }
0xe2: {  	[bflag:$0x3] =	sbarrier.arrive $0xFFFF  }
0xe3: {  	_ =	shalt  }

// kernel: kernel.7.cloned.1.call-start
scs
__scs_entry_jumppad:
0x0: {  	(pc) =	sbr.rel $0x88, $3  }
0x1: {  	(tag) =	ssettag $0x0;
	lr =	simm.s32 $0x1  }
0x2: {  	[smem:$0x3F9D] =	sst lr;
	_ =	strace $0xD0000000  }
0x3: {  	_ = 	snop  }
0x4: {  	_ = 	snop  }
0x5: {  	_ = 	snop  }
0x6: {  	_ = 	snop  }
0x7: {  	_ = 	snop  }
__scs_overlays_trampoline_lowered:
0x8: {  	[smem:$0x3FAC] =	sst s0  }
0x9: {  	[smem:$0x3FAD] =	sst s1  }
0xa: {  	[smem:$0x3FAE] =	sst s2  }
0xb: {  	[smem:$0x3FAF] =	sst s3  }
0xc: {  	[smem:$0x3FB0] =	sst s4  }
0xd: {  	[smem:$0x3FB1] =	sst s5  }
0xe: {  	[smem:$0x3FB2] =	sst s6  }
0xf: {  	[smem:$0x3FB3] =	sst s7  }
0x10: {  	[smem:$0x3FB4] =	sst s8  }
0x11: {  	[smem:$0x3FB5] =	sst s9;
	s0 =	simm.s32 @!p0 $0x0  }
0x12: {  	s1 =	sld [smem:$0x3F9B];
	s0 =	simm.s32 @p0 $0x1  }
0x13: {  	[smem:$0x3FB6] =	sst s0;
	s0 =	simm.s32 @!p1 $0x0  }
0x14: {  	s2 =	sld [smem:$0x3F9A];
	s0 =	simm.s32 @p1 $0x1  }
0x15: {  	[smem:$0x3FB7] =	sst s0;
	s0 =	simm.s32 @!p2 $0x0  }
0x16: {  	s3 =	sld [smem:$0x3FDB];
	s0 =	simm.s32 @p2 $0x1  }
0x17: {  	s4 =	simm.s32 $0x1BF5;
	[smem:$0x3FB9] =	sst s0  }
0x18: {  	s0 =	sld [smem:$0x3F9C];
	_ =	swait.ge [sflag:s4], $0x0  }
0x19: {  	s7 =	sld [smem:$0x3F9D]  }
0x1a: {  	s8 =	sadd.s32 $0xFFFFE003, lr  }
0x1b: {  	s9 =	sadd.s32 $0xFFFFFEF7, lr;
	s5 =	simm.s32 $0xFFFFFFFF;
	p2 =	slt.u32 s8, $0xFFFFF086  }
0x1c: {  	p1 =	slt.u32 s9, $0xF7A;
	s5 =	simm.s32 @!p2 $0x0  }
0x1d: {  	s5 =	simm.s32 @p1 $0x1;
	p0 =	seq.s32 s7, s2  }
0x1e: {  	s7 =	smul.u32 @!p0 $0xF7A, s2;
	p2 =	seq.s32 @!p0 s5, $0x0  }
0x1f: {  	s9 =	smul.u32 $0xF7A, s1;
	s8 =	simm.s32 @!p0 $0x1BF5;
	p2 =	por !p2, p0  }
0x20: {  	[sflag:s8] =	ssyncset.s32 @!p0 $0xFFFFF086;
	s6 =	sadd.s32 @!p0 s3, s7;
	s7 =	simm.s32 @!p0 $0x108  }
0x21: {  	s3 =	sadd.s32 s3, s9;
	s6 =	sadd.s32 @!p0 $0x88, s6;
	s7 =	simm.s32 @p2 $0x1082  }
0x22: {  	[simem:s7], [sflag:s8] =	dma.local @!p0 [hbm:s6], $0xF7A  }
0x23: {  	s9 =	sor.u32 $0xD0000000, s2;
	s6 =	simm.s32 $0x108;
	_ =	swait.ge @!p0 [sflag:s8], $0x0  }
0x24: {  	s3 =	sadd.s32 $0x88, s3;
	s6 =	simm.s32 @!p1 $0x1082;
	[sflag:s4] =	ssyncset.s32 $0xFFFFF086  }
0x25: {  	[simem:s6], [sflag:s4] =	dma.local [hbm:s3], $0xF7A  }
0x26: {  	[smem:$0x3F9D] =	sst s1;
	(tag) =	ssettag s2;
	_ =	strace s9  }
0x27: {  	s1 =	sld [smem:$0x3FAD]  }
0x28: {  	s2 =	sld [smem:$0x3FAE]  }
0x29: {  	s4 =	sld [smem:$0x3FB0]  }
0x2a: {  	p0 =	seq.s32 s5, $0x0;
	s5 =	sld [smem:$0x3FB1]  }
0x2b: {  	s6 =	sld [smem:$0x3FB2]  }
0x2c: {  	s7 =	sld [smem:$0x3FB3]  }
0x2d: {  	s3 =	simm.s32 $0x108;
	s8 =	sld [smem:$0x3FB4]  }
0x2e: {  	s3 =	simm.s32 @!p0 $0x1082;
	s9 =	sld [smem:$0x3FB5]  }
0x2f: {  	lr =	sadd.s32 s0, s3;
	s0 =	sld [smem:$0x3FAC]  }
0x30: {  	s3 =	sld [smem:$0x3FAF]  }
0x31: {  	[smem:$0x3FB8] =	sst s10  }
0x32: {  	s10 =	sld [smem:$0x3FB6];
	_ =	sdelay $0x3  }
0x33: {  	p0 =	seq.s32 s10, $0x1;
	s10 =	sld [smem:$0x3FB8];
	_ =	sdelay $0x3  }
0x34: {  	[smem:$0x3FB8] =	sst s10  }
0x35: {  	s10 =	sld [smem:$0x3FB7];
	_ =	sdelay $0x3  }
0x36: {  	p1 =	seq.s32 s10, $0x1;
	s10 =	sld [smem:$0x3FB8];
	_ =	sdelay $0x3  }
0x37: {  	[smem:$0x3FB8] =	sst s10  }
0x38: {  	s10 =	sld [smem:$0x3FB9]  }
0x39: {  	_ = 	snop;
	(pc) =	sbr.ind lr, $3  }
0x3a: {  	_ = 	snop  }
0x3b: {  	_ = 	snop  }
0x3c: {  	p2 =	seq.s32 s10, $0x1;
	s10 =	sld [smem:$0x3FB8]  }
0x3d: {  	_ =	shalt  }
0x3e: {  	_ =	shalt  }
0x3f: {  	_ =	shalt  }
0x40: {  	_ =	shalt  }
0x41: {  	_ =	shalt  }
0x42: {  	_ =	shalt  }
0x43: {  	_ =	shalt  }
0x44: {  	_ =	shalt  }
0x45: {  	_ =	shalt  }
0x46: {  	_ =	shalt  }
0x47: {  	_ =	shalt  }
0x48: {  	_ =	shalt  }
0x49: {  	_ =	shalt  }
0x4a: {  	_ =	shalt  }
0x4b: {  	_ =	shalt  }
0x4c: {  	_ =	shalt  }
0x4d: {  	_ =	shalt  }
0x4e: {  	_ =	shalt  }
0x4f: {  	_ =	shalt  }
0x50: {  	_ =	shalt  }
0x51: {  	_ =	shalt  }
0x52: {  	_ =	shalt  }
0x53: {  	_ =	shalt  }
0x54: {  	_ =	shalt  }
0x55: {  	_ =	shalt  }
0x56: {  	_ =	shalt  }
0x57: {  	_ =	shalt  }
0x58: {  	_ =	shalt  }
0x59: {  	_ =	shalt  }
0x5a: {  	_ =	shalt  }
0x5b: {  	_ =	shalt  }
0x5c: {  	_ =	shalt  }
0x5d: {  	_ =	shalt  }
0x5e: {  	_ =	shalt  }
0x5f: {  	_ =	shalt  }
0x60: {  	_ =	shalt  }
0x61: {  	_ =	shalt  }
0x62: {  	_ =	shalt  }
0x63: {  	_ =	shalt  }
0x64: {  	_ =	shalt  }
0x65: {  	_ =	shalt  }
0x66: {  	_ =	shalt  }
0x67: {  	_ =	shalt  }
0x68: {  	_ =	shalt  }
0x69: {  	_ =	shalt  }
0x6a: {  	_ =	shalt  }
0x6b: {  	_ =	shalt  }
0x6c: {  	_ =	shalt  }
0x6d: {  	_ =	shalt  }
0x6e: {  	_ =	shalt  }
0x6f: {  	_ =	shalt  }
0x70: {  	_ =	shalt  }
0x71: {  	_ =	shalt  }
0x72: {  	_ =	shalt  }
0x73: {  	_ =	shalt  }
0x74: {  	_ =	shalt  }
0x75: {  	_ =	shalt  }
0x76: {  	_ =	shalt  }
0x77: {  	_ =	shalt  }
0x78: {  	_ =	shalt  }
0x79: {  	_ =	shalt  }
0x7a: {  	_ =	shalt  }
0x7b: {  	_ =	shalt  }
0x7c: {  	_ =	shalt  }
0x7d: {  	_ =	shalt  }
0x7e: {  	_ =	shalt  }
0x7f: {  	_ =	shalt  }
0x80: {  	_ =	shalt  }
0x81: {  	_ =	shalt  }
0x82: {  	_ =	shalt  }
0x83: {  	_ =	shalt  }
0x84: {  	_ =	shalt  }
0x85: {  	_ =	shalt  }
0x86: {  	_ =	shalt  }
0x87: {  	_ =	shalt  }
.Lfunc_end0:
.L_simem_size_0:
called_computation.2_lowered:
.L_overlay_start_0:
0x88: {  	s2 =	sld [smem:$0x3FD9]  }
0x89: {  	s3 =	sld [smem:$0x3FFE];
	_ =	sdelay $0x1  }
0x8a: {  	s1 =	srdreg.scid  }
0x8b: {  	s0 =	sand.u32 $0x1, s1  }
0x8c: {  	s16 =	sshll.u32 s0, $0xA;
	s2 =	sadd.s32 s3, s2  }
0x8d: {  	s2 =	sadd.s32 s2, s16  }
0x8e: {  	[smem:$0x3FC4] =	sst s2  }
0x8f: {  	_ = 	snop  }
0x90: {  	(tm) =	ssettm $0x1  }
0x91: {  	s17 =	sld [smem:$0x3FFB];
	_ =	sdelay $0x3  }
0x92: {  	_ =	strace s17  }
0x93: {  	s2 =	sld [smem:$0x3FFC];
	_ =	sdelay $0x3  }
0x94: {  	_ =	strace s2  }
0x95: {  	s2 =	sld [smem:$0x3FFD];
	_ =	sdelay $0x3  }
0x96: {  	_ =	strace s2  }
0x97: {  	_ =	strace $0x8FFFFFFF  }
0x98: {  	s18 =	sld [smem:$0x3FDB];
	_ =	sdelay $0x1  }
0x99: {  	s19 =	simm.s32 $_scs_section_size  }
0x9a: {  	s4 =	simm.s32 $_size__tile_overlayer_lowered;
	s5 =	simm.s32 $_tile_overlayer_lowered  }
0x9b: {  	s22 =	simm.s32 $0x1BFF;
	s21 =	sshll.u32 s5, $0x1;
	s2 =	sadd.s32 s19, s18  }
0x9c: {  	s6 =	simm.s32 $0x0;
	s20 =	sshll.u32 s4, $0x1;
	s4 =	sadd.s32 s21, s2  }
0x9d: {  	[timem:s6], [sflag:s22] =	dma.local [hbm:s4], s20  }
0x9e: {  	_ =	swait.ge [sflag:s22], s20  }
0x9f: {  	s3 =	ssub.s32 $0x0, s20;
	[sflag:s22] =	ssyncset.done $0x0  }
0xa0: {  	[sflag:s22] =	ssyncadd.s32 s3;
	_ =	sdelay $0x1  }
0xa1: {  	s23 =	simm.s32 $0x1B8B  }
0xa2: {  	_ =	swait.ge [sflag:s23], $0x1  }
0xa3: {  	[sflag:s23] =	ssyncset.done $0x0  }
0xa4: {  	s25 =	simm.s32 $0x1B8E;
	s24 =	sld [smem:$0x3FFE];
	[sflag:s23] =	ssyncadd.s32 $0xFFFFFFFF  }
0xa5: {  	s26 =	simm.s32 $execute0_lowered;
	[smem:$0x3FD2] =	sst s25  }
0xa6: {  	s4 =	sshll.u32 s26, $0x1;
	_ =	strace $0x8000004C;
	[dreg:$0x1] =	wrdreg $0xFFFFFFFF  }
0xa7: {  	s28 =	simm.s32 $_size_execute0_lowered;
	s2 =	sadd.s32 s2, s4;
	[dreg:$0x0] =	wrdreg $0x0  }
0xa8: {  	s4 =	sshll.u32 s28, $0x1;
	[dreg:$0x2] =	wrdreg s2  }
0xa9: {  	[dreg:$0x3] =	wrdreg s4  }
0xaa: {  	[dreg:$0x4] =	wrdreg $0xC0  }
0xab: {  	_ =	task [dreg:s6], $0x5FFFF  }
0xac: {  	[dreg:$0x1] =	wrdreg $0xFFFFFFFF  }
0xad: {  	[dreg:$0x0] =	wrdreg $0x60  }
0xae: {  	[dreg:$0x2] =	wrdreg s24  }
0xaf: {  	[dreg:$0x3] =	wrdreg $0x9  }
0xb0: {  	_ =	task.clear_ibuf [dreg:s6], $0x4FFFF;
	_ =	strace $0x9000004C  }
0xb1: {  	s29 =	simm.s32 $0x9;
	_ =	strace $0x8000004E  }
0xb2: {  	_ =	swait.ge [sflag:s29], $0x1  }
0xb3: {  	[sflag:s29] =	ssyncadd.s32 $0xFFFFFFFF  }
0xb4: {  	_ =	strace $0x9000004E  }
0xb5: {  	_ =	sfence  }
0xb6: {  	s30 =	sld [smem:$0x0];
	_ =	sdelay $0x2  }
0xb7: {  	s31 =	sshll.u32 s1, $0xD;
	s1 =	sshrl.u32 s1, $0x2  }
0xb8: {  	s3 =	sand.u32 $0x4000, s31;
	s1 =	sadd.s32 s1, s30  }
0xb9: {  	s0 =	sor.u32 s3, s0;
	s1 =	sshll.u32 s1, $0x11  }
0xba: {  	s0 =	sor.u32 s1, s0  }
0xbb: {  	s0 =	sadd.s32 $0x8F2B, s0  }
0xbc: {  	[sflag:s0] =	ssyncadd.remote.s32 $0x1  }
0xbd: {  	_ =	sfence.sel $0xFFFF  }
0xbe: {  	[dreg:$0x0] =	wrdreg $0xFFFFFFFF;
	(pc) =	sbr.abs _section_cstart, $3  }
0xbf: {  	[dreg:$0x1] =	wrdreg $0xFFFFFFFF  }
0xc0: {  	_ =	task.clear_ibuf [dreg:s6], $0x2FFFF;
	_ =	strace $0x9FFFFFFF  }
0xc1: {  	(tm) =	ssettm $0x7FFFFFFF  }
tec
execute0_lowered:
.L_overlay_start_1:
0x0: {  	(tag) =	ssettag $0x1  }
0x1: {  	s0 =	srdreg.scid  }
0x2: {  	s2 =	rddreg [dreg:$0x0];
	s3 =	stileid.u32;
	s9 =	simm.s32 $0x0  }
0x3: {  	s12 =	simm.s32 $0x3;
	s13 =	simm.s32 $0x640;
	s14 =	simm.s32 $0x80  }
0x4: {  	s15 =	simm.s32 $0xC80;
	s16 =	simm.s32 $0x3E80;
	s21 =	simm.s32 $0x7080  }
0x5: {  	s22 =	simm.s32 $0x76C0;
	s23 =	simm.s32 $0x7D00;
	s24 =	simm.s32 $0xAF00  }
0x6: {  	s11 =	simm.s32 $0x7BC0;
	s31 =	simm.s32 $0xD700;
	s26 =	simm.s32 $0xA900  }
0x7: {  	s17 =	simm.s32 $0xDB00;
	s29 =	simm.s32 $0x7680;
	s18 =	simm.s32 $0xAD00  }
0x8: {  	s19 =	simm.s32 $0xDF00;
	s25 =	simm.s32 $0x1;
	s0 =	sand.u32 $0x1, s0  }
0x9: {  	s20 =	simm.s32 $0x2;
	s10 =	simm.s32 $0x0;
	s1 =	sshll.u32 s0, $0x4  }
0xa: {  	[smem:$0x7FF] =	sst s9;
	s0 =	ssub.s32 $0x2, s0;
	s1 =	sor.u32 s3, s1  }
0xb: {  	s4 =	sadd.s32 $0x19F200, s2;
	s6 =	sshrl.u32 s0, $0x1;
	s3 =	smul.u32 $0x30D40, s1  }
0xc: {  	_ =	strace $0x8000004D;
	s1 =	sshll.u32 s1, $0x1;
	s0 =	ssub.s32 s0, s6  }
0xd: {  	s1 =	sadd.s32 s1, s2;
	s0 =	smax.u32 s0, $0x1;
	s5 =	sshrl.u32 s3, $0x3  }
0xe: {  	s7 =	sadd.s32 $0x640, s3;
	s30 =	sadd.s32 $0x186C00, s1;
	[dreg:$0x6] =	wrdreg s0  }
0xf: {  	s8 =	sadd.s32 $0xC80, s3;
	s1 =	sadd.s32 $0x186A00, s1;
	[dreg:$0x4] =	wrdreg s30  }
0x10: {  	s3 =	simm.s32 $0x40;
	s5 =	sadd.s32 s2, s5;
	[dreg:$0x5] =	wrdreg s1  }
0x11: {  	v0 =	vlaneseq.u32;
	s0 =	simm.s32 $0x7C40;
	[dreg:$0x2] =	wrdreg s5;
	s5 =	sadd.s32 $0xC3500, s5  }
0x12: {  	v1 =	vimm.f32 $1.000000000e+00;
	v0 =	vmul.u32 $0x8, v0;
	s1 =	simm.s32 $0x7CC0;
	[dreg:$0x3] =	wrdreg s5;
	s5 =	simm.s32 $0x7600  }
.LBB2_1:
0x13: {  	[dreg:$0x7] =	wrdreg s10  }
0x14: {  	s6 =	rddreg [dreg:$0x2]  }
0x15: {  	[tilespmem:s9], [sflag:$0x3] =	stream.linear.gather [hbm4b:s6+s9], $0x640, $0x38;
	[tilespmem:$0xE120] =	vst v63  }
0x16: {  	_ =	swait.ge [sflag:s12], $0x640  }
0x17: {  	[sflag:s12] =	ssyncset.done $0x0  }
0x18: {  	s30 =	rddreg [dreg:$0x3];
	[sflag:s12] =	ssyncadd.s32 $0xFFFFF9C0  }
0x19: {  	[tilespmem:s13], [sflag:$0x3] =	stream.linear.gather [hbm4b:s30+s9], $0x640, $0x38;
	[tilespmem:$0xE120] =	vst v63  }
0x1a: {  	_ =	swait.ge [sflag:s12], $0x640  }
0x1b: {  	[sflag:s12] =	ssyncset.done $0x0  }
0x1c: {  	[sflag:s12] =	ssyncadd.s32 $0xFFFFF9C0  }
0x1d: {  	[tilespmem:s15], [sflag:$0x1] =	stream.indirect.gather [hbm4b:s4+s14], $0x8, s9, s14, $0xb8;
	[tilespmem:$0xE120] =	vst v63  }
0x1e: {  	_ = 	snop  }
0x1f: {  	[tilespmem:s16], [sflag:$0x1] =	stream.indirect.gather [hbm4b:s4+s14], $0x8, s13, s14, $0xb8;
	[tilespmem:$0xE120] =	vst v63  }
0x20: {  	s10 =	simm.s32 $0x1080  }
0x21: {  	[tilespmem:s10], [sflag:$0x1] =	stream.indirect.gather [hbm4b:s4+s14], $0x8, s14, s14, $0xb8;
	[tilespmem:$0xE120] =	vst v63  }
0x22: {  	s28 =	simm.s32 $0x6C0;
	s30 =	simm.s32 $0x4280  }
0x23: {  	[tilespmem:s30], [sflag:$0x1] =	stream.indirect.gather [hbm4b:s4+s14], $0x8, s28, s14, $0xb8;
	[tilespmem:$0xE120] =	vst v63  }
0x24: {  	s9 =	simm.s32 $0x100;
	s10 =	simm.s32 $0x1480  }
0x25: {  	[tilespmem:s10], [sflag:$0x1] =	stream.indirect.gather [hbm4b:s4+s14], $0x8, s9, s14, $0xb8;
	[tilespmem:$0xE120] =	vst v63  }
0x26: {  	s28 =	simm.s32 $0x740;
	s30 =	simm.s32 $0x4680  }
0x27: {  	[tilespmem:s30], [sflag:$0x1] =	stream.indirect.gather [hbm4b:s4+s14], $0x8, s28, s14, $0xb8;
	[tilespmem:$0xE120] =	vst v63  }
0x28: {  	s9 =	simm.s32 $0x180;
	s10 =	simm.s32 $0x1880  }
0x29: {  	[tilespmem:s10], [sflag:$0x1] =	stream.indirect.gather [hbm4b:s4+s14], $0x8, s9, s14, $0xb8;
	[tilespmem:$0xE120] =	vst v63  }
0x2a: {  	s28 =	simm.s32 $0x7C0;
	s30 =	simm.s32 $0x4A80  }
0x2b: {  	[tilespmem:s30], [sflag:$0x1] =	stream.indirect.gather [hbm4b:s4+s14], $0x8, s28, s14, $0xb8;
	[tilespmem:$0xE120] =	vst v63  }
0x2c: {  	s9 =	simm.s32 $0x200;
	s10 =	simm.s32 $0x1C80  }
0x2d: {  	[tilespmem:s10], [sflag:$0x1] =	stream.indirect.gather [hbm4b:s4+s14], $0x8, s9, s14, $0xb8;
	[tilespmem:$0xE120] =	vst v63  }
0x2e: {  	s28 =	simm.s32 $0x840;
	s30 =	simm.s32 $0x4E80  }
0x2f: {  	[tilespmem:s30], [sflag:$0x1] =	stream.indirect.gather [hbm4b:s4+s14], $0x8, s28, s14, $0xb8;
	[tilespmem:$0xE120] =	vst v63  }
0x30: {  	s9 =	simm.s32 $0x280;
	s10 =	simm.s32 $0x2080  }
0x31: {  	[tilespmem:s10], [sflag:$0x1] =	stream.indirect.gather [hbm4b:s4+s14], $0x8, s9, s14, $0xb8;
	[tilespmem:$0xE120] =	vst v63  }
0x32: {  	s28 =	simm.s32 $0x8C0;
	s30 =	simm.s32 $0x5280  }
0x33: {  	[tilespmem:s30], [sflag:$0x1] =	stream.indirect.gather [hbm4b:s4+s14], $0x8, s28, s14, $0xb8;
	[tilespmem:$0xE120] =	vst v63  }
0x34: {  	s9 =	simm.s32 $0x300;
	s10 =	simm.s32 $0x2480  }
0x35: {  	[tilespmem:s10], [sflag:$0x1] =	stream.indirect.gather [hbm4b:s4+s14], $0x8, s9, s14, $0xb8;
	[tilespmem:$0xE120] =	vst v63  }
0x36: {  	s28 =	simm.s32 $0x940;
	s30 =	simm.s32 $0x5680  }
0x37: {  	[tilespmem:s30], [sflag:$0x1] =	stream.indirect.gather [hbm4b:s4+s14], $0x8, s28, s14, $0xb8;
	[tilespmem:$0xE120] =	vst v63  }
0x38: {  	s9 =	simm.s32 $0x380;
	s10 =	simm.s32 $0x2880  }
0x39: {  	[tilespmem:s10], [sflag:$0x1] =	stream.indirect.gather [hbm4b:s4+s14], $0x8, s9, s14, $0xb8;
	[tilespmem:$0xE120] =	vst v63  }
0x3a: {  	s28 =	simm.s32 $0x9C0;
	s30 =	simm.s32 $0x5A80  }
0x3b: {  	[tilespmem:s30], [sflag:$0x1] =	stream.indirect.gather [hbm4b:s4+s14], $0x8, s28, s14, $0xb8;
	[tilespmem:$0xE120] =	vst v63  }
0x3c: {  	s9 =	simm.s32 $0x400;
	s10 =	simm.s32 $0x2C80  }
0x3d: {  	[tilespmem:s10], [sflag:$0x1] =	stream.indirect.gather [hbm4b:s4+s14], $0x8, s9, s14, $0xb8;
	[tilespmem:$0xE120] =	vst v63  }
0x3e: {  	s28 =	simm.s32 $0xA40;
	s30 =	simm.s32 $0x5E80  }
0x3f: {  	[tilespmem:s30], [sflag:$0x1] =	stream.indirect.gather [hbm4b:s4+s14], $0x8, s28, s14, $0xb8;
	[tilespmem:$0xE120] =	vst v63  }
0x40: {  	s9 =	simm.s32 $0x480;
	s10 =	simm.s32 $0x3080  }
0x41: {  	[tilespmem:s10], [sflag:$0x1] =	stream.indirect.gather [hbm4b:s4+s14], $0x8, s9, s14, $0xb8;
	[tilespmem:$0xE120] =	vst v63  }
0x42: {  	s28 =	simm.s32 $0xAC0;
	s30 =	simm.s32 $0x6280  }
0x43: {  	[tilespmem:s30], [sflag:$0x1] =	stream.indirect.gather [hbm4b:s4+s14], $0x8, s28, s14, $0xb8;
	[tilespmem:$0xE120] =	vst v63  }
0x44: {  	s9 =	simm.s32 $0x500;
	s10 =	simm.s32 $0x3480  }
0x45: {  	[tilespmem:s10], [sflag:$0x1] =	stream.indirect.gather [hbm4b:s4+s14], $0x8, s9, s14, $0xb8;
	[tilespmem:$0xE120] =	vst v63  }
0x46: {  	s28 =	simm.s32 $0xB40;
	s30 =	simm.s32 $0x6680  }
0x47: {  	[tilespmem:s30], [sflag:$0x1] =	stream.indirect.gather [hbm4b:s4+s14], $0x8, s28, s14, $0xb8;
	[tilespmem:$0xE120] =	vst v63  }
0x48: {  	s9 =	simm.s32 $0x580;
	s10 =	simm.s32 $0x3880  }
0x49: {  	[tilespmem:s10], [sflag:$0x1] =	stream.indirect.gather [hbm4b:s4+s14], $0x8, s9, s14, $0xb8;
	[tilespmem:$0xE120] =	vst v63  }
0x4a: {  	s28 =	simm.s32 $0xBC0;
	s30 =	simm.s32 $0x6A80  }
0x4b: {  	[tilespmem:s30], [sflag:$0x1] =	stream.indirect.gather [hbm4b:s4+s14], $0x8, s28, s14, $0xb8;
	[tilespmem:$0xE120] =	vst v63  }
0x4c: {  	s9 =	simm.s32 $0x600;
	s10 =	simm.s32 $0x3C80  }
0x4d: {  	[tilespmem:s10], [sflag:$0x1] =	stream.indirect.gather [hbm4b:s4+s3], $0x8, s9, s3, $0xb8;
	[tilespmem:$0xE120] =	vst v63  }
0x4e: {  	s6 =	simm.s32 $0x0;
	s28 =	simm.s32 $0xC40;
	s30 =	simm.s32 $0x6E80  }
0x4f: {  	v2 =	vimm.f32 $0.0e+00;
	v3 =	vimm.f32 $0.0e+00;
	[tilespmem:s30], [sflag:$0x1] =	stream.indirect.gather [hbm4b:s4+s3], $0x8, s28, s3, $0xb8;
	[tilespmem:$0xE120] =	vst v63  }
.LBB2_2:
0x50: {  	s30 =	smul.u32 $0xC80, s6;
	_ =	sdelay $0x1  }
0x51: {  	s9 =	sadd.s32 s30, s7  }
0x52: {  	s9 =	sshrl.u32 s9, $0x3  }
0x53: {  	s28 =	simm.s32 $0x0;
	s9 =	sadd.s32 s2, s9  }
0x54: {  	[tilespmem:s21], [sflag:$0x3] =	stream.linear.gather [hbm4b:s9+s28], $0x640, $0x38;
	[tilespmem:$0xE120] =	vst v63  }
0x55: {  	_ =	swait.ge [sflag:s12], $0x640  }
0x56: {  	[sflag:s12] =	ssyncset.done $0x0  }
0x57: {  	s9 =	sadd.s32 $0xC3500, s9;
	[sflag:s12] =	ssyncadd.s32 $0xFFFFF9C0  }
0x58: {  	[tilespmem:s22], [sflag:$0x3] =	stream.linear.gather [hbm4b:s9+s28], $0x640, $0x38;
	[tilespmem:$0xE120] =	vst v63  }
0x59: {  	_ =	swait.ge [sflag:s12], $0x640  }
0x5a: {  	[sflag:s12] =	ssyncset.done $0x0  }
0x5b: {  	[sflag:s12] =	ssyncadd.s32 $0xFFFFF9C0  }
0x5c: {  	[tilespmem:s23], [sflag:$0x2] =	stream.indirect.gather [hbm4b:s4+s14], $0x8, s21, s14, $0xb8;
	[tilespmem:$0xE120] =	vst v63  }
0x5d: {  	_ = 	snop  }
0x5e: {  	[tilespmem:s24], [sflag:$0x2] =	stream.indirect.gather [hbm4b:s4+s14], $0x8, s22, s14, $0xb8;
	[tilespmem:$0xE120] =	vst v63  }
0x5f: {  	s10 =	simm.s32 $0x8100;
	s9 =	simm.s32 $0x7100  }
0x60: {  	[tilespmem:s10], [sflag:$0x2] =	stream.indirect.gather [hbm4b:s4+s14], $0x8, s9, s14, $0xb8;
	[tilespmem:$0xE120] =	vst v63  }
0x61: {  	s9 =	simm.s32 $0x7740;
	s10 =	simm.s32 $0xB300  }
0x62: {  	[tilespmem:s10], [sflag:$0x2] =	stream.indirect.gather [hbm4b:s4+s14], $0x8, s9, s14, $0xb8;
	[tilespmem:$0xE120] =	vst v63  }
0x63: {  	s9 =	simm.s32 $0x7180;
	s10 =	simm.s32 $0x8500  }
0x64: {  	[tilespmem:s10], [sflag:$0x2] =	stream.indirect.gather [hbm4b:s4+s14], $0x8, s9, s14, $0xb8;
	[tilespmem:$0xE120] =	vst v63  }
0x65: {  	s9 =	simm.s32 $0x77C0;
	s10 =	simm.s32 $0xB700  }
0x66: {  	[tilespmem:s10], [sflag:$0x2] =	stream.indirect.gather [hbm4b:s4+s14], $0x8, s9, s14, $0xb8;
	[tilespmem:$0xE120] =	vst v63  }
0x67: {  	s9 =	simm.s32 $0x7200;
	s10 =	simm.s32 $0x8900  }
0x68: {  	[tilespmem:s10], [sflag:$0x2] =	stream.indirect.gather [hbm4b:s4+s14], $0x8, s9, s14, $0xb8;
	[tilespmem:$0xE120] =	vst v63  }
0x69: {  	s9 =	simm.s32 $0x7840;
	s10 =	simm.s32 $0xBB00  }
0x6a: {  	[tilespmem:s10], [sflag:$0x2] =	stream.indirect.gather [hbm4b:s4+s14], $0x8, s9, s14, $0xb8;
	[tilespmem:$0xE120] =	vst v63  }
0x6b: {  	s9 =	simm.s32 $0x7280;
	s10 =	simm.s32 $0x8D00  }
0x6c: {  	[tilespmem:s10], [sflag:$0x2] =	stream.indirect.gather [hbm4b:s4+s14], $0x8, s9, s14, $0xb8;
	[tilespmem:$0xE120] =	vst v63  }
0x6d: {  	s9 =	simm.s32 $0x78C0;
	s10 =	simm.s32 $0xBF00  }
0x6e: {  	[tilespmem:s10], [sflag:$0x2] =	stream.indirect.gather [hbm4b:s4+s14], $0x8, s9, s14, $0xb8;
	[tilespmem:$0xE120] =	vst v63  }
0x6f: {  	s9 =	simm.s32 $0x7300;
	s10 =	simm.s32 $0x9100  }
0x70: {  	[tilespmem:s10], [sflag:$0x2] =	stream.indirect.gather [hbm4b:s4+s14], $0x8, s9, s14, $0xb8;
	[tilespmem:$0xE120] =	vst v63  }
0x71: {  	s9 =	simm.s32 $0x7940;
	s10 =	simm.s32 $0xC300  }
0x72: {  	[tilespmem:s10], [sflag:$0x2] =	stream.indirect.gather [hbm4b:s4+s14], $0x8, s9, s14, $0xb8;
	[tilespmem:$0xE120] =	vst v63  }
0x73: {  	s9 =	simm.s32 $0x7380;
	s10 =	simm.s32 $0x9500  }
0x74: {  	[tilespmem:s10], [sflag:$0x2] =	stream.indirect.gather [hbm4b:s4+s14], $0x8, s9, s14, $0xb8;
	[tilespmem:$0xE120] =	vst v63  }
0x75: {  	s9 =	simm.s32 $0x79C0;
	s10 =	simm.s32 $0xC700  }
0x76: {  	[tilespmem:s10], [sflag:$0x2] =	stream.indirect.gather [hbm4b:s4+s14], $0x8, s9, s14, $0xb8;
	[tilespmem:$0xE120] =	vst v63  }
0x77: {  	s9 =	simm.s32 $0x7400;
	s10 =	simm.s32 $0x9900  }
0x78: {  	[tilespmem:s10], [sflag:$0x2] =	stream.indirect.gather [hbm4b:s4+s14], $0x8, s9, s14, $0xb8;
	[tilespmem:$0xE120] =	vst v63  }
0x79: {  	s9 =	simm.s32 $0x7A40;
	s10 =	simm.s32 $0xCB00  }
0x7a: {  	[tilespmem:s10], [sflag:$0x2] =	stream.indirect.gather [hbm4b:s4+s14], $0x8, s9, s14, $0xb8;
	[tilespmem:$0xE120] =	vst v63  }
0x7b: {  	s9 =	simm.s32 $0x7480;
	s10 =	simm.s32 $0x9D00  }
0x7c: {  	[tilespmem:s10], [sflag:$0x2] =	stream.indirect.gather [hbm4b:s4+s14], $0x8, s9, s14, $0xb8;
	[tilespmem:$0xE120] =	vst v63  }
0x7d: {  	s9 =	simm.s32 $0x7AC0;
	s10 =	simm.s32 $0xCF00  }
0x7e: {  	[tilespmem:s10], [sflag:$0x2] =	stream.indirect.gather [hbm4b:s4+s14], $0x8, s9, s14, $0xb8;
	[tilespmem:$0xE120] =	vst v63  }
0x7f: {  	s9 =	simm.s32 $0x7500;
	s10 =	simm.s32 $0xA100  }
0x80: {  	[tilespmem:s10], [sflag:$0x2] =	stream.indirect.gather [hbm4b:s4+s14], $0x8, s9, s14, $0xb8;
	[tilespmem:$0xE120] =	vst v63  }
0x81: {  	s9 =	simm.s32 $0x7B40;
	s10 =	simm.s32 $0xD300  }
0x82: {  	[tilespmem:s10], [sflag:$0x2] =	stream.indirect.gather [hbm4b:s4+s14], $0x8, s9, s14, $0xb8;
	[tilespmem:$0xE120] =	vst v63  }
0x83: {  	s9 =	simm.s32 $0x7580;
	s10 =	simm.s32 $0xA500  }
0x84: {  	[tilespmem:s10], [sflag:$0x2] =	stream.indirect.gather [hbm4b:s4+s14], $0x8, s9, s14, $0xb8;
	[tilespmem:$0xE120] =	vst v63  }
0x85: {  	_ = 	snop  }
0x86: {  	[tilespmem:s31], [sflag:$0x2] =	stream.indirect.gather [hbm4b:s4+s14], $0x8, s11, s14, $0xb8;
	[tilespmem:$0xE120] =	vst v63  }
0x87: {  	_ = 	snop  }
0x88: {  	[tilespmem:s26], [sflag:$0x2] =	stream.indirect.gather [hbm4b:s4+s14], $0x8, s5, s14, $0xb8;
	[tilespmem:$0xE120] =	vst v63  }
0x89: {  	_ = 	snop  }
0x8a: {  	[tilespmem:s17], [sflag:$0x2] =	stream.indirect.gather [hbm4b:s4+s14], $0x8, s0, s14, $0xb8;
	[tilespmem:$0xE120] =	vst v63  }
0x8b: {  	_ = 	snop  }
0x8c: {  	[tilespmem:s18], [sflag:$0x2] =	stream.indirect.gather [hbm4b:s4+s3], $0x8, s29, s3, $0xb8;
	[tilespmem:$0xE120] =	vst v63  }
0x8d: {  	_ = 	snop  }
0x8e: {  	[tilespmem:s19], [sflag:$0x2] =	stream.indirect.gather [hbm4b:s4+s3], $0x8, s1, s3, $0xb8;
	[tilespmem:$0xE120] =	vst v63  }
0x8f: {  	_ =	swait.ge [sflag:s25], $0x400  }
0x90: {  	[sflag:s25] =	ssyncset.done $0x0  }
0x91: {  	[sflag:s25] =	ssyncadd.s32 $0xFFFFFC00  }
0x92: {  	_ =	swait.ge [sflag:s25], $0x400  }
0x93: {  	[sflag:s25] =	ssyncset.done $0x0  }
0x94: {  	[sflag:s25] =	ssyncadd.s32 $0xFFFFFC00  }
0x95: {  	_ =	swait.ge [sflag:s25], $0x400  }
0x96: {  	[sflag:s25] =	ssyncset.done $0x0  }
0x97: {  	[sflag:s25] =	ssyncadd.s32 $0xFFFFFC00  }
0x98: {  	_ =	swait.ge [sflag:s25], $0x400  }
0x99: {  	[sflag:s25] =	ssyncset.done $0x0  }
0x9a: {  	[sflag:s25] =	ssyncadd.s32 $0xFFFFFC00  }
0x9b: {  	_ =	swait.ge [sflag:s25], $0x400  }
0x9c: {  	[sflag:s25] =	ssyncset.done $0x0  }
0x9d: {  	[sflag:s25] =	ssyncadd.s32 $0xFFFFFC00  }
0x9e: {  	_ =	swait.ge [sflag:s25], $0x400  }
0x9f: {  	[sflag:s25] =	ssyncset.done $0x0  }
0xa0: {  	[sflag:s25] =	ssyncadd.s32 $0xFFFFFC00  }
0xa1: {  	_ =	swait.ge [sflag:s25], $0x400  }
0xa2: {  	[sflag:s25] =	ssyncset.done $0x0  }
0xa3: {  	[sflag:s25] =	ssyncadd.s32 $0xFFFFFC00  }
0xa4: {  	_ =	swait.ge [sflag:s25], $0x400  }
0xa5: {  	[sflag:s25] =	ssyncset.done $0x0  }
0xa6: {  	[sflag:s25] =	ssyncadd.s32 $0xFFFFFC00  }
0xa7: {  	_ =	swait.ge [sflag:s25], $0x400  }
0xa8: {  	[sflag:s25] =	ssyncset.done $0x0  }
0xa9: {  	[sflag:s25] =	ssyncadd.s32 $0xFFFFFC00  }
0xaa: {  	_ =	swait.ge [sflag:s25], $0x400  }
0xab: {  	[sflag:s25] =	ssyncset.done $0x0  }
0xac: {  	[sflag:s25] =	ssyncadd.s32 $0xFFFFFC00  }
0xad: {  	_ =	swait.ge [sflag:s25], $0x400  }
0xae: {  	[sflag:s25] =	ssyncset.done $0x0  }
0xaf: {  	[sflag:s25] =	ssyncadd.s32 $0xFFFFFC00  }
0xb0: {  	_ =	swait.ge [sflag:s25], $0x400  }
0xb1: {  	[sflag:s25] =	ssyncset.done $0x0  }
0xb2: {  	[sflag:s25] =	ssyncadd.s32 $0xFFFFFC00  }
0xb3: {  	_ =	swait.ge [sflag:s25], $0x400  }
0xb4: {  	[sflag:s25] =	ssyncset.done $0x0  }
0xb5: {  	[sflag:s25] =	ssyncadd.s32 $0xFFFFFC00  }
0xb6: {  	_ =	swait.ge [sflag:s25], $0x400  }
0xb7: {  	[sflag:s25] =	ssyncset.done $0x0  }
0xb8: {  	[sflag:s25] =	ssyncadd.s32 $0xFFFFFC00  }
0xb9: {  	_ =	swait.ge [sflag:s25], $0x400  }
0xba: {  	[sflag:s25] =	ssyncset.done $0x0  }
0xbb: {  	[sflag:s25] =	ssyncadd.s32 $0xFFFFFC00  }
0xbc: {  	_ =	swait.ge [sflag:s25], $0x400  }
0xbd: {  	[sflag:s25] =	ssyncset.done $0x0  }
0xbe: {  	[sflag:s25] =	ssyncadd.s32 $0xFFFFFC00  }
0xbf: {  	_ =	swait.ge [sflag:s25], $0x400  }
0xc0: {  	[sflag:s25] =	ssyncset.done $0x0  }
0xc1: {  	[sflag:s25] =	ssyncadd.s32 $0xFFFFFC00  }
0xc2: {  	_ =	swait.ge [sflag:s25], $0x400  }
0xc3: {  	[sflag:s25] =	ssyncset.done $0x0  }
0xc4: {  	[sflag:s25] =	ssyncadd.s32 $0xFFFFFC00  }
0xc5: {  	_ =	swait.ge [sflag:s25], $0x400  }
0xc6: {  	[sflag:s25] =	ssyncset.done $0x0  }
0xc7: {  	[sflag:s25] =	ssyncadd.s32 $0xFFFFFC00  }
0xc8: {  	_ =	swait.ge [sflag:s25], $0x400  }
0xc9: {  	[sflag:s25] =	ssyncset.done $0x0  }
0xca: {  	[sflag:s25] =	ssyncadd.s32 $0xFFFFFC00  }
0xcb: {  	_ =	swait.ge [sflag:s25], $0x400  }
0xcc: {  	[sflag:s25] =	ssyncset.done $0x0  }
0xcd: {  	[sflag:s25] =	ssyncadd.s32 $0xFFFFFC00  }
0xce: {  	_ =	swait.ge [sflag:s25], $0x400  }
0xcf: {  	[sflag:s25] =	ssyncset.done $0x0  }
0xd0: {  	[sflag:s25] =	ssyncadd.s32 $0xFFFFFC00  }
0xd1: {  	_ =	swait.ge [sflag:s25], $0x400  }
0xd2: {  	[sflag:s25] =	ssyncset.done $0x0  }
0xd3: {  	[sflag:s25] =	ssyncadd.s32 $0xFFFFFC00  }
0xd4: {  	_ =	swait.ge [sflag:s25], $0x400  }
0xd5: {  	[sflag:s25] =	ssyncset.done $0x0  }
0xd6: {  	v4 =	vmov s28;
	[sflag:s25] =	ssyncadd.s32 $0xFFFFFC00  }
0xd7: {  	v4 =	vshll.u32 v4, $0x3;
	_ =	swait.ge [sflag:s25], $0x200  }
0xd8: {  	v4 =	vor.u32 v0, v4;
	[sflag:s25] =	ssyncset.done $0x0  }
0xd9: {  	[sflag:s25] =	ssyncadd.s32 $0xFFFFFE00  }
0xda: {  	v5 =	vor.u32 $0x1, v4;
	_ =	swait.ge [sflag:s25], $0x200  }
0xdb: {  	[sflag:s25] =	ssyncset.done $0x0  }
0xdc: {  	v6 =	vor.u32 $0x2, v4;
	s9 =	simm.s32 $0x10;
	[sflag:s25] =	ssyncadd.s32 $0xFFFFFE00  }
0xdd: {  	v9 =	vmov s9;
	v7 =	vld.idx.msk [tilespmem:v4+s15+$0x0], $0xffff  }
0xde: {  	v9 =	vshll.u32 v9, $0x3;
	v8 =	vld.idx.msk [tilespmem:v4+s16+$0x0], $0xffff  }
0xdf: {  	v9 =	vor.u32 v0, v9;
	v10 =	vld.idx.msk [tilespmem:v5+s15+$0x0], $0xffff  }
0xe0: {  	v5 =	vld.idx.msk [tilespmem:v5+s16+$0x0], $0xffff  }
0xe1: {  	v13 =	vor.u32 $0x4, v4;
	v11 =	vld.idx.msk [tilespmem:v6+s15+$0x0], $0xffff  }
0xe2: {  	v12 =	vor.u32 $0x3, v4;
	v6 =	vld.idx.msk [tilespmem:v6+s16+$0x0], $0xffff  }
0xe3: {  	v16 =	vor.u32 $0x1, v9  }
0xe4: {  	v15 =	vld.idx.msk [tilespmem:v9+s15+$0x0], $0xffff  }
0xe5: {  	v14 =	vor.u32 $0x5, v4;
	v17 =	vld.idx.msk [tilespmem:v9+s16+$0x0], $0xffff;
	v7 =	vsub.f32 v7, v8;
	v5 =	vsub.f32 v10, v5  }
0xe6: {  	v13 =	vld.idx.msk [tilespmem:v13+s15+$0x0], $0xffff;
	v8 =	vor.u32 $0x2, v9  }
0xe7: {  	v10 =	vld.idx.msk [tilespmem:v12+s15+$0x0], $0xffff;
	v6 =	vsub.f32 v11, v6;
	v11 =	vmul.f32 v7, v7;
	v12 =	vmul.f32 v5, v5  }
0xe8: {  	s10 =	simm.s32 $0x20;
	v19 =	vld.idx.msk [tilespmem:v16+s15+$0x0], $0xffff  }
0xe9: {  	v18 =	vmov s10;
	v16 =	vld.idx.msk [tilespmem:v16+s16+$0x0], $0xffff;
	v11 =	vadd.f32 v12, v11;
	v12 =	vmul.f32 v6, v6  }
0xea: {  	v18 =	vshll.u32 v18, $0x3;
	v14 =	vld.idx.msk [tilespmem:v14+s15+$0x0], $0xffff;
	v4 =	vor.u32 $0x6, v4  }
0xeb: {  	v12 =	vadd.f32 v12, v11;
	v11 =	vor.u32 v0, v18;
	v18 =	vld.idx.msk [tilespmem:v8+s15+$0x0], $0xffff  }
0xec: {  	v20 =	vor.u32 $0x3, v9;
	v5 =	vmul.f32 v5, v13;
	v8 =	vld.idx.msk [tilespmem:v8+s16+$0x0], $0xffff  }
0xed: {  	v13 =	vor.u32 $0x4, v9;
	v7 =	vmul.f32 v7, v10;
	v10 =	vmax.f32 v12, $1.000000020e-24  }
0xee: {  	v23 =	vor.u32 $0x5, v9;
	v21 =	vld [tilespmem:s28+$0x0];
	v16 =	vsub.f32 v19, v16;
	(erf) = vrcp.f32 v10  }
0xef: {  	s10 =	simm.s32 $0x640;
	v24 =	vld.idx.msk [tilespmem:v4+s15+$0x0], $0xffff;
	v15 =	vsub.f32 v15, v17;
	v4 =	vadd.f32 v5, v7;
	v5 =	vmul.f32 v6, v14  }
0xf0: {  	v22 =	vld [tilespmem:s10+$0x0];
	v6 =	vor.u32 $0x1, v11;
	v14 =	vmul.f32 v16, v16  }
0xf1: {  	v26 =	vld.idx.msk [tilespmem:v20+s15+$0x0], $0xffff;
	v5 =	vadd.f32 v5, v4;
	v4 =	vsub.f32 v18, v8;
	v8 =	vmul.f32 v15, v15  }
0xf2: {  	v27 =	vld.idx.msk [tilespmem:v13+s15+$0x0], $0xffff  }
0xf3: {  	s10 =	simm.s32 $0x30;
	v25 =	vor.u32 $0x2, v11;
	v7 =	vld.idx.msk [tilespmem:v23+s15+$0x0], $0xffff;
	v8 =	vadd.f32 v14, v8  }
0xf4: {  	v13 =	vmov s10;
	v10 =	vld.idx.msk [tilespmem:v11+s15+$0x0], $0xffff;
	v5 =	vmul.f32 v5, v5;
	v17 =	vmul.f32 v4, v4  }
0xf5: {  	v14 =	vshll.u32 v13, $0x3;
	v13 =	vld.idx.msk [tilespmem:v6+s15+$0x0], $0xffff  }
0xf6: {  	v5 =	vmul.f32 v5, v24;
	v20 =	vor.u32 v0, v14;
	v14 =	vld.idx.msk [tilespmem:v6+s16+$0x0], $0xffff;
	v6 =	vadd.f32 v17, v8  }
0xf7: {  	v12 =	vld.idx.msk [tilespmem:v11+s16+$0x0], $0xffff;
	v18 =	vor.u32 $0x6, v9;
	v8 =	vpop (erf)  }
0xf8: {  	s28 =	simm.s32 $0x650;
	v19 =	vld.idx.msk [tilespmem:v25+s15+$0x0], $0xffff;
	v6 =	vmax.f32 v6, $1.000000020e-24;
	v8 =	vmul.f32 v8, v5;
	v5 =	vor.u32 v21, v22  }
0xf9: {  	v9 =	vmul.f32 v15, v26;
	(erf) = vrcp.f32 v6;
	v6 =	vld [tilespmem:s28+$0x0];
	vm0 =	veq.s32 v5, $0x0  }
0xfa: {  	v15 =	vmul.f32 v16, v27;
	v17 =	vor.u32 $0x3, v11;
	v21 =	vld.idx.msk [tilespmem:v25+s16+$0x0], $0xffff;
	v8 =	vsel vm0, $0x0, v8  }
0xfb: {  	s10 =	simm.s32 $0x40;
	v16 =	vmovc v20;
	v22 =	vor.u32 $0x4, v11;
	v5 =	vld [tilespmem:s9+$0x0];
	v3 =	vadd.f32 v8, v3;
	v8 =	vsel vm0, $0x0, v1  }
.LBB2_3:
0xfc: {  	p0 =	sne.s32 s10, $0x630;
	v23 =	vor.u32 $0x5, v11;
	v18 =	vld.idx.msk [tilespmem:v18+s15+$0x0], $0xffff;
	v9 =	vadd.f32 v15, v9;
	v4 =	vmul.f32 v4, v7  }
0xfd: {  	v15 =	vor.u32 $0x1, v16;
	v24 =	vsub.f32 v10, v12;
	v25 =	vsub.f32 v13, v14;
	v10 =	vld.idx.msk [tilespmem:v20+s15+$0x0], $0xffff  }
0xfe: {  	v26 =	vor.u32 $0x2, v16;
	v2 =	vadd.f32 v8, v2;
	v12 =	vld.idx.msk [tilespmem:v16+s16+$0x0], $0xffff;
	v7 =	vadd.f32 v4, v9  }
0xff: {  	v4 =	vsub.f32 v19, v21;
	v9 =	vmul.f32 v24, v24;
	v13 =	vmul.f32 v25, v25;
	v8 =	vld.idx.msk [tilespmem:v17+s15+$0x0], $0xffff  }
0x100: {  	v22 =	vld.idx.msk [tilespmem:v22+s15+$0x0], $0xffff;
	v14 =	vmul.f32 v7, v7  }
0x101: {  	v17 =	vmov s10;
	v19 =	vmul.f32 v4, v4;
	v7 =	vld.idx.msk [tilespmem:v23+s15+$0x0], $0xffff;
	v23 =	vadd.f32 v13, v9  }
0x102: {  	v17 =	vshll.u32 v17, $0x3;
	v13 =	vld.idx.msk [tilespmem:v15+s15+$0x0], $0xffff;
	v21 =	vmul.f32 v14, v18  }
.Ltmp0:
0x103: {  	v20 =	vor.u32 v0, v17;
	v18 =	vor.u32 $0x6, v11;
	v14 =	vld.idx.msk [tilespmem:v15+s16+$0x0], $0xffff;
	v15 =	vadd.f32 v19, v23;
	v9 =	vpop (erf);
	(pc) =	sbr.rel @p0 .LBB2_3-.Ltmp0, $4  }
0x104: {  	v5 =	vor.u32 v5, v6;
	v17 =	vor.u32 $0x3, v16;
	v11 =	vmovc v16;
	v19 =	vld.idx.msk [tilespmem:v26+s15+$0x0], $0xffff;
	v23 =	vmul.f32 v9, v21  }
0x105: {  	s9 =	sadd.s32 $0x10, s9;
	vm0 =	veq.s32 v5, $0x0;
	v16 =	vmovc v20;
	v9 =	vmul.f32 v24, v8;
	v21 =	vld.idx.msk [tilespmem:v26+s16+$0x0], $0xffff;
	v6 =	vmax.f32 v15, $1.000000020e-24  }
0x106: {  	s28 =	sadd.s32 $0x10, s28;
	v15 =	vmul.f32 v25, v22;
	v5 =	vld [tilespmem:s9+$0x0];
	(erf) = vrcp.f32 v6;
	v8 =	vsel vm0, $0x0, v23  }
0x107: {  	s10 =	sadd.s32 $0x10, s10;
	v22 =	vor.u32 $0x4, v11;
	v6 =	vld [tilespmem:s28+$0x0];
	v3 =	vadd.f32 v8, v3;
	v8 =	vsel vm0, $0x0, v1  }
0x108: {  	_ = 	snop  }
0x109: {  	v23 =	vor.u32 $0x1, v16;
	_ =	sdelay $0x1  }
0x10a: {  	v24 =	vor.u32 $0x2, v16  }
0x10b: {  	v20 =	vld.idx.msk [tilespmem:v20+s15+$0x0], $0xffff  }
0x10c: {  	v27 =	vld.idx.msk [tilespmem:v16+s16+$0x0], $0xffff  }
0x10d: {  	v28 =	vld.idx.msk [tilespmem:v23+s15+$0x0], $0xffff  }
0x10e: {  	v23 =	vld.idx.msk [tilespmem:v23+s16+$0x0], $0xffff  }
0x10f: {  	v29 =	vld.idx.msk [tilespmem:v24+s15+$0x0], $0xffff  }
0x110: {  	v24 =	vld.idx.msk [tilespmem:v24+s16+$0x0], $0xffff;
	_ =	sdelay $0x1  }
0x111: {  	v25 =	vsub.f32 v10, v12;
	v26 =	vsub.f32 v13, v14  }
0x112: {  	v13 =	vsub.f32 v20, v27;
	v14 =	vsub.f32 v28, v23  }
0x113: {  	v12 =	vmul.f32 v25, v25;
	v23 =	vsub.f32 v19, v21;
	v19 =	vmul.f32 v26, v26  }
0x114: {  	v20 =	vmul.f32 v13, v13;
	v10 =	vsub.f32 v29, v24;
	v21 =	vmul.f32 v14, v14  }
0x115: {  	v12 =	vadd.f32 v19, v12;
	v19 =	vmul.f32 v23, v23  }
0x116: {  	v49 =	vor.u32 $0x5, v11;
	v20 =	vadd.f32 v21, v20;
	v21 =	vmul.f32 v10, v10  }
0x117: {  	v11 =	vor.u32 $0x6, v11;
	v12 =	vadd.f32 v19, v12  }
0x118: {  	v30 =	vld.idx.msk [tilespmem:v17+s15+$0x0], $0xffff;
	v17 =	vadd.f32 v21, v20  }
0x119: {  	v50 =	vld.idx.msk [tilespmem:v18+s15+$0x0], $0xffff;
	v12 =	vmax.f32 v12, $1.000000020e-24  }
0x11a: {  	v31 =	vld.idx.msk [tilespmem:v22+s15+$0x0], $0xffff;
	v18 =	vor.u32 $0x3, v16;
	(erf) = vrcp.f32 v12;
	v17 =	vmax.f32 v17, $1.000000020e-24  }
0x11b: {  	v52 =	vor.u32 $0x5, v16;
	v51 =	vld.idx.msk [tilespmem:v49+s15+$0x0], $0xffff;
	(erf) = vrcp.f32 v17  }
0x11c: {  	s9 =	sadd.s32 $0x10, s9;
	v53 =	vld.idx.msk [tilespmem:v11+s15+$0x0], $0xffff  }
0x11d: {  	s10 =	sadd.s32 $0x10, s28;
	v19 =	vld [tilespmem:s9+$0x0];
	v12 =	vor.u32 $0x4, v16  }
0x11e: {  	v21 =	vld [tilespmem:s10+$0x0]  }
0x11f: {  	v11 =	vor.u32 $0x6, v16;
	v20 =	vld.idx.msk [tilespmem:v18+s15+$0x0], $0xffff  }
0x120: {  	v18 =	vld.idx.msk [tilespmem:v52+s15+$0x0], $0xffff;
	s10 =	sadd.s32 $0x10, s10  }
0x121: {  	s30 =	sadd.s32 s30, s8;
	v16 =	vld [tilespmem:s10+$0x0]  }
0x122: {  	v32 =	vpop (erf);
	s9 =	sadd.s32 $0x10, s9;
	s10 =	sshrl.u32 s30, $0x3;
	v22 =	vld.idx.msk [tilespmem:v12+s15+$0x0], $0xffff  }
0x123: {  	s10 =	sadd.s32 s2, s10;
	v12 =	vld [tilespmem:s9+$0x0];
	s9 =	simm.s32 $0x0;
	v54 =	vpop (erf)  }
0x124: {  	v17 =	vld.idx.msk [tilespmem:v11+s15+$0x0], $0xffff;
	[tilespmem:s9], [sflag:$0x3] =	stream.linear.gather [hbm4b:s10+s9], $0x640, $0x38;
	v11 =	vpop (erf)  }
0x125: {  	_ =	swait.ge [sflag:s12], $0x640  }
0x126: {  	[sflag:s12] =	ssyncset.done $0x0  }
0x127: {  	s10 =	sadd.s32 $0xC3500, s10;
	[sflag:s12] =	ssyncadd.s32 $0xFFFFF9C0  }
0x128: {  	[tilespmem:s13], [sflag:$0x3] =	stream.linear.gather [hbm4b:s10+s9], $0x640, $0x38;
	[tilespmem:$0xE120] =	vst v63  }
0x129: {  	_ =	swait.ge [sflag:s12], $0x640  }
0x12a: {  	[sflag:s12] =	ssyncset.done $0x0  }
0x12b: {  	[sflag:s12] =	ssyncadd.s32 $0xFFFFF9C0  }
0x12c: {  	[tilespmem:s15], [sflag:$0x1] =	stream.indirect.gather [hbm4b:s4+s14], $0x8, s9, s14, $0xb8;
	[tilespmem:$0xE120] =	vst v63  }
0x12d: {  	_ = 	snop  }
0x12e: {  	[tilespmem:s16], [sflag:$0x1] =	stream.indirect.gather [hbm4b:s4+s14], $0x8, s13, s14, $0xb8;
	[tilespmem:$0xE120] =	vst v63  }
0x12f: {  	s30 =	simm.s32 $0x1080  }
0x130: {  	[tilespmem:s30], [sflag:$0x1] =	stream.indirect.gather [hbm4b:s4+s14], $0x8, s14, s14, $0xb8;
	[tilespmem:$0xE120] =	vst v63  }
0x131: {  	s28 =	simm.s32 $0x4280;
	s30 =	simm.s32 $0x6C0  }
0x132: {  	[tilespmem:s28], [sflag:$0x1] =	stream.indirect.gather [hbm4b:s4+s14], $0x8, s30, s14, $0xb8;
	[tilespmem:$0xE120] =	vst v63  }
0x133: {  	s30 =	simm.s32 $0x100;
	s28 =	simm.s32 $0x1480  }
0x134: {  	[tilespmem:s28], [sflag:$0x1] =	stream.indirect.gather [hbm4b:s4+s14], $0x8, s30, s14, $0xb8;
	[tilespmem:$0xE120] =	vst v63  }
0x135: {  	s30 =	simm.s32 $0x740;
	s28 =	simm.s32 $0x4680  }
0x136: {  	[tilespmem:s28], [sflag:$0x1] =	stream.indirect.gather [hbm4b:s4+s14], $0x8, s30, s14, $0xb8;
	[tilespmem:$0xE120] =	vst v63  }
0x137: {  	s30 =	simm.s32 $0x180;
	s28 =	simm.s32 $0x1880  }
0x138: {  	[tilespmem:s28], [sflag:$0x1] =	stream.indirect.gather [hbm4b:s4+s14], $0x8, s30, s14, $0xb8;
	[tilespmem:$0xE120] =	vst v63  }
0x139: {  	s30 =	simm.s32 $0x7C0;
	s28 =	simm.s32 $0x4A80  }
0x13a: {  	[tilespmem:s28], [sflag:$0x1] =	stream.indirect.gather [hbm4b:s4+s14], $0x8, s30, s14, $0xb8;
	[tilespmem:$0xE120] =	vst v63  }
0x13b: {  	s30 =	simm.s32 $0x200;
	s28 =	simm.s32 $0x1C80  }
0x13c: {  	[tilespmem:s28], [sflag:$0x1] =	stream.indirect.gather [hbm4b:s4+s14], $0x8, s30, s14, $0xb8;
	[tilespmem:$0xE120] =	vst v63  }
0x13d: {  	s30 =	simm.s32 $0x840;
	s28 =	simm.s32 $0x4E80  }
0x13e: {  	[tilespmem:s28], [sflag:$0x1] =	stream.indirect.gather [hbm4b:s4+s14], $0x8, s30, s14, $0xb8;
	[tilespmem:$0xE120] =	vst v63  }
0x13f: {  	s30 =	simm.s32 $0x280;
	s28 =	simm.s32 $0x2080  }
0x140: {  	[tilespmem:s28], [sflag:$0x1] =	stream.indirect.gather [hbm4b:s4+s14], $0x8, s30, s14, $0xb8;
	[tilespmem:$0xE120] =	vst v63  }
0x141: {  	s30 =	simm.s32 $0x8C0;
	s28 =	simm.s32 $0x5280  }
0x142: {  	[tilespmem:s28], [sflag:$0x1] =	stream.indirect.gather [hbm4b:s4+s14], $0x8, s30, s14, $0xb8;
	[tilespmem:$0xE120] =	vst v63  }
0x143: {  	s30 =	simm.s32 $0x300;
	s28 =	simm.s32 $0x2480  }
0x144: {  	[tilespmem:s28], [sflag:$0x1] =	stream.indirect.gather [hbm4b:s4+s14], $0x8, s30, s14, $0xb8;
	[tilespmem:$0xE120] =	vst v63  }
0x145: {  	s30 =	simm.s32 $0x940;
	s28 =	simm.s32 $0x5680  }
0x146: {  	[tilespmem:s28], [sflag:$0x1] =	stream.indirect.gather [hbm4b:s4+s14], $0x8, s30, s14, $0xb8;
	[tilespmem:$0xE120] =	vst v63  }
0x147: {  	s30 =	simm.s32 $0x380;
	s28 =	simm.s32 $0x2880  }
0x148: {  	[tilespmem:s28], [sflag:$0x1] =	stream.indirect.gather [hbm4b:s4+s14], $0x8, s30, s14, $0xb8;
	[tilespmem:$0xE120] =	vst v63  }
0x149: {  	s30 =	simm.s32 $0x9C0;
	s28 =	simm.s32 $0x5A80  }
0x14a: {  	[tilespmem:s28], [sflag:$0x1] =	stream.indirect.gather [hbm4b:s4+s14], $0x8, s30, s14, $0xb8;
	[tilespmem:$0xE120] =	vst v63  }
0x14b: {  	s30 =	simm.s32 $0x400;
	s28 =	simm.s32 $0x2C80  }
0x14c: {  	[tilespmem:s28], [sflag:$0x1] =	stream.indirect.gather [hbm4b:s4+s14], $0x8, s30, s14, $0xb8;
	[tilespmem:$0xE120] =	vst v63  }
0x14d: {  	s30 =	simm.s32 $0xA40;
	s28 =	simm.s32 $0x5E80  }
0x14e: {  	[tilespmem:s28], [sflag:$0x1] =	stream.indirect.gather [hbm4b:s4+s14], $0x8, s30, s14, $0xb8;
	[tilespmem:$0xE120] =	vst v63  }
0x14f: {  	s30 =	simm.s32 $0x480;
	s28 =	simm.s32 $0x3080  }
0x150: {  	[tilespmem:s28], [sflag:$0x1] =	stream.indirect.gather [hbm4b:s4+s14], $0x8, s30, s14, $0xb8;
	[tilespmem:$0xE120] =	vst v63  }
0x151: {  	s30 =	simm.s32 $0xAC0;
	s28 =	simm.s32 $0x6280  }
0x152: {  	[tilespmem:s28], [sflag:$0x1] =	stream.indirect.gather [hbm4b:s4+s14], $0x8, s30, s14, $0xb8;
	[tilespmem:$0xE120] =	vst v63  }
0x153: {  	s30 =	simm.s32 $0x500;
	s28 =	simm.s32 $0x3480  }
0x154: {  	[tilespmem:s28], [sflag:$0x1] =	stream.indirect.gather [hbm4b:s4+s14], $0x8, s30, s14, $0xb8;
	[tilespmem:$0xE120] =	vst v63  }
0x155: {  	s30 =	simm.s32 $0xB40;
	s28 =	simm.s32 $0x6680  }
0x156: {  	[tilespmem:s28], [sflag:$0x1] =	stream.indirect.gather [hbm4b:s4+s14], $0x8, s30, s14, $0xb8;
	[tilespmem:$0xE120] =	vst v63  }
0x157: {  	s30 =	simm.s32 $0x580;
	s28 =	simm.s32 $0x3880  }
0x158: {  	[tilespmem:s28], [sflag:$0x1] =	stream.indirect.gather [hbm4b:s4+s14], $0x8, s30, s14, $0xb8;
	[tilespmem:$0xE120] =	vst v63  }
0x159: {  	s30 =	simm.s32 $0xBC0;
	s28 =	simm.s32 $0x6A80  }
0x15a: {  	[tilespmem:s28], [sflag:$0x1] =	stream.indirect.gather [hbm4b:s4+s14], $0x8, s30, s14, $0xb8;
	[tilespmem:$0xE120] =	vst v63  }
0x15b: {  	s30 =	simm.s32 $0x600;
	s28 =	simm.s32 $0x3C80  }
0x15c: {  	[tilespmem:s28], [sflag:$0x1] =	stream.indirect.gather [hbm4b:s4+s3], $0x8, s30, s3, $0xb8;
	[tilespmem:$0xE120] =	vst v63  }
0x15d: {  	s30 =	simm.s32 $0xC40;
	s28 =	simm.s32 $0x6E80  }
0x15e: {  	[tilespmem:s28], [sflag:$0x1] =	stream.indirect.gather [hbm4b:s4+s3], $0x8, s30, s3, $0xb8;
	[tilespmem:$0xE120] =	vst v63  }
0x15f: {  	_ =	swait.ge [sflag:s20], $0x400  }
0x160: {  	[sflag:s20] =	ssyncset.done $0x0  }
0x161: {  	[sflag:s20] =	ssyncadd.s32 $0xFFFFFC00  }
0x162: {  	_ =	swait.ge [sflag:s20], $0x400  }
0x163: {  	[sflag:s20] =	ssyncset.done $0x0  }
0x164: {  	[sflag:s20] =	ssyncadd.s32 $0xFFFFFC00  }
0x165: {  	_ =	swait.ge [sflag:s20], $0x400  }
0x166: {  	[sflag:s20] =	ssyncset.done $0x0  }
0x167: {  	[sflag:s20] =	ssyncadd.s32 $0xFFFFFC00  }
0x168: {  	_ =	swait.ge [sflag:s20], $0x400  }
0x169: {  	[sflag:s20] =	ssyncset.done $0x0  }
0x16a: {  	[sflag:s20] =	ssyncadd.s32 $0xFFFFFC00  }
0x16b: {  	_ =	swait.ge [sflag:s20], $0x400  }
0x16c: {  	[sflag:s20] =	ssyncset.done $0x0  }
0x16d: {  	[sflag:s20] =	ssyncadd.s32 $0xFFFFFC00  }
0x16e: {  	_ =	swait.ge [sflag:s20], $0x400  }
0x16f: {  	[sflag:s20] =	ssyncset.done $0x0  }
0x170: {  	[sflag:s20] =	ssyncadd.s32 $0xFFFFFC00  }
0x171: {  	_ =	swait.ge [sflag:s20], $0x400  }
0x172: {  	[sflag:s20] =	ssyncset.done $0x0  }
0x173: {  	[sflag:s20] =	ssyncadd.s32 $0xFFFFFC00  }
0x174: {  	_ =	swait.ge [sflag:s20], $0x400  }
0x175: {  	[sflag:s20] =	ssyncset.done $0x0  }
0x176: {  	[sflag:s20] =	ssyncadd.s32 $0xFFFFFC00  }
0x177: {  	_ =	swait.ge [sflag:s20], $0x400  }
0x178: {  	[sflag:s20] =	ssyncset.done $0x0  }
0x179: {  	[sflag:s20] =	ssyncadd.s32 $0xFFFFFC00  }
0x17a: {  	_ =	swait.ge [sflag:s20], $0x400  }
0x17b: {  	[sflag:s20] =	ssyncset.done $0x0  }
0x17c: {  	[sflag:s20] =	ssyncadd.s32 $0xFFFFFC00  }
0x17d: {  	_ =	swait.ge [sflag:s20], $0x400  }
0x17e: {  	[sflag:s20] =	ssyncset.done $0x0  }
0x17f: {  	[sflag:s20] =	ssyncadd.s32 $0xFFFFFC00  }
0x180: {  	_ =	swait.ge [sflag:s20], $0x400  }
0x181: {  	[sflag:s20] =	ssyncset.done $0x0  }
0x182: {  	[sflag:s20] =	ssyncadd.s32 $0xFFFFFC00  }
0x183: {  	_ =	swait.ge [sflag:s20], $0x400  }
0x184: {  	[sflag:s20] =	ssyncset.done $0x0  }
0x185: {  	[sflag:s20] =	ssyncadd.s32 $0xFFFFFC00  }
0x186: {  	_ =	swait.ge [sflag:s20], $0x400  }
0x187: {  	[sflag:s20] =	ssyncset.done $0x0  }
0x188: {  	[sflag:s20] =	ssyncadd.s32 $0xFFFFFC00  }
0x189: {  	_ =	swait.ge [sflag:s20], $0x400  }
0x18a: {  	[sflag:s20] =	ssyncset.done $0x0  }
0x18b: {  	[sflag:s20] =	ssyncadd.s32 $0xFFFFFC00  }
0x18c: {  	_ =	swait.ge [sflag:s20], $0x400  }
0x18d: {  	[sflag:s20] =	ssyncset.done $0x0  }
0x18e: {  	[sflag:s20] =	ssyncadd.s32 $0xFFFFFC00  }
0x18f: {  	_ =	swait.ge [sflag:s20], $0x400  }
0x190: {  	[sflag:s20] =	ssyncset.done $0x0  }
0x191: {  	[sflag:s20] =	ssyncadd.s32 $0xFFFFFC00  }
0x192: {  	_ =	swait.ge [sflag:s20], $0x400  }
0x193: {  	[sflag:s20] =	ssyncset.done $0x0  }
0x194: {  	[sflag:s20] =	ssyncadd.s32 $0xFFFFFC00  }
0x195: {  	_ =	swait.ge [sflag:s20], $0x400  }
0x196: {  	[sflag:s20] =	ssyncset.done $0x0  }
0x197: {  	[sflag:s20] =	ssyncadd.s32 $0xFFFFFC00  }
0x198: {  	_ =	swait.ge [sflag:s20], $0x400  }
0x199: {  	[sflag:s20] =	ssyncset.done $0x0  }
0x19a: {  	[sflag:s20] =	ssyncadd.s32 $0xFFFFFC00  }
0x19b: {  	_ =	swait.ge [sflag:s20], $0x400  }
0x19c: {  	[sflag:s20] =	ssyncset.done $0x0  }
0x19d: {  	[sflag:s20] =	ssyncadd.s32 $0xFFFFFC00  }
0x19e: {  	_ =	swait.ge [sflag:s20], $0x400  }
0x19f: {  	[sflag:s20] =	ssyncset.done $0x0  }
0x1a0: {  	[sflag:s20] =	ssyncadd.s32 $0xFFFFFC00  }
0x1a1: {  	_ =	swait.ge [sflag:s20], $0x400  }
0x1a2: {  	[sflag:s20] =	ssyncset.done $0x0  }
0x1a3: {  	[sflag:s20] =	ssyncadd.s32 $0xFFFFFC00  }
0x1a4: {  	_ =	swait.ge [sflag:s20], $0x400  }
0x1a5: {  	[sflag:s20] =	ssyncset.done $0x0  }
0x1a6: {  	v33 =	vmov s9;
	[sflag:s20] =	ssyncadd.s32 $0xFFFFFC00  }
0x1a7: {  	v9 =	vadd.f32 v15, v9;
	v4 =	vmul.f32 v4, v7;
	v7 =	vshll.u32 v33, $0x3;
	_ =	swait.ge [sflag:s20], $0x200  }
0x1a8: {  	v15 =	vmul.f32 v25, v30;
	v55 =	vmul.f32 v26, v31;
	v7 =	vor.u32 v0, v7;
	[sflag:s20] =	ssyncset.done $0x0  }
0x1a9: {  	v4 =	vadd.f32 v4, v9;
	[sflag:s20] =	ssyncadd.s32 $0xFFFFFE00  }
0x1aa: {  	v9 =	vadd.f32 v55, v15;
	v15 =	vmul.f32 v23, v51;
	v23 =	vor.u32 $0x1, v7;
	_ =	swait.ge [sflag:s20], $0x200  }
0x1ab: {  	v4 =	vmul.f32 v4, v4;
	[sflag:s20] =	ssyncset.done $0x0  }
0x1ac: {  	v9 =	vadd.f32 v15, v9;
	v15 =	vor.u32 $0x2, v7;
	[sflag:s20] =	ssyncadd.s32 $0xFFFFFE00  }
0x1ad: {  	v5 =	vor.u32 v5, v6;
	v4 =	vmul.f32 v4, v50;
	v56 =	vld.idx.msk [tilespmem:v7+s23+$0x0], $0xffff  }
0x1ae: {  	v2 =	vadd.f32 v8, v2;
	vm0 =	veq.s32 v5, $0x0;
	v9 =	vmul.f32 v9, v9;
	s10 =	simm.s32 $0x10;
	v57 =	vld.idx.msk [tilespmem:v7+s24+$0x0], $0xffff  }
0x1af: {  	v8 =	vsel vm0, $0x0, v1;
	v4 =	vmul.f32 v32, v4;
	v6 =	vmov s10;
	v58 =	vld.idx.msk [tilespmem:v23+s23+$0x0], $0xffff  }
0x1b0: {  	v2 =	vadd.f32 v8, v2;
	v5 =	vmul.f32 v9, v53;
	v6 =	vshll.u32 v6, $0x3;
	v9 =	vld.idx.msk [tilespmem:v23+s24+$0x0], $0xffff  }
0x1b1: {  	v4 =	vsel vm0, $0x0, v4;
	v13 =	vmul.f32 v13, v20;
	v23 =	vor.u32 v0, v6;
	v6 =	vld.idx.msk [tilespmem:v15+s23+$0x0], $0xffff  }
0x1b2: {  	v3 =	vadd.f32 v4, v3;
	v4 =	vmul.f32 v54, v5;
	v14 =	vmul.f32 v14, v22;
	v5 =	vld.idx.msk [tilespmem:v15+s24+$0x0], $0xffff  }
0x1b3: {  	v10 =	vmul.f32 v10, v18;
	v15 =	vor.u32 v19, v21;
	v19 =	vor.u32 $0x3, v7  }
0x1b4: {  	v20 =	vor.u32 $0x4, v7;
	v13 =	vadd.f32 v14, v13;
	v21 =	vor.u32 $0x5, v7  }
0x1b5: {  	vm13 =	veq.s32 v15, $0x0;
	v22 =	vsub.f32 v56, v57;
	v9 =	vsub.f32 v58, v9  }
0x1b6: {  	v10 =	vadd.f32 v10, v13;
	v13 =	vor.u32 $0x2, v23;
	v4 =	vsel vm13, $0x0, v4;
	v14 =	vld.idx.msk [tilespmem:v23+s23+$0x0], $0xffff  }
0x1b7: {  	v59 =	vld.idx.msk [tilespmem:v23+s24+$0x0], $0xffff;
	v5 =	vsub.f32 v6, v5;
	v6 =	vmul.f32 v22, v22;
	v60 =	vmul.f32 v9, v9  }
0x1b8: {  	s30 =	simm.s32 $0x20;
	v18 =	vor.u32 $0x1, v23;
	v4 =	vadd.f32 v4, v3;
	v3 =	vmul.f32 v10, v10;
	v15 =	vld.idx.msk [tilespmem:v19+s23+$0x0], $0xffff  }
0x1b9: {  	v10 =	vmov s30;
	v19 =	vld.idx.msk [tilespmem:v20+s23+$0x0], $0xffff;
	v20 =	vmul.f32 v5, v5;
	v6 =	vadd.f32 v60, v6  }
0x1ba: {  	v12 =	vor.u32 v12, v16;
	v7 =	vor.u32 $0x6, v7;
	v10 =	vshll.u32 v10, $0x3;
	v8 =	vld.idx.msk [tilespmem:v21+s23+$0x0], $0xffff  }
0x1bb: {  	v17 =	vmul.f32 v3, v17;
	v3 =	vor.u32 v0, v10;
	v10 =	vld.idx.msk [tilespmem:v13+s23+$0x0], $0xffff;
	v6 =	vadd.f32 v20, v6  }
0x1bc: {  	vm14 =	veq.s32 v12, $0x0;
	v12 =	vor.u32 $0x4, v23;
	v13 =	vld.idx.msk [tilespmem:v13+s24+$0x0], $0xffff  }
0x1bd: {  	v15 =	vmul.f32 v22, v15;
	v20 =	vld.idx.msk [tilespmem:v18+s23+$0x0], $0xffff;
	v6 =	vmax.f32 v6, $1.000000020e-24  }
0x1be: {  	s30 =	simm.s32 $0x76C0;
	v21 =	vsel vm13, $0x0, v1;
	v9 =	vmul.f32 v9, v19;
	v18 =	vld.idx.msk [tilespmem:v18+s24+$0x0], $0xffff;
	(erf) = vrcp.f32 v6  }
0x1bf: {  	v16 =	vor.u32 $0x3, v23;
	v2 =	vadd.f32 v21, v2;
	v21 =	vld [tilespmem:s30+$0x0];
	v11 =	vmul.f32 v11, v17  }
0x1c0: {  	s30 =	simm.s32 $0x30;
	v17 =	vor.u32 $0x5, v23;
	v22 =	vld.idx.msk [tilespmem:v7+s23+$0x0], $0xffff;
	v5 =	vmul.f32 v5, v8;
	v7 =	vadd.f32 v9, v15  }
0x1c1: {  	v63 =	vld.idx.msk [tilespmem:v12+s23+$0x0], $0xffff;
	v12 =	vmov s30;
	v11 =	vsel vm14, $0x0, v11;
	v24 =	vsub.f32 v14, v59  }
0x1c2: {  	s10 =	simm.s32 $0x7080;
	v4 =	vadd.f32 v11, v4;
	v11 =	vsel vm14, $0x0, v1;
	v5 =	vadd.f32 v5, v7  }
0x1c3: {  	v19 =	vld [tilespmem:s10+$0x0];
	v8 =	vor.u32 $0x1, v3;
	v2 =	vadd.f32 v11, v2;
	v61 =	vsub.f32 v20, v18  }
0x1c4: {  	v62 =	vld.idx.msk [tilespmem:v16+s23+$0x0], $0xffff;
	v11 =	vshll.u32 v12, $0x3;
	v7 =	vsub.f32 v10, v13;
	v5 =	vmul.f32 v5, v5  }
0x1c5: {  	v9 =	vld.idx.msk [tilespmem:v3+s24+$0x0], $0xffff;
	v13 =	vmul.f32 v24, v24;
	v20 =	vor.u32 $0x2, v3;
	v14 =	vmul.f32 v61, v61  }
0x1c6: {  	v6 =	vld.idx.msk [tilespmem:v3+s23+$0x0], $0xffff;
	v5 =	vmul.f32 v5, v22  }
0x1c7: {  	v10 =	vld.idx.msk [tilespmem:v17+s23+$0x0], $0xffff;
	v15 =	vmul.f32 v7, v7;
	v18 =	vor.u32 v0, v11;
	v13 =	vadd.f32 v14, v13;
	v11 =	vpop (erf)  }
0x1c8: {  	v16 =	vld.idx.msk [tilespmem:v8+s24+$0x0], $0xffff;
	v11 =	vmul.f32 v11, v5;
	v5 =	vor.u32 v19, v21  }
0x1c9: {  	v12 =	vor.u32 $0x6, v23;
	v14 =	vld.idx.msk [tilespmem:v8+s23+$0x0], $0xffff;
	v8 =	vadd.f32 v15, v13;
	vm15 =	veq.s32 v5, $0x0  }
0x1ca: {  	v15 =	vld.idx.msk [tilespmem:v20+s23+$0x0], $0xffff;
	v11 =	vsel vm15, $0x0, v11  }
0x1cb: {  	s28 =	simm.s32 $0x7090;
	v20 =	vld.idx.msk [tilespmem:v20+s24+$0x0], $0xffff;
	v19 =	vmul.f32 v24, v62;
	v8 =	vmax.f32 v8, $1.000000020e-24  }
0x1cc: {  	s9 =	simm.s32 $0x76D0;
	v17 =	vor.u32 $0x3, v3;
	v21 =	vmul.f32 v61, v63;
	v5 =	vld [tilespmem:s28+$0x0];
	(erf) = vrcp.f32 v8  }
0x1cd: {  	s10 =	simm.s32 $0x40;
	v22 =	vor.u32 $0x4, v3;
	v8 =	vld [tilespmem:s9+$0x0];
	v13 =	vsel vm15, $0x0, v1;
	v4 =	vadd.f32 v11, v4;
	v11 =	vmovc v18  }
.LBB2_5:
0x1ce: {  	p0 =	sne.s32 s10, $0x630;
	v23 =	vor.u32 $0x5, v3;
	v12 =	vld.idx.msk [tilespmem:v12+s23+$0x0], $0xffff;
	v19 =	vadd.f32 v21, v19;
	v7 =	vmul.f32 v7, v10  }
0x1cf: {  	v21 =	vor.u32 $0x1, v11;
	v24 =	vsub.f32 v6, v9;
	v25 =	vsub.f32 v14, v16;
	v6 =	vld.idx.msk [tilespmem:v18+s23+$0x0], $0xffff  }
0x1d0: {  	v26 =	vor.u32 $0x2, v11;
	v2 =	vadd.f32 v13, v2;
	v9 =	vld.idx.msk [tilespmem:v11+s24+$0x0], $0xffff;
	v10 =	vadd.f32 v7, v19  }
0x1d1: {  	v7 =	vsub.f32 v15, v20;
	v14 =	vmul.f32 v24, v24;
	v15 =	vmul.f32 v25, v25;
	v13 =	vld.idx.msk [tilespmem:v17+s23+$0x0], $0xffff  }
0x1d2: {  	v22 =	vld.idx.msk [tilespmem:v22+s23+$0x0], $0xffff;
	v16 =	vmul.f32 v10, v10  }
0x1d3: {  	v17 =	vmov s10;
	v15 =	vadd.f32 v15, v14;
	v19 =	vmul.f32 v7, v7;
	v10 =	vld.idx.msk [tilespmem:v23+s23+$0x0], $0xffff  }
0x1d4: {  	v17 =	vshll.u32 v17, $0x3;
	v14 =	vld.idx.msk [tilespmem:v21+s23+$0x0], $0xffff;
	v20 =	vmul.f32 v16, v12  }
.Ltmp1:
0x1d5: {  	v18 =	vor.u32 v0, v17;
	v12 =	vor.u32 $0x6, v3;
	v16 =	vld.idx.msk [tilespmem:v21+s24+$0x0], $0xffff;
	v21 =	vadd.f32 v19, v15;
	v3 =	vpop (erf);
	(pc) =	sbr.rel @p0 .LBB2_5-.Ltmp1, $4  }
0x1d6: {  	v5 =	vor.u32 v5, v8;
	v17 =	vor.u32 $0x3, v11;
	v15 =	vld.idx.msk [tilespmem:v26+s23+$0x0], $0xffff;
	v23 =	vmul.f32 v3, v20;
	v3 =	vmovc v11  }
0x1d7: {  	s28 =	sadd.s32 $0x10, s28;
	vm0 =	veq.s32 v5, $0x0;
	v19 =	vmul.f32 v24, v13;
	v11 =	vmovc v18;
	v20 =	vld.idx.msk [tilespmem:v26+s24+$0x0], $0xffff;
	v8 =	vmax.f32 v21, $1.000000020e-24  }
0x1d8: {  	s9 =	sadd.s32 $0x10, s9;
	v21 =	vmul.f32 v25, v22;
	v5 =	vld [tilespmem:s28+$0x0];
	(erf) = vrcp.f32 v8;
	v13 =	vsel vm0, $0x0, v23  }
0x1d9: {  	s10 =	sadd.s32 $0x10, s10;
	v22 =	vor.u32 $0x4, v3;
	v8 =	vld [tilespmem:s9+$0x0];
	v4 =	vadd.f32 v13, v4;
	v13 =	vsel vm0, $0x0, v1  }
0x1da: {  	_ = 	snop  }
0x1db: {  	v23 =	vor.u32 $0x1, v11;
	_ =	sdelay $0x1  }
0x1dc: {  	v24 =	vor.u32 $0x2, v11  }
0x1dd: {  	v18 =	vld.idx.msk [tilespmem:v18+s23+$0x0], $0xffff  }
0x1de: {  	v25 =	vld.idx.msk [tilespmem:v11+s24+$0x0], $0xffff  }
0x1df: {  	v26 =	vld.idx.msk [tilespmem:v23+s23+$0x0], $0xffff  }
0x1e0: {  	v23 =	vld.idx.msk [tilespmem:v23+s24+$0x0], $0xffff  }
0x1e1: {  	v27 =	vld.idx.msk [tilespmem:v24+s23+$0x0], $0xffff  }
0x1e2: {  	v28 =	vor.u32 $0x5, v3;
	v6 =	vsub.f32 v6, v9;
	v34 =	vsub.f32 v14, v16;
	v35 =	vld.idx.msk [tilespmem:v24+s24+$0x0], $0xffff  }
0x1e3: {  	v36 =	vor.u32 $0x3, v11;
	v29 =	vor.u32 $0x4, v11  }
0x1e4: {  	v15 =	vsub.f32 v15, v20;
	v37 =	vmul.f32 v6, v6;
	v38 =	vmul.f32 v34, v34  }
0x1e5: {  	v17 =	vld.idx.msk [tilespmem:v17+s23+$0x0], $0xffff;
	v18 =	vsub.f32 v18, v25;
	v23 =	vsub.f32 v26, v23  }
0x1e6: {  	v22 =	vld.idx.msk [tilespmem:v22+s23+$0x0], $0xffff;
	v40 =	vor.u32 $0x5, v11;
	v20 =	vadd.f32 v38, v37;
	v39 =	vmul.f32 v15, v15  }
0x1e7: {  	v41 =	vld.idx.msk [tilespmem:v28+s23+$0x0], $0xffff;
	v42 =	vmul.f32 v18, v18;
	v14 =	vsub.f32 v27, v35;
	v43 =	vmul.f32 v23, v23  }
0x1e8: {  	v19 =	vadd.f32 v21, v19;
	v16 =	vld.idx.msk [tilespmem:v36+s23+$0x0], $0xffff  }
0x1e9: {  	v45 =	vld.idx.msk [tilespmem:v29+s23+$0x0], $0xffff;
	v44 =	vadd.f32 v39, v20;
	v47 =	vmul.f32 v14, v14;
	v46 =	vadd.f32 v43, v42  }
0x1ea: {  	v7 =	vmul.f32 v7, v10;
	v3 =	vor.u32 $0x6, v3;
	v50 =	vor.u32 $0x6, v11  }
0x1eb: {  	v6 =	vmul.f32 v6, v17;
	v48 =	vld.idx.msk [tilespmem:v40+s23+$0x0], $0xffff;
	v10 =	vmax.f32 v44, $1.000000020e-24;
	v49 =	vadd.f32 v47, v46  }
0x1ec: {  	v12 =	vld.idx.msk [tilespmem:v12+s23+$0x0], $0xffff;
	s10 =	sadd.s32 $0x10, s28;
	v7 =	vadd.f32 v7, v19;
	v9 =	vmul.f32 v34, v22;
	(erf) = vrcp.f32 v10  }
0x1ed: {  	s9 =	sadd.s32 $0x10, s9;
	v55 =	vld [tilespmem:s10+$0x0];
	v51 =	vmul.f32 v15, v41;
	v52 =	vmul.f32 v18, v16;
	v53 =	vmax.f32 v49, $1.000000020e-24  }
0x1ee: {  	v56 =	vld [tilespmem:s9+$0x0];
	v6 =	vadd.f32 v9, v6;
	v54 =	vmul.f32 v23, v45;
	(erf) = vrcp.f32 v53  }
0x1ef: {  	v7 =	vmul.f32 v7, v7;
	v3 =	vld.idx.msk [tilespmem:v3+s23+$0x0], $0xffff  }
0x1f0: {  	v6 =	vadd.f32 v51, v6;
	v10 =	vmul.f32 v14, v48;
	v15 =	vadd.f32 v54, v52  }
0x1f1: {  	s10 =	sadd.s32 $0x10, s10;
	v7 =	vmul.f32 v7, v12;
	v9 =	vld.idx.msk [tilespmem:v50+s23+$0x0], $0xffff  }
0x1f2: {  	s9 =	sadd.s32 $0x10, s9;
	v58 =	vld [tilespmem:s10+$0x0];
	v5 =	vor.u32 v5, v8;
	v57 =	vpop (erf);
	v6 =	vmul.f32 v6, v6;
	v10 =	vadd.f32 v10, v15  }
0x1f3: {  	v59 =	vld [tilespmem:s9+$0x0];
	vm0 =	veq.s32 v5, $0x0;
	v7 =	vmul.f32 v57, v7  }
0x1f4: {  	v61 =	vor.u32 v55, v56;
	v3 =	vmul.f32 v6, v3;
	v5 =	vmul.f32 v10, v10  }
0x1f5: {  	v2 =	vadd.f32 v13, v2;
	s6 =	sadd.s32 $0x1, s6;
	v62 =	vsel vm0, $0x0, v1;
	vm14 =	veq.s32 v61, $0x0;
	v60 =	vpop (erf)  }
0x1f6: {  	p0 =	sne.s32 s6, $0x3E;
	v7 =	vsel vm0, $0x0, v7;
	v3 =	vmul.f32 v60, v3;
	v5 =	vmul.f32 v5, v9  }
.Ltmp2:
0x1f7: {  	v2 =	vadd.f32 v62, v2;
	v8 =	vsel vm14, $0x0, v1;
	v4 =	vadd.f32 v7, v4;
	v63 =	vpop (erf);
	(pc) =	sbr.rel @p0 .LBB2_2-.Ltmp2, $4  }
0x1f8: {  	v6 =	vor.u32 v58, v59;
	v3 =	vsel vm14, $0x0, v3;
	v5 =	vmul.f32 v63, v5  }
0x1f9: {  	v2 =	vadd.f32 v8, v2;
	vm15 =	veq.s32 v6, $0x0;
	v3 =	vadd.f32 v3, v4  }
0x1fa: {  	v4 =	vsel vm15, $0x0, v5;
	v5 =	vsel vm15, $0x0, v1  }
0x1fb: {  	v3 =	vadd.f32 v4, v3;
	v2 =	vadd.f32 v5, v2  }
0x1fc: {  	_ =	swait.ge [sflag:s25], $0x400  }
0x1fd: {  	[sflag:s25] =	ssyncset.done $0x0  }
0x1fe: {  	[sflag:s25] =	ssyncadd.s32 $0xFFFFFC00  }
0x1ff: {  	_ =	swait.ge [sflag:s25], $0x400  }
0x200: {  	[sflag:s25] =	ssyncset.done $0x0  }
0x201: {  	[sflag:s25] =	ssyncadd.s32 $0xFFFFFC00  }
0x202: {  	_ =	swait.ge [sflag:s25], $0x400  }
0x203: {  	[sflag:s25] =	ssyncset.done $0x0  }
0x204: {  	[sflag:s25] =	ssyncadd.s32 $0xFFFFFC00  }
0x205: {  	_ =	swait.ge [sflag:s25], $0x400  }
0x206: {  	[sflag:s25] =	ssyncset.done $0x0  }
0x207: {  	[sflag:s25] =	ssyncadd.s32 $0xFFFFFC00  }
0x208: {  	_ =	swait.ge [sflag:s25], $0x400  }
0x209: {  	[sflag:s25] =	ssyncset.done $0x0  }
0x20a: {  	[sflag:s25] =	ssyncadd.s32 $0xFFFFFC00  }
0x20b: {  	_ =	swait.ge [sflag:s25], $0x400  }
0x20c: {  	[sflag:s25] =	ssyncset.done $0x0  }
0x20d: {  	[sflag:s25] =	ssyncadd.s32 $0xFFFFFC00  }
0x20e: {  	_ =	swait.ge [sflag:s25], $0x400  }
0x20f: {  	[sflag:s25] =	ssyncset.done $0x0  }
0x210: {  	[sflag:s25] =	ssyncadd.s32 $0xFFFFFC00  }
0x211: {  	_ =	swait.ge [sflag:s25], $0x400  }
0x212: {  	[sflag:s25] =	ssyncset.done $0x0  }
0x213: {  	[sflag:s25] =	ssyncadd.s32 $0xFFFFFC00  }
0x214: {  	_ =	swait.ge [sflag:s25], $0x400  }
0x215: {  	[sflag:s25] =	ssyncset.done $0x0  }
0x216: {  	[sflag:s25] =	ssyncadd.s32 $0xFFFFFC00  }
0x217: {  	_ =	swait.ge [sflag:s25], $0x400  }
0x218: {  	[sflag:s25] =	ssyncset.done $0x0  }
0x219: {  	[sflag:s25] =	ssyncadd.s32 $0xFFFFFC00  }
0x21a: {  	_ =	swait.ge [sflag:s25], $0x400  }
0x21b: {  	[sflag:s25] =	ssyncset.done $0x0  }
0x21c: {  	[sflag:s25] =	ssyncadd.s32 $0xFFFFFC00  }
0x21d: {  	_ =	swait.ge [sflag:s25], $0x400  }
0x21e: {  	[sflag:s25] =	ssyncset.done $0x0  }
0x21f: {  	[sflag:s25] =	ssyncadd.s32 $0xFFFFFC00  }
0x220: {  	_ =	swait.ge [sflag:s25], $0x400  }
0x221: {  	[sflag:s25] =	ssyncset.done $0x0  }
0x222: {  	[sflag:s25] =	ssyncadd.s32 $0xFFFFFC00  }
0x223: {  	_ =	swait.ge [sflag:s25], $0x400  }
0x224: {  	[sflag:s25] =	ssyncset.done $0x0  }
0x225: {  	[sflag:s25] =	ssyncadd.s32 $0xFFFFFC00  }
0x226: {  	_ =	swait.ge [sflag:s25], $0x400  }
0x227: {  	[sflag:s25] =	ssyncset.done $0x0  }
0x228: {  	[sflag:s25] =	ssyncadd.s32 $0xFFFFFC00  }
0x229: {  	_ =	swait.ge [sflag:s25], $0x400  }
0x22a: {  	[sflag:s25] =	ssyncset.done $0x0  }
0x22b: {  	[sflag:s25] =	ssyncadd.s32 $0xFFFFFC00  }
0x22c: {  	_ =	swait.ge [sflag:s25], $0x400  }
0x22d: {  	[sflag:s25] =	ssyncset.done $0x0  }
0x22e: {  	[sflag:s25] =	ssyncadd.s32 $0xFFFFFC00  }
0x22f: {  	_ =	swait.ge [sflag:s25], $0x400  }
0x230: {  	[sflag:s25] =	ssyncset.done $0x0  }
0x231: {  	[sflag:s25] =	ssyncadd.s32 $0xFFFFFC00  }
0x232: {  	_ =	swait.ge [sflag:s25], $0x400  }
0x233: {  	[sflag:s25] =	ssyncset.done $0x0  }
0x234: {  	[sflag:s25] =	ssyncadd.s32 $0xFFFFFC00  }
0x235: {  	_ =	swait.ge [sflag:s25], $0x400  }
0x236: {  	[sflag:s25] =	ssyncset.done $0x0  }
0x237: {  	[sflag:s25] =	ssyncadd.s32 $0xFFFFFC00  }
0x238: {  	_ =	swait.ge [sflag:s25], $0x400  }
0x239: {  	[sflag:s25] =	ssyncset.done $0x0  }
0x23a: {  	[sflag:s25] =	ssyncadd.s32 $0xFFFFFC00  }
0x23b: {  	_ =	swait.ge [sflag:s25], $0x400  }
0x23c: {  	[sflag:s25] =	ssyncset.done $0x0  }
0x23d: {  	[sflag:s25] =	ssyncadd.s32 $0xFFFFFC00  }
0x23e: {  	_ =	swait.ge [sflag:s25], $0x400  }
0x23f: {  	[sflag:s25] =	ssyncset.done $0x0  }
0x240: {  	[sflag:s25] =	ssyncadd.s32 $0xFFFFFC00  }
0x241: {  	_ =	swait.ge [sflag:s25], $0x400  }
0x242: {  	s9 =	simm.s32 $0x0;
	[sflag:s25] =	ssyncset.done $0x0  }
0x243: {  	v4 =	vmov s9;
	[sflag:s25] =	ssyncadd.s32 $0xFFFFFC00  }
0x244: {  	v4 =	vshll.u32 v4, $0x3;
	_ =	swait.ge [sflag:s25], $0x200  }
0x245: {  	v4 =	vor.u32 v0, v4;
	[sflag:s25] =	ssyncset.done $0x0  }
0x246: {  	[sflag:s25] =	ssyncadd.s32 $0xFFFFFE00  }
0x247: {  	v5 =	vor.u32 $0x1, v4;
	_ =	swait.ge [sflag:s25], $0x200  }
0x248: {  	[sflag:s25] =	ssyncset.done $0x0  }
0x249: {  	v6 =	vor.u32 $0x2, v4;
	[sflag:s25] =	ssyncadd.s32 $0xFFFFFE00  }
0x24a: {  	v7 =	vld.idx.msk [tilespmem:v4+s15+$0x0], $0xffff  }
0x24b: {  	s6 =	simm.s32 $0x10;
	v8 =	vld.idx.msk [tilespmem:v4+s16+$0x0], $0xffff  }
0x24c: {  	v9 =	vmov s6;
	v10 =	vld.idx.msk [tilespmem:v5+s15+$0x0], $0xffff  }
0x24d: {  	v9 =	vshll.u32 v9, $0x3;
	v5 =	vld.idx.msk [tilespmem:v5+s16+$0x0], $0xffff  }
0x24e: {  	v12 =	vor.u32 v0, v9;
	v9 =	vld.idx.msk [tilespmem:v6+s15+$0x0], $0xffff  }
0x24f: {  	v11 =	vor.u32 $0x3, v4;
	v6 =	vld.idx.msk [tilespmem:v6+s16+$0x0], $0xffff  }
0x250: {  	v13 =	vor.u32 $0x4, v4  }
0x251: {  	v14 =	vor.u32 $0x5, v4  }
0x252: {  	v16 =	vor.u32 $0x1, v12;
	v7 =	vsub.f32 v7, v8;
	v5 =	vsub.f32 v10, v5  }
0x253: {  	v15 =	vld.idx.msk [tilespmem:v12+s15+$0x0], $0xffff;
	v8 =	vor.u32 $0x2, v12  }
0x254: {  	v11 =	vld.idx.msk [tilespmem:v11+s15+$0x0], $0xffff;
	v6 =	vsub.f32 v9, v6;
	v9 =	vmul.f32 v7, v7;
	v17 =	vmul.f32 v5, v5  }
0x255: {  	v13 =	vld.idx.msk [tilespmem:v13+s15+$0x0], $0xffff  }
0x256: {  	s10 =	simm.s32 $0x20;
	v14 =	vld.idx.msk [tilespmem:v14+s15+$0x0], $0xffff;
	v9 =	vadd.f32 v17, v9;
	v17 =	vmul.f32 v6, v6  }
0x257: {  	v18 =	vmov s10;
	v19 =	vld.idx.msk [tilespmem:v16+s15+$0x0], $0xffff  }
0x258: {  	v18 =	vshll.u32 v18, $0x3;
	v20 =	vor.u32 $0x6, v4;
	v16 =	vld.idx.msk [tilespmem:v16+s16+$0x0], $0xffff;
	v9 =	vadd.f32 v17, v9  }
0x259: {  	v21 =	vor.u32 $0x4, v12;
	v4 =	vor.u32 v0, v18;
	v18 =	vld.idx.msk [tilespmem:v8+s16+$0x0], $0xffff  }
0x25a: {  	v7 =	vmul.f32 v7, v11;
	v17 =	vld.idx.msk [tilespmem:v8+s15+$0x0], $0xffff;
	v8 =	vmax.f32 v9, $1.000000020e-24  }
0x25b: {  	s28 =	simm.s32 $0x640;
	v10 =	vld.idx.msk [tilespmem:v12+s16+$0x0], $0xffff;
	v11 =	vor.u32 $0x3, v12;
	v5 =	vmul.f32 v5, v13;
	(erf) = vrcp.f32 v8  }
0x25c: {  	v23 =	vor.u32 $0x5, v12;
	v22 =	vld [tilespmem:s28+$0x0]  }
0x25d: {  	v20 =	vld.idx.msk [tilespmem:v20+s15+$0x0], $0xffff;
	v5 =	vadd.f32 v5, v7;
	v6 =	vmul.f32 v6, v14  }
0x25e: {  	v21 =	vld.idx.msk [tilespmem:v21+s15+$0x0], $0xffff  }
0x25f: {  	v24 =	vor.u32 $0x1, v4;
	v13 =	vld [tilespmem:s9+$0x0];
	v5 =	vadd.f32 v6, v5  }
0x260: {  	v25 =	vsub.f32 v19, v16;
	v10 =	vsub.f32 v15, v10;
	v6 =	vld.idx.msk [tilespmem:v11+s15+$0x0], $0xffff  }
0x261: {  	v19 =	vor.u32 $0x2, v4;
	v11 =	vld.idx.msk [tilespmem:v23+s15+$0x0], $0xffff;
	v5 =	vmul.f32 v5, v5  }
0x262: {  	s30 =	simm.s32 $0x30;
	v15 =	vmul.f32 v25, v25;
	v14 =	vmul.f32 v10, v10;
	v9 =	vld.idx.msk [tilespmem:v4+s16+$0x0], $0xffff;
	v7 =	vsub.f32 v17, v18  }
0x263: {  	v16 =	vmov s30;
	v8 =	vld.idx.msk [tilespmem:v4+s15+$0x0], $0xffff;
	v5 =	vmul.f32 v5, v20  }
0x264: {  	v16 =	vshll.u32 v16, $0x3;
	v15 =	vadd.f32 v15, v14;
	v14 =	vld.idx.msk [tilespmem:v24+s15+$0x0], $0xffff;
	v23 =	vmul.f32 v7, v7;
	v20 =	vpop (erf)  }
0x265: {  	v12 =	vor.u32 $0x6, v12;
	v17 =	vld.idx.msk [tilespmem:v24+s16+$0x0], $0xffff;
	v63 =	vmul.f32 v20, v5;
	v5 =	vor.u32 v13, v22  }
0x266: {  	v18 =	vor.u32 v0, v16;
	v16 =	vld.idx.msk [tilespmem:v19+s15+$0x0], $0xffff;
	v23 =	vadd.f32 v23, v15;
	vm0 =	veq.s32 v5, $0x0  }
0x267: {  	v20 =	vld.idx.msk [tilespmem:v19+s16+$0x0], $0xffff;
	v19 =	vmul.f32 v10, v6;
	v10 =	vsel vm0, $0x0, v63  }
0x268: {  	v6 =	vmax.f32 v23, $1.000000020e-24  }
0x269: {  	v21 =	vmul.f32 v25, v21;
	s9 =	simm.s32 $0x650;
	v15 =	vor.u32 $0x3, v4;
	v5 =	vld [tilespmem:s6+$0x0];
	(erf) = vrcp.f32 v6  }
0x26a: {  	s10 =	simm.s32 $0x40;
	v22 =	vor.u32 $0x4, v4;
	v6 =	vld [tilespmem:s9+$0x0];
	v13 =	vsel vm0, $0x0, v1;
	v3 =	vadd.f32 v10, v3;
	v10 =	vmovc v18  }
.LBB2_8:
0x26b: {  	p0 =	sne.s32 s10, $0x630;
	v23 =	vor.u32 $0x5, v4;
	v12 =	vld.idx.msk [tilespmem:v12+s15+$0x0], $0xffff;
	v19 =	vadd.f32 v21, v19;
	v7 =	vmul.f32 v7, v11  }
0x26c: {  	v21 =	vor.u32 $0x1, v10;
	v24 =	vsub.f32 v8, v9;
	v25 =	vsub.f32 v14, v17;
	v8 =	vld.idx.msk [tilespmem:v18+s15+$0x0], $0xffff  }
0x26d: {  	v26 =	vor.u32 $0x2, v10;
	v2 =	vadd.f32 v13, v2;
	v9 =	vld.idx.msk [tilespmem:v10+s16+$0x0], $0xffff;
	v11 =	vadd.f32 v7, v19  }
0x26e: {  	v7 =	vsub.f32 v16, v20;
	v14 =	vmul.f32 v24, v24;
	v13 =	vld.idx.msk [tilespmem:v15+s15+$0x0], $0xffff;
	v15 =	vmul.f32 v25, v25  }
0x26f: {  	v22 =	vld.idx.msk [tilespmem:v22+s15+$0x0], $0xffff;
	v16 =	vmul.f32 v11, v11  }
0x270: {  	v17 =	vmov s10;
	v19 =	vmul.f32 v7, v7;
	v11 =	vld.idx.msk [tilespmem:v23+s15+$0x0], $0xffff;
	v15 =	vadd.f32 v15, v14  }
0x271: {  	v17 =	vshll.u32 v17, $0x3;
	v14 =	vld.idx.msk [tilespmem:v21+s15+$0x0], $0xffff;
	v20 =	vmul.f32 v16, v12  }
.Ltmp3:
0x272: {  	v18 =	vor.u32 v0, v17;
	v12 =	vor.u32 $0x6, v4;
	v17 =	vld.idx.msk [tilespmem:v21+s16+$0x0], $0xffff;
	v21 =	vadd.f32 v19, v15;
	v4 =	vpop (erf);
	(pc) =	sbr.rel @p0 .LBB2_8-.Ltmp3, $4  }
0x273: {  	v5 =	vor.u32 v5, v6;
	v15 =	vor.u32 $0x3, v10;
	v16 =	vld.idx.msk [tilespmem:v26+s15+$0x0], $0xffff;
	v23 =	vmul.f32 v4, v20;
	v4 =	vmovc v10  }
0x274: {  	s6 =	sadd.s32 $0x10, s6;
	vm0 =	veq.s32 v5, $0x0;
	v19 =	vmul.f32 v24, v13;
	v10 =	vmovc v18;
	v20 =	vld.idx.msk [tilespmem:v26+s16+$0x0], $0xffff;
	v6 =	vmax.f32 v21, $1.000000020e-24  }
0x275: {  	s9 =	sadd.s32 $0x10, s9;
	v21 =	vmul.f32 v25, v22;
	v5 =	vld [tilespmem:s6+$0x0];
	(erf) = vrcp.f32 v6;
	v13 =	vsel vm0, $0x0, v23  }
0x276: {  	s10 =	sadd.s32 $0x10, s10;
	v22 =	vor.u32 $0x4, v4;
	v6 =	vld [tilespmem:s9+$0x0];
	v3 =	vadd.f32 v13, v3;
	v13 =	vsel vm0, $0x0, v1  }
0x277: {  	_ = 	snop  }
0x278: {  	v23 =	vor.u32 $0x1, v10;
	_ =	sdelay $0x1  }
0x279: {  	v24 =	vor.u32 $0x2, v10  }
0x27a: {  	v18 =	vld.idx.msk [tilespmem:v18+s15+$0x0], $0xffff  }
0x27b: {  	v25 =	vld.idx.msk [tilespmem:v10+s16+$0x0], $0xffff  }
0x27c: {  	v26 =	vld.idx.msk [tilespmem:v23+s15+$0x0], $0xffff  }
0x27d: {  	v23 =	vld.idx.msk [tilespmem:v23+s16+$0x0], $0xffff  }
0x27e: {  	v27 =	vld.idx.msk [tilespmem:v24+s15+$0x0], $0xffff  }
0x27f: {  	v28 =	vor.u32 $0x5, v4;
	v8 =	vsub.f32 v8, v9;
	v62 =	vsub.f32 v14, v17;
	v63 =	vld.idx.msk [tilespmem:v24+s16+$0x0], $0xffff  }
0x280: {  	v32 =	vor.u32 $0x3, v10;
	v29 =	vor.u32 $0x4, v10  }
0x281: {  	v16 =	vsub.f32 v16, v20;
	v33 =	vmul.f32 v8, v8;
	v34 =	vmul.f32 v62, v62  }
0x282: {  	v15 =	vld.idx.msk [tilespmem:v15+s15+$0x0], $0xffff;
	v18 =	vsub.f32 v18, v25;
	v23 =	vsub.f32 v26, v23  }
0x283: {  	v22 =	vld.idx.msk [tilespmem:v22+s15+$0x0], $0xffff;
	v36 =	vor.u32 $0x5, v10;
	v20 =	vadd.f32 v34, v33;
	v35 =	vmul.f32 v16, v16  }
0x284: {  	v37 =	vld.idx.msk [tilespmem:v28+s15+$0x0], $0xffff;
	v38 =	vmul.f32 v18, v18;
	v14 =	vsub.f32 v27, v63;
	v39 =	vmul.f32 v23, v23  }
0x285: {  	v19 =	vadd.f32 v21, v19;
	v40 =	vld.idx.msk [tilespmem:v32+s15+$0x0], $0xffff  }
0x286: {  	v42 =	vld.idx.msk [tilespmem:v29+s15+$0x0], $0xffff;
	v41 =	vadd.f32 v35, v20;
	v44 =	vmul.f32 v14, v14;
	v43 =	vadd.f32 v39, v38  }
0x287: {  	v7 =	vmul.f32 v7, v11;
	v45 =	vor.u32 $0x6, v4;
	v12 =	vld.idx.msk [tilespmem:v12+s15+$0x0], $0xffff;
	v48 =	vor.u32 $0x6, v10  }
0x288: {  	s6 =	sadd.s32 $0x10, s6;
	v8 =	vmul.f32 v8, v15;
	v47 =	vld.idx.msk [tilespmem:v36+s15+$0x0], $0xffff;
	v17 =	vmax.f32 v41, $1.000000020e-24;
	v46 =	vadd.f32 v44, v43  }
0x289: {  	s9 =	sadd.s32 $0x10, s9;
	v49 =	vld [tilespmem:s6+$0x0];
	v7 =	vadd.f32 v7, v19;
	v9 =	vmul.f32 v62, v22;
	(erf) = vrcp.f32 v17  }
0x28a: {  	v51 =	vld [tilespmem:s9+$0x0];
	s6 =	sadd.s32 $0x10, s6;
	v16 =	vmul.f32 v16, v37;
	v11 =	vmul.f32 v18, v40;
	v15 =	vmax.f32 v46, $1.000000020e-24  }
0x28b: {  	v54 =	vld [tilespmem:s6+$0x0];
	v8 =	vadd.f32 v9, v8;
	v50 =	vmul.f32 v23, v42;
	(erf) = vrcp.f32 v15  }
0x28c: {  	s28 =	sadd.s32 $0x10, s9;
	v7 =	vmul.f32 v7, v7;
	v4 =	vld.idx.msk [tilespmem:v45+s15+$0x0], $0xffff  }
0x28d: {  	v55 =	vld [tilespmem:s28+$0x0];
	v8 =	vadd.f32 v16, v8;
	v52 =	vmul.f32 v14, v47;
	v9 =	vadd.f32 v50, v11  }
0x28e: {  	v5 =	vor.u32 v5, v6;
	v10 =	vld.idx.msk [tilespmem:v48+s15+$0x0], $0xffff;
	v7 =	vmul.f32 v7, v12  }
0x28f: {  	vm0 =	veq.s32 v5, $0x0;
	v53 =	vpop (erf);
	v8 =	vmul.f32 v8, v8;
	v9 =	vadd.f32 v52, v9  }
0x290: {  	v2 =	vadd.f32 v13, v2;
	v58 =	vsel vm0, $0x0, v1;
	v7 =	vmul.f32 v53, v7  }
0x291: {  	v59 =	vor.u32 v49, v51;
	v4 =	vmul.f32 v8, v4;
	v56 =	vmul.f32 v9, v9  }
0x292: {  	v2 =	vadd.f32 v58, v2;
	vm14 =	veq.s32 v59, $0x0;
	v6 =	vor.u32 v54, v55;
	v57 =	vpop (erf)  }
0x293: {  	v7 =	vsel vm0, $0x0, v7;
	v4 =	vmul.f32 v57, v4;
	v5 =	vmul.f32 v56, v10  }
0x294: {  	v61 =	vsel vm14, $0x0, v1;
	vm15 =	veq.s32 v6, $0x0;
	v3 =	vadd.f32 v7, v3;
	v60 =	vpop (erf)  }
0x295: {  	v2 =	vadd.f32 v61, v2;
	v4 =	vsel vm14, $0x0, v4;
	v5 =	vmul.f32 v60, v5  }
0x296: {  	v63 =	vsel vm15, $0x0, v1;
	v3 =	vadd.f32 v4, v3  }
0x297: {  	v2 =	vadd.f32 v63, v2;
	v62 =	vsel vm15, $0x0, v5  }
0x298: {  	v3 =	vadd.f32 v62, v3  }
0x299: {  	[tilespmem:$0xE110] =	vst v2  }
0x29a: {  	s30 =	rddreg [dreg:$0x4];
	s10 =	simm.s32 $0xE100;
	s9 =	simm.s32 $0x0;
	[tilespmem:$0xE100] =	vst v3  }
0x29b: {  	[hbm4b:s30+s9] =	stream.linear.scatter [tilespmem:s10], [sflag:$0x3], $0x10, $0x38;
	[tilespmem:$0xE120] =	vst v63  }
0x29c: {  	_ =	swait.ge [sflag:s12], $0x10  }
0x29d: {  	[sflag:s12] =	ssyncset.done $0x0  }
0x29e: {  	s30 =	simm.s32 $0xE110;
	s28 =	rddreg [dreg:$0x5];
	[sflag:s12] =	ssyncadd.s32 $0xFFFFFFF0  }
0x29f: {  	[hbm4b:s28+s9] =	stream.linear.scatter [tilespmem:s30], [sflag:$0x3], $0x10, $0x38;
	[tilespmem:$0xE120] =	vst v63  }
0x2a0: {  	_ =	swait.ge [sflag:s12], $0x10  }
0x2a1: {  	s28 =	rddreg [dreg:$0x7]  }
0x2a2: {  	s30 =	rddreg [dreg:$0x6];
	s10 =	sadd.s32 $0x1, s28  }
0x2a3: {  	p0 =	sne.s32 s10, s30  }
.Ltmp4:
0x2a4: {  	_ = 	snop;
	(pc) =	sbr.rel @p0 .LBB2_1-.Ltmp4, $3  }
0x2a5: {  	_ =	sdelay $0x1  }
0x2a6: {  	[sflag:s12] =	ssyncset.done $0x0  }
0x2a7: {  	[sflag:s12] =	ssyncadd.s32 $0xFFFFFFF0  }
0x2a8: {  	_ =	sfence.sel $0x180000  }
0x2a9: {  	[bflag:$0x0] =	sbarrier.arrive $0xFFFF  }
0x2aa: {  	_ =	strace $0x9000004D  }
0x2ab: {  	s0 =	stileid.u32;
	[bflag:$0x2] =	sbarrier.arrive $0xFFFF  }
0x2ac: {  	p0 =	sne.s32 s0, $0x0;
	s0 =	rddreg [dreg:$0x1]  }
0x2ad: {  	s0 =	sadd.s32 @!p0 $0x100000, s0  }
0x2ae: {  	[sflag:s0] =	ssyncadd.tile.s32 @!p0 $0x1;
	_ =	shalt  }
.Lfunc_end2:
_tile_overlayer_lowered:
.L_overlay_start_2:
0x2af: {  	(tag) =	ssettag $0x2  }
0x2b0: {  	s0 =	rddreg [dreg:$0x0];
	s2 =	stileid.u32  }
0x2b1: {  	s1 =	rddreg [dreg:$0x1];
	p0 =	sne.s32 s2, $0x0  }
0x2b2: {  	s3 =	rddreg [dreg:$0x2];
	[bflag:$0x3] =	sbarrier.arrive $0xFFFF;
	s2 =	simm.s32 @!p0 $0x1C03  }
0x2b3: {  	[timem:s3], [sflag:s2] =	dma.local @!p0 [hbm:s0], s1  }
0x2b4: {  	s0 =	simm.s32 @!p0 $0x3  }
0x2b5: {  	_ =	swait.ge @!p0 [sflag:s0], s1  }
0x2b6: {  	s1 =	ssub.s32 @!p0 $0x0, s1;
	[sflag:s0] =	ssyncset.done @!p0 $0x0  }
0x2b7: {  	[sflag:s0] =	ssyncadd.s32 @!p0 s1  }
0x2b8: {  	[bflag:$0x3] =	sbarrier.arrive $0xFFFF  }
0x2b9: {  	_ =	shalt  }

// kernel: sparse-core-data-format-call.cloned.1.call-start
scs
called_computation_lowered:
.L_overlay_start_0:
0x0: {  	s2 =	sld [smem:$0x3FD9]  }
0x1: {  	s3 =	sld [smem:$0x3FFE];
	_ =	sdelay $0x1  }
0x2: {  	s1 =	srdreg.scid  }
0x3: {  	s0 =	sand.u32 $0x1, s1  }
0x4: {  	s18 =	sshll.u32 s0, $0xA;
	s2 =	sadd.s32 s3, s2  }
0x5: {  	s2 =	sadd.s32 s2, s18  }
0x6: {  	[smem:$0x3FC4] =	sst s2  }
0x7: {  	_ = 	snop  }
0x8: {  	s2 =	sld [smem:$0x3FC6];
	(tm) =	ssettm $0x1  }
0x9: {  	s19 =	sld [smem:$0x3FFB];
	_ =	sdelay $0x3  }
0xa: {  	_ =	strace s19  }
0xb: {  	s3 =	sld [smem:$0x3FFC];
	_ =	sdelay $0x3  }
0xc: {  	_ =	strace s3  }
0xd: {  	s3 =	sld [smem:$0x3FFD];
	_ =	sdelay $0x3  }
0xe: {  	_ =	strace s3  }
0xf: {  	_ =	strace $0x8FFFFFFF  }
0x10: {  	s20 =	sld [smem:$0x3FDB];
	_ =	sdelay $0x1  }
0x11: {  	s4 =	simm.s32 $_scs_section_size  }
0x12: {  	s5 =	simm.s32 $_size__tile_overlayer_lowered;
	s6 =	simm.s32 $_tile_overlayer_lowered  }
0x13: {  	s23 =	simm.s32 $0x1BFF;
	s22 =	sshll.u32 s6, $0x1;
	s3 =	sadd.s32 s4, s20  }
0x14: {  	s7 =	simm.s32 $0x0;
	s21 =	sshll.u32 s5, $0x1;
	s5 =	sadd.s32 s22, s3  }
0x15: {  	[timem:s7], [sflag:s23] =	dma.local [hbm:s5], s21  }
0x16: {  	_ =	swait.ge [sflag:s23], s21  }
0x17: {  	s4 =	ssub.s32 $0x0, s21;
	[sflag:s23] =	ssyncset.done $0x0  }
0x18: {  	[sflag:s23] =	ssyncadd.s32 s4;
	_ =	sdelay $0x1  }
0x19: {  	s24 =	simm.s32 $0x1B8B  }
0x1a: {  	_ =	swait.ge [sflag:s24], $0x1  }
0x1b: {  	[sflag:s24] =	ssyncset.done $0x0  }
0x1c: {  	s26 =	simm.s32 $0x1B8E;
	s25 =	sld [smem:$0x3FFE];
	[sflag:s24] =	ssyncadd.s32 $0xFFFFFFFF  }
0x1d: {  	s27 =	simm.s32 $execute0_lowered;
	[smem:$0x3FD2] =	sst s26  }
0x1e: {  	s5 =	sshll.u32 s27, $0x1;
	_ =	strace $0x80000046;
	[dreg:$0x1] =	wrdreg $0xFFFFFFFF  }
0x1f: {  	s28 =	simm.s32 $_size_execute0_lowered;
	s3 =	sadd.s32 s3, s5;
	[dreg:$0x0] =	wrdreg $0x0  }
0x20: {  	s5 =	sshll.u32 s28, $0x1;
	[dreg:$0x2] =	wrdreg s3  }
0x21: {  	[dreg:$0x3] =	wrdreg s5  }
0x22: {  	[dreg:$0x4] =	wrdreg $0xC0  }
0x23: {  	_ =	task [dreg:s7], $0x5FFFF  }
0x24: {  	[dreg:$0x1] =	wrdreg $0xFFFFFFFF  }
0x25: {  	[dreg:$0x0] =	wrdreg $0x60  }
0x26: {  	[dreg:$0x2] =	wrdreg s2  }
0x27: {  	[dreg:$0x3] =	wrdreg s25  }
0x28: {  	[dreg:$0x4] =	wrdreg $0x9  }
0x29: {  	_ =	task.clear_ibuf [dreg:s7], $0x5FFFF;
	_ =	strace $0x90000046  }
0x2a: {  	s29 =	simm.s32 $0x9;
	_ =	strace $0x80000048  }
0x2b: {  	_ =	swait.ge [sflag:s29], $0x1  }
0x2c: {  	[sflag:s29] =	ssyncadd.s32 $0xFFFFFFFF  }
0x2d: {  	_ =	strace $0x90000048  }
0x2e: {  	_ =	sfence  }
0x2f: {  	s30 =	sld [smem:$0x0];
	_ =	sdelay $0x2  }
0x30: {  	s31 =	sshll.u32 s1, $0xD;
	s1 =	sshrl.u32 s1, $0x2  }
0x31: {  	s3 =	sand.u32 $0x4000, s31;
	s1 =	sadd.s32 s1, s30  }
0x32: {  	s0 =	sor.u32 s3, s0;
	s1 =	sshll.u32 s1, $0x11  }
0x33: {  	s0 =	sor.u32 s1, s0  }
0x34: {  	s0 =	sadd.s32 $0x8F2B, s0  }
0x35: {  	[sflag:s0] =	ssyncadd.remote.s32 $0x1  }
0x36: {  	_ =	sfence.sel $0xFFFF  }
0x37: {  	[dreg:$0x0] =	wrdreg $0xFFFFFFFF;
	(pc) =	sbr.abs _section_cstart, $3  }
0x38: {  	[dreg:$0x1] =	wrdreg $0xFFFFFFFF  }
0x39: {  	_ =	task.clear_ibuf [dreg:s7], $0x2FFFF;
	_ =	strace $0x9FFFFFFF  }
0x3a: {  	(tm) =	ssettm $0x7FFFFFFF  }
0x3b: {  	_ =	shalt  }
tec
execute0_lowered:
.L_overlay_start_1:
0x0: {  	(tag) =	ssettag $0x1  }
0x1: {  	s0 =	stileid.u32  }
0x2: {  	s1 =	srdreg.scid;
	s7 =	rddreg [dreg:$0x0]  }
0x3: {  	s4 =	rddreg [dreg:$0x1];
	s31 =	simm.s32 $0x2;
	s10 =	simm.s32 $0x0  }
0x4: {  	s14 =	simm.s32 $0x0;
	s15 =	simm.s32 $0x0;
	s11 =	simm.s32 $0x0  }
0x5: {  	s13 =	simm.s32 $0x0;
	s2 =	sand.u32 $0x1, s1;
	s3 =	sshll.u32 s0, $0x7  }
0x6: {  	s1 =	rddreg [dreg:$0x2];
	s30 =	ssub.s32 $0xC300, s3;
	s5 =	ssub.s32 $0x2, s2  }
.Ltmp0:
0x7: {  	s6 =	sshrl.u32 s30, $0xB;
	s8 =	sshrl.u32 s5, $0x1;
	(pc) =	sbr.rel .LBB1_1-.Ltmp0, $4  }
0x8: {  	_ =	strace $0x80000047;
	s6 =	sadd.s32 $0x1, s6;
	s8 =	ssub.s32 s5, s8  }
0x9: {  	s9 =	sshll.u32 s2, $0x4;
	s5 =	simm.s32 $0x1;
	s6 =	smul.u32 s6, s8  }
0xa: {  	s12 =	smov.u32 s3;
	s7 =	sadd.s32 s7, s9;
	[sflag:s5] =	ssyncpa.u1 $0x0  }
0xb: {  	s9 =	simm.s32 $0x0;
	[sflag:s31] =	ssyncpa.u1 $0x0;
	s8 =	sadd.s32 $0x1, s6  }
.LBB1_4:
0xc: {  	s21 =	simm.s32 $0x0  }
.LBB1_8:
0xd: {  	_ =	sdelay $0x3  }
0xe: {  	v6 =	vld [tilespmem:s18+$0xFFFFFFC0];
	[tilespmem:v0+s20+$0x30 ss:$0x1] =	vst.idx.msk @p0 $0xffff, v2  }
0xf: {  	v58 =	vld [tilespmem:s18+$0xFFFFFFD0];
	[tilespmem:v0+s20+$0x40 ss:$0x1] =	vst.idx.msk @p0 $0xffff, v3;
	s21 =	sadd.s32 @p0 $0x80, s21  }
0x10: {  	v59 =	vld [tilespmem:s18+$0xFFFFFFE0];
	[tilespmem:v0+s20+$0x50 ss:$0x1] =	vst.idx.msk @p0 $0xffff, v5;
	s19 =	smov.u32 @p0 s21  }
0x11: {  	v60 =	vld [tilespmem:s18+$0xFFFFFFF0];
	[tilespmem:v0+s20+$0x60 ss:$0x1] =	vst.idx.msk @p0 $0xffff, v4;
	s19 =	sand.u32 $0x3F80, s19  }
0x12: {  	v61 =	vld [tilespmem:s18+$0x0];
	[tilespmem:v0+s19+$0x70 ss:$0x1] =	vst.idx.msk $0xffff, v1  }
0x13: {  	v62 =	vld [tilespmem:s18+$0x10];
	[tilespmem:v0+s19+$0x0 ss:$0x1] =	vst.idx.msk $0xffff, v6  }
0x14: {  	v63 =	vld [tilespmem:s18+$0x20];
	[tilespmem:v0+s19+$0x10 ss:$0x1] =	vst.idx.msk $0xffff, v58  }
0x15: {  	[tilespmem:v0+s19+$0x20 ss:$0x1] =	vst.idx.msk $0xffff, v59  }
0x16: {  	[tilespmem:v0+s19+$0x30 ss:$0x1] =	vst.idx.msk $0xffff, v60  }
0x17: {  	[tilespmem:v0+s19+$0x40 ss:$0x1] =	vst.idx.msk $0xffff, v61  }
0x18: {  	[tilespmem:v0+s19+$0x50 ss:$0x1] =	vst.idx.msk $0xffff, v62  }
0x19: {  	[tilespmem:v0+s19+$0x60 ss:$0x1] =	vst.idx.msk $0xffff, v63  }
.LBB1_9:
0x1a: {  	s18 =	sand.u32 $0x1FFFFFF, s11  }
0x1b: {  	s19 =	smulhi.u32 $0x14F8B59, s18;
	_ =	sdelay $0x1  }
0x1c: {  	s19 =	sshrl.u32 s19, $0x8  }
0x1d: {  	s19 =	smul.u32 $0xC350, s19  }
0x1e: {  	s15 =	smul.u32 $0xC3500, s15  }
0x1f: {  	s18 =	ssub.s32 s18, s19  }
0x20: {  	s15 =	sadd.s32 s4, s15;
	s18 =	sshll.u32 s18, $0x4  }
0x21: {  	s15 =	sadd.s32 s18, s15  }
0x22: {  	[hbm4b:s15+s9] =	stream.linear.scatter [tilespmem:s17], [sflag:$0x2], s16, $0x38;
	[tilespmem:$0x10000] =	vst v63  }
.LBB1_10:
0x23: {  	p0 =	slt.u32 s13, $0x2  }
0x24: {  	p1 =	sgt.s32 @!p0 s14, $0xC2D0  }
0x25: {  	s15 =	smov.u32 s14;
	s16 =	sshra.s32 @!p0 s14, $0x1F;
	p1 =	por !p1, p0  }
0x26: {  	s14 =	sand.u32 @!p0 s16, s14;
	s15 =	simm.s32 @p1 $0xC2D0  }
0x27: {  	s14 =	ssub.s32 @!p0 s15, s14  }
0x28: {  	s14 =	sadd.s32 @!p0 $0xFFFF3D30, s14  }
0x29: {  	s15 =	sshll.u32 @!p0 s14, $0x7  }
0x2a: {  	p1 =	sgt.s32 @!p0 s14, $0x7F;
	s14 =	ssub.s32 @!p0 $0x4000, s15  }
0x2b: {  	s16 =	sadd.s32 $0x800, s12;
	p1 =	por !p1, p0;
	s14 =	sand.u32 @!p0 $0x3FFFFF80, s14  }
0x2c: {  	s14 =	simm.s32 @!p1 $0x0;
	p1 =	sgt.s32 s16, $0xC34F  }
0x2d: {  	s16 =	smov.u32 @p1 s3;
	p1 =	sne.s32 s13, s8  }
.Ltmp1:
0x2e: {  	_ = 	snop;
	(pc) =	sbr.rel @!p1 .LBB1_11-.Ltmp1, $4  }
0x2f: {  	s10 =	sadd.s32 $0x4000, s10;
	s15 =	simm.s32 @!p0 $0x2  }
0x30: {  	_ =	swait.ge @!p0 [sflag:s15], s14;
	s17 =	ssub.s32 @!p0 $0x0, s14;
	s14 =	smov.u32 s11  }
0x31: {  	s13 =	sadd.s32 $0x1, s13;
	s11 =	smov.u32 s12;
	[sflag:s15] =	ssyncset.done @!p0 $0x0  }
0x32: {  	s12 =	smov.u32 s16;
	[sflag:s15] =	ssyncadd.s32 @!p0 s17;
	s15 =	smov.u32 s2  }
.LBB1_1:
0x33: {  	p0 =	sge.u32 s13, s6  }
0x34: {  	p1 =	sgt.s32 @!p0 s12, $0xC2D0  }
0x35: {  	s16 =	smov.u32 s12;
	s17 =	sshra.s32 @!p0 s12, $0x1F;
	p1 =	por !p1, p0  }
0x36: {  	s17 =	sand.u32 @!p0 s17, s12;
	s16 =	simm.s32 @p1 $0xC2D0  }
0x37: {  	s16 =	ssub.s32 @!p0 s16, s17  }
0x38: {  	s31 =	sadd.s32 $0xFFFFFFFF, s13;
	s18 =	sxor.u32 @!p0 $0xFFFFFFFF, s13;
	s16 =	sadd.s32 @!p0 $0xFFFF3D30, s16  }
0x39: {  	s19 =	simm.s32 @!p0 $0x80;
	s20 =	simm.s32 @!p0 $0x100;
	s17 =	sshll.u32 @!p0 s16, $0x7  }
0x3a: {  	p1 =	sgt.s32 @!p0 s16, $0x7F;
	s16 =	ssub.s32 @!p0 $0x4000, s17;
	s17 =	sshll.u32 @!p0 s18, $0xE  }
0x3b: {  	p1 =	por !p1, p0;
	s18 =	sshll.u32 @!p0 s12, $0x5;
	s16 =	sand.u32 @!p0 $0x3FFFFF80, s16  }
0x3c: {  	s17 =	sand.u32 @!p0 $0x4000, s17;
	s18 =	sadd.s32 @!p0 s18, s7;
	s16 =	simm.s32 @!p1 $0x0  }
0x3d: {  	[tilespmem:s17], [sflag:$0x1] =	stream.strided.gather @!p0 [hbm4b:s18+s19], s16, s20, s19, $0x38;
	[tilespmem:$0x10000] =	vst v63  }
0x3e: {  	p0 =	sge.u32 s31, s6  }
.Ltmp2:
0x3f: {  	_ = 	snop;
	(pc) =	sbr.rel @p0 .LBB1_10-.Ltmp2, $1  }
0x40: {  	_ =	sdelay $0x3  }
0x41: {  	p0 =	sgt.s32 s11, $0xC2D0;
	s16 =	smov.u32 s11;
	s17 =	sshra.s32 s11, $0x1F  }
0x42: {  	s16 =	simm.s32 @!p0 $0xC2D0;
	s17 =	sand.u32 s17, s11  }
0x43: {  	s16 =	ssub.s32 s16, s17  }
0x44: {  	s16 =	sadd.s32 $0xFFFF3D30, s16  }
0x45: {  	s30 =	sshll.u32 s16, $0x7  }
0x46: {  	s17 =	ssub.s32 $0x4000, s30  }
0x47: {  	p0 =	sgt.s32 s16, $0x7F;
	s16 =	sand.u32 $0x3FFFFF80, s17;
	s17 =	sadd.s32 $0x80, s11  }
0x48: {  	s16 =	simm.s32 @p0 $0x0;
	p0 =	slt.s32 s17, $0xC350  }
0x49: {  	s17 =	simm.s32 @!p0 $0xC350  }
0x4a: {  	s20 =	ssub.s32 s17, s11  }
0x4b: {  	p0 =	slt.s32 s20, $0x1  }
.Ltmp3:
0x4c: {  	_ = 	snop;
	(pc) =	sbr.rel @p0 .LBB1_9-.Ltmp3, $4  }
0x4d: {  	_ = 	snop  }
0x4e: {  	s19 =	sshll.u32 s13, $0xE;
	_ =	swait.ge [sflag:s5], s16  }
0x4f: {  	s31 =	sand.u32 $0x4000, s19;
	s18 =	ssub.s32 $0x0, s16;
	[sflag:s5] =	ssyncset.done $0x0  }
0x50: {  	s17 =	sor.u32 $0x8000, s31;
	[sflag:s5] =	ssyncadd.s32 s18  }
0x51: {  	p1 =	sne.s32 s20, $0x1  }
.Ltmp4:
0x52: {  	v0 =	vmov s17;
	(pc) =	sbr.rel @!p1 .LBB1_4-.Ltmp4, $4  }
0x53: {  	_ = 	snop  }
0x54: {  	s18 =	sand.u32 $0x4000, s10  }
0x55: {  	s18 =	sor.u32 $0x40, s18  }
0x56: {  	s19 =	simm.s32 $0x0;
	s21 =	sadd.s32 $0xFFFFFFFF, s20;
	p0 =	por $0x0, $0x0;
	v1 =	vld [tilespmem:s18+$0x30]  }
0x57: {  	v4 =	vld [tilespmem:s18+$0xFFFFFFC0]  }
0x58: {  	v6 =	vld [tilespmem:s18+$0xFFFFFFD0]  }
0x59: {  	v7 =	vld [tilespmem:s18+$0xFFFFFFE0];
	p1 =	sne.s32 s21, $0x1  }
.Ltmp5:
0x5a: {  	v2 =	vld [tilespmem:s18+$0xFFFFFFF0];
	s20 =	sand.u32 $0x3F80, s19;
	(pc) =	sbr.rel @!p1 .LBB1_6-.Ltmp5, $4  }
0x5b: {  	v3 =	vld [tilespmem:s18+$0x0];
	[tilespmem:v0+s20+$0x70 ss:$0x1] =	vst.idx.msk $0xffff, v1  }
0x5c: {  	v5 =	vld [tilespmem:s18+$0x10];
	[tilespmem:v0+s20+$0x0 ss:$0x1] =	vst.idx.msk $0xffff, v4  }
0x5d: {  	v4 =	vld [tilespmem:s18+$0x20];
	[tilespmem:v0+s20+$0x10 ss:$0x1] =	vst.idx.msk $0xffff, v6;
	s18 =	sadd.s32 $0x80, s18  }
0x5e: {  	s22 =	sadd.s32 $0xFFFFFFFF, s21;
	p0 =	por $0x1, $0x1;
	s21 =	simm.s32 $0x0;
	[tilespmem:v0+s20+$0x20 ss:$0x1] =	vst.idx.msk $0xffff, v7;
	v1 =	vld [tilespmem:s18+$0x30]  }
.LBB1_7:
0x5f: {  	p1 =	sne.s32 s22, $0x1;
	v6 =	vld [tilespmem:s18+$0xFFFFFFC0];
	[tilespmem:v0+s20+$0x30 ss:$0x1] =	vst.idx.msk $0xffff, v2  }
0x60: {  	v7 =	vld [tilespmem:s18+$0xFFFFFFD0];
	[tilespmem:v0+s20+$0x40 ss:$0x1] =	vst.idx.msk $0xffff, v3  }
0x61: {  	s21 =	sadd.s32 $0x80, s21;
	v8 =	vld [tilespmem:s18+$0xFFFFFFE0];
	[tilespmem:v0+s20+$0x50 ss:$0x1] =	vst.idx.msk $0xffff, v5  }
.Ltmp6:
0x62: {  	v2 =	vld [tilespmem:s18+$0xFFFFFFF0];
	[tilespmem:v0+s20+$0x60 ss:$0x1] =	vst.idx.msk $0xffff, v4;
	s20 =	sand.u32 $0x3F80, s21;
	(pc) =	sbr.rel @p1 .LBB1_7-.Ltmp6, $4  }
0x63: {  	v3 =	vld [tilespmem:s18+$0x0];
	[tilespmem:v0+s20+$0x70 ss:$0x1] =	vst.idx.msk $0xffff, v1  }
0x64: {  	[tilespmem:v0+s20+$0x0 ss:$0x1] =	vst.idx.msk $0xffff, v6;
	v5 =	vld [tilespmem:s18+$0x10]  }
0x65: {  	[tilespmem:v0+s20+$0x10 ss:$0x1] =	vst.idx.msk $0xffff, v7;
	v4 =	vld [tilespmem:s18+$0x20];
	s18 =	sadd.s32 $0x80, s18  }
0x66: {  	s22 =	sadd.s32 $0xFFFFFFFF, s22;
	v1 =	vld [tilespmem:s18+$0x30];
	[tilespmem:v0+s20+$0x20 ss:$0x1] =	vst.idx.msk $0xffff, v8  }
.Ltmp7:
0x67: {  	_ = 	snop;
	(pc) =	sbr.rel .LBB1_8-.Ltmp7, $1  }
0x68: {  	_ =	sdelay $0x3  }
.LBB1_6:
.Ltmp8:
0x69: {  	(pc) =	sbr.rel .LBB1_8-.Ltmp8, $2  }
0x6a: {  	_ =	sdelay $0x2  }
0x6b: {  	s21 =	simm.s32 $0x0  }
.LBB1_11:
0x6c: {  	_ =	sfence.sel $0x180000  }
0x6d: {  	s2 =	simm.s32 $0x1;
	[bflag:$0x0] =	sbarrier.arrive $0xFFFF  }
0x6e: {  	s31 =	simm.s32 $0x2;
	[sflag:s2] =	ssyncpa.u1 $0x1  }
0x6f: {  	[sflag:s31] =	ssyncpa.u1 $0x1  }
0x70: {  	p0 =	sne.s32 s0, $0x0;
	_ =	strace $0x90000047  }
0x71: {  	s0 =	sadd.s32 @!p0 $0x100000, s1;
	[bflag:$0x2] =	sbarrier.arrive $0xFFFF  }
0x72: {  	[sflag:s0] =	ssyncadd.tile.s32 @!p0 $0x1;
	_ =	shalt  }
.Lfunc_end1:
_tile_overlayer_lowered:
.L_overlay_start_2:
0x73: {  	(tag) =	ssettag $0x2  }
0x74: {  	s0 =	rddreg [dreg:$0x0];
	s2 =	stileid.u32  }
0x75: {  	s1 =	rddreg [dreg:$0x1];
	p0 =	sne.s32 s2, $0x0  }
0x76: {  	s3 =	rddreg [dreg:$0x2];
	[bflag:$0x3] =	sbarrier.arrive $0xFFFF;
	s2 =	simm.s32 @!p0 $0x1C01  }
0x77: {  	[timem:s3], [sflag:s2] =	dma.local @!p0 [hbm:s0], s1  }
0x78: {  	s0 =	simm.s32 @!p0 $0x1  }
0x79: {  	_ =	swait.ge @!p0 [sflag:s0], s1  }
0x7a: {  	s1 =	ssub.s32 @!p0 $0x0, s1;
	[sflag:s0] =	ssyncset.done @!p0 $0x0  }
0x7b: {  	[sflag:s0] =	ssyncadd.s32 @!p0 s1  }
0x7c: {  	[bflag:$0x3] =	sbarrier.arrive $0xFFFF  }
0x7d: {  	_ =	shalt  }

</sc_bundles>
